<compile_context>
chip_gen: v7x
topology: tpu7x:2x2x1
jax: 0.10.2.dev20260603
libtpu: 0.0.44.dev20260713+nightly
codegen_flags: <defaults>
</compile_context>

<pallas_src>
import jax
import jax.numpy as jnp
from jax import lax
from jax.experimental import pallas as pl
from jax.experimental.pallas import tpu as pltpu
from jax.experimental.pallas import tpu_sc as plsc

N = 10000
E = 320000
D = 128
HIDDEN = 128
NUM_CLASSES = 64
NUM_LAYERS = 4
C_MIN = 0.2
BETA = 0.1

NP = 10240
ND = N
NTILES = 32
EPT = 10240
E_PAD = NTILES * EPT
CH = 128
NCH = EPT // CH
NCHP = 2 * NCH
RPT = NP // 16
C0 = 80

_W_AGG = 1.0 - C_MIN
_W_H = C_MIN - BETA
_W_X0 = BETA

_MESH = plsc.VectorSubcoreMesh(
    core_axis_name="c", subcore_axis_name="s", num_cores=2, num_subcores=16
)


def _wid_base():
    core = lax.axis_index("c")
    sid = lax.axis_index("s")
    return core, sid, sid * 2 + core


def _preprocess_body(row_hbm, col_hbm, ones_hbm, z128_hbm,
                     colp_hbm, rm_hbm, rowg_hbm, deg_hbm,
                     s_sh, rbuf, cbuf, cpbuf, rmbuf, rgbuf, ones_buf):
    core, sid, wid = _wid_base()
    base = wid * EPT
    pltpu.sync_copy(z128_hbm, s_sh.at[pl.ds(sid * RPT, RPT)])
    pltpu.sync_copy(ones_hbm, ones_buf)

    def chunk(j, carry):
        off = base + j * CH
        q = wid * NCH + j
        q_ch = q - (q // NCHP) * NCHP
        goff = jnp.where(q_ch >= C0, NP, 0)
        pltpu.sync_copy(row_hbm.at[pl.ds(off, CH)], rbuf)
        pltpu.sync_copy(col_hbm.at[pl.ds(off, CH)], cbuf)
        for i in range(CH // 16):
            sl = pl.ds(i * 16, 16)
            r = rbuf[sl]
            c = cbuf[sl]
            m = r == c
            cpbuf[sl] = jnp.where(m, ND, c)
            rmbuf[sl] = jnp.where(m, ND, r)
            rgbuf[sl] = r + goff
        pltpu.sync_copy(cpbuf, colp_hbm.at[pl.ds(off, CH)])
        pltpu.sync_copy(rmbuf, rm_hbm.at[pl.ds(off, CH)])
        pltpu.sync_copy(rgbuf, rowg_hbm.at[pl.ds(off, CH)])
        return carry

    lax.fori_loop(0, NCH, chunk, 0)
    plsc.subcore_barrier()

    def chunk2(j, carry):
        off = base + j * CH
        pltpu.sync_copy(rm_hbm.at[pl.ds(off, CH)], rmbuf)
        pltpu.sync_copy(ones_buf, s_sh.at[rmbuf], add=True)
        return carry

    lax.fori_loop(0, NCH, chunk2, 0)
    plsc.subcore_barrier()
    pltpu.sync_copy(s_sh.at[pl.ds(sid * RPT, RPT)],
                    deg_hbm.at[pl.ds(core * NP + sid * RPT, RPT)])


_preprocess = pl.kernel(
    _preprocess_body,
    out_type=(
        jax.ShapeDtypeStruct((E_PAD,), jnp.int32),
        jax.ShapeDtypeStruct((E_PAD,), jnp.int32),
        jax.ShapeDtypeStruct((E_PAD,), jnp.int32),
        jax.ShapeDtypeStruct((2 * NP, D), jnp.float32),
    ),
    mesh=_MESH,
    scratch_types=[
        pltpu.VMEM_SHARED((NP, D), jnp.float32),
        pltpu.VMEM((CH,), jnp.int32),
        pltpu.VMEM((CH,), jnp.int32),
        pltpu.VMEM((CH,), jnp.int32),
        pltpu.VMEM((CH,), jnp.int32),
        pltpu.VMEM((CH,), jnp.int32),
        pltpu.VMEM((CH, D), jnp.float32),
    ],
)


def _scatter_body(g_hbm, idx2_hbm, z128_hbm, s_hbm,
                  s_sh, ij0, ij1, rows0, rows1, sem0, sem1):
    core, sid, wid = _wid_base()
    nch = C0 + core * (NCHP - 2 * C0)
    rbase = sid * NCHP + core * C0

    pltpu.sync_copy(z128_hbm, s_sh.at[pl.ds(sid * RPT, RPT)])

    @pl.when(nch > 0)
    def _():
        pltpu.sync_copy(idx2_hbm.at[rbase], ij0)
        pltpu.async_copy(g_hbm.at[ij0.at[0]], rows0, sem0)
        pltpu.sync_copy(idx2_hbm.at[rbase + 1], ij1)
        pltpu.async_copy(g_hbm.at[ij1.at[0]], rows1, sem1)

    plsc.subcore_barrier()

    def body(j, carry):
        pltpu.make_async_copy(g_hbm.at[ij0.at[0]], rows0, sem0).wait()
        pltpu.sync_copy(rows0, s_sh.at[ij0.at[1]], add=True)

        @pl.when(j < nch // 2 - 1)
        def _():
            pltpu.sync_copy(idx2_hbm.at[rbase + 2 * j + 2], ij0)
            pltpu.async_copy(g_hbm.at[ij0.at[0]], rows0, sem0)

        pltpu.make_async_copy(g_hbm.at[ij1.at[0]], rows1, sem1).wait()
        pltpu.sync_copy(rows1, s_sh.at[ij1.at[1]], add=True)

        @pl.when(j < nch // 2 - 1)
        def _():
            pltpu.sync_copy(idx2_hbm.at[rbase + 2 * j + 3], ij1)
            pltpu.async_copy(g_hbm.at[ij1.at[0]], rows1, sem1)

        return carry

    lax.fori_loop(0, nch // 2, body, 0)
    plsc.subcore_barrier()

    pltpu.sync_copy(s_sh.at[pl.ds(sid * RPT, RPT)],
                    s_hbm.at[pl.ds(core * NP + sid * RPT, RPT)])


_scatter = pl.kernel(
    _scatter_body,
    out_type=jax.ShapeDtypeStruct((2 * NP, D), jnp.float32),
    mesh=_MESH,
    scratch_types=[
        pltpu.VMEM_SHARED((NP, D), jnp.float32),
        pltpu.VMEM((2, CH), jnp.int32),
        pltpu.VMEM((2, CH), jnp.int32),
        pltpu.VMEM((CH, D), jnp.float32),
        pltpu.VMEM((CH, D), jnp.float32),
        pltpu.SemaphoreType.DMA,
        pltpu.SemaphoreType.DMA,
    ],
)


_BN = 512
_GRID = NP // _BN


def _input_body(x_ref, w_ref, b_ref, d0_ref, d1_ref, h_ref, g_ref, dis_ref):
    h = jnp.dot(x_ref[...], w_ref[...], preferred_element_type=jnp.float32)
    h = jnp.maximum(h + b_ref[...], 0.0)
    deg = d0_ref[:, :1] + d1_ref[:, :1] + 1.0
    dis = lax.rsqrt(deg)
    disb = jnp.broadcast_to(dis, h.shape)
    h_ref[...] = h
    g_ref[...] = disb * h
    dis_ref[...] = disb


def _input_kernel(x_p, input_W, input_b, deg):
    row_spec = pl.BlockSpec((_BN, D), lambda i: (i, 0))
    return pl.pallas_call(
        _input_body,
        grid=(_GRID,),
        in_specs=[
            row_spec,
            pl.BlockSpec((D, HIDDEN), lambda i: (0, 0)),
            pl.BlockSpec((1, HIDDEN), lambda i: (0, 0)),
            pl.BlockSpec((_BN, D), lambda i: (i, 0)),
            pl.BlockSpec((_BN, D), lambda i: (i + _GRID, 0)),
        ],
        out_specs=[row_spec, row_spec, row_spec],
        out_shape=[jax.ShapeDtypeStruct((NP, HIDDEN), jnp.float32)] * 3,
    )(x_p, input_W, input_b, deg, deg)


def _combine_body(s0_ref, s1_ref, g_ref, h_ref, x0_ref, dis_ref, w_ref, b_ref,
                  hn_ref, gn_ref):
    agg = dis_ref[...] * (s0_ref[...] + s1_ref[...] + g_ref[...])
    pre = _W_AGG * agg + _W_H * h_ref[...] + _W_X0 * x0_ref[...]
    z = jnp.dot(pre, w_ref[...], preferred_element_type=jnp.float32)
    b = b_ref[...]
    hn = jnp.maximum(z - b, 0.0) + b
    hn_ref[...] = hn
    gn_ref[...] = dis_ref[...] * hn


def _combine(s, g, h, x0, disb, conv_Wi, srelu_bi):
    row_spec = pl.BlockSpec((_BN, D), lambda i: (i, 0))
    return pl.pallas_call(
        _combine_body,
        grid=(_GRID,),
        in_specs=[
            pl.BlockSpec((_BN, D), lambda i: (i, 0)),
            pl.BlockSpec((_BN, D), lambda i: (i + _GRID, 0)),
            row_spec, row_spec, row_spec, row_spec,
            pl.BlockSpec((HIDDEN, HIDDEN), lambda i: (0, 0)),
            pl.BlockSpec((1, HIDDEN), lambda i: (0, 0)),
        ],
        out_specs=[row_spec, row_spec],
        out_shape=[jax.ShapeDtypeStruct((NP, HIDDEN), jnp.float32)] * 2,
    )(s, s, g, h, x0, disb, conv_Wi, srelu_bi)


def _output_body(h_ref, w_ref, b_ref, o_ref):
    o_ref[...] = (
        jnp.dot(h_ref[...], w_ref[...], preferred_element_type=jnp.float32)
        + b_ref[...]
    )


def _output_kernel(h, w_pad, b_pad):
    row_spec = pl.BlockSpec((_BN, D), lambda i: (i, 0))
    return pl.pallas_call(
        _output_body,
        grid=(_GRID,),
        in_specs=[
            row_spec,
            pl.BlockSpec((HIDDEN, D), lambda i: (0, 0)),
            pl.BlockSpec((1, D), lambda i: (0, 0)),
        ],
        out_specs=row_spec,
        out_shape=jax.ShapeDtypeStruct((NP, D), jnp.float32),
    )(h, w_pad, b_pad)


def kernel(x, edge_index, input_W, input_b, conv_W, srelu_b, output_W, output_b):
    row = edge_index[0]
    col = edge_index[1]
    pad = jnp.full((E_PAD - E,), ND, dtype=jnp.int32)
    row_p = jnp.concatenate([row, pad])
    col_p = jnp.concatenate([col, pad])
    x_p = jnp.pad(x, ((0, NP - N), (0, 0)))

    z128 = jnp.zeros((RPT, D), jnp.float32)
    ones128 = jnp.ones((CH, D), jnp.float32)

    colp, _rm, rowg, deg = _preprocess(row_p, col_p, ones128, z128)
    rowg2d = rowg.reshape(NTILES * NCH, CH)
    colp2d = colp.reshape(NTILES * NCH, CH)
    idx2 = jnp.stack([rowg2d, colp2d], axis=1)
    h, g, disb = _input_kernel(x_p, input_W, input_b[None, :], deg)
    x0 = h
    for i in range(NUM_LAYERS):
        g2 = jnp.concatenate([g, g], axis=0)
        s = _scatter(g2, idx2, z128)
        h, g = _combine(s, g, h, x0, disb, conv_W[i], srelu_b[i][None, :])

    w_pad = jnp.pad(output_W, ((0, 0), (0, D - NUM_CLASSES)))
    b_pad = jnp.pad(output_b, (0, D - NUM_CLASSES))[None, :]
    out = _output_kernel(h, w_pad, b_pad)
    return out[:N, :NUM_CLASSES]

# --- scband reference (transcript-rebuilt; emitter-appended) ---
"""Pipeline reference for scband-egnn-40321152974877 (READ-ONLY COPY).

The authoritative reference and input builder live on the scoring server;
editing this copy changes nothing except your own understanding.
"""

import jax, jax.numpy as jnp
import numpy as np

N = 10000
E = 320000
D_FEAT = 128
HIDDEN = 128
NUM_CLASSES = 64
NUM_LAYERS = 4
C_MIN = 0.2
BETA = 0.1
BIAS_SRELU = -10.0


def setup_inputs(seed: int = 0):
    key = jax.random.key(seed)
    k1, k2, k3, k4, k5, k6 = jax.random.split(key, 6)
    x = jax.random.normal(k1, (N, D_FEAT), dtype=jnp.float32)
    edge_index = jax.random.randint(k2, (2, E), 0, N, dtype=jnp.int32)
    # input Linear(num_feats -> hidden)
    input_W = jax.random.normal(k3, (D_FEAT, HIDDEN), dtype=jnp.float32) / np.sqrt(D_FEAT)
    input_b = jnp.zeros((HIDDEN,), dtype=jnp.float32)
    # EGNNConv weights: Parameter(torch.eye(in_channels) * sqrt(c_max)); c_max == 1.0 for all layers here
    conv_W = jnp.stack([jnp.eye(HIDDEN, dtype=jnp.float32) for _ in range(NUM_LAYERS)])
    # SReLU biases initialized to constant bias_SReLU = -10
    srelu_b = jnp.full((NUM_LAYERS, HIDDEN), BIAS_SRELU, dtype=jnp.float32)
    # output Linear(hidden -> num_classes)
    output_W = jax.random.normal(k4, (HIDDEN, NUM_CLASSES), dtype=jnp.float32) / np.sqrt(HIDDEN)
    output_b = jnp.zeros((NUM_CLASSES,), dtype=jnp.float32)
    return {
        "x": x,
        "edge_index": edge_index,
        "input_W": input_W,
        "input_b": input_b,
        "conv_W": conv_W,
        "srelu_b": srelu_b,
        "output_W": output_W,
        "output_b": output_b,
    }


def _egnn_conv(h, edge_index, W, x0):
    # GCN-style symmetric normalization with add_remaining_self_loops (fill_value=1).
    # Equivalent (with all-ones edge weights): zero-out existing self-loop edges,
    # then append one self loop per node with weight 1.
    n = h.shape[0]
    row, col = edge_index[0], edge_index[1]
    w = jnp.where(row == col, 0.0, 1.0).astype(h.dtype)
    loop = jnp.arange(n, dtype=row.dtype)
    row_f = jnp.concatenate([row, loop])
    col_f = jnp.concatenate([col, loop])
    w_f = jnp.concatenate([w, jnp.ones((n,), h.dtype)])
    deg = jax.ops.segment_sum(w_f, row_f, num_segments=n)
    deg_inv_sqrt = jnp.where(deg > 0, deg ** -0.5, 0.0)
    norm = deg_inv_sqrt[row_f] * w_f * deg_inv_sqrt[col_f]
    # message: norm * x_j (x_j gathered from source = edge_index[0]); aggr='add' at target = edge_index[1]
    agg = jax.ops.segment_sum(norm[:, None] * h[row_f], col_f, num_segments=n)
    rw = C_MIN - BETA
    out = (1.0 - rw - BETA) * agg + rw * h + BETA * x0
    return out @ W


def reference(x, edge_index, input_W, input_b, conv_W, srelu_b, output_W, output_b):
    # dropout layers are identity in eval mode
    h = x @ input_W + input_b
    h = jnp.maximum(h, 0.0)
    x0 = h
    for i in range(NUM_LAYERS):
        h = _egnn_conv(h, edge_index, conv_W[i], x0)
        b = srelu_b[i]
        h = jnp.maximum(h - b, 0.0) + b  # SReLU: relu(x - bias) + bias
    out = h @ output_W + output_b
    return out

if __name__ == "__main__":
    import jax
    _d = setup_inputs()
    print(jax.jit(kernel)(*tuple(_d.values())))

</pallas_src>

<mosaic_0001>
#map = affine_map<(d0, d1) -> (0, 0)>
#map1 = affine_map<(d0, d1) -> (0, 0, 0)>
module attributes {stable_mosaic.version = 14 : i64} {
  func.func @_scatter_body(%arg0: i32, %arg1: i32, %arg2: memref<20480x128xf32, #tpu.memory_space<hbm>>, %arg3: memref<2560x2x128xi32, #tpu.memory_space<hbm>>, %arg4: memref<640x128xf32, #tpu.memory_space<hbm>>, %arg5: memref<20480x128xf32, #tpu.memory_space<hbm>>, %arg6: memref<10240x128xf32, #tpu.memory_space<vmem_shared>>, %arg7: memref<2x128xi32, #tpu.memory_space<vmem>>, %arg8: memref<2x128xi32, #tpu.memory_space<vmem>>, %arg9: memref<128x128xf32, #tpu.memory_space<vmem>>, %arg10: memref<128x128xf32, #tpu.memory_space<vmem>>, %arg11: memref<!tpu.dma_semaphore, #tpu.memory_space<semaphore_mem>>, %arg12: memref<!tpu.dma_semaphore, #tpu.memory_space<semaphore_mem>>) attributes {dimension_semantics = [#tpu.dimension_semantics<core_parallel>, #tpu.dimension_semantics<subcore_parallel>], iteration_bounds = array<i64: 2, 16>, scalar_prefetch = 0 : i64, scratch_operands = 7 : i64, tpu.core_type = #tpu.core_type<sc_vector_subcore>, window_params = [{transform_indices = #map}, {transform_indices = #map1}, {transform_indices = #map}, {transform_indices = #map}]} {
    %mul3A = arith.constant 2 : i32
    %mul3A_0 = arith.muli %arg1, %mul3A : i32
    %add3A = arith.addi %mul3A_0, %arg0 : i32
    %mul3A_1 = arith.constant 0 : i32
    %mul3A_2 = arith.muli %arg0, %mul3A_1 : i32
    %add3A_3 = arith.constant 80 : i32
    %add3A_4 = arith.addi %add3A_3, %mul3A_2 : i32
    %mul3A_5 = arith.constant 160 : i32
    %mul3A_6 = arith.muli %arg1, %mul3A_5 : i32
    %mul3A_7 = arith.constant 80 : i32
    %mul3A_8 = arith.muli %arg0, %mul3A_7 : i32
    %add3A_9 = arith.addi %mul3A_6, %mul3A_8 : i32
    %mul3A_10 = arith.constant 640 : i32
    %mul3A_11 = arith.muli %arg1, %mul3A_10 : i32
    "tpu.region"() ({
      %run_scoped3A = tpu.sem_alloc : memref<!tpu.dma_semaphore, #tpu.memory_space<semaphore_mem>>
      %dma_start3A = arith.constant 0 : i32
      %dma_start3A_47 = tpu.memref_slice %arg6[%mul3A_11, %dma_start3A] : memref<10240x128xf32, #tpu.memory_space<vmem_shared>> -> memref<640x128xf32, #tpu.memory_space<vmem_shared>>
      tpu.enqueue_dma source(%arg4 : memref<640x128xf32, #tpu.memory_space<hbm>>) target(%dma_start3A_47 : memref<640x128xf32, #tpu.memory_space<vmem_shared>>) target_semaphore(%run_scoped3A : memref<!tpu.dma_semaphore, #tpu.memory_space<semaphore_mem>>)
      %dma_wait3A = arith.constant 0 : i32
      %dma_wait3A_48 = tpu.memref_slice %arg6[%mul3A_11, %dma_wait3A] : memref<10240x128xf32, #tpu.memory_space<vmem_shared>> -> memref<640x128xf32, #tpu.memory_space<vmem_shared>>
      tpu.wait_dma2 semaphore(%run_scoped3A : memref<!tpu.dma_semaphore, #tpu.memory_space<semaphore_mem>>) src(%arg4 : memref<640x128xf32, #tpu.memory_space<hbm>>) dst(%dma_wait3A_48 : memref<640x128xf32, #tpu.memory_space<vmem_shared>>)
      tpu.yield
    }) : () -> ()
    %gt3A = arith.constant 0 : i32
    %gt3A_12 = arith.cmpi sgt, %add3A_4, %gt3A : i32
    %convert_element_type3A = arith.extui %gt3A_12 : i1 to i32
    %cond3A = arith.constant 0 : i32
    %cond3A_13 = arith.cmpi ne, %convert_element_type3A, %cond3A : i32
    scf.if %cond3A_13 {
      "tpu.region"() ({
        %run_scoped3A = tpu.sem_alloc : memref<!tpu.dma_semaphore, #tpu.memory_space<semaphore_mem>>
        %dma_start3A_62 = arith.constant 0 : i32
        %dma_start3A_63 = arith.constant 0 : i32
        %dma_start3A_64 = tpu.memref_slice %arg3[%add3A_9, %dma_start3A_62, %dma_start3A_63] : memref<2560x2x128xi32, #tpu.memory_space<hbm>> -> memref<1x2x128xi32, #tpu.memory_space<hbm>>
        %dma_start3A_65 = tpu.memref_squeeze %dma_start3A_64 : memref<1x2x128xi32, #tpu.memory_space<hbm>> -> memref<2x128xi32, #tpu.memory_space<hbm>>
        %dma_start3A_66 = arith.constant 0 : i32
        %dma_start3A_67 = arith.constant 0 : i32
        %dma_start3A_68 = tpu.memref_slice %arg3[%add3A_9, %dma_start3A_66, %dma_start3A_67] : memref<2560x2x128xi32, #tpu.memory_space<hbm>> -> memref<1x2x128xi32, #tpu.memory_space<hbm>>
        %dma_start3A_69 = tpu.memref_squeeze %dma_start3A_68 : memref<1x2x128xi32, #tpu.memory_space<hbm>> -> memref<2x128xi32, #tpu.memory_space<hbm>>
        tpu.enqueue_dma source(%dma_start3A_69 : memref<2x128xi32, #tpu.memory_space<hbm>>) target(%arg7 : memref<2x128xi32, #tpu.memory_space<vmem>>) target_semaphore(%run_scoped3A : memref<!tpu.dma_semaphore, #tpu.memory_space<semaphore_mem>>)
        %dma_wait3A = arith.constant 0 : i32
        %dma_wait3A_70 = arith.constant 0 : i32
        %dma_wait3A_71 = tpu.memref_slice %arg3[%add3A_9, %dma_wait3A, %dma_wait3A_70] : memref<2560x2x128xi32, #tpu.memory_space<hbm>> -> memref<1x2x128xi32, #tpu.memory_space<hbm>>
        %dma_wait3A_72 = tpu.memref_squeeze %dma_wait3A_71 : memref<1x2x128xi32, #tpu.memory_space<hbm>> -> memref<2x128xi32, #tpu.memory_space<hbm>>
        %dma_wait3A_73 = arith.constant 0 : i32
        %dma_wait3A_74 = arith.constant 0 : i32
        %dma_wait3A_75 = tpu.memref_slice %arg3[%add3A_9, %dma_wait3A_73, %dma_wait3A_74] : memref<2560x2x128xi32, #tpu.memory_space<hbm>> -> memref<1x2x128xi32, #tpu.memory_space<hbm>>
        %dma_wait3A_76 = tpu.memref_squeeze %dma_wait3A_75 : memref<1x2x128xi32, #tpu.memory_space<hbm>> -> memref<2x128xi32, #tpu.memory_space<hbm>>
        tpu.wait_dma2 semaphore(%run_scoped3A : memref<!tpu.dma_semaphore, #tpu.memory_space<semaphore_mem>>) src(%dma_wait3A_76 : memref<2x128xi32, #tpu.memory_space<hbm>>) dst(%arg7 : memref<2x128xi32, #tpu.memory_space<vmem>>)
        tpu.yield
      }) : () -> ()
      %dma_start3A = arith.constant 0 : i32
      %dma_start3A_47 = arith.constant 0 : i32
      %dma_start3A_48 = tpu.memref_slice %arg7[%dma_start3A, %dma_start3A_47] : memref<2x128xi32, #tpu.memory_space<vmem>> -> memref<1x128xi32, #tpu.memory_space<vmem>>
      %dma_start3A_49 = tpu.memref_squeeze %dma_start3A_48 : memref<1x128xi32, #tpu.memory_space<vmem>> -> memref<128xi32, #tpu.memory_space<vmem>>
      %dma_start3A_50 = arith.constant 0 : i32
      %dma_start3A_51 = arith.constant 0 : i32
      %dma_start3A_52 = tpu.memref_slice %arg2[%dma_start3A_50, %dma_start3A_51] : memref<20480x128xf32, #tpu.memory_space<hbm>> -> memref<20480x128xf32, #tpu.memory_space<hbm>>
      tpu.enqueue_indirect_dma source(%dma_start3A_52 : memref<20480x128xf32, #tpu.memory_space<hbm>>) target(%arg9 : memref<128x128xf32, #tpu.memory_space<vmem>>) offsets(%dma_start3A_49 : memref<128xi32, #tpu.memory_space<vmem>>) semaphore(%arg11 : memref<!tpu.dma_semaphore, #tpu.memory_space<semaphore_mem>>)
      %add3A_53 = arith.constant 1 : i32
      %add3A_54 = arith.addi %add3A_9, %add3A_53 : i32
      "tpu.region"() ({
        %run_scoped3A = tpu.sem_alloc : memref<!tpu.dma_semaphore, #tpu.memory_space<semaphore_mem>>
        %dma_start3A_62 = arith.constant 0 : i32
        %dma_start3A_63 = arith.constant 0 : i32
        %dma_start3A_64 = tpu.memref_slice %arg3[%add3A_54, %dma_start3A_62, %dma_start3A_63] : memref<2560x2x128xi32, #tpu.memory_space<hbm>> -> memref<1x2x128xi32, #tpu.memory_space<hbm>>
        %dma_start3A_65 = tpu.memref_squeeze %dma_start3A_64 : memref<1x2x128xi32, #tpu.memory_space<hbm>> -> memref<2x128xi32, #tpu.memory_space<hbm>>
        %dma_start3A_66 = arith.constant 0 : i32
        %dma_start3A_67 = arith.constant 0 : i32
        %dma_start3A_68 = tpu.memref_slice %arg3[%add3A_54, %dma_start3A_66, %dma_start3A_67] : memref<2560x2x128xi32, #tpu.memory_space<hbm>> -> memref<1x2x128xi32, #tpu.memory_space<hbm>>
        %dma_start3A_69 = tpu.memref_squeeze %dma_start3A_68 : memref<1x2x128xi32, #tpu.memory_space<hbm>> -> memref<2x128xi32, #tpu.memory_space<hbm>>
        tpu.enqueue_dma source(%dma_start3A_69 : memref<2x128xi32, #tpu.memory_space<hbm>>) target(%arg8 : memref<2x128xi32, #tpu.memory_space<vmem>>) target_semaphore(%run_scoped3A : memref<!tpu.dma_semaphore, #tpu.memory_space<semaphore_mem>>)
        %dma_wait3A = arith.constant 0 : i32
        %dma_wait3A_70 = arith.constant 0 : i32
        %dma_wait3A_71 = tpu.memref_slice %arg3[%add3A_54, %dma_wait3A, %dma_wait3A_70] : memref<2560x2x128xi32, #tpu.memory_space<hbm>> -> memref<1x2x128xi32, #tpu.memory_space<hbm>>
        %dma_wait3A_72 = tpu.memref_squeeze %dma_wait3A_71 : memref<1x2x128xi32, #tpu.memory_space<hbm>> -> memref<2x128xi32, #tpu.memory_space<hbm>>
        %dma_wait3A_73 = arith.constant 0 : i32
        %dma_wait3A_74 = arith.constant 0 : i32
        %dma_wait3A_75 = tpu.memref_slice %arg3[%add3A_54, %dma_wait3A_73, %dma_wait3A_74] : memref<2560x2x128xi32, #tpu.memory_space<hbm>> -> memref<1x2x128xi32, #tpu.memory_space<hbm>>
        %dma_wait3A_76 = tpu.memref_squeeze %dma_wait3A_75 : memref<1x2x128xi32, #tpu.memory_space<hbm>> -> memref<2x128xi32, #tpu.memory_space<hbm>>
        tpu.wait_dma2 semaphore(%run_scoped3A : memref<!tpu.dma_semaphore, #tpu.memory_space<semaphore_mem>>) src(%dma_wait3A_76 : memref<2x128xi32, #tpu.memory_space<hbm>>) dst(%arg8 : memref<2x128xi32, #tpu.memory_space<vmem>>)
        tpu.yield
      }) : () -> ()
      %dma_start3A_55 = arith.constant 0 : i32
      %dma_start3A_56 = arith.constant 0 : i32
      %dma_start3A_57 = tpu.memref_slice %arg8[%dma_start3A_55, %dma_start3A_56] : memref<2x128xi32, #tpu.memory_space<vmem>> -> memref<1x128xi32, #tpu.memory_space<vmem>>
      %dma_start3A_58 = tpu.memref_squeeze %dma_start3A_57 : memref<1x128xi32, #tpu.memory_space<vmem>> -> memref<128xi32, #tpu.memory_space<vmem>>
      %dma_start3A_59 = arith.constant 0 : i32
      %dma_start3A_60 = arith.constant 0 : i32
      %dma_start3A_61 = tpu.memref_slice %arg2[%dma_start3A_59, %dma_start3A_60] : memref<20480x128xf32, #tpu.memory_space<hbm>> -> memref<20480x128xf32, #tpu.memory_space<hbm>>
      tpu.enqueue_indirect_dma source(%dma_start3A_61 : memref<20480x128xf32, #tpu.memory_space<hbm>>) target(%arg10 : memref<128x128xf32, #tpu.memory_space<vmem>>) offsets(%dma_start3A_58 : memref<128xi32, #tpu.memory_space<vmem>>) semaphore(%arg12 : memref<!tpu.dma_semaphore, #tpu.memory_space<semaphore_mem>>)
    } else {
    }
    %barrier3A = arith.constant 0 : index
    tpu.barrier barrier_id(%barrier3A)
    %jit3A = arith.constant 2 : i32
    %div3A = arith.divsi %add3A_4, %jit3A : i32
    %sign3A = arith.constant 0 : i32
    %sign3A_14 = arith.cmpi sgt, %add3A_4, %sign3A : i32
    %sign3A_15 = arith.extui %sign3A_14 : i1 to i32
    %sign3A_16 = arith.constant 0 : i32
    %sign3A_17 = arith.cmpi slt, %add3A_4, %sign3A_16 : i32
    %sign3A_18 = arith.extui %sign3A_17 : i1 to i32
    %sign3A_19 = arith.subi %sign3A_15, %sign3A_18 : i32
    %sign3A_20 = arith.constant 0 : i32
    %sign3A_21 = arith.cmpi sgt, %jit3A, %sign3A_20 : i32
    %sign3A_22 = arith.extui %sign3A_21 : i1 to i32
    %sign3A_23 = arith.constant 0 : i32
    %sign3A_24 = arith.cmpi slt, %jit3A, %sign3A_23 : i32
    %sign3A_25 = arith.extui %sign3A_24 : i1 to i32
    %sign3A_26 = arith.subi %sign3A_22, %sign3A_25 : i32
    %ne3A = arith.cmpi ne, %sign3A_19, %sign3A_26 : i32
    %rem3A = arith.remsi %add3A_4, %jit3A : i32
    %ne3A_27 = arith.constant 0 : i32
    %ne3A_28 = arith.cmpi ne, %rem3A, %ne3A_27 : i32
    %and3A = arith.andi %ne3A, %ne3A_28 : i1
    %sub3A = arith.constant 1 : i32
    %sub3A_29 = arith.subi %div3A, %sub3A : i32
    %select_n3A = arith.select %and3A, %sub3A_29, %div3A : i32
    %while3A = arith.constant 0 : i32
    %while3A_30 = arith.constant 0 : i32
    %while3A_31 = arith.subi %select_n3A, %while3A_30 : i32
    %while3A_32 = arith.addi %while3A_30, %while3A_31 : i32
    %while3A_33 = arith.constant 1 : i32
    %while3A_34 = arith.divsi %while3A_31, %while3A_33 : i32
    %while3A_35 = arith.muli %while3A_34, %while3A_33 : i32
    %while3A_36 = arith.addi %while3A_30, %while3A_35 : i32
    %while3A_37 = arith.constant 1 : i32
    scf.for %while3A_47 = %while3A_30 to %while3A_36 step %while3A_37  : i32 {
      %dma_wait3A = arith.constant 0 : i32
      %dma_wait3A_48 = arith.constant 0 : i32
      %dma_wait3A_49 = tpu.memref_slice %arg7[%dma_wait3A, %dma_wait3A_48] : memref<2x128xi32, #tpu.memory_space<vmem>> -> memref<1x128xi32, #tpu.memory_space<vmem>>
      %dma_wait3A_50 = tpu.memref_squeeze %dma_wait3A_49 : memref<1x128xi32, #tpu.memory_space<vmem>> -> memref<128xi32, #tpu.memory_space<vmem>>
      %dma_wait3A_51 = arith.constant 0 : i32
      %dma_wait3A_52 = arith.constant 0 : i32
      %dma_wait3A_53 = tpu.memref_slice %arg2[%dma_wait3A_51, %dma_wait3A_52] : memref<20480x128xf32, #tpu.memory_space<hbm>> -> memref<20480x128xf32, #tpu.memory_space<hbm>>
      tpu.wait_indirect_dma semaphore(%arg11 : memref<!tpu.dma_semaphore, #tpu.memory_space<semaphore_mem>>) src(%dma_wait3A_53 : memref<20480x128xf32, #tpu.memory_space<hbm>>) dst(%arg9 : memref<128x128xf32, #tpu.memory_space<vmem>>)
      %run_scoped3A = arith.constant 1 : i32
      "tpu.region"() ({
        %run_scoped3A_121 = tpu.sem_alloc : memref<!tpu.dma_semaphore, #tpu.memory_space<semaphore_mem>>
        %dma_start3A = arith.constant 0 : i32
        %dma_start3A_122 = tpu.memref_slice %arg7[%run_scoped3A, %dma_start3A] : memref<2x128xi32, #tpu.memory_space<vmem>> -> memref<1x128xi32, #tpu.memory_space<vmem>>
        %dma_start3A_123 = tpu.memref_squeeze %dma_start3A_122 : memref<1x128xi32, #tpu.memory_space<vmem>> -> memref<128xi32, #tpu.memory_space<vmem>>
        %dma_start3A_124 = arith.constant 0 : i32
        %dma_start3A_125 = arith.constant 0 : i32
        %dma_start3A_126 = tpu.memref_slice %arg6[%dma_start3A_124, %dma_start3A_125] : memref<10240x128xf32, #tpu.memory_space<vmem_shared>> -> memref<10240x128xf32, #tpu.memory_space<vmem_shared>>
        tpu.enqueue_indirect_dma source(%arg9 : memref<128x128xf32, #tpu.memory_space<vmem>>) target(%dma_start3A_126 : memref<10240x128xf32, #tpu.memory_space<vmem_shared>>) offsets(%dma_start3A_123 : memref<128xi32, #tpu.memory_space<vmem>>) semaphore(%run_scoped3A_121 : memref<!tpu.dma_semaphore, #tpu.memory_space<semaphore_mem>>) {add = true}
        %dma_wait3A_127 = arith.constant 0 : i32
        %dma_wait3A_128 = tpu.memref_slice %arg7[%run_scoped3A, %dma_wait3A_127] : memref<2x128xi32, #tpu.memory_space<vmem>> -> memref<1x128xi32, #tpu.memory_space<vmem>>
        %dma_wait3A_129 = tpu.memref_squeeze %dma_wait3A_128 : memref<1x128xi32, #tpu.memory_space<vmem>> -> memref<128xi32, #tpu.memory_space<vmem>>
        %dma_wait3A_130 = arith.constant 0 : i32
        %dma_wait3A_131 = arith.constant 0 : i32
        %dma_wait3A_132 = tpu.memref_slice %arg6[%dma_wait3A_130, %dma_wait3A_131] : memref<10240x128xf32, #tpu.memory_space<vmem_shared>> -> memref<10240x128xf32, #tpu.memory_space<vmem_shared>>
        tpu.wait_indirect_dma semaphore(%run_scoped3A_121 : memref<!tpu.dma_semaphore, #tpu.memory_space<semaphore_mem>>) src(%arg9 : memref<128x128xf32, #tpu.memory_space<vmem>>) dst(%dma_wait3A_132 : memref<10240x128xf32, #tpu.memory_space<vmem_shared>>)
        tpu.yield
      }) : () -> ()
      %jit3A_54 = arith.constant 2 : i32
      %div3A_55 = arith.divsi %add3A_4, %jit3A_54 : i32
      %sign3A_56 = arith.constant 0 : i32
      %sign3A_57 = arith.cmpi sgt, %add3A_4, %sign3A_56 : i32
      %sign3A_58 = arith.extui %sign3A_57 : i1 to i32
      %sign3A_59 = arith.constant 0 : i32
      %sign3A_60 = arith.cmpi slt, %add3A_4, %sign3A_59 : i32
      %sign3A_61 = arith.extui %sign3A_60 : i1 to i32
      %sign3A_62 = arith.subi %sign3A_58, %sign3A_61 : i32
      %sign3A_63 = arith.constant 0 : i32
      %sign3A_64 = arith.cmpi sgt, %jit3A_54, %sign3A_63 : i32
      %sign3A_65 = arith.extui %sign3A_64 : i1 to i32
      %sign3A_66 = arith.constant 0 : i32
      %sign3A_67 = arith.cmpi slt, %jit3A_54, %sign3A_66 : i32
      %sign3A_68 = arith.extui %sign3A_67 : i1 to i32
      %sign3A_69 = arith.subi %sign3A_65, %sign3A_68 : i32
      %ne3A_70 = arith.cmpi ne, %sign3A_62, %sign3A_69 : i32
      %rem3A_71 = arith.remsi %add3A_4, %jit3A_54 : i32
      %ne3A_72 = arith.constant 0 : i32
      %ne3A_73 = arith.cmpi ne, %rem3A_71, %ne3A_72 : i32
      %and3A_74 = arith.andi %ne3A_70, %ne3A_73 : i1
      %sub3A_75 = arith.constant 1 : i32
      %sub3A_76 = arith.subi %div3A_55, %sub3A_75 : i32
      %select_n3A_77 = arith.select %and3A_74, %sub3A_76, %div3A_55 : i32
      %sub3A_78 = arith.constant 1 : i32
      %sub3A_79 = arith.subi %select_n3A_77, %sub3A_78 : i32
      %lt3A = arith.cmpi slt, %while3A_47, %sub3A_79 : i32
      %convert_element_type3A_80 = arith.extui %lt3A : i1 to i32
      %cond3A_81 = arith.constant 0 : i32
      %cond3A_82 = arith.cmpi ne, %convert_element_type3A_80, %cond3A_81 : i32
      scf.if %cond3A_82 {
        %mul3A_121 = arith.constant 2 : i32
        %mul3A_122 = arith.muli %mul3A_121, %while3A_47 : i32
        %add3A_123 = arith.addi %add3A_9, %mul3A_122 : i32
        %add3A_124 = arith.constant 2 : i32
        %add3A_125 = arith.addi %add3A_123, %add3A_124 : i32
        "tpu.region"() ({
          %run_scoped3A_132 = tpu.sem_alloc : memref<!tpu.dma_semaphore, #tpu.memory_space<semaphore_mem>>
          %dma_start3A_133 = arith.constant 0 : i32
          %dma_start3A_134 = arith.constant 0 : i32
          %dma_start3A_135 = tpu.memref_slice %arg3[%add3A_125, %dma_start3A_133, %dma_start3A_134] : memref<2560x2x128xi32, #tpu.memory_space<hbm>> -> memref<1x2x128xi32, #tpu.memory_space<hbm>>
          %dma_start3A_136 = tpu.memref_squeeze %dma_start3A_135 : memref<1x2x128xi32, #tpu.memory_space<hbm>> -> memref<2x128xi32, #tpu.memory_space<hbm>>
          %dma_start3A_137 = arith.constant 0 : i32
          %dma_start3A_138 = arith.constant 0 : i32
          %dma_start3A_139 = tpu.memref_slice %arg3[%add3A_125, %dma_start3A_137, %dma_start3A_138] : memref<2560x2x128xi32, #tpu.memory_space<hbm>> -> memref<1x2x128xi32, #tpu.memory_space<hbm>>
          %dma_start3A_140 = tpu.memref_squeeze %dma_start3A_139 : memref<1x2x128xi32, #tpu.memory_space<hbm>> -> memref<2x128xi32, #tpu.memory_space<hbm>>
          tpu.enqueue_dma source(%dma_start3A_140 : memref<2x128xi32, #tpu.memory_space<hbm>>) target(%arg7 : memref<2x128xi32, #tpu.memory_space<vmem>>) target_semaphore(%run_scoped3A_132 : memref<!tpu.dma_semaphore, #tpu.memory_space<semaphore_mem>>)
          %dma_wait3A_141 = arith.constant 0 : i32
          %dma_wait3A_142 = arith.constant 0 : i32
          %dma_wait3A_143 = tpu.memref_slice %arg3[%add3A_125, %dma_wait3A_141, %dma_wait3A_142] : memref<2560x2x128xi32, #tpu.memory_space<hbm>> -> memref<1x2x128xi32, #tpu.memory_space<hbm>>
          %dma_wait3A_144 = tpu.memref_squeeze %dma_wait3A_143 : memref<1x2x128xi32, #tpu.memory_space<hbm>> -> memref<2x128xi32, #tpu.memory_space<hbm>>
          %dma_wait3A_145 = arith.constant 0 : i32
          %dma_wait3A_146 = arith.constant 0 : i32
          %dma_wait3A_147 = tpu.memref_slice %arg3[%add3A_125, %dma_wait3A_145, %dma_wait3A_146] : memref<2560x2x128xi32, #tpu.memory_space<hbm>> -> memref<1x2x128xi32, #tpu.memory_space<hbm>>
          %dma_wait3A_148 = tpu.memref_squeeze %dma_wait3A_147 : memref<1x2x128xi32, #tpu.memory_space<hbm>> -> memref<2x128xi32, #tpu.memory_space<hbm>>
          tpu.wait_dma2 semaphore(%run_scoped3A_132 : memref<!tpu.dma_semaphore, #tpu.memory_space<semaphore_mem>>) src(%dma_wait3A_148 : memref<2x128xi32, #tpu.memory_space<hbm>>) dst(%arg7 : memref<2x128xi32, #tpu.memory_space<vmem>>)
          tpu.yield
        }) : () -> ()
        %dma_start3A = arith.constant 0 : i32
        %dma_start3A_126 = arith.constant 0 : i32
        %dma_start3A_127 = tpu.memref_slice %arg7[%dma_start3A, %dma_start3A_126] : memref<2x128xi32, #tpu.memory_space<vmem>> -> memref<1x128xi32, #tpu.memory_space<vmem>>
        %dma_start3A_128 = tpu.memref_squeeze %dma_start3A_127 : memref<1x128xi32, #tpu.memory_space<vmem>> -> memref<128xi32, #tpu.memory_space<vmem>>
        %dma_start3A_129 = arith.constant 0 : i32
        %dma_start3A_130 = arith.constant 0 : i32
        %dma_start3A_131 = tpu.memref_slice %arg2[%dma_start3A_129, %dma_start3A_130] : memref<20480x128xf32, #tpu.memory_space<hbm>> -> memref<20480x128xf32, #tpu.memory_space<hbm>>
        tpu.enqueue_indirect_dma source(%dma_start3A_131 : memref<20480x128xf32, #tpu.memory_space<hbm>>) target(%arg9 : memref<128x128xf32, #tpu.memory_space<vmem>>) offsets(%dma_start3A_128 : memref<128xi32, #tpu.memory_space<vmem>>) semaphore(%arg11 : memref<!tpu.dma_semaphore, #tpu.memory_space<semaphore_mem>>)
      } else {
      }
      %dma_wait3A_83 = arith.constant 0 : i32
      %dma_wait3A_84 = arith.constant 0 : i32
      %dma_wait3A_85 = tpu.memref_slice %arg8[%dma_wait3A_83, %dma_wait3A_84] : memref<2x128xi32, #tpu.memory_space<vmem>> -> memref<1x128xi32, #tpu.memory_space<vmem>>
      %dma_wait3A_86 = tpu.memref_squeeze %dma_wait3A_85 : memref<1x128xi32, #tpu.memory_space<vmem>> -> memref<128xi32, #tpu.memory_space<vmem>>
      %dma_wait3A_87 = arith.constant 0 : i32
      %dma_wait3A_88 = arith.constant 0 : i32
      %dma_wait3A_89 = tpu.memref_slice %arg2[%dma_wait3A_87, %dma_wait3A_88] : memref<20480x128xf32, #tpu.memory_space<hbm>> -> memref<20480x128xf32, #tpu.memory_space<hbm>>
      tpu.wait_indirect_dma semaphore(%arg12 : memref<!tpu.dma_semaphore, #tpu.memory_space<semaphore_mem>>) src(%dma_wait3A_89 : memref<20480x128xf32, #tpu.memory_space<hbm>>) dst(%arg10 : memref<128x128xf32, #tpu.memory_space<vmem>>)
      %run_scoped3A_90 = arith.constant 1 : i32
      "tpu.region"() ({
        %run_scoped3A_121 = tpu.sem_alloc : memref<!tpu.dma_semaphore, #tpu.memory_space<semaphore_mem>>
        %dma_start3A = arith.constant 0 : i32
        %dma_start3A_122 = tpu.memref_slice %arg8[%run_scoped3A_90, %dma_start3A] : memref<2x128xi32, #tpu.memory_space<vmem>> -> memref<1x128xi32, #tpu.memory_space<vmem>>
        %dma_start3A_123 = tpu.memref_squeeze %dma_start3A_122 : memref<1x128xi32, #tpu.memory_space<vmem>> -> memref<128xi32, #tpu.memory_space<vmem>>
        %dma_start3A_124 = arith.constant 0 : i32
        %dma_start3A_125 = arith.constant 0 : i32
        %dma_start3A_126 = tpu.memref_slice %arg6[%dma_start3A_124, %dma_start3A_125] : memref<10240x128xf32, #tpu.memory_space<vmem_shared>> -> memref<10240x128xf32, #tpu.memory_space<vmem_shared>>
        tpu.enqueue_indirect_dma source(%arg10 : memref<128x128xf32, #tpu.memory_space<vmem>>) target(%dma_start3A_126 : memref<10240x128xf32, #tpu.memory_space<vmem_shared>>) offsets(%dma_start3A_123 : memref<128xi32, #tpu.memory_space<vmem>>) semaphore(%run_scoped3A_121 : memref<!tpu.dma_semaphore, #tpu.memory_space<semaphore_mem>>) {add = true}
        %dma_wait3A_127 = arith.constant 0 : i32
        %dma_wait3A_128 = tpu.memref_slice %arg8[%run_scoped3A_90, %dma_wait3A_127] : memref<2x128xi32, #tpu.memory_space<vmem>> -> memref<1x128xi32, #tpu.memory_space<vmem>>
        %dma_wait3A_129 = tpu.memref_squeeze %dma_wait3A_128 : memref<1x128xi32, #tpu.memory_space<vmem>> -> memref<128xi32, #tpu.memory_space<vmem>>
        %dma_wait3A_130 = arith.constant 0 : i32
        %dma_wait3A_131 = arith.constant 0 : i32
        %dma_wait3A_132 = tpu.memref_slice %arg6[%dma_wait3A_130, %dma_wait3A_131] : memref<10240x128xf32, #tpu.memory_space<vmem_shared>> -> memref<10240x128xf32, #tpu.memory_space<vmem_shared>>
        tpu.wait_indirect_dma semaphore(%run_scoped3A_121 : memref<!tpu.dma_semaphore, #tpu.memory_space<semaphore_mem>>) src(%arg10 : memref<128x128xf32, #tpu.memory_space<vmem>>) dst(%dma_wait3A_132 : memref<10240x128xf32, #tpu.memory_space<vmem_shared>>)
        tpu.yield
      }) : () -> ()
      %jit3A_91 = arith.constant 2 : i32
      %div3A_92 = arith.divsi %add3A_4, %jit3A_91 : i32
      %sign3A_93 = arith.constant 0 : i32
      %sign3A_94 = arith.cmpi sgt, %add3A_4, %sign3A_93 : i32
      %sign3A_95 = arith.extui %sign3A_94 : i1 to i32
      %sign3A_96 = arith.constant 0 : i32
      %sign3A_97 = arith.cmpi slt, %add3A_4, %sign3A_96 : i32
      %sign3A_98 = arith.extui %sign3A_97 : i1 to i32
      %sign3A_99 = arith.subi %sign3A_95, %sign3A_98 : i32
      %sign3A_100 = arith.constant 0 : i32
      %sign3A_101 = arith.cmpi sgt, %jit3A_91, %sign3A_100 : i32
      %sign3A_102 = arith.extui %sign3A_101 : i1 to i32
      %sign3A_103 = arith.constant 0 : i32
      %sign3A_104 = arith.cmpi slt, %jit3A_91, %sign3A_103 : i32
      %sign3A_105 = arith.extui %sign3A_104 : i1 to i32
      %sign3A_106 = arith.subi %sign3A_102, %sign3A_105 : i32
      %ne3A_107 = arith.cmpi ne, %sign3A_99, %sign3A_106 : i32
      %rem3A_108 = arith.remsi %add3A_4, %jit3A_91 : i32
      %ne3A_109 = arith.constant 0 : i32
      %ne3A_110 = arith.cmpi ne, %rem3A_108, %ne3A_109 : i32
      %and3A_111 = arith.andi %ne3A_107, %ne3A_110 : i1
      %sub3A_112 = arith.constant 1 : i32
      %sub3A_113 = arith.subi %div3A_92, %sub3A_112 : i32
      %select_n3A_114 = arith.select %and3A_111, %sub3A_113, %div3A_92 : i32
      %sub3A_115 = arith.constant 1 : i32
      %sub3A_116 = arith.subi %select_n3A_114, %sub3A_115 : i32
      %lt3A_117 = arith.cmpi slt, %while3A_47, %sub3A_116 : i32
      %convert_element_type3A_118 = arith.extui %lt3A_117 : i1 to i32
      %cond3A_119 = arith.constant 0 : i32
      %cond3A_120 = arith.cmpi ne, %convert_element_type3A_118, %cond3A_119 : i32
      scf.if %cond3A_120 {
        %mul3A_121 = arith.constant 2 : i32
        %mul3A_122 = arith.muli %mul3A_121, %while3A_47 : i32
        %add3A_123 = arith.addi %add3A_9, %mul3A_122 : i32
        %add3A_124 = arith.constant 3 : i32
        %add3A_125 = arith.addi %add3A_123, %add3A_124 : i32
        "tpu.region"() ({
          %run_scoped3A_132 = tpu.sem_alloc : memref<!tpu.dma_semaphore, #tpu.memory_space<semaphore_mem>>
          %dma_start3A_133 = arith.constant 0 : i32
          %dma_start3A_134 = arith.constant 0 : i32
          %dma_start3A_135 = tpu.memref_slice %arg3[%add3A_125, %dma_start3A_133, %dma_start3A_134] : memref<2560x2x128xi32, #tpu.memory_space<hbm>> -> memref<1x2x128xi32, #tpu.memory_space<hbm>>
          %dma_start3A_136 = tpu.memref_squeeze %dma_start3A_135 : memref<1x2x128xi32, #tpu.memory_space<hbm>> -> memref<2x128xi32, #tpu.memory_space<hbm>>
          %dma_start3A_137 = arith.constant 0 : i32
          %dma_start3A_138 = arith.constant 0 : i32
          %dma_start3A_139 = tpu.memref_slice %arg3[%add3A_125, %dma_start3A_137, %dma_start3A_138] : memref<2560x2x128xi32, #tpu.memory_space<hbm>> -> memref<1x2x128xi32, #tpu.memory_space<hbm>>
          %dma_start3A_140 = tpu.memref_squeeze %dma_start3A_139 : memref<1x2x128xi32, #tpu.memory_space<hbm>> -> memref<2x128xi32, #tpu.memory_space<hbm>>
          tpu.enqueue_dma source(%dma_start3A_140 : memref<2x128xi32, #tpu.memory_space<hbm>>) target(%arg8 : memref<2x128xi32, #tpu.memory_space<vmem>>) target_semaphore(%run_scoped3A_132 : memref<!tpu.dma_semaphore, #tpu.memory_space<semaphore_mem>>)
          %dma_wait3A_141 = arith.constant 0 : i32
          %dma_wait3A_142 = arith.constant 0 : i32
          %dma_wait3A_143 = tpu.memref_slice %arg3[%add3A_125, %dma_wait3A_141, %dma_wait3A_142] : memref<2560x2x128xi32, #tpu.memory_space<hbm>> -> memref<1x2x128xi32, #tpu.memory_space<hbm>>
          %dma_wait3A_144 = tpu.memref_squeeze %dma_wait3A_143 : memref<1x2x128xi32, #tpu.memory_space<hbm>> -> memref<2x128xi32, #tpu.memory_space<hbm>>
          %dma_wait3A_145 = arith.constant 0 : i32
          %dma_wait3A_146 = arith.constant 0 : i32
          %dma_wait3A_147 = tpu.memref_slice %arg3[%add3A_125, %dma_wait3A_145, %dma_wait3A_146] : memref<2560x2x128xi32, #tpu.memory_space<hbm>> -> memref<1x2x128xi32, #tpu.memory_space<hbm>>
          %dma_wait3A_148 = tpu.memref_squeeze %dma_wait3A_147 : memref<1x2x128xi32, #tpu.memory_space<hbm>> -> memref<2x128xi32, #tpu.memory_space<hbm>>
          tpu.wait_dma2 semaphore(%run_scoped3A_132 : memref<!tpu.dma_semaphore, #tpu.memory_space<semaphore_mem>>) src(%dma_wait3A_148 : memref<2x128xi32, #tpu.memory_space<hbm>>) dst(%arg8 : memref<2x128xi32, #tpu.memory_space<vmem>>)
          tpu.yield
        }) : () -> ()
        %dma_start3A = arith.constant 0 : i32
        %dma_start3A_126 = arith.constant 0 : i32
        %dma_start3A_127 = tpu.memref_slice %arg8[%dma_start3A, %dma_start3A_126] : memref<2x128xi32, #tpu.memory_space<vmem>> -> memref<1x128xi32, #tpu.memory_space<vmem>>
        %dma_start3A_128 = tpu.memref_squeeze %dma_start3A_127 : memref<1x128xi32, #tpu.memory_space<vmem>> -> memref<128xi32, #tpu.memory_space<vmem>>
        %dma_start3A_129 = arith.constant 0 : i32
        %dma_start3A_130 = arith.constant 0 : i32
        %dma_start3A_131 = tpu.memref_slice %arg2[%dma_start3A_129, %dma_start3A_130] : memref<20480x128xf32, #tpu.memory_space<hbm>> -> memref<20480x128xf32, #tpu.memory_space<hbm>>
        tpu.enqueue_indirect_dma source(%dma_start3A_131 : memref<20480x128xf32, #tpu.memory_space<hbm>>) target(%arg10 : memref<128x128xf32, #tpu.memory_space<vmem>>) offsets(%dma_start3A_128 : memref<128xi32, #tpu.memory_space<vmem>>) semaphore(%arg12 : memref<!tpu.dma_semaphore, #tpu.memory_space<semaphore_mem>>)
      } else {
      }
    }
    %while3A_38 = arith.constant 1 : i32
    scf.for %while3A_47 = %while3A_36 to %while3A_32 step %while3A_38  : i32 {
      %dma_wait3A = arith.constant 0 : i32
      %dma_wait3A_48 = arith.constant 0 : i32
      %dma_wait3A_49 = tpu.memref_slice %arg7[%dma_wait3A, %dma_wait3A_48] : memref<2x128xi32, #tpu.memory_space<vmem>> -> memref<1x128xi32, #tpu.memory_space<vmem>>
      %dma_wait3A_50 = tpu.memref_squeeze %dma_wait3A_49 : memref<1x128xi32, #tpu.memory_space<vmem>> -> memref<128xi32, #tpu.memory_space<vmem>>
      %dma_wait3A_51 = arith.constant 0 : i32
      %dma_wait3A_52 = arith.constant 0 : i32
      %dma_wait3A_53 = tpu.memref_slice %arg2[%dma_wait3A_51, %dma_wait3A_52] : memref<20480x128xf32, #tpu.memory_space<hbm>> -> memref<20480x128xf32, #tpu.memory_space<hbm>>
      tpu.wait_indirect_dma semaphore(%arg11 : memref<!tpu.dma_semaphore, #tpu.memory_space<semaphore_mem>>) src(%dma_wait3A_53 : memref<20480x128xf32, #tpu.memory_space<hbm>>) dst(%arg9 : memref<128x128xf32, #tpu.memory_space<vmem>>)
      %run_scoped3A = arith.constant 1 : i32
      "tpu.region"() ({
        %run_scoped3A_121 = tpu.sem_alloc : memref<!tpu.dma_semaphore, #tpu.memory_space<semaphore_mem>>
        %dma_start3A = arith.constant 0 : i32
        %dma_start3A_122 = tpu.memref_slice %arg7[%run_scoped3A, %dma_start3A] : memref<2x128xi32, #tpu.memory_space<vmem>> -> memref<1x128xi32, #tpu.memory_space<vmem>>
        %dma_start3A_123 = tpu.memref_squeeze %dma_start3A_122 : memref<1x128xi32, #tpu.memory_space<vmem>> -> memref<128xi32, #tpu.memory_space<vmem>>
        %dma_start3A_124 = arith.constant 0 : i32
        %dma_start3A_125 = arith.constant 0 : i32
        %dma_start3A_126 = tpu.memref_slice %arg6[%dma_start3A_124, %dma_start3A_125] : memref<10240x128xf32, #tpu.memory_space<vmem_shared>> -> memref<10240x128xf32, #tpu.memory_space<vmem_shared>>
        tpu.enqueue_indirect_dma source(%arg9 : memref<128x128xf32, #tpu.memory_space<vmem>>) target(%dma_start3A_126 : memref<10240x128xf32, #tpu.memory_space<vmem_shared>>) offsets(%dma_start3A_123 : memref<128xi32, #tpu.memory_space<vmem>>) semaphore(%run_scoped3A_121 : memref<!tpu.dma_semaphore, #tpu.memory_space<semaphore_mem>>) {add = true}
        %dma_wait3A_127 = arith.constant 0 : i32
        %dma_wait3A_128 = tpu.memref_slice %arg7[%run_scoped3A, %dma_wait3A_127] : memref<2x128xi32, #tpu.memory_space<vmem>> -> memref<1x128xi32, #tpu.memory_space<vmem>>
        %dma_wait3A_129 = tpu.memref_squeeze %dma_wait3A_128 : memref<1x128xi32, #tpu.memory_space<vmem>> -> memref<128xi32, #tpu.memory_space<vmem>>
        %dma_wait3A_130 = arith.constant 0 : i32
        %dma_wait3A_131 = arith.constant 0 : i32
        %dma_wait3A_132 = tpu.memref_slice %arg6[%dma_wait3A_130, %dma_wait3A_131] : memref<10240x128xf32, #tpu.memory_space<vmem_shared>> -> memref<10240x128xf32, #tpu.memory_space<vmem_shared>>
        tpu.wait_indirect_dma semaphore(%run_scoped3A_121 : memref<!tpu.dma_semaphore, #tpu.memory_space<semaphore_mem>>) src(%arg9 : memref<128x128xf32, #tpu.memory_space<vmem>>) dst(%dma_wait3A_132 : memref<10240x128xf32, #tpu.memory_space<vmem_shared>>)
        tpu.yield
      }) : () -> ()
      %jit3A_54 = arith.constant 2 : i32
      %div3A_55 = arith.divsi %add3A_4, %jit3A_54 : i32
      %sign3A_56 = arith.constant 0 : i32
      %sign3A_57 = arith.cmpi sgt, %add3A_4, %sign3A_56 : i32
      %sign3A_58 = arith.extui %sign3A_57 : i1 to i32
      %sign3A_59 = arith.constant 0 : i32
      %sign3A_60 = arith.cmpi slt, %add3A_4, %sign3A_59 : i32
      %sign3A_61 = arith.extui %sign3A_60 : i1 to i32
      %sign3A_62 = arith.subi %sign3A_58, %sign3A_61 : i32
      %sign3A_63 = arith.constant 0 : i32
      %sign3A_64 = arith.cmpi sgt, %jit3A_54, %sign3A_63 : i32
      %sign3A_65 = arith.extui %sign3A_64 : i1 to i32
      %sign3A_66 = arith.constant 0 : i32
      %sign3A_67 = arith.cmpi slt, %jit3A_54, %sign3A_66 : i32
      %sign3A_68 = arith.extui %sign3A_67 : i1 to i32
      %sign3A_69 = arith.subi %sign3A_65, %sign3A_68 : i32
      %ne3A_70 = arith.cmpi ne, %sign3A_62, %sign3A_69 : i32
      %rem3A_71 = arith.remsi %add3A_4, %jit3A_54 : i32
      %ne3A_72 = arith.constant 0 : i32
      %ne3A_73 = arith.cmpi ne, %rem3A_71, %ne3A_72 : i32
      %and3A_74 = arith.andi %ne3A_70, %ne3A_73 : i1
      %sub3A_75 = arith.constant 1 : i32
      %sub3A_76 = arith.subi %div3A_55, %sub3A_75 : i32
      %select_n3A_77 = arith.select %and3A_74, %sub3A_76, %div3A_55 : i32
      %sub3A_78 = arith.constant 1 : i32
      %sub3A_79 = arith.subi %select_n3A_77, %sub3A_78 : i32
      %lt3A = arith.cmpi slt, %while3A_47, %sub3A_79 : i32
      %convert_element_type3A_80 = arith.extui %lt3A : i1 to i32
      %cond3A_81 = arith.constant 0 : i32
      %cond3A_82 = arith.cmpi ne, %convert_element_type3A_80, %cond3A_81 : i32
      scf.if %cond3A_82 {
        %mul3A_121 = arith.constant 2 : i32
        %mul3A_122 = arith.muli %mul3A_121, %while3A_47 : i32
        %add3A_123 = arith.addi %add3A_9, %mul3A_122 : i32
        %add3A_124 = arith.constant 2 : i32
        %add3A_125 = arith.addi %add3A_123, %add3A_124 : i32
        "tpu.region"() ({
          %run_scoped3A_132 = tpu.sem_alloc : memref<!tpu.dma_semaphore, #tpu.memory_space<semaphore_mem>>
          %dma_start3A_133 = arith.constant 0 : i32
          %dma_start3A_134 = arith.constant 0 : i32
          %dma_start3A_135 = tpu.memref_slice %arg3[%add3A_125, %dma_start3A_133, %dma_start3A_134] : memref<2560x2x128xi32, #tpu.memory_space<hbm>> -> memref<1x2x128xi32, #tpu.memory_space<hbm>>
          %dma_start3A_136 = tpu.memref_squeeze %dma_start3A_135 : memref<1x2x128xi32, #tpu.memory_space<hbm>> -> memref<2x128xi32, #tpu.memory_space<hbm>>
          %dma_start3A_137 = arith.constant 0 : i32
          %dma_start3A_138 = arith.constant 0 : i32
          %dma_start3A_139 = tpu.memref_slice %arg3[%add3A_125, %dma_start3A_137, %dma_start3A_138] : memref<2560x2x128xi32, #tpu.memory_space<hbm>> -> memref<1x2x128xi32, #tpu.memory_space<hbm>>
          %dma_start3A_140 = tpu.memref_squeeze %dma_start3A_139 : memref<1x2x128xi32, #tpu.memory_space<hbm>> -> memref<2x128xi32, #tpu.memory_space<hbm>>
          tpu.enqueue_dma source(%dma_start3A_140 : memref<2x128xi32, #tpu.memory_space<hbm>>) target(%arg7 : memref<2x128xi32, #tpu.memory_space<vmem>>) target_semaphore(%run_scoped3A_132 : memref<!tpu.dma_semaphore, #tpu.memory_space<semaphore_mem>>)
          %dma_wait3A_141 = arith.constant 0 : i32
          %dma_wait3A_142 = arith.constant 0 : i32
          %dma_wait3A_143 = tpu.memref_slice %arg3[%add3A_125, %dma_wait3A_141, %dma_wait3A_142] : memref<2560x2x128xi32, #tpu.memory_space<hbm>> -> memref<1x2x128xi32, #tpu.memory_space<hbm>>
          %dma_wait3A_144 = tpu.memref_squeeze %dma_wait3A_143 : memref<1x2x128xi32, #tpu.memory_space<hbm>> -> memref<2x128xi32, #tpu.memory_space<hbm>>
          %dma_wait3A_145 = arith.constant 0 : i32
          %dma_wait3A_146 = arith.constant 0 : i32
          %dma_wait3A_147 = tpu.memref_slice %arg3[%add3A_125, %dma_wait3A_145, %dma_wait3A_146] : memref<2560x2x128xi32, #tpu.memory_space<hbm>> -> memref<1x2x128xi32, #tpu.memory_space<hbm>>
          %dma_wait3A_148 = tpu.memref_squeeze %dma_wait3A_147 : memref<1x2x128xi32, #tpu.memory_space<hbm>> -> memref<2x128xi32, #tpu.memory_space<hbm>>
          tpu.wait_dma2 semaphore(%run_scoped3A_132 : memref<!tpu.dma_semaphore, #tpu.memory_space<semaphore_mem>>) src(%dma_wait3A_148 : memref<2x128xi32, #tpu.memory_space<hbm>>) dst(%arg7 : memref<2x128xi32, #tpu.memory_space<vmem>>)
          tpu.yield
        }) : () -> ()
        %dma_start3A = arith.constant 0 : i32
        %dma_start3A_126 = arith.constant 0 : i32
        %dma_start3A_127 = tpu.memref_slice %arg7[%dma_start3A, %dma_start3A_126] : memref<2x128xi32, #tpu.memory_space<vmem>> -> memref<1x128xi32, #tpu.memory_space<vmem>>
        %dma_start3A_128 = tpu.memref_squeeze %dma_start3A_127 : memref<1x128xi32, #tpu.memory_space<vmem>> -> memref<128xi32, #tpu.memory_space<vmem>>
        %dma_start3A_129 = arith.constant 0 : i32
        %dma_start3A_130 = arith.constant 0 : i32
        %dma_start3A_131 = tpu.memref_slice %arg2[%dma_start3A_129, %dma_start3A_130] : memref<20480x128xf32, #tpu.memory_space<hbm>> -> memref<20480x128xf32, #tpu.memory_space<hbm>>
        tpu.enqueue_indirect_dma source(%dma_start3A_131 : memref<20480x128xf32, #tpu.memory_space<hbm>>) target(%arg9 : memref<128x128xf32, #tpu.memory_space<vmem>>) offsets(%dma_start3A_128 : memref<128xi32, #tpu.memory_space<vmem>>) semaphore(%arg11 : memref<!tpu.dma_semaphore, #tpu.memory_space<semaphore_mem>>)
      } else {
      }
      %dma_wait3A_83 = arith.constant 0 : i32
      %dma_wait3A_84 = arith.constant 0 : i32
      %dma_wait3A_85 = tpu.memref_slice %arg8[%dma_wait3A_83, %dma_wait3A_84] : memref<2x128xi32, #tpu.memory_space<vmem>> -> memref<1x128xi32, #tpu.memory_space<vmem>>
      %dma_wait3A_86 = tpu.memref_squeeze %dma_wait3A_85 : memref<1x128xi32, #tpu.memory_space<vmem>> -> memref<128xi32, #tpu.memory_space<vmem>>
      %dma_wait3A_87 = arith.constant 0 : i32
      %dma_wait3A_88 = arith.constant 0 : i32
      %dma_wait3A_89 = tpu.memref_slice %arg2[%dma_wait3A_87, %dma_wait3A_88] : memref<20480x128xf32, #tpu.memory_space<hbm>> -> memref<20480x128xf32, #tpu.memory_space<hbm>>
      tpu.wait_indirect_dma semaphore(%arg12 : memref<!tpu.dma_semaphore, #tpu.memory_space<semaphore_mem>>) src(%dma_wait3A_89 : memref<20480x128xf32, #tpu.memory_space<hbm>>) dst(%arg10 : memref<128x128xf32, #tpu.memory_space<vmem>>)
      %run_scoped3A_90 = arith.constant 1 : i32
      "tpu.region"() ({
        %run_scoped3A_121 = tpu.sem_alloc : memref<!tpu.dma_semaphore, #tpu.memory_space<semaphore_mem>>
        %dma_start3A = arith.constant 0 : i32
        %dma_start3A_122 = tpu.memref_slice %arg8[%run_scoped3A_90, %dma_start3A] : memref<2x128xi32, #tpu.memory_space<vmem>> -> memref<1x128xi32, #tpu.memory_space<vmem>>
        %dma_start3A_123 = tpu.memref_squeeze %dma_start3A_122 : memref<1x128xi32, #tpu.memory_space<vmem>> -> memref<128xi32, #tpu.memory_space<vmem>>
        %dma_start3A_124 = arith.constant 0 : i32
        %dma_start3A_125 = arith.constant 0 : i32
        %dma_start3A_126 = tpu.memref_slice %arg6[%dma_start3A_124, %dma_start3A_125] : memref<10240x128xf32, #tpu.memory_space<vmem_shared>> -> memref<10240x128xf32, #tpu.memory_space<vmem_shared>>
        tpu.enqueue_indirect_dma source(%arg10 : memref<128x128xf32, #tpu.memory_space<vmem>>) target(%dma_start3A_126 : memref<10240x128xf32, #tpu.memory_space<vmem_shared>>) offsets(%dma_start3A_123 : memref<128xi32, #tpu.memory_space<vmem>>) semaphore(%run_scoped3A_121 : memref<!tpu.dma_semaphore, #tpu.memory_space<semaphore_mem>>) {add = true}
        %dma_wait3A_127 = arith.constant 0 : i32
        %dma_wait3A_128 = tpu.memref_slice %arg8[%run_scoped3A_90, %dma_wait3A_127] : memref<2x128xi32, #tpu.memory_space<vmem>> -> memref<1x128xi32, #tpu.memory_space<vmem>>
        %dma_wait3A_129 = tpu.memref_squeeze %dma_wait3A_128 : memref<1x128xi32, #tpu.memory_space<vmem>> -> memref<128xi32, #tpu.memory_space<vmem>>
        %dma_wait3A_130 = arith.constant 0 : i32
        %dma_wait3A_131 = arith.constant 0 : i32
        %dma_wait3A_132 = tpu.memref_slice %arg6[%dma_wait3A_130, %dma_wait3A_131] : memref<10240x128xf32, #tpu.memory_space<vmem_shared>> -> memref<10240x128xf32, #tpu.memory_space<vmem_shared>>
        tpu.wait_indirect_dma semaphore(%run_scoped3A_121 : memref<!tpu.dma_semaphore, #tpu.memory_space<semaphore_mem>>) src(%arg10 : memref<128x128xf32, #tpu.memory_space<vmem>>) dst(%dma_wait3A_132 : memref<10240x128xf32, #tpu.memory_space<vmem_shared>>)
        tpu.yield
      }) : () -> ()
      %jit3A_91 = arith.constant 2 : i32
      %div3A_92 = arith.divsi %add3A_4, %jit3A_91 : i32
      %sign3A_93 = arith.constant 0 : i32
      %sign3A_94 = arith.cmpi sgt, %add3A_4, %sign3A_93 : i32
      %sign3A_95 = arith.extui %sign3A_94 : i1 to i32
      %sign3A_96 = arith.constant 0 : i32
      %sign3A_97 = arith.cmpi slt, %add3A_4, %sign3A_96 : i32
      %sign3A_98 = arith.extui %sign3A_97 : i1 to i32
      %sign3A_99 = arith.subi %sign3A_95, %sign3A_98 : i32
      %sign3A_100 = arith.constant 0 : i32
      %sign3A_101 = arith.cmpi sgt, %jit3A_91, %sign3A_100 : i32
      %sign3A_102 = arith.extui %sign3A_101 : i1 to i32
      %sign3A_103 = arith.constant 0 : i32
      %sign3A_104 = arith.cmpi slt, %jit3A_91, %sign3A_103 : i32
      %sign3A_105 = arith.extui %sign3A_104 : i1 to i32
      %sign3A_106 = arith.subi %sign3A_102, %sign3A_105 : i32
      %ne3A_107 = arith.cmpi ne, %sign3A_99, %sign3A_106 : i32
      %rem3A_108 = arith.remsi %add3A_4, %jit3A_91 : i32
      %ne3A_109 = arith.constant 0 : i32
      %ne3A_110 = arith.cmpi ne, %rem3A_108, %ne3A_109 : i32
      %and3A_111 = arith.andi %ne3A_107, %ne3A_110 : i1
      %sub3A_112 = arith.constant 1 : i32
      %sub3A_113 = arith.subi %div3A_92, %sub3A_112 : i32
      %select_n3A_114 = arith.select %and3A_111, %sub3A_113, %div3A_92 : i32
      %sub3A_115 = arith.constant 1 : i32
      %sub3A_116 = arith.subi %select_n3A_114, %sub3A_115 : i32
      %lt3A_117 = arith.cmpi slt, %while3A_47, %sub3A_116 : i32
      %convert_element_type3A_118 = arith.extui %lt3A_117 : i1 to i32
      %cond3A_119 = arith.constant 0 : i32
      %cond3A_120 = arith.cmpi ne, %convert_element_type3A_118, %cond3A_119 : i32
      scf.if %cond3A_120 {
        %mul3A_121 = arith.constant 2 : i32
        %mul3A_122 = arith.muli %mul3A_121, %while3A_47 : i32
        %add3A_123 = arith.addi %add3A_9, %mul3A_122 : i32
        %add3A_124 = arith.constant 3 : i32
        %add3A_125 = arith.addi %add3A_123, %add3A_124 : i32
        "tpu.region"() ({
          %run_scoped3A_132 = tpu.sem_alloc : memref<!tpu.dma_semaphore, #tpu.memory_space<semaphore_mem>>
          %dma_start3A_133 = arith.constant 0 : i32
          %dma_start3A_134 = arith.constant 0 : i32
          %dma_start3A_135 = tpu.memref_slice %arg3[%add3A_125, %dma_start3A_133, %dma_start3A_134] : memref<2560x2x128xi32, #tpu.memory_space<hbm>> -> memref<1x2x128xi32, #tpu.memory_space<hbm>>
          %dma_start3A_136 = tpu.memref_squeeze %dma_start3A_135 : memref<1x2x128xi32, #tpu.memory_space<hbm>> -> memref<2x128xi32, #tpu.memory_space<hbm>>
          %dma_start3A_137 = arith.constant 0 : i32
          %dma_start3A_138 = arith.constant 0 : i32
          %dma_start3A_139 = tpu.memref_slice %arg3[%add3A_125, %dma_start3A_137, %dma_start3A_138] : memref<2560x2x128xi32, #tpu.memory_space<hbm>> -> memref<1x2x128xi32, #tpu.memory_space<hbm>>
          %dma_start3A_140 = tpu.memref_squeeze %dma_start3A_139 : memref<1x2x128xi32, #tpu.memory_space<hbm>> -> memref<2x128xi32, #tpu.memory_space<hbm>>
          tpu.enqueue_dma source(%dma_start3A_140 : memref<2x128xi32, #tpu.memory_space<hbm>>) target(%arg8 : memref<2x128xi32, #tpu.memory_space<vmem>>) target_semaphore(%run_scoped3A_132 : memref<!tpu.dma_semaphore, #tpu.memory_space<semaphore_mem>>)
          %dma_wait3A_141 = arith.constant 0 : i32
          %dma_wait3A_142 = arith.constant 0 : i32
          %dma_wait3A_143 = tpu.memref_slice %arg3[%add3A_125, %dma_wait3A_141, %dma_wait3A_142] : memref<2560x2x128xi32, #tpu.memory_space<hbm>> -> memref<1x2x128xi32, #tpu.memory_space<hbm>>
          %dma_wait3A_144 = tpu.memref_squeeze %dma_wait3A_143 : memref<1x2x128xi32, #tpu.memory_space<hbm>> -> memref<2x128xi32, #tpu.memory_space<hbm>>
          %dma_wait3A_145 = arith.constant 0 : i32
          %dma_wait3A_146 = arith.constant 0 : i32
          %dma_wait3A_147 = tpu.memref_slice %arg3[%add3A_125, %dma_wait3A_145, %dma_wait3A_146] : memref<2560x2x128xi32, #tpu.memory_space<hbm>> -> memref<1x2x128xi32, #tpu.memory_space<hbm>>
          %dma_wait3A_148 = tpu.memref_squeeze %dma_wait3A_147 : memref<1x2x128xi32, #tpu.memory_space<hbm>> -> memref<2x128xi32, #tpu.memory_space<hbm>>
          tpu.wait_dma2 semaphore(%run_scoped3A_132 : memref<!tpu.dma_semaphore, #tpu.memory_space<semaphore_mem>>) src(%dma_wait3A_148 : memref<2x128xi32, #tpu.memory_space<hbm>>) dst(%arg8 : memref<2x128xi32, #tpu.memory_space<vmem>>)
          tpu.yield
        }) : () -> ()
        %dma_start3A = arith.constant 0 : i32
        %dma_start3A_126 = arith.constant 0 : i32
        %dma_start3A_127 = tpu.memref_slice %arg8[%dma_start3A, %dma_start3A_126] : memref<2x128xi32, #tpu.memory_space<vmem>> -> memref<1x128xi32, #tpu.memory_space<vmem>>
        %dma_start3A_128 = tpu.memref_squeeze %dma_start3A_127 : memref<1x128xi32, #tpu.memory_space<vmem>> -> memref<128xi32, #tpu.memory_space<vmem>>
        %dma_start3A_129 = arith.constant 0 : i32
        %dma_start3A_130 = arith.constant 0 : i32
        %dma_start3A_131 = tpu.memref_slice %arg2[%dma_start3A_129, %dma_start3A_130] : memref<20480x128xf32, #tpu.memory_space<hbm>> -> memref<20480x128xf32, #tpu.memory_space<hbm>>
        tpu.enqueue_indirect_dma source(%dma_start3A_131 : memref<20480x128xf32, #tpu.memory_space<hbm>>) target(%arg10 : memref<128x128xf32, #tpu.memory_space<vmem>>) offsets(%dma_start3A_128 : memref<128xi32, #tpu.memory_space<vmem>>) semaphore(%arg12 : memref<!tpu.dma_semaphore, #tpu.memory_space<semaphore_mem>>)
      } else {
      }
    }
    %barrier3A_39 = arith.constant 0 : index
    tpu.barrier barrier_id(%barrier3A_39)
    %mul3A_40 = arith.constant 640 : i32
    %mul3A_41 = arith.muli %arg1, %mul3A_40 : i32
    %mul3A_42 = arith.constant 10240 : i32
    %mul3A_43 = arith.muli %arg0, %mul3A_42 : i32
    %mul3A_44 = arith.constant 640 : i32
    %mul3A_45 = arith.muli %arg1, %mul3A_44 : i32
    %add3A_46 = arith.addi %mul3A_43, %mul3A_45 : i32
    "tpu.region"() ({
      %run_scoped3A = tpu.sem_alloc : memref<!tpu.dma_semaphore, #tpu.memory_space<semaphore_mem>>
      %dma_start3A = arith.constant 0 : i32
      %dma_start3A_47 = tpu.memref_slice %arg5[%add3A_46, %dma_start3A] : memref<20480x128xf32, #tpu.memory_space<hbm>> -> memref<640x128xf32, #tpu.memory_space<hbm>>
      %dma_start3A_48 = arith.constant 0 : i32
      %dma_start3A_49 = tpu.memref_slice %arg6[%mul3A_41, %dma_start3A_48] : memref<10240x128xf32, #tpu.memory_space<vmem_shared>> -> memref<640x128xf32, #tpu.memory_space<vmem_shared>>
      tpu.enqueue_dma source(%dma_start3A_49 : memref<640x128xf32, #tpu.memory_space<vmem_shared>>) target(%dma_start3A_47 : memref<640x128xf32, #tpu.memory_space<hbm>>) target_semaphore(%run_scoped3A : memref<!tpu.dma_semaphore, #tpu.memory_space<semaphore_mem>>)
      %dma_wait3A = arith.constant 0 : i32
      %dma_wait3A_50 = tpu.memref_slice %arg5[%add3A_46, %dma_wait3A] : memref<20480x128xf32, #tpu.memory_space<hbm>> -> memref<640x128xf32, #tpu.memory_space<hbm>>
      %dma_wait3A_51 = arith.constant 0 : i32
      %dma_wait3A_52 = tpu.memref_slice %arg6[%mul3A_41, %dma_wait3A_51] : memref<10240x128xf32, #tpu.memory_space<vmem_shared>> -> memref<640x128xf32, #tpu.memory_space<vmem_shared>>
      tpu.wait_dma2 semaphore(%run_scoped3A : memref<!tpu.dma_semaphore, #tpu.memory_space<semaphore_mem>>) src(%dma_wait3A_52 : memref<640x128xf32, #tpu.memory_space<vmem_shared>>) dst(%dma_wait3A_50 : memref<640x128xf32, #tpu.memory_space<hbm>>)
      tpu.yield
    }) : () -> ()
    return
  }
}

#map = affine_map<(d0, d1) -> (0)>
#map1 = affine_map<(d0, d1) -> (0, 0)>
module attributes {stable_mosaic.version = 14 : i64} {
  func.func @_preprocess_body(%arg0: i32, %arg1: i32, %arg2: memref<327680xi32, #tpu.memory_space<hbm>>, %arg3: memref<327680xi32, #tpu.memory_space<hbm>>, %arg4: memref<128x128xf32, #tpu.memory_space<hbm>>, %arg5: memref<640x128xf32, #tpu.memory_space<hbm>>, %arg6: memref<327680xi32, #tpu.memory_space<hbm>>, %arg7: memref<327680xi32, #tpu.memory_space<hbm>>, %arg8: memref<327680xi32, #tpu.memory_space<hbm>>, %arg9: memref<20480x128xf32, #tpu.memory_space<hbm>>, %arg10: memref<10240x128xf32, #tpu.memory_space<vmem_shared>>, %arg11: memref<128xi32, #tpu.memory_space<vmem>>, %arg12: memref<128xi32, #tpu.memory_space<vmem>>, %arg13: memref<128xi32, #tpu.memory_space<vmem>>, %arg14: memref<128xi32, #tpu.memory_space<vmem>>, %arg15: memref<128xi32, #tpu.memory_space<vmem>>, %arg16: memref<128x128xf32, #tpu.memory_space<vmem>>) attributes {dimension_semantics = [#tpu.dimension_semantics<core_parallel>, #tpu.dimension_semantics<subcore_parallel>], iteration_bounds = array<i64: 2, 16>, scalar_prefetch = 0 : i64, scratch_operands = 7 : i64, tpu.core_type = #tpu.core_type<sc_vector_subcore>, window_params = [{transform_indices = #map}, {transform_indices = #map}, {transform_indices = #map1}, {transform_indices = #map1}, {transform_indices = #map}, {transform_indices = #map}, {transform_indices = #map}, {transform_indices = #map1}]} {
    %mul3A = arith.constant 2 : i32
    %mul3A_0 = arith.muli %arg1, %mul3A : i32
    %add3A = arith.addi %mul3A_0, %arg0 : i32
    %mul3A_1 = arith.constant 10240 : i32
    %mul3A_2 = arith.muli %add3A, %mul3A_1 : i32
    %mul3A_3 = arith.constant 640 : i32
    %mul3A_4 = arith.muli %arg1, %mul3A_3 : i32
    "tpu.region"() ({
      %run_scoped3A = tpu.sem_alloc : memref<!tpu.dma_semaphore, #tpu.memory_space<semaphore_mem>>
      %dma_start3A = arith.constant 0 : i32
      %dma_start3A_24 = tpu.memref_slice %arg10[%mul3A_4, %dma_start3A] : memref<10240x128xf32, #tpu.memory_space<vmem_shared>> -> memref<640x128xf32, #tpu.memory_space<vmem_shared>>
      tpu.enqueue_dma source(%arg5 : memref<640x128xf32, #tpu.memory_space<hbm>>) target(%dma_start3A_24 : memref<640x128xf32, #tpu.memory_space<vmem_shared>>) target_semaphore(%run_scoped3A : memref<!tpu.dma_semaphore, #tpu.memory_space<semaphore_mem>>)
      %dma_wait3A = arith.constant 0 : i32
      %dma_wait3A_25 = tpu.memref_slice %arg10[%mul3A_4, %dma_wait3A] : memref<10240x128xf32, #tpu.memory_space<vmem_shared>> -> memref<640x128xf32, #tpu.memory_space<vmem_shared>>
      tpu.wait_dma2 semaphore(%run_scoped3A : memref<!tpu.dma_semaphore, #tpu.memory_space<semaphore_mem>>) src(%arg5 : memref<640x128xf32, #tpu.memory_space<hbm>>) dst(%dma_wait3A_25 : memref<640x128xf32, #tpu.memory_space<vmem_shared>>)
      tpu.yield
    }) : () -> ()
    "tpu.region"() ({
      %run_scoped3A = tpu.sem_alloc : memref<!tpu.dma_semaphore, #tpu.memory_space<semaphore_mem>>
      tpu.enqueue_dma source(%arg4 : memref<128x128xf32, #tpu.memory_space<hbm>>) target(%arg16 : memref<128x128xf32, #tpu.memory_space<vmem>>) target_semaphore(%run_scoped3A : memref<!tpu.dma_semaphore, #tpu.memory_space<semaphore_mem>>)
      tpu.wait_dma2 semaphore(%run_scoped3A : memref<!tpu.dma_semaphore, #tpu.memory_space<semaphore_mem>>) src(%arg4 : memref<128x128xf32, #tpu.memory_space<hbm>>) dst(%arg16 : memref<128x128xf32, #tpu.memory_space<vmem>>)
      tpu.yield
    }) : () -> ()
    %scan3A = arith.constant 0 : i32
    %scan3A_5 = arith.constant 0 : i32
    %scan3A_6 = arith.constant 80 : i32
    %scan3A_7 = arith.addi %scan3A_5, %scan3A_6 : i32
    %scan3A_8 = arith.constant 1 : i32
    scf.for %scan3A_24 = %scan3A_5 to %scan3A_7 step %scan3A_8  : i32 {
      %mul3A_25 = arith.constant 128 : i32
      %mul3A_26 = arith.muli %scan3A_24, %mul3A_25 : i32
      %add3A_27 = arith.addi %mul3A_2, %mul3A_26 : i32
      %mul3A_28 = arith.constant 80 : i32
      %mul3A_29 = arith.muli %add3A, %mul3A_28 : i32
      %add3A_30 = arith.addi %mul3A_29, %scan3A_24 : i32
      %jit3A = arith.constant 160 : i32
      %div3A = arith.divsi %add3A_30, %jit3A : i32
      %sign3A = arith.constant 0 : i32
      %sign3A_31 = arith.cmpi sgt, %add3A_30, %sign3A : i32
      %sign3A_32 = arith.extui %sign3A_31 : i1 to i32
      %sign3A_33 = arith.constant 0 : i32
      %sign3A_34 = arith.cmpi slt, %add3A_30, %sign3A_33 : i32
      %sign3A_35 = arith.extui %sign3A_34 : i1 to i32
      %sign3A_36 = arith.subi %sign3A_32, %sign3A_35 : i32
      %sign3A_37 = arith.constant 0 : i32
      %sign3A_38 = arith.cmpi sgt, %jit3A, %sign3A_37 : i32
      %sign3A_39 = arith.extui %sign3A_38 : i1 to i32
      %sign3A_40 = arith.constant 0 : i32
      %sign3A_41 = arith.cmpi slt, %jit3A, %sign3A_40 : i32
      %sign3A_42 = arith.extui %sign3A_41 : i1 to i32
      %sign3A_43 = arith.subi %sign3A_39, %sign3A_42 : i32
      %ne3A = arith.cmpi ne, %sign3A_36, %sign3A_43 : i32
      %rem3A = arith.remsi %add3A_30, %jit3A : i32
      %ne3A_44 = arith.constant 0 : i32
      %ne3A_45 = arith.cmpi ne, %rem3A, %ne3A_44 : i32
      %and3A = arith.andi %ne3A, %ne3A_45 : i1
      %sub3A = arith.constant 1 : i32
      %sub3A_46 = arith.subi %div3A, %sub3A : i32
      %select_n3A = arith.select %and3A, %sub3A_46, %div3A : i32
      %mul3A_47 = arith.constant 160 : i32
      %mul3A_48 = arith.muli %select_n3A, %mul3A_47 : i32
      %sub3A_49 = arith.subi %add3A_30, %mul3A_48 : i32
      %ge3A = arith.constant 80 : i32
      %ge3A_50 = arith.cmpi sge, %sub3A_49, %ge3A : i32
      %jit3A_51 = arith.constant 10240 : i32
      %jit3A_52 = arith.constant 0 : i32
      %select_n3A_53 = arith.select %ge3A_50, %jit3A_51, %jit3A_52 : i32
      "tpu.region"() ({
        %run_scoped3A = tpu.sem_alloc : memref<!tpu.dma_semaphore, #tpu.memory_space<semaphore_mem>>
        %dma_start3A = tpu.memref_slice %arg2[%add3A_27] : memref<327680xi32, #tpu.memory_space<hbm>> -> memref<128xi32, #tpu.memory_space<hbm>>
        %dma_start3A_266 = tpu.memref_slice %arg2[%add3A_27] : memref<327680xi32, #tpu.memory_space<hbm>> -> memref<128xi32, #tpu.memory_space<hbm>>
        tpu.enqueue_dma source(%dma_start3A_266 : memref<128xi32, #tpu.memory_space<hbm>>) target(%arg11 : memref<128xi32, #tpu.memory_space<vmem>>) target_semaphore(%run_scoped3A : memref<!tpu.dma_semaphore, #tpu.memory_space<semaphore_mem>>)
        %dma_wait3A = tpu.memref_slice %arg2[%add3A_27] : memref<327680xi32, #tpu.memory_space<hbm>> -> memref<128xi32, #tpu.memory_space<hbm>>
        %dma_wait3A_267 = tpu.memref_slice %arg2[%add3A_27] : memref<327680xi32, #tpu.memory_space<hbm>> -> memref<128xi32, #tpu.memory_space<hbm>>
        tpu.wait_dma2 semaphore(%run_scoped3A : memref<!tpu.dma_semaphore, #tpu.memory_space<semaphore_mem>>) src(%dma_wait3A_267 : memref<128xi32, #tpu.memory_space<hbm>>) dst(%arg11 : memref<128xi32, #tpu.memory_space<vmem>>)
        tpu.yield
      }) : () -> ()
      "tpu.region"() ({
        %run_scoped3A = tpu.sem_alloc : memref<!tpu.dma_semaphore, #tpu.memory_space<semaphore_mem>>
        %dma_start3A = tpu.memref_slice %arg3[%add3A_27] : memref<327680xi32, #tpu.memory_space<hbm>> -> memref<128xi32, #tpu.memory_space<hbm>>
        %dma_start3A_266 = tpu.memref_slice %arg3[%add3A_27] : memref<327680xi32, #tpu.memory_space<hbm>> -> memref<128xi32, #tpu.memory_space<hbm>>
        tpu.enqueue_dma source(%dma_start3A_266 : memref<128xi32, #tpu.memory_space<hbm>>) target(%arg12 : memref<128xi32, #tpu.memory_space<vmem>>) target_semaphore(%run_scoped3A : memref<!tpu.dma_semaphore, #tpu.memory_space<semaphore_mem>>)
        %dma_wait3A = tpu.memref_slice %arg3[%add3A_27] : memref<327680xi32, #tpu.memory_space<hbm>> -> memref<128xi32, #tpu.memory_space<hbm>>
        %dma_wait3A_267 = tpu.memref_slice %arg3[%add3A_27] : memref<327680xi32, #tpu.memory_space<hbm>> -> memref<128xi32, #tpu.memory_space<hbm>>
        tpu.wait_dma2 semaphore(%run_scoped3A : memref<!tpu.dma_semaphore, #tpu.memory_space<semaphore_mem>>) src(%dma_wait3A_267 : memref<128xi32, #tpu.memory_space<hbm>>) dst(%arg12 : memref<128xi32, #tpu.memory_space<vmem>>)
        tpu.yield
      }) : () -> ()
      %get3A = arith.constant 0 : index
      %get3A_54 = tpu.vector_load %arg11[%get3A] {strides = array<i32>} : memref<128xi32, #tpu.memory_space<vmem>>, vector<16xi32>,
      %get3A_55 = vector.shape_cast %get3A_54 : vector<16xi32> to vector<16xi32>
      %get3A_56 = arith.constant 0 : index
      %get3A_57 = tpu.vector_load %arg12[%get3A_56] {strides = array<i32>} : memref<128xi32, #tpu.memory_space<vmem>>, vector<16xi32>,
      %get3A_58 = vector.shape_cast %get3A_57 : vector<16xi32> to vector<16xi32>
      %eq3A = arith.cmpi eq, %get3A_55, %get3A_58 : vector<16xi32>
      %jit3A_59 = arith.constant 10000 : i32
      %broadcast_in_dim3A = vector.broadcast %jit3A_59 : i32 to vector<16xi32>
      %select_n3A_60 = arith.select %eq3A, %broadcast_in_dim3A, %get3A_58 : vector<16xi1>, vector<16xi32>
      %swap3A = arith.constant 0 : index
      %swap3A_61 = tpu.vector_load %arg13[%swap3A] {strides = array<i32>} : memref<128xi32, #tpu.memory_space<vmem>>, vector<16xi32>,
      %swap3A_62 = vector.shape_cast %swap3A_61 : vector<16xi32> to vector<16xi32>
      %swap3A_63 = vector.shape_cast %select_n3A_60 : vector<16xi32> to vector<16xi32>
      tpu.vector_store %arg13[%swap3A], %swap3A_63 {strides = array<i32>} : memref<128xi32, #tpu.memory_space<vmem>>, vector<16xi32>,
      %jit3A_64 = arith.constant 10000 : i32
      %broadcast_in_dim3A_65 = vector.broadcast %jit3A_64 : i32 to vector<16xi32>
      %select_n3A_66 = arith.select %eq3A, %broadcast_in_dim3A_65, %get3A_55 : vector<16xi1>, vector<16xi32>
      %swap3A_67 = arith.constant 0 : index
      %swap3A_68 = tpu.vector_load %arg14[%swap3A_67] {strides = array<i32>} : memref<128xi32, #tpu.memory_space<vmem>>, vector<16xi32>,
      %swap3A_69 = vector.shape_cast %swap3A_68 : vector<16xi32> to vector<16xi32>
      %swap3A_70 = vector.shape_cast %select_n3A_66 : vector<16xi32> to vector<16xi32>
      tpu.vector_store %arg14[%swap3A_67], %swap3A_70 {strides = array<i32>} : memref<128xi32, #tpu.memory_space<vmem>>, vector<16xi32>,
      %add3A_71 = vector.broadcast %select_n3A_53 : i32 to vector<16xi32>
      %add3A_72 = arith.addi %get3A_55, %add3A_71 : vector<16xi32>
      %swap3A_73 = arith.constant 0 : index
      %swap3A_74 = tpu.vector_load %arg15[%swap3A_73] {strides = array<i32>} : memref<128xi32, #tpu.memory_space<vmem>>, vector<16xi32>,
      %swap3A_75 = vector.shape_cast %swap3A_74 : vector<16xi32> to vector<16xi32>
      %swap3A_76 = vector.shape_cast %add3A_72 : vector<16xi32> to vector<16xi32>
      tpu.vector_store %arg15[%swap3A_73], %swap3A_76 {strides = array<i32>} : memref<128xi32, #tpu.memory_space<vmem>>, vector<16xi32>,
      %get3A_77 = arith.constant 16 : index
      %get3A_78 = tpu.vector_load %arg11[%get3A_77] {strides = array<i32>} : memref<128xi32, #tpu.memory_space<vmem>>, vector<16xi32>,
      %get3A_79 = vector.shape_cast %get3A_78 : vector<16xi32> to vector<16xi32>
      %get3A_80 = arith.constant 16 : index
      %get3A_81 = tpu.vector_load %arg12[%get3A_80] {strides = array<i32>} : memref<128xi32, #tpu.memory_space<vmem>>, vector<16xi32>,
      %get3A_82 = vector.shape_cast %get3A_81 : vector<16xi32> to vector<16xi32>
      %eq3A_83 = arith.cmpi eq, %get3A_79, %get3A_82 : vector<16xi32>
      %jit3A_84 = arith.constant 10000 : i32
      %broadcast_in_dim3A_85 = vector.broadcast %jit3A_84 : i32 to vector<16xi32>
      %select_n3A_86 = arith.select %eq3A_83, %broadcast_in_dim3A_85, %get3A_82 : vector<16xi1>, vector<16xi32>
      %swap3A_87 = arith.constant 16 : index
      %swap3A_88 = tpu.vector_load %arg13[%swap3A_87] {strides = array<i32>} : memref<128xi32, #tpu.memory_space<vmem>>, vector<16xi32>,
      %swap3A_89 = vector.shape_cast %swap3A_88 : vector<16xi32> to vector<16xi32>
      %swap3A_90 = vector.shape_cast %select_n3A_86 : vector<16xi32> to vector<16xi32>
      tpu.vector_store %arg13[%swap3A_87], %swap3A_90 {strides = array<i32>} : memref<128xi32, #tpu.memory_space<vmem>>, vector<16xi32>,
      %jit3A_91 = arith.constant 10000 : i32
      %broadcast_in_dim3A_92 = vector.broadcast %jit3A_91 : i32 to vector<16xi32>
      %select_n3A_93 = arith.select %eq3A_83, %broadcast_in_dim3A_92, %get3A_79 : vector<16xi1>, vector<16xi32>
      %swap3A_94 = arith.constant 16 : index
      %swap3A_95 = tpu.vector_load %arg14[%swap3A_94] {strides = array<i32>} : memref<128xi32, #tpu.memory_space<vmem>>, vector<16xi32>,
      %swap3A_96 = vector.shape_cast %swap3A_95 : vector<16xi32> to vector<16xi32>
      %swap3A_97 = vector.shape_cast %select_n3A_93 : vector<16xi32> to vector<16xi32>
      tpu.vector_store %arg14[%swap3A_94], %swap3A_97 {strides = array<i32>} : memref<128xi32, #tpu.memory_space<vmem>>, vector<16xi32>,
      %add3A_98 = vector.broadcast %select_n3A_53 : i32 to vector<16xi32>
      %add3A_99 = arith.addi %get3A_79, %add3A_98 : vector<16xi32>
      %swap3A_100 = arith.constant 16 : index
      %swap3A_101 = tpu.vector_load %arg15[%swap3A_100] {strides = array<i32>} : memref<128xi32, #tpu.memory_space<vmem>>, vector<16xi32>,
      %swap3A_102 = vector.shape_cast %swap3A_101 : vector<16xi32> to vector<16xi32>
      %swap3A_103 = vector.shape_cast %add3A_99 : vector<16xi32> to vector<16xi32>
      tpu.vector_store %arg15[%swap3A_100], %swap3A_103 {strides = array<i32>} : memref<128xi32, #tpu.memory_space<vmem>>, vector<16xi32>,
      %get3A_104 = arith.constant 32 : index
      %get3A_105 = tpu.vector_load %arg11[%get3A_104] {strides = array<i32>} : memref<128xi32, #tpu.memory_space<vmem>>, vector<16xi32>,
      %get3A_106 = vector.shape_cast %get3A_105 : vector<16xi32> to vector<16xi32>
      %get3A_107 = arith.constant 32 : index
      %get3A_108 = tpu.vector_load %arg12[%get3A_107] {strides = array<i32>} : memref<128xi32, #tpu.memory_space<vmem>>, vector<16xi32>,
      %get3A_109 = vector.shape_cast %get3A_108 : vector<16xi32> to vector<16xi32>
      %eq3A_110 = arith.cmpi eq, %get3A_106, %get3A_109 : vector<16xi32>
      %jit3A_111 = arith.constant 10000 : i32
      %broadcast_in_dim3A_112 = vector.broadcast %jit3A_111 : i32 to vector<16xi32>
      %select_n3A_113 = arith.select %eq3A_110, %broadcast_in_dim3A_112, %get3A_109 : vector<16xi1>, vector<16xi32>
      %swap3A_114 = arith.constant 32 : index
      %swap3A_115 = tpu.vector_load %arg13[%swap3A_114] {strides = array<i32>} : memref<128xi32, #tpu.memory_space<vmem>>, vector<16xi32>,
      %swap3A_116 = vector.shape_cast %swap3A_115 : vector<16xi32> to vector<16xi32>
      %swap3A_117 = vector.shape_cast %select_n3A_113 : vector<16xi32> to vector<16xi32>
      tpu.vector_store %arg13[%swap3A_114], %swap3A_117 {strides = array<i32>} : memref<128xi32, #tpu.memory_space<vmem>>, vector<16xi32>,
      %jit3A_118 = arith.constant 10000 : i32
      %broadcast_in_dim3A_119 = vector.broadcast %jit3A_118 : i32 to vector<16xi32>
      %select_n3A_120 = arith.select %eq3A_110, %broadcast_in_dim3A_119, %get3A_106 : vector<16xi1>, vector<16xi32>
      %swap3A_121 = arith.constant 32 : index
      %swap3A_122 = tpu.vector_load %arg14[%swap3A_121] {strides = array<i32>} : memref<128xi32, #tpu.memory_space<vmem>>, vector<16xi32>,
      %swap3A_123 = vector.shape_cast %swap3A_122 : vector<16xi32> to vector<16xi32>
      %swap3A_124 = vector.shape_cast %select_n3A_120 : vector<16xi32> to vector<16xi32>
      tpu.vector_store %arg14[%swap3A_121], %swap3A_124 {strides = array<i32>} : memref<128xi32, #tpu.memory_space<vmem>>, vector<16xi32>,
      %add3A_125 = vector.broadcast %select_n3A_53 : i32 to vector<16xi32>
      %add3A_126 = arith.addi %get3A_106, %add3A_125 : vector<16xi32>
      %swap3A_127 = arith.constant 32 : index
      %swap3A_128 = tpu.vector_load %arg15[%swap3A_127] {strides = array<i32>} : memref<128xi32, #tpu.memory_space<vmem>>, vector<16xi32>,
      %swap3A_129 = vector.shape_cast %swap3A_128 : vector<16xi32> to vector<16xi32>
      %swap3A_130 = vector.shape_cast %add3A_126 : vector<16xi32> to vector<16xi32>
      tpu.vector_store %arg15[%swap3A_127], %swap3A_130 {strides = array<i32>} : memref<128xi32, #tpu.memory_space<vmem>>, vector<16xi32>,
      %get3A_131 = arith.constant 48 : index
      %get3A_132 = tpu.vector_load %arg11[%get3A_131] {strides = array<i32>} : memref<128xi32, #tpu.memory_space<vmem>>, vector<16xi32>,
      %get3A_133 = vector.shape_cast %get3A_132 : vector<16xi32> to vector<16xi32>
      %get3A_134 = arith.constant 48 : index
      %get3A_135 = tpu.vector_load %arg12[%get3A_134] {strides = array<i32>} : memref<128xi32, #tpu.memory_space<vmem>>, vector<16xi32>,
      %get3A_136 = vector.shape_cast %get3A_135 : vector<16xi32> to vector<16xi32>
      %eq3A_137 = arith.cmpi eq, %get3A_133, %get3A_136 : vector<16xi32>
      %jit3A_138 = arith.constant 10000 : i32
      %broadcast_in_dim3A_139 = vector.broadcast %jit3A_138 : i32 to vector<16xi32>
      %select_n3A_140 = arith.select %eq3A_137, %broadcast_in_dim3A_139, %get3A_136 : vector<16xi1>, vector<16xi32>
      %swap3A_141 = arith.constant 48 : index
      %swap3A_142 = tpu.vector_load %arg13[%swap3A_141] {strides = array<i32>} : memref<128xi32, #tpu.memory_space<vmem>>, vector<16xi32>,
      %swap3A_143 = vector.shape_cast %swap3A_142 : vector<16xi32> to vector<16xi32>
      %swap3A_144 = vector.shape_cast %select_n3A_140 : vector<16xi32> to vector<16xi32>
      tpu.vector_store %arg13[%swap3A_141], %swap3A_144 {strides = array<i32>} : memref<128xi32, #tpu.memory_space<vmem>>, vector<16xi32>,
      %jit3A_145 = arith.constant 10000 : i32
      %broadcast_in_dim3A_146 = vector.broadcast %jit3A_145 : i32 to vector<16xi32>
      %select_n3A_147 = arith.select %eq3A_137, %broadcast_in_dim3A_146, %get3A_133 : vector<16xi1>, vector<16xi32>
      %swap3A_148 = arith.constant 48 : index
      %swap3A_149 = tpu.vector_load %arg14[%swap3A_148] {strides = array<i32>} : memref<128xi32, #tpu.memory_space<vmem>>, vector<16xi32>,
      %swap3A_150 = vector.shape_cast %swap3A_149 : vector<16xi32> to vector<16xi32>
      %swap3A_151 = vector.shape_cast %select_n3A_147 : vector<16xi32> to vector<16xi32>
      tpu.vector_store %arg14[%swap3A_148], %swap3A_151 {strides = array<i32>} : memref<128xi32, #tpu.memory_space<vmem>>, vector<16xi32>,
      %add3A_152 = vector.broadcast %select_n3A_53 : i32 to vector<16xi32>
      %add3A_153 = arith.addi %get3A_133, %add3A_152 : vector<16xi32>
      %swap3A_154 = arith.constant 48 : index
      %swap3A_155 = tpu.vector_load %arg15[%swap3A_154] {strides = array<i32>} : memref<128xi32, #tpu.memory_space<vmem>>, vector<16xi32>,
      %swap3A_156 = vector.shape_cast %swap3A_155 : vector<16xi32> to vector<16xi32>
      %swap3A_157 = vector.shape_cast %add3A_153 : vector<16xi32> to vector<16xi32>
      tpu.vector_store %arg15[%swap3A_154], %swap3A_157 {strides = array<i32>} : memref<128xi32, #tpu.memory_space<vmem>>, vector<16xi32>,
      %get3A_158 = arith.constant 64 : index
      %get3A_159 = tpu.vector_load %arg11[%get3A_158] {strides = array<i32>} : memref<128xi32, #tpu.memory_space<vmem>>, vector<16xi32>,
      %get3A_160 = vector.shape_cast %get3A_159 : vector<16xi32> to vector<16xi32>
      %get3A_161 = arith.constant 64 : index
      %get3A_162 = tpu.vector_load %arg12[%get3A_161] {strides = array<i32>} : memref<128xi32, #tpu.memory_space<vmem>>, vector<16xi32>,
      %get3A_163 = vector.shape_cast %get3A_162 : vector<16xi32> to vector<16xi32>
      %eq3A_164 = arith.cmpi eq, %get3A_160, %get3A_163 : vector<16xi32>
      %jit3A_165 = arith.constant 10000 : i32
      %broadcast_in_dim3A_166 = vector.broadcast %jit3A_165 : i32 to vector<16xi32>
      %select_n3A_167 = arith.select %eq3A_164, %broadcast_in_dim3A_166, %get3A_163 : vector<16xi1>, vector<16xi32>
      %swap3A_168 = arith.constant 64 : index
      %swap3A_169 = tpu.vector_load %arg13[%swap3A_168] {strides = array<i32>} : memref<128xi32, #tpu.memory_space<vmem>>, vector<16xi32>,
      %swap3A_170 = vector.shape_cast %swap3A_169 : vector<16xi32> to vector<16xi32>
      %swap3A_171 = vector.shape_cast %select_n3A_167 : vector<16xi32> to vector<16xi32>
      tpu.vector_store %arg13[%swap3A_168], %swap3A_171 {strides = array<i32>} : memref<128xi32, #tpu.memory_space<vmem>>, vector<16xi32>,
      %jit3A_172 = arith.constant 10000 : i32
      %broadcast_in_dim3A_173 = vector.broadcast %jit3A_172 : i32 to vector<16xi32>
      %select_n3A_174 = arith.select %eq3A_164, %broadcast_in_dim3A_173, %get3A_160 : vector<16xi1>, vector<16xi32>
      %swap3A_175 = arith.constant 64 : index
      %swap3A_176 = tpu.vector_load %arg14[%swap3A_175] {strides = array<i32>} : memref<128xi32, #tpu.memory_space<vmem>>, vector<16xi32>,
      %swap3A_177 = vector.shape_cast %swap3A_176 : vector<16xi32> to vector<16xi32>
      %swap3A_178 = vector.shape_cast %select_n3A_174 : vector<16xi32> to vector<16xi32>
      tpu.vector_store %arg14[%swap3A_175], %swap3A_178 {strides = array<i32>} : memref<128xi32, #tpu.memory_space<vmem>>, vector<16xi32>,
      %add3A_179 = vector.broadcast %select_n3A_53 : i32 to vector<16xi32>
      %add3A_180 = arith.addi %get3A_160, %add3A_179 : vector<16xi32>
      %swap3A_181 = arith.constant 64 : index
      %swap3A_182 = tpu.vector_load %arg15[%swap3A_181] {strides = array<i32>} : memref<128xi32, #tpu.memory_space<vmem>>, vector<16xi32>,
      %swap3A_183 = vector.shape_cast %swap3A_182 : vector<16xi32> to vector<16xi32>
      %swap3A_184 = vector.shape_cast %add3A_180 : vector<16xi32> to vector<16xi32>
      tpu.vector_store %arg15[%swap3A_181], %swap3A_184 {strides = array<i32>} : memref<128xi32, #tpu.memory_space<vmem>>, vector<16xi32>,
      %get3A_185 = arith.constant 80 : index
      %get3A_186 = tpu.vector_load %arg11[%get3A_185] {strides = array<i32>} : memref<128xi32, #tpu.memory_space<vmem>>, vector<16xi32>,
      %get3A_187 = vector.shape_cast %get3A_186 : vector<16xi32> to vector<16xi32>
      %get3A_188 = arith.constant 80 : index
      %get3A_189 = tpu.vector_load %arg12[%get3A_188] {strides = array<i32>} : memref<128xi32, #tpu.memory_space<vmem>>, vector<16xi32>,
      %get3A_190 = vector.shape_cast %get3A_189 : vector<16xi32> to vector<16xi32>
      %eq3A_191 = arith.cmpi eq, %get3A_187, %get3A_190 : vector<16xi32>
      %jit3A_192 = arith.constant 10000 : i32
      %broadcast_in_dim3A_193 = vector.broadcast %jit3A_192 : i32 to vector<16xi32>
      %select_n3A_194 = arith.select %eq3A_191, %broadcast_in_dim3A_193, %get3A_190 : vector<16xi1>, vector<16xi32>
      %swap3A_195 = arith.constant 80 : index
      %swap3A_196 = tpu.vector_load %arg13[%swap3A_195] {strides = array<i32>} : memref<128xi32, #tpu.memory_space<vmem>>, vector<16xi32>,
      %swap3A_197 = vector.shape_cast %swap3A_196 : vector<16xi32> to vector<16xi32>
      %swap3A_198 = vector.shape_cast %select_n3A_194 : vector<16xi32> to vector<16xi32>
      tpu.vector_store %arg13[%swap3A_195], %swap3A_198 {strides = array<i32>} : memref<128xi32, #tpu.memory_space<vmem>>, vector<16xi32>,
      %jit3A_199 = arith.constant 10000 : i32
      %broadcast_in_dim3A_200 = vector.broadcast %jit3A_199 : i32 to vector<16xi32>
      %select_n3A_201 = arith.select %eq3A_191, %broadcast_in_dim3A_200, %get3A_187 : vector<16xi1>, vector<16xi32>
      %swap3A_202 = arith.constant 80 : index
      %swap3A_203 = tpu.vector_load %arg14[%swap3A_202] {strides = array<i32>} : memref<128xi32, #tpu.memory_space<vmem>>, vector<16xi32>,
      %swap3A_204 = vector.shape_cast %swap3A_203 : vector<16xi32> to vector<16xi32>
      %swap3A_205 = vector.shape_cast %select_n3A_201 : vector<16xi32> to vector<16xi32>
      tpu.vector_store %arg14[%swap3A_202], %swap3A_205 {strides = array<i32>} : memref<128xi32, #tpu.memory_space<vmem>>, vector<16xi32>,
      %add3A_206 = vector.broadcast %select_n3A_53 : i32 to vector<16xi32>
      %add3A_207 = arith.addi %get3A_187, %add3A_206 : vector<16xi32>
      %swap3A_208 = arith.constant 80 : index
      %swap3A_209 = tpu.vector_load %arg15[%swap3A_208] {strides = array<i32>} : memref<128xi32, #tpu.memory_space<vmem>>, vector<16xi32>,
      %swap3A_210 = vector.shape_cast %swap3A_209 : vector<16xi32> to vector<16xi32>
      %swap3A_211 = vector.shape_cast %add3A_207 : vector<16xi32> to vector<16xi32>
      tpu.vector_store %arg15[%swap3A_208], %swap3A_211 {strides = array<i32>} : memref<128xi32, #tpu.memory_space<vmem>>, vector<16xi32>,
      %get3A_212 = arith.constant 96 : index
      %get3A_213 = tpu.vector_load %arg11[%get3A_212] {strides = array<i32>} : memref<128xi32, #tpu.memory_space<vmem>>, vector<16xi32>,
      %get3A_214 = vector.shape_cast %get3A_213 : vector<16xi32> to vector<16xi32>
      %get3A_215 = arith.constant 96 : index
      %get3A_216 = tpu.vector_load %arg12[%get3A_215] {strides = array<i32>} : memref<128xi32, #tpu.memory_space<vmem>>, vector<16xi32>,
      %get3A_217 = vector.shape_cast %get3A_216 : vector<16xi32> to vector<16xi32>
      %eq3A_218 = arith.cmpi eq, %get3A_214, %get3A_217 : vector<16xi32>
      %jit3A_219 = arith.constant 10000 : i32
      %broadcast_in_dim3A_220 = vector.broadcast %jit3A_219 : i32 to vector<16xi32>
      %select_n3A_221 = arith.select %eq3A_218, %broadcast_in_dim3A_220, %get3A_217 : vector<16xi1>, vector<16xi32>
      %swap3A_222 = arith.constant 96 : index
      %swap3A_223 = tpu.vector_load %arg13[%swap3A_222] {strides = array<i32>} : memref<128xi32, #tpu.memory_space<vmem>>, vector<16xi32>,
      %swap3A_224 = vector.shape_cast %swap3A_223 : vector<16xi32> to vector<16xi32>
      %swap3A_225 = vector.shape_cast %select_n3A_221 : vector<16xi32> to vector<16xi32>
      tpu.vector_store %arg13[%swap3A_222], %swap3A_225 {strides = array<i32>} : memref<128xi32, #tpu.memory_space<vmem>>, vector<16xi32>,
      %jit3A_226 = arith.constant 10000 : i32
      %broadcast_in_dim3A_227 = vector.broadcast %jit3A_226 : i32 to vector<16xi32>
      %select_n3A_228 = arith.select %eq3A_218, %broadcast_in_dim3A_227, %get3A_214 : vector<16xi1>, vector<16xi32>
      %swap3A_229 = arith.constant 96 : index
      %swap3A_230 = tpu.vector_load %arg14[%swap3A_229] {strides = array<i32>} : memref<128xi32, #tpu.memory_space<vmem>>, vector<16xi32>,
      %swap3A_231 = vector.shape_cast %swap3A_230 : vector<16xi32> to vector<16xi32>
      %swap3A_232 = vector.shape_cast %select_n3A_228 : vector<16xi32> to vector<16xi32>
      tpu.vector_store %arg14[%swap3A_229], %swap3A_232 {strides = array<i32>} : memref<128xi32, #tpu.memory_space<vmem>>, vector<16xi32>,
      %add3A_233 = vector.broadcast %select_n3A_53 : i32 to vector<16xi32>
      %add3A_234 = arith.addi %get3A_214, %add3A_233 : vector<16xi32>
      %swap3A_235 = arith.constant 96 : index
      %swap3A_236 = tpu.vector_load %arg15[%swap3A_235] {strides = array<i32>} : memref<128xi32, #tpu.memory_space<vmem>>, vector<16xi32>,
      %swap3A_237 = vector.shape_cast %swap3A_236 : vector<16xi32> to vector<16xi32>
      %swap3A_238 = vector.shape_cast %add3A_234 : vector<16xi32> to vector<16xi32>
      tpu.vector_store %arg15[%swap3A_235], %swap3A_238 {strides = array<i32>} : memref<128xi32, #tpu.memory_space<vmem>>, vector<16xi32>,
      %get3A_239 = arith.constant 112 : index
      %get3A_240 = tpu.vector_load %arg11[%get3A_239] {strides = array<i32>} : memref<128xi32, #tpu.memory_space<vmem>>, vector<16xi32>,
      %get3A_241 = vector.shape_cast %get3A_240 : vector<16xi32> to vector<16xi32>
      %get3A_242 = arith.constant 112 : index
      %get3A_243 = tpu.vector_load %arg12[%get3A_242] {strides = array<i32>} : memref<128xi32, #tpu.memory_space<vmem>>, vector<16xi32>,
      %get3A_244 = vector.shape_cast %get3A_243 : vector<16xi32> to vector<16xi32>
      %eq3A_245 = arith.cmpi eq, %get3A_241, %get3A_244 : vector<16xi32>
      %jit3A_246 = arith.constant 10000 : i32
      %broadcast_in_dim3A_247 = vector.broadcast %jit3A_246 : i32 to vector<16xi32>
      %select_n3A_248 = arith.select %eq3A_245, %broadcast_in_dim3A_247, %get3A_244 : vector<16xi1>, vector<16xi32>
      %swap3A_249 = arith.constant 112 : index
      %swap3A_250 = tpu.vector_load %arg13[%swap3A_249] {strides = array<i32>} : memref<128xi32, #tpu.memory_space<vmem>>, vector<16xi32>,
      %swap3A_251 = vector.shape_cast %swap3A_250 : vector<16xi32> to vector<16xi32>
      %swap3A_252 = vector.shape_cast %select_n3A_248 : vector<16xi32> to vector<16xi32>
      tpu.vector_store %arg13[%swap3A_249], %swap3A_252 {strides = array<i32>} : memref<128xi32, #tpu.memory_space<vmem>>, vector<16xi32>,
      %jit3A_253 = arith.constant 10000 : i32
      %broadcast_in_dim3A_254 = vector.broadcast %jit3A_253 : i32 to vector<16xi32>
      %select_n3A_255 = arith.select %eq3A_245, %broadcast_in_dim3A_254, %get3A_241 : vector<16xi1>, vector<16xi32>
      %swap3A_256 = arith.constant 112 : index
      %swap3A_257 = tpu.vector_load %arg14[%swap3A_256] {strides = array<i32>} : memref<128xi32, #tpu.memory_space<vmem>>, vector<16xi32>,
      %swap3A_258 = vector.shape_cast %swap3A_257 : vector<16xi32> to vector<16xi32>
      %swap3A_259 = vector.shape_cast %select_n3A_255 : vector<16xi32> to vector<16xi32>
      tpu.vector_store %arg14[%swap3A_256], %swap3A_259 {strides = array<i32>} : memref<128xi32, #tpu.memory_space<vmem>>, vector<16xi32>,
      %add3A_260 = vector.broadcast %select_n3A_53 : i32 to vector<16xi32>
      %add3A_261 = arith.addi %get3A_241, %add3A_260 : vector<16xi32>
      %swap3A_262 = arith.constant 112 : index
      %swap3A_263 = tpu.vector_load %arg15[%swap3A_262] {strides = array<i32>} : memref<128xi32, #tpu.memory_space<vmem>>, vector<16xi32>,
      %swap3A_264 = vector.shape_cast %swap3A_263 : vector<16xi32> to vector<16xi32>
      %swap3A_265 = vector.shape_cast %add3A_261 : vector<16xi32> to vector<16xi32>
      tpu.vector_store %arg15[%swap3A_262], %swap3A_265 {strides = array<i32>} : memref<128xi32, #tpu.memory_space<vmem>>, vector<16xi32>,
      "tpu.region"() ({
        %run_scoped3A = tpu.sem_alloc : memref<!tpu.dma_semaphore, #tpu.memory_space<semaphore_mem>>
        %dma_start3A = tpu.memref_slice %arg6[%add3A_27] : memref<327680xi32, #tpu.memory_space<hbm>> -> memref<128xi32, #tpu.memory_space<hbm>>
        %dma_start3A_266 = tpu.memref_slice %arg6[%add3A_27] : memref<327680xi32, #tpu.memory_space<hbm>> -> memref<128xi32, #tpu.memory_space<hbm>>
        tpu.enqueue_dma source(%arg13 : memref<128xi32, #tpu.memory_space<vmem>>) target(%dma_start3A_266 : memref<128xi32, #tpu.memory_space<hbm>>) target_semaphore(%run_scoped3A : memref<!tpu.dma_semaphore, #tpu.memory_space<semaphore_mem>>)
        %dma_wait3A = tpu.memref_slice %arg6[%add3A_27] : memref<327680xi32, #tpu.memory_space<hbm>> -> memref<128xi32, #tpu.memory_space<hbm>>
        %dma_wait3A_267 = tpu.memref_slice %arg6[%add3A_27] : memref<327680xi32, #tpu.memory_space<hbm>> -> memref<128xi32, #tpu.memory_space<hbm>>
        tpu.wait_dma2 semaphore(%run_scoped3A : memref<!tpu.dma_semaphore, #tpu.memory_space<semaphore_mem>>) src(%arg13 : memref<128xi32, #tpu.memory_space<vmem>>) dst(%dma_wait3A_267 : memref<128xi32, #tpu.memory_space<hbm>>)
        tpu.yield
      }) : () -> ()
      "tpu.region"() ({
        %run_scoped3A = tpu.sem_alloc : memref<!tpu.dma_semaphore, #tpu.memory_space<semaphore_mem>>
        %dma_start3A = tpu.memref_slice %arg7[%add3A_27] : memref<327680xi32, #tpu.memory_space<hbm>> -> memref<128xi32, #tpu.memory_space<hbm>>
        %dma_start3A_266 = tpu.memref_slice %arg7[%add3A_27] : memref<327680xi32, #tpu.memory_space<hbm>> -> memref<128xi32, #tpu.memory_space<hbm>>
        tpu.enqueue_dma source(%arg14 : memref<128xi32, #tpu.memory_space<vmem>>) target(%dma_start3A_266 : memref<128xi32, #tpu.memory_space<hbm>>) target_semaphore(%run_scoped3A : memref<!tpu.dma_semaphore, #tpu.memory_space<semaphore_mem>>)
        %dma_wait3A = tpu.memref_slice %arg7[%add3A_27] : memref<327680xi32, #tpu.memory_space<hbm>> -> memref<128xi32, #tpu.memory_space<hbm>>
        %dma_wait3A_267 = tpu.memref_slice %arg7[%add3A_27] : memref<327680xi32, #tpu.memory_space<hbm>> -> memref<128xi32, #tpu.memory_space<hbm>>
        tpu.wait_dma2 semaphore(%run_scoped3A : memref<!tpu.dma_semaphore, #tpu.memory_space<semaphore_mem>>) src(%arg14 : memref<128xi32, #tpu.memory_space<vmem>>) dst(%dma_wait3A_267 : memref<128xi32, #tpu.memory_space<hbm>>)
        tpu.yield
      }) : () -> ()
      "tpu.region"() ({
        %run_scoped3A = tpu.sem_alloc : memref<!tpu.dma_semaphore, #tpu.memory_space<semaphore_mem>>
        %dma_start3A = tpu.memref_slice %arg8[%add3A_27] : memref<327680xi32, #tpu.memory_space<hbm>> -> memref<128xi32, #tpu.memory_space<hbm>>
        %dma_start3A_266 = tpu.memref_slice %arg8[%add3A_27] : memref<327680xi32, #tpu.memory_space<hbm>> -> memref<128xi32, #tpu.memory_space<hbm>>
        tpu.enqueue_dma source(%arg15 : memref<128xi32, #tpu.memory_space<vmem>>) target(%dma_start3A_266 : memref<128xi32, #tpu.memory_space<hbm>>) target_semaphore(%run_scoped3A : memref<!tpu.dma_semaphore, #tpu.memory_space<semaphore_mem>>)
        %dma_wait3A = tpu.memref_slice %arg8[%add3A_27] : memref<327680xi32, #tpu.memory_space<hbm>> -> memref<128xi32, #tpu.memory_space<hbm>>
        %dma_wait3A_267 = tpu.memref_slice %arg8[%add3A_27] : memref<327680xi32, #tpu.memory_space<hbm>> -> memref<128xi32, #tpu.memory_space<hbm>>
        tpu.wait_dma2 semaphore(%run_scoped3A : memref<!tpu.dma_semaphore, #tpu.memory_space<semaphore_mem>>) src(%arg15 : memref<128xi32, #tpu.memory_space<vmem>>) dst(%dma_wait3A_267 : memref<128xi32, #tpu.memory_space<hbm>>)
        tpu.yield
      }) : () -> ()
    }
    %scan3A_9 = arith.constant 80 : i32
    %barrier3A = arith.constant 0 : index
    tpu.barrier barrier_id(%barrier3A)
    %scan3A_10 = arith.constant 0 : i32
    %scan3A_11 = arith.constant 0 : i32
    %scan3A_12 = arith.constant 80 : i32
    %scan3A_13 = arith.addi %scan3A_11, %scan3A_12 : i32
    %scan3A_14 = arith.constant 1 : i32
    scf.for %scan3A_24 = %scan3A_11 to %scan3A_13 step %scan3A_14  : i32 {
      %mul3A_25 = arith.constant 128 : i32
      %mul3A_26 = arith.muli %scan3A_24, %mul3A_25 : i32
      %add3A_27 = arith.addi %mul3A_2, %mul3A_26 : i32
      "tpu.region"() ({
        %run_scoped3A = tpu.sem_alloc : memref<!tpu.dma_semaphore, #tpu.memory_space<semaphore_mem>>
        %dma_start3A = tpu.memref_slice %arg7[%add3A_27] : memref<327680xi32, #tpu.memory_space<hbm>> -> memref<128xi32, #tpu.memory_space<hbm>>
        %dma_start3A_28 = tpu.memref_slice %arg7[%add3A_27] : memref<327680xi32, #tpu.memory_space<hbm>> -> memref<128xi32, #tpu.memory_space<hbm>>
        tpu.enqueue_dma source(%dma_start3A_28 : memref<128xi32, #tpu.memory_space<hbm>>) target(%arg14 : memref<128xi32, #tpu.memory_space<vmem>>) target_semaphore(%run_scoped3A : memref<!tpu.dma_semaphore, #tpu.memory_space<semaphore_mem>>)
        %dma_wait3A = tpu.memref_slice %arg7[%add3A_27] : memref<327680xi32, #tpu.memory_space<hbm>> -> memref<128xi32, #tpu.memory_space<hbm>>
        %dma_wait3A_29 = tpu.memref_slice %arg7[%add3A_27] : memref<327680xi32, #tpu.memory_space<hbm>> -> memref<128xi32, #tpu.memory_space<hbm>>
        tpu.wait_dma2 semaphore(%run_scoped3A : memref<!tpu.dma_semaphore, #tpu.memory_space<semaphore_mem>>) src(%dma_wait3A_29 : memref<128xi32, #tpu.memory_space<hbm>>) dst(%arg14 : memref<128xi32, #tpu.memory_space<vmem>>)
        tpu.yield
      }) : () -> ()
      "tpu.region"() ({
        %run_scoped3A = tpu.sem_alloc : memref<!tpu.dma_semaphore, #tpu.memory_space<semaphore_mem>>
        %dma_start3A = arith.constant 0 : i32
        %dma_start3A_28 = arith.constant 0 : i32
        %dma_start3A_29 = tpu.memref_slice %arg10[%dma_start3A, %dma_start3A_28] : memref<10240x128xf32, #tpu.memory_space<vmem_shared>> -> memref<10240x128xf32, #tpu.memory_space<vmem_shared>>
        tpu.enqueue_indirect_dma source(%arg16 : memref<128x128xf32, #tpu.memory_space<vmem>>) target(%dma_start3A_29 : memref<10240x128xf32, #tpu.memory_space<vmem_shared>>) offsets(%arg14 : memref<128xi32, #tpu.memory_space<vmem>>) semaphore(%run_scoped3A : memref<!tpu.dma_semaphore, #tpu.memory_space<semaphore_mem>>) {add = true}
        %dma_wait3A = arith.constant 0 : i32
        %dma_wait3A_30 = arith.constant 0 : i32
        %dma_wait3A_31 = tpu.memref_slice %arg10[%dma_wait3A, %dma_wait3A_30] : memref<10240x128xf32, #tpu.memory_space<vmem_shared>> -> memref<10240x128xf32, #tpu.memory_space<vmem_shared>>
        tpu.wait_indirect_dma semaphore(%run_scoped3A : memref<!tpu.dma_semaphore, #tpu.memory_space<semaphore_mem>>) src(%arg16 : memref<128x128xf32, #tpu.memory_space<vmem>>) dst(%dma_wait3A_31 : memref<10240x128xf32, #tpu.memory_space<vmem_shared>>)
        tpu.yield
      }) : () -> ()
    }
    %scan3A_15 = arith.constant 80 : i32
    %barrier3A_16 = arith.constant 0 : index
    tpu.barrier barrier_id(%barrier3A_16)
    %mul3A_17 = arith.constant 640 : i32
    %mul3A_18 = arith.muli %arg1, %mul3A_17 : i32
    %mul3A_19 = arith.constant 10240 : i32
    %mul3A_20 = arith.muli %arg0, %mul3A_19 : i32
    %mul3A_21 = arith.constant 640 : i32
    %mul3A_22 = arith.muli %arg1, %mul3A_21 : i32
    %add3A_23 = arith.addi %mul3A_20, %mul3A_22 : i32
    "tpu.region"() ({
      %run_scoped3A = tpu.sem_alloc : memref<!tpu.dma_semaphore, #tpu.memory_space<semaphore_mem>>
      %dma_start3A = arith.constant 0 : i32
      %dma_start3A_24 = tpu.memref_slice %arg9[%add3A_23, %dma_start3A] : memref<20480x128xf32, #tpu.memory_space<hbm>> -> memref<640x128xf32, #tpu.memory_space<hbm>>
      %dma_start3A_25 = arith.constant 0 : i32
      %dma_start3A_26 = tpu.memref_slice %arg10[%mul3A_18, %dma_start3A_25] : memref<10240x128xf32, #tpu.memory_space<vmem_shared>> -> memref<640x128xf32, #tpu.memory_space<vmem_shared>>
      tpu.enqueue_dma source(%dma_start3A_26 : memref<640x128xf32, #tpu.memory_space<vmem_shared>>) target(%dma_start3A_24 : memref<640x128xf32, #tpu.memory_space<hbm>>) target_semaphore(%run_scoped3A : memref<!tpu.dma_semaphore, #tpu.memory_space<semaphore_mem>>)
      %dma_wait3A = arith.constant 0 : i32
      %dma_wait3A_27 = tpu.memref_slice %arg9[%add3A_23, %dma_wait3A] : memref<20480x128xf32, #tpu.memory_space<hbm>> -> memref<640x128xf32, #tpu.memory_space<hbm>>
      %dma_wait3A_28 = arith.constant 0 : i32
      %dma_wait3A_29 = tpu.memref_slice %arg10[%mul3A_18, %dma_wait3A_28] : memref<10240x128xf32, #tpu.memory_space<vmem_shared>> -> memref<640x128xf32, #tpu.memory_space<vmem_shared>>
      tpu.wait_dma2 semaphore(%run_scoped3A : memref<!tpu.dma_semaphore, #tpu.memory_space<semaphore_mem>>) src(%dma_wait3A_29 : memref<640x128xf32, #tpu.memory_space<vmem_shared>>) dst(%dma_wait3A_27 : memref<640x128xf32, #tpu.memory_space<hbm>>)
      tpu.yield
    }) : () -> ()
    return
  }
}

#map = affine_map<(d0, d1) -> (0, 0)>
#map1 = affine_map<(d0, d1) -> (0, 0, 0)>
module attributes {stable_mosaic.version = 14 : i64} {
  func.func @_scatter_body(%arg0: i32, %arg1: i32, %arg2: memref<20480x128xf32, #tpu.memory_space<hbm>>, %arg3: memref<2560x2x128xi32, #tpu.memory_space<hbm>>, %arg4: memref<640x128xf32, #tpu.memory_space<hbm>>, %arg5: memref<20480x128xf32, #tpu.memory_space<hbm>>, %arg6: memref<10240x128xf32, #tpu.memory_space<vmem_shared>>, %arg7: memref<2x128xi32, #tpu.memory_space<vmem>>, %arg8: memref<2x128xi32, #tpu.memory_space<vmem>>, %arg9: memref<128x128xf32, #tpu.memory_space<vmem>>, %arg10: memref<128x128xf32, #tpu.memory_space<vmem>>, %arg11: memref<!tpu.dma_semaphore, #tpu.memory_space<semaphore_mem>>, %arg12: memref<!tpu.dma_semaphore, #tpu.memory_space<semaphore_mem>>) attributes {dimension_semantics = [#tpu.dimension_semantics<core_parallel>, #tpu.dimension_semantics<subcore_parallel>], iteration_bounds = array<i64: 2, 16>, scalar_prefetch = 0 : i64, scratch_operands = 7 : i64, tpu.core_type = #tpu.core_type<sc_vector_subcore>, window_params = [{transform_indices = #map}, {transform_indices = #map1}, {transform_indices = #map}, {transform_indices = #map}]} {
    %mul3A = arith.constant 2 : i32
    %mul3A_0 = arith.muli %arg1, %mul3A : i32
    %add3A = arith.addi %mul3A_0, %arg0 : i32
    %mul3A_1 = arith.constant 0 : i32
    %mul3A_2 = arith.muli %arg0, %mul3A_1 : i32
    %add3A_3 = arith.constant 80 : i32
    %add3A_4 = arith.addi %add3A_3, %mul3A_2 : i32
    %mul3A_5 = arith.constant 160 : i32
    %mul3A_6 = arith.muli %arg1, %mul3A_5 : i32
    %mul3A_7 = arith.constant 80 : i32
    %mul3A_8 = arith.muli %arg0, %mul3A_7 : i32
    %add3A_9 = arith.addi %mul3A_6, %mul3A_8 : i32
    %mul3A_10 = arith.constant 640 : i32
    %mul3A_11 = arith.muli %arg1, %mul3A_10 : i32
    "tpu.region"() ({
      %run_scoped3A = tpu.sem_alloc : memref<!tpu.dma_semaphore, #tpu.memory_space<semaphore_mem>>
      %dma_start3A = arith.constant 0 : i32
      %dma_start3A_47 = tpu.memref_slice %arg6[%mul3A_11, %dma_start3A] : memref<10240x128xf32, #tpu.memory_space<vmem_shared>> -> memref<640x128xf32, #tpu.memory_space<vmem_shared>>
      tpu.enqueue_dma source(%arg4 : memref<640x128xf32, #tpu.memory_space<hbm>>) target(%dma_start3A_47 : memref<640x128xf32, #tpu.memory_space<vmem_shared>>) target_semaphore(%run_scoped3A : memref<!tpu.dma_semaphore, #tpu.memory_space<semaphore_mem>>)
      %dma_wait3A = arith.constant 0 : i32
      %dma_wait3A_48 = tpu.memref_slice %arg6[%mul3A_11, %dma_wait3A] : memref<10240x128xf32, #tpu.memory_space<vmem_shared>> -> memref<640x128xf32, #tpu.memory_space<vmem_shared>>
      tpu.wait_dma2 semaphore(%run_scoped3A : memref<!tpu.dma_semaphore, #tpu.memory_space<semaphore_mem>>) src(%arg4 : memref<640x128xf32, #tpu.memory_space<hbm>>) dst(%dma_wait3A_48 : memref<640x128xf32, #tpu.memory_space<vmem_shared>>)
      tpu.yield
    }) : () -> ()
    %gt3A = arith.constant 0 : i32
    %gt3A_12 = arith.cmpi sgt, %add3A_4, %gt3A : i32
    %convert_element_type3A = arith.extui %gt3A_12 : i1 to i32
    %cond3A = arith.constant 0 : i32
    %cond3A_13 = arith.cmpi ne, %convert_element_type3A, %cond3A : i32
    scf.if %cond3A_13 {
      "tpu.region"() ({
        %run_scoped3A = tpu.sem_alloc : memref<!tpu.dma_semaphore, #tpu.memory_space<semaphore_mem>>
        %dma_start3A_62 = arith.constant 0 : i32
        %dma_start3A_63 = arith.constant 0 : i32
        %dma_start3A_64 = tpu.memref_slice %arg3[%add3A_9, %dma_start3A_62, %dma_start3A_63] : memref<2560x2x128xi32, #tpu.memory_space<hbm>> -> memref<1x2x128xi32, #tpu.memory_space<hbm>>
        %dma_start3A_65 = tpu.memref_squeeze %dma_start3A_64 : memref<1x2x128xi32, #tpu.memory_space<hbm>> -> memref<2x128xi32, #tpu.memory_space<hbm>>
        %dma_start3A_66 = arith.constant 0 : i32
        %dma_start3A_67 = arith.constant 0 : i32
        %dma_start3A_68 = tpu.memref_slice %arg3[%add3A_9, %dma_start3A_66, %dma_start3A_67] : memref<2560x2x128xi32, #tpu.memory_space<hbm>> -> memref<1x2x128xi32, #tpu.memory_space<hbm>>
        %dma_start3A_69 = tpu.memref_squeeze %dma_start3A_68 : memref<1x2x128xi32, #tpu.memory_space<hbm>> -> memref<2x128xi32, #tpu.memory_space<hbm>>
        tpu.enqueue_dma source(%dma_start3A_69 : memref<2x128xi32, #tpu.memory_space<hbm>>) target(%arg7 : memref<2x128xi32, #tpu.memory_space<vmem>>) target_semaphore(%run_scoped3A : memref<!tpu.dma_semaphore, #tpu.memory_space<semaphore_mem>>)
        %dma_wait3A = arith.constant 0 : i32
        %dma_wait3A_70 = arith.constant 0 : i32
        %dma_wait3A_71 = tpu.memref_slice %arg3[%add3A_9, %dma_wait3A, %dma_wait3A_70] : memref<2560x2x128xi32, #tpu.memory_space<hbm>> -> memref<1x2x128xi32, #tpu.memory_space<hbm>>
        %dma_wait3A_72 = tpu.memref_squeeze %dma_wait3A_71 : memref<1x2x128xi32, #tpu.memory_space<hbm>> -> memref<2x128xi32, #tpu.memory_space<hbm>>
        %dma_wait3A_73 = arith.constant 0 : i32
        %dma_wait3A_74 = arith.constant 0 : i32
        %dma_wait3A_75 = tpu.memref_slice %arg3[%add3A_9, %dma_wait3A_73, %dma_wait3A_74] : memref<2560x2x128xi32, #tpu.memory_space<hbm>> -> memref<1x2x128xi32, #tpu.memory_space<hbm>>
        %dma_wait3A_76 = tpu.memref_squeeze %dma_wait3A_75 : memref<1x2x128xi32, #tpu.memory_space<hbm>> -> memref<2x128xi32, #tpu.memory_space<hbm>>
        tpu.wait_dma2 semaphore(%run_scoped3A : memref<!tpu.dma_semaphore, #tpu.memory_space<semaphore_mem>>) src(%dma_wait3A_76 : memref<2x128xi32, #tpu.memory_space<hbm>>) dst(%arg7 : memref<2x128xi32, #tpu.memory_space<vmem>>)
        tpu.yield
      }) : () -> ()
      %dma_start3A = arith.constant 0 : i32
      %dma_start3A_47 = arith.constant 0 : i32
      %dma_start3A_48 = tpu.memref_slice %arg7[%dma_start3A, %dma_start3A_47] : memref<2x128xi32, #tpu.memory_space<vmem>> -> memref<1x128xi32, #tpu.memory_space<vmem>>
      %dma_start3A_49 = tpu.memref_squeeze %dma_start3A_48 : memref<1x128xi32, #tpu.memory_space<vmem>> -> memref<128xi32, #tpu.memory_space<vmem>>
      %dma_start3A_50 = arith.constant 0 : i32
      %dma_start3A_51 = arith.constant 0 : i32
      %dma_start3A_52 = tpu.memref_slice %arg2[%dma_start3A_50, %dma_start3A_51] : memref<20480x128xf32, #tpu.memory_space<hbm>> -> memref<20480x128xf32, #tpu.memory_space<hbm>>
      tpu.enqueue_indirect_dma source(%dma_start3A_52 : memref<20480x128xf32, #tpu.memory_space<hbm>>) target(%arg9 : memref<128x128xf32, #tpu.memory_space<vmem>>) offsets(%dma_start3A_49 : memref<128xi32, #tpu.memory_space<vmem>>) semaphore(%arg11 : memref<!tpu.dma_semaphore, #tpu.memory_space<semaphore_mem>>)
      %add3A_53 = arith.constant 1 : i32
      %add3A_54 = arith.addi %add3A_9, %add3A_53 : i32
      "tpu.region"() ({
        %run_scoped3A = tpu.sem_alloc : memref<!tpu.dma_semaphore, #tpu.memory_space<semaphore_mem>>
        %dma_start3A_62 = arith.constant 0 : i32
        %dma_start3A_63 = arith.constant 0 : i32
        %dma_start3A_64 = tpu.memref_slice %arg3[%add3A_54, %dma_start3A_62, %dma_start3A_63] : memref<2560x2x128xi32, #tpu.memory_space<hbm>> -> memref<1x2x128xi32, #tpu.memory_space<hbm>>
        %dma_start3A_65 = tpu.memref_squeeze %dma_start3A_64 : memref<1x2x128xi32, #tpu.memory_space<hbm>> -> memref<2x128xi32, #tpu.memory_space<hbm>>
        %dma_start3A_66 = arith.constant 0 : i32
        %dma_start3A_67 = arith.constant 0 : i32
        %dma_start3A_68 = tpu.memref_slice %arg3[%add3A_54, %dma_start3A_66, %dma_start3A_67] : memref<2560x2x128xi32, #tpu.memory_space<hbm>> -> memref<1x2x128xi32, #tpu.memory_space<hbm>>
        %dma_start3A_69 = tpu.memref_squeeze %dma_start3A_68 : memref<1x2x128xi32, #tpu.memory_space<hbm>> -> memref<2x128xi32, #tpu.memory_space<hbm>>
        tpu.enqueue_dma source(%dma_start3A_69 : memref<2x128xi32, #tpu.memory_space<hbm>>) target(%arg8 : memref<2x128xi32, #tpu.memory_space<vmem>>) target_semaphore(%run_scoped3A : memref<!tpu.dma_semaphore, #tpu.memory_space<semaphore_mem>>)
        %dma_wait3A = arith.constant 0 : i32
        %dma_wait3A_70 = arith.constant 0 : i32
        %dma_wait3A_71 = tpu.memref_slice %arg3[%add3A_54, %dma_wait3A, %dma_wait3A_70] : memref<2560x2x128xi32, #tpu.memory_space<hbm>> -> memref<1x2x128xi32, #tpu.memory_space<hbm>>
        %dma_wait3A_72 = tpu.memref_squeeze %dma_wait3A_71 : memref<1x2x128xi32, #tpu.memory_space<hbm>> -> memref<2x128xi32, #tpu.memory_space<hbm>>
        %dma_wait3A_73 = arith.constant 0 : i32
        %dma_wait3A_74 = arith.constant 0 : i32
        %dma_wait3A_75 = tpu.memref_slice %arg3[%add3A_54, %dma_wait3A_73, %dma_wait3A_74] : memref<2560x2x128xi32, #tpu.memory_space<hbm>> -> memref<1x2x128xi32, #tpu.memory_space<hbm>>
        %dma_wait3A_76 = tpu.memref_squeeze %dma_wait3A_75 : memref<1x2x128xi32, #tpu.memory_space<hbm>> -> memref<2x128xi32, #tpu.memory_space<hbm>>
        tpu.wait_dma2 semaphore(%run_scoped3A : memref<!tpu.dma_semaphore, #tpu.memory_space<semaphore_mem>>) src(%dma_wait3A_76 : memref<2x128xi32, #tpu.memory_space<hbm>>) dst(%arg8 : memref<2x128xi32, #tpu.memory_space<vmem>>)
        tpu.yield
      }) : () -> ()
      %dma_start3A_55 = arith.constant 0 : i32
      %dma_start3A_56 = arith.constant 0 : i32
      %dma_start3A_57 = tpu.memref_slice %arg8[%dma_start3A_55, %dma_start3A_56] : memref<2x128xi32, #tpu.memory_space<vmem>> -> memref<1x128xi32, #tpu.memory_space<vmem>>
      %dma_start3A_58 = tpu.memref_squeeze %dma_start3A_57 : memref<1x128xi32, #tpu.memory_space<vmem>> -> memref<128xi32, #tpu.memory_space<vmem>>
      %dma_start3A_59 = arith.constant 0 : i32
      %dma_start3A_60 = arith.constant 0 : i32
      %dma_start3A_61 = tpu.memref_slice %arg2[%dma_start3A_59, %dma_start3A_60] : memref<20480x128xf32, #tpu.memory_space<hbm>> -> memref<20480x128xf32, #tpu.memory_space<hbm>>
      tpu.enqueue_indirect_dma source(%dma_start3A_61 : memref<20480x128xf32, #tpu.memory_space<hbm>>) target(%arg10 : memref<128x128xf32, #tpu.memory_space<vmem>>) offsets(%dma_start3A_58 : memref<128xi32, #tpu.memory_space<vmem>>) semaphore(%arg12 : memref<!tpu.dma_semaphore, #tpu.memory_space<semaphore_mem>>)
    } else {
    }
    %barrier3A = arith.constant 0 : index
    tpu.barrier barrier_id(%barrier3A)
    %jit3A = arith.constant 2 : i32
    %div3A = arith.divsi %add3A_4, %jit3A : i32
    %sign3A = arith.constant 0 : i32
    %sign3A_14 = arith.cmpi sgt, %add3A_4, %sign3A : i32
    %sign3A_15 = arith.extui %sign3A_14 : i1 to i32
    %sign3A_16 = arith.constant 0 : i32
    %sign3A_17 = arith.cmpi slt, %add3A_4, %sign3A_16 : i32
    %sign3A_18 = arith.extui %sign3A_17 : i1 to i32
    %sign3A_19 = arith.subi %sign3A_15, %sign3A_18 : i32
    %sign3A_20 = arith.constant 0 : i32
    %sign3A_21 = arith.cmpi sgt, %jit3A, %sign3A_20 : i32
    %sign3A_22 = arith.extui %sign3A_21 : i1 to i32
    %sign3A_23 = arith.constant 0 : i32
    %sign3A_24 = arith.cmpi slt, %jit3A, %sign3A_23 : i32
    %sign3A_25 = arith.extui %sign3A_24 : i1 to i32
    %sign3A_26 = arith.subi %sign3A_22, %sign3A_25 : i32
    %ne3A = arith.cmpi ne, %sign3A_19, %sign3A_26 : i32
    %rem3A = arith.remsi %add3A_4, %jit3A : i32
    %ne3A_27 = arith.constant 0 : i32
    %ne3A_28 = arith.cmpi ne, %rem3A, %ne3A_27 : i32
    %and3A = arith.andi %ne3A, %ne3A_28 : i1
    %sub3A = arith.constant 1 : i32
    %sub3A_29 = arith.subi %div3A, %sub3A : i32
    %select_n3A = arith.select %and3A, %sub3A_29, %div3A : i32
    %while3A = arith.constant 0 : i32
    %while3A_30 = arith.constant 0 : i32
    %while3A_31 = arith.subi %select_n3A, %while3A_30 : i32
    %while3A_32 = arith.addi %while3A_30, %while3A_31 : i32
    %while3A_33 = arith.constant 1 : i32
    %while3A_34 = arith.divsi %while3A_31, %while3A_33 : i32
    %while3A_35 = arith.muli %while3A_34, %while3A_33 : i32
    %while3A_36 = arith.addi %while3A_30, %while3A_35 : i32
    %while3A_37 = arith.constant 1 : i32
    scf.for %while3A_47 = %while3A_30 to %while3A_36 step %while3A_37  : i32 {
      %dma_wait3A = arith.constant 0 : i32
      %dma_wait3A_48 = arith.constant 0 : i32
      %dma_wait3A_49 = tpu.memref_slice %arg7[%dma_wait3A, %dma_wait3A_48] : memref<2x128xi32, #tpu.memory_space<vmem>> -> memref<1x128xi32, #tpu.memory_space<vmem>>
      %dma_wait3A_50 = tpu.memref_squeeze %dma_wait3A_49 : memref<1x128xi32, #tpu.memory_space<vmem>> -> memref<128xi32, #tpu.memory_space<vmem>>
      %dma_wait3A_51 = arith.constant 0 : i32
      %dma_wait3A_52 = arith.constant 0 : i32
      %dma_wait3A_53 = tpu.memref_slice %arg2[%dma_wait3A_51, %dma_wait3A_52] : memref<20480x128xf32, #tpu.memory_space<hbm>> -> memref<20480x128xf32, #tpu.memory_space<hbm>>
      tpu.wait_indirect_dma semaphore(%arg11 : memref<!tpu.dma_semaphore, #tpu.memory_space<semaphore_mem>>) src(%dma_wait3A_53 : memref<20480x128xf32, #tpu.memory_space<hbm>>) dst(%arg9 : memref<128x128xf32, #tpu.memory_space<vmem>>)
      %run_scoped3A = arith.constant 1 : i32
      "tpu.region"() ({
        %run_scoped3A_121 = tpu.sem_alloc : memref<!tpu.dma_semaphore, #tpu.memory_space<semaphore_mem>>
        %dma_start3A = arith.constant 0 : i32
        %dma_start3A_122 = tpu.memref_slice %arg7[%run_scoped3A, %dma_start3A] : memref<2x128xi32, #tpu.memory_space<vmem>> -> memref<1x128xi32, #tpu.memory_space<vmem>>
        %dma_start3A_123 = tpu.memref_squeeze %dma_start3A_122 : memref<1x128xi32, #tpu.memory_space<vmem>> -> memref<128xi32, #tpu.memory_space<vmem>>
        %dma_start3A_124 = arith.constant 0 : i32
        %dma_start3A_125 = arith.constant 0 : i32
        %dma_start3A_126 = tpu.memref_slice %arg6[%dma_start3A_124, %dma_start3A_125] : memref<10240x128xf32, #tpu.memory_space<vmem_shared>> -> memref<10240x128xf32, #tpu.memory_space<vmem_shared>>
        tpu.enqueue_indirect_dma source(%arg9 : memref<128x128xf32, #tpu.memory_space<vmem>>) target(%dma_start3A_126 : memref<10240x128xf32, #tpu.memory_space<vmem_shared>>) offsets(%dma_start3A_123 : memref<128xi32, #tpu.memory_space<vmem>>) semaphore(%run_scoped3A_121 : memref<!tpu.dma_semaphore, #tpu.memory_space<semaphore_mem>>) {add = true}
        %dma_wait3A_127 = arith.constant 0 : i32
        %dma_wait3A_128 = tpu.memref_slice %arg7[%run_scoped3A, %dma_wait3A_127] : memref<2x128xi32, #tpu.memory_space<vmem>> -> memref<1x128xi32, #tpu.memory_space<vmem>>
        %dma_wait3A_129 = tpu.memref_squeeze %dma_wait3A_128 : memref<1x128xi32, #tpu.memory_space<vmem>> -> memref<128xi32, #tpu.memory_space<vmem>>
        %dma_wait3A_130 = arith.constant 0 : i32
        %dma_wait3A_131 = arith.constant 0 : i32
        %dma_wait3A_132 = tpu.memref_slice %arg6[%dma_wait3A_130, %dma_wait3A_131] : memref<10240x128xf32, #tpu.memory_space<vmem_shared>> -> memref<10240x128xf32, #tpu.memory_space<vmem_shared>>
        tpu.wait_indirect_dma semaphore(%run_scoped3A_121 : memref<!tpu.dma_semaphore, #tpu.memory_space<semaphore_mem>>) src(%arg9 : memref<128x128xf32, #tpu.memory_space<vmem>>) dst(%dma_wait3A_132 : memref<10240x128xf32, #tpu.memory_space<vmem_shared>>)
        tpu.yield
      }) : () -> ()
      %jit3A_54 = arith.constant 2 : i32
      %div3A_55 = arith.divsi %add3A_4, %jit3A_54 : i32
      %sign3A_56 = arith.constant 0 : i32
      %sign3A_57 = arith.cmpi sgt, %add3A_4, %sign3A_56 : i32
      %sign3A_58 = arith.extui %sign3A_57 : i1 to i32
      %sign3A_59 = arith.constant 0 : i32
      %sign3A_60 = arith.cmpi slt, %add3A_4, %sign3A_59 : i32
      %sign3A_61 = arith.extui %sign3A_60 : i1 to i32
      %sign3A_62 = arith.subi %sign3A_58, %sign3A_61 : i32
      %sign3A_63 = arith.constant 0 : i32
      %sign3A_64 = arith.cmpi sgt, %jit3A_54, %sign3A_63 : i32
      %sign3A_65 = arith.extui %sign3A_64 : i1 to i32
      %sign3A_66 = arith.constant 0 : i32
      %sign3A_67 = arith.cmpi slt, %jit3A_54, %sign3A_66 : i32
      %sign3A_68 = arith.extui %sign3A_67 : i1 to i32
      %sign3A_69 = arith.subi %sign3A_65, %sign3A_68 : i32
      %ne3A_70 = arith.cmpi ne, %sign3A_62, %sign3A_69 : i32
      %rem3A_71 = arith.remsi %add3A_4, %jit3A_54 : i32
      %ne3A_72 = arith.constant 0 : i32
      %ne3A_73 = arith.cmpi ne, %rem3A_71, %ne3A_72 : i32
      %and3A_74 = arith.andi %ne3A_70, %ne3A_73 : i1
      %sub3A_75 = arith.constant 1 : i32
      %sub3A_76 = arith.subi %div3A_55, %sub3A_75 : i32
      %select_n3A_77 = arith.select %and3A_74, %sub3A_76, %div3A_55 : i32
      %sub3A_78 = arith.constant 1 : i32
      %sub3A_79 = arith.subi %select_n3A_77, %sub3A_78 : i32
      %lt3A = arith.cmpi slt, %while3A_47, %sub3A_79 : i32
      %convert_element_type3A_80 = arith.extui %lt3A : i1 to i32
      %cond3A_81 = arith.constant 0 : i32
      %cond3A_82 = arith.cmpi ne, %convert_element_type3A_80, %cond3A_81 : i32
      scf.if %cond3A_82 {
        %mul3A_121 = arith.constant 2 : i32
        %mul3A_122 = arith.muli %mul3A_121, %while3A_47 : i32
        %add3A_123 = arith.addi %add3A_9, %mul3A_122 : i32
        %add3A_124 = arith.constant 2 : i32
        %add3A_125 = arith.addi %add3A_123, %add3A_124 : i32
        "tpu.region"() ({
          %run_scoped3A_132 = tpu.sem_alloc : memref<!tpu.dma_semaphore, #tpu.memory_space<semaphore_mem>>
          %dma_start3A_133 = arith.constant 0 : i32
          %dma_start3A_134 = arith.constant 0 : i32
          %dma_start3A_135 = tpu.memref_slice %arg3[%add3A_125, %dma_start3A_133, %dma_start3A_134] : memref<2560x2x128xi32, #tpu.memory_space<hbm>> -> memref<1x2x128xi32, #tpu.memory_space<hbm>>
          %dma_start3A_136 = tpu.memref_squeeze %dma_start3A_135 : memref<1x2x128xi32, #tpu.memory_space<hbm>> -> memref<2x128xi32, #tpu.memory_space<hbm>>
          %dma_start3A_137 = arith.constant 0 : i32
          %dma_start3A_138 = arith.constant 0 : i32
          %dma_start3A_139 = tpu.memref_slice %arg3[%add3A_125, %dma_start3A_137, %dma_start3A_138] : memref<2560x2x128xi32, #tpu.memory_space<hbm>> -> memref<1x2x128xi32, #tpu.memory_space<hbm>>
          %dma_start3A_140 = tpu.memref_squeeze %dma_start3A_139 : memref<1x2x128xi32, #tpu.memory_space<hbm>> -> memref<2x128xi32, #tpu.memory_space<hbm>>
          tpu.enqueue_dma source(%dma_start3A_140 : memref<2x128xi32, #tpu.memory_space<hbm>>) target(%arg7 : memref<2x128xi32, #tpu.memory_space<vmem>>) target_semaphore(%run_scoped3A_132 : memref<!tpu.dma_semaphore, #tpu.memory_space<semaphore_mem>>)
          %dma_wait3A_141 = arith.constant 0 : i32
          %dma_wait3A_142 = arith.constant 0 : i32
          %dma_wait3A_143 = tpu.memref_slice %arg3[%add3A_125, %dma_wait3A_141, %dma_wait3A_142] : memref<2560x2x128xi32, #tpu.memory_space<hbm>> -> memref<1x2x128xi32, #tpu.memory_space<hbm>>
          %dma_wait3A_144 = tpu.memref_squeeze %dma_wait3A_143 : memref<1x2x128xi32, #tpu.memory_space<hbm>> -> memref<2x128xi32, #tpu.memory_space<hbm>>
          %dma_wait3A_145 = arith.constant 0 : i32
          %dma_wait3A_146 = arith.constant 0 : i32
          %dma_wait3A_147 = tpu.memref_slice %arg3[%add3A_125, %dma_wait3A_145, %dma_wait3A_146] : memref<2560x2x128xi32, #tpu.memory_space<hbm>> -> memref<1x2x128xi32, #tpu.memory_space<hbm>>
          %dma_wait3A_148 = tpu.memref_squeeze %dma_wait3A_147 : memref<1x2x128xi32, #tpu.memory_space<hbm>> -> memref<2x128xi32, #tpu.memory_space<hbm>>
          tpu.wait_dma2 semaphore(%run_scoped3A_132 : memref<!tpu.dma_semaphore, #tpu.memory_space<semaphore_mem>>) src(%dma_wait3A_148 : memref<2x128xi32, #tpu.memory_space<hbm>>) dst(%arg7 : memref<2x128xi32, #tpu.memory_space<vmem>>)
          tpu.yield
        }) : () -> ()
        %dma_start3A = arith.constant 0 : i32
        %dma_start3A_126 = arith.constant 0 : i32
        %dma_start3A_127 = tpu.memref_slice %arg7[%dma_start3A, %dma_start3A_126] : memref<2x128xi32, #tpu.memory_space<vmem>> -> memref<1x128xi32, #tpu.memory_space<vmem>>
        %dma_start3A_128 = tpu.memref_squeeze %dma_start3A_127 : memref<1x128xi32, #tpu.memory_space<vmem>> -> memref<128xi32, #tpu.memory_space<vmem>>
        %dma_start3A_129 = arith.constant 0 : i32
        %dma_start3A_130 = arith.constant 0 : i32
        %dma_start3A_131 = tpu.memref_slice %arg2[%dma_start3A_129, %dma_start3A_130] : memref<20480x128xf32, #tpu.memory_space<hbm>> -> memref<20480x128xf32, #tpu.memory_space<hbm>>
        tpu.enqueue_indirect_dma source(%dma_start3A_131 : memref<20480x128xf32, #tpu.memory_space<hbm>>) target(%arg9 : memref<128x128xf32, #tpu.memory_space<vmem>>) offsets(%dma_start3A_128 : memref<128xi32, #tpu.memory_space<vmem>>) semaphore(%arg11 : memref<!tpu.dma_semaphore, #tpu.memory_space<semaphore_mem>>)
      } else {
      }
      %dma_wait3A_83 = arith.constant 0 : i32
      %dma_wait3A_84 = arith.constant 0 : i32
      %dma_wait3A_85 = tpu.memref_slice %arg8[%dma_wait3A_83, %dma_wait3A_84] : memref<2x128xi32, #tpu.memory_space<vmem>> -> memref<1x128xi32, #tpu.memory_space<vmem>>
      %dma_wait3A_86 = tpu.memref_squeeze %dma_wait3A_85 : memref<1x128xi32, #tpu.memory_space<vmem>> -> memref<128xi32, #tpu.memory_space<vmem>>
      %dma_wait3A_87 = arith.constant 0 : i32
      %dma_wait3A_88 = arith.constant 0 : i32
      %dma_wait3A_89 = tpu.memref_slice %arg2[%dma_wait3A_87, %dma_wait3A_88] : memref<20480x128xf32, #tpu.memory_space<hbm>> -> memref<20480x128xf32, #tpu.memory_space<hbm>>
      tpu.wait_indirect_dma semaphore(%arg12 : memref<!tpu.dma_semaphore, #tpu.memory_space<semaphore_mem>>) src(%dma_wait3A_89 : memref<20480x128xf32, #tpu.memory_space<hbm>>) dst(%arg10 : memref<128x128xf32, #tpu.memory_space<vmem>>)
      %run_scoped3A_90 = arith.constant 1 : i32
      "tpu.region"() ({
        %run_scoped3A_121 = tpu.sem_alloc : memref<!tpu.dma_semaphore, #tpu.memory_space<semaphore_mem>>
        %dma_start3A = arith.constant 0 : i32
        %dma_start3A_122 = tpu.memref_slice %arg8[%run_scoped3A_90, %dma_start3A] : memref<2x128xi32, #tpu.memory_space<vmem>> -> memref<1x128xi32, #tpu.memory_space<vmem>>
        %dma_start3A_123 = tpu.memref_squeeze %dma_start3A_122 : memref<1x128xi32, #tpu.memory_space<vmem>> -> memref<128xi32, #tpu.memory_space<vmem>>
        %dma_start3A_124 = arith.constant 0 : i32
        %dma_start3A_125 = arith.constant 0 : i32
        %dma_start3A_126 = tpu.memref_slice %arg6[%dma_start3A_124, %dma_start3A_125] : memref<10240x128xf32, #tpu.memory_space<vmem_shared>> -> memref<10240x128xf32, #tpu.memory_space<vmem_shared>>
        tpu.enqueue_indirect_dma source(%arg10 : memref<128x128xf32, #tpu.memory_space<vmem>>) target(%dma_start3A_126 : memref<10240x128xf32, #tpu.memory_space<vmem_shared>>) offsets(%dma_start3A_123 : memref<128xi32, #tpu.memory_space<vmem>>) semaphore(%run_scoped3A_121 : memref<!tpu.dma_semaphore, #tpu.memory_space<semaphore_mem>>) {add = true}
        %dma_wait3A_127 = arith.constant 0 : i32
        %dma_wait3A_128 = tpu.memref_slice %arg8[%run_scoped3A_90, %dma_wait3A_127] : memref<2x128xi32, #tpu.memory_space<vmem>> -> memref<1x128xi32, #tpu.memory_space<vmem>>
        %dma_wait3A_129 = tpu.memref_squeeze %dma_wait3A_128 : memref<1x128xi32, #tpu.memory_space<vmem>> -> memref<128xi32, #tpu.memory_space<vmem>>
        %dma_wait3A_130 = arith.constant 0 : i32
        %dma_wait3A_131 = arith.constant 0 : i32
        %dma_wait3A_132 = tpu.memref_slice %arg6[%dma_wait3A_130, %dma_wait3A_131] : memref<10240x128xf32, #tpu.memory_space<vmem_shared>> -> memref<10240x128xf32, #tpu.memory_space<vmem_shared>>
        tpu.wait_indirect_dma semaphore(%run_scoped3A_121 : memref<!tpu.dma_semaphore, #tpu.memory_space<semaphore_mem>>) src(%arg10 : memref<128x128xf32, #tpu.memory_space<vmem>>) dst(%dma_wait3A_132 : memref<10240x128xf32, #tpu.memory_space<vmem_shared>>)
        tpu.yield
      }) : () -> ()
      %jit3A_91 = arith.constant 2 : i32
      %div3A_92 = arith.divsi %add3A_4, %jit3A_91 : i32
      %sign3A_93 = arith.constant 0 : i32
      %sign3A_94 = arith.cmpi sgt, %add3A_4, %sign3A_93 : i32
      %sign3A_95 = arith.extui %sign3A_94 : i1 to i32
      %sign3A_96 = arith.constant 0 : i32
      %sign3A_97 = arith.cmpi slt, %add3A_4, %sign3A_96 : i32
      %sign3A_98 = arith.extui %sign3A_97 : i1 to i32
      %sign3A_99 = arith.subi %sign3A_95, %sign3A_98 : i32
      %sign3A_100 = arith.constant 0 : i32
      %sign3A_101 = arith.cmpi sgt, %jit3A_91, %sign3A_100 : i32
      %sign3A_102 = arith.extui %sign3A_101 : i1 to i32
      %sign3A_103 = arith.constant 0 : i32
      %sign3A_104 = arith.cmpi slt, %jit3A_91, %sign3A_103 : i32
      %sign3A_105 = arith.extui %sign3A_104 : i1 to i32
      %sign3A_106 = arith.subi %sign3A_102, %sign3A_105 : i32
      %ne3A_107 = arith.cmpi ne, %sign3A_99, %sign3A_106 : i32
      %rem3A_108 = arith.remsi %add3A_4, %jit3A_91 : i32
      %ne3A_109 = arith.constant 0 : i32
      %ne3A_110 = arith.cmpi ne, %rem3A_108, %ne3A_109 : i32
      %and3A_111 = arith.andi %ne3A_107, %ne3A_110 : i1
      %sub3A_112 = arith.constant 1 : i32
      %sub3A_113 = arith.subi %div3A_92, %sub3A_112 : i32
      %select_n3A_114 = arith.select %and3A_111, %sub3A_113, %div3A_92 : i32
      %sub3A_115 = arith.constant 1 : i32
      %sub3A_116 = arith.subi %select_n3A_114, %sub3A_115 : i32
      %lt3A_117 = arith.cmpi slt, %while3A_47, %sub3A_116 : i32
      %convert_element_type3A_118 = arith.extui %lt3A_117 : i1 to i32
      %cond3A_119 = arith.constant 0 : i32
      %cond3A_120 = arith.cmpi ne, %convert_element_type3A_118, %cond3A_119 : i32
      scf.if %cond3A_120 {
        %mul3A_121 = arith.constant 2 : i32
        %mul3A_122 = arith.muli %mul3A_121, %while3A_47 : i32
        %add3A_123 = arith.addi %add3A_9, %mul3A_122 : i32
        %add3A_124 = arith.constant 3 : i32
        %add3A_125 = arith.addi %add3A_123, %add3A_124 : i32
        "tpu.region"() ({
          %run_scoped3A_132 = tpu.sem_alloc : memref<!tpu.dma_semaphore, #tpu.memory_space<semaphore_mem>>
          %dma_start3A_133 = arith.constant 0 : i32
          %dma_start3A_134 = arith.constant 0 : i32
          %dma_start3A_135 = tpu.memref_slice %arg3[%add3A_125, %dma_start3A_133, %dma_start3A_134] : memref<2560x2x128xi32, #tpu.memory_space<hbm>> -> memref<1x2x128xi32, #tpu.memory_space<hbm>>
          %dma_start3A_136 = tpu.memref_squeeze %dma_start3A_135 : memref<1x2x128xi32, #tpu.memory_space<hbm>> -> memref<2x128xi32, #tpu.memory_space<hbm>>
          %dma_start3A_137 = arith.constant 0 : i32
          %dma_start3A_138 = arith.constant 0 : i32
          %dma_start3A_139 = tpu.memref_slice %arg3[%add3A_125, %dma_start3A_137, %dma_start3A_138] : memref<2560x2x128xi32, #tpu.memory_space<hbm>> -> memref<1x2x128xi32, #tpu.memory_space<hbm>>
          %dma_start3A_140 = tpu.memref_squeeze %dma_start3A_139 : memref<1x2x128xi32, #tpu.memory_space<hbm>> -> memref<2x128xi32, #tpu.memory_space<hbm>>
          tpu.enqueue_dma source(%dma_start3A_140 : memref<2x128xi32, #tpu.memory_space<hbm>>) target(%arg8 : memref<2x128xi32, #tpu.memory_space<vmem>>) target_semaphore(%run_scoped3A_132 : memref<!tpu.dma_semaphore, #tpu.memory_space<semaphore_mem>>)
          %dma_wait3A_141 = arith.constant 0 : i32
          %dma_wait3A_142 = arith.constant 0 : i32
          %dma_wait3A_143 = tpu.memref_slice %arg3[%add3A_125, %dma_wait3A_141, %dma_wait3A_142] : memref<2560x2x128xi32, #tpu.memory_space<hbm>> -> memref<1x2x128xi32, #tpu.memory_space<hbm>>
          %dma_wait3A_144 = tpu.memref_squeeze %dma_wait3A_143 : memref<1x2x128xi32, #tpu.memory_space<hbm>> -> memref<2x128xi32, #tpu.memory_space<hbm>>
          %dma_wait3A_145 = arith.constant 0 : i32
          %dma_wait3A_146 = arith.constant 0 : i32
          %dma_wait3A_147 = tpu.memref_slice %arg3[%add3A_125, %dma_wait3A_145, %dma_wait3A_146] : memref<2560x2x128xi32, #tpu.memory_space<hbm>> -> memref<1x2x128xi32, #tpu.memory_space<hbm>>
          %dma_wait3A_148 = tpu.memref_squeeze %dma_wait3A_147 : memref<1x2x128xi32, #tpu.memory_space<hbm>> -> memref<2x128xi32, #tpu.memory_space<hbm>>
          tpu.wait_dma2 semaphore(%run_scoped3A_132 : memref<!tpu.dma_semaphore, #tpu.memory_space<semaphore_mem>>) src(%dma_wait3A_148 : memref<2x128xi32, #tpu.memory_space<hbm>>) dst(%arg8 : memref<2x128xi32, #tpu.memory_space<vmem>>)
          tpu.yield
        }) : () -> ()
        %dma_start3A = arith.constant 0 : i32
        %dma_start3A_126 = arith.constant 0 : i32
        %dma_start3A_127 = tpu.memref_slice %arg8[%dma_start3A, %dma_start3A_126] : memref<2x128xi32, #tpu.memory_space<vmem>> -> memref<1x128xi32, #tpu.memory_space<vmem>>
        %dma_start3A_128 = tpu.memref_squeeze %dma_start3A_127 : memref<1x128xi32, #tpu.memory_space<vmem>> -> memref<128xi32, #tpu.memory_space<vmem>>
        %dma_start3A_129 = arith.constant 0 : i32
        %dma_start3A_130 = arith.constant 0 : i32
        %dma_start3A_131 = tpu.memref_slice %arg2[%dma_start3A_129, %dma_start3A_130] : memref<20480x128xf32, #tpu.memory_space<hbm>> -> memref<20480x128xf32, #tpu.memory_space<hbm>>
        tpu.enqueue_indirect_dma source(%dma_start3A_131 : memref<20480x128xf32, #tpu.memory_space<hbm>>) target(%arg10 : memref<128x128xf32, #tpu.memory_space<vmem>>) offsets(%dma_start3A_128 : memref<128xi32, #tpu.memory_space<vmem>>) semaphore(%arg12 : memref<!tpu.dma_semaphore, #tpu.memory_space<semaphore_mem>>)
      } else {
      }
    }
    %while3A_38 = arith.constant 1 : i32
    scf.for %while3A_47 = %while3A_36 to %while3A_32 step %while3A_38  : i32 {
      %dma_wait3A = arith.constant 0 : i32
      %dma_wait3A_48 = arith.constant 0 : i32
      %dma_wait3A_49 = tpu.memref_slice %arg7[%dma_wait3A, %dma_wait3A_48] : memref<2x128xi32, #tpu.memory_space<vmem>> -> memref<1x128xi32, #tpu.memory_space<vmem>>
      %dma_wait3A_50 = tpu.memref_squeeze %dma_wait3A_49 : memref<1x128xi32, #tpu.memory_space<vmem>> -> memref<128xi32, #tpu.memory_space<vmem>>
      %dma_wait3A_51 = arith.constant 0 : i32
      %dma_wait3A_52 = arith.constant 0 : i32
      %dma_wait3A_53 = tpu.memref_slice %arg2[%dma_wait3A_51, %dma_wait3A_52] : memref<20480x128xf32, #tpu.memory_space<hbm>> -> memref<20480x128xf32, #tpu.memory_space<hbm>>
      tpu.wait_indirect_dma semaphore(%arg11 : memref<!tpu.dma_semaphore, #tpu.memory_space<semaphore_mem>>) src(%dma_wait3A_53 : memref<20480x128xf32, #tpu.memory_space<hbm>>) dst(%arg9 : memref<128x128xf32, #tpu.memory_space<vmem>>)
      %run_scoped3A = arith.constant 1 : i32
      "tpu.region"() ({
        %run_scoped3A_121 = tpu.sem_alloc : memref<!tpu.dma_semaphore, #tpu.memory_space<semaphore_mem>>
        %dma_start3A = arith.constant 0 : i32
        %dma_start3A_122 = tpu.memref_slice %arg7[%run_scoped3A, %dma_start3A] : memref<2x128xi32, #tpu.memory_space<vmem>> -> memref<1x128xi32, #tpu.memory_space<vmem>>
        %dma_start3A_123 = tpu.memref_squeeze %dma_start3A_122 : memref<1x128xi32, #tpu.memory_space<vmem>> -> memref<128xi32, #tpu.memory_space<vmem>>
        %dma_start3A_124 = arith.constant 0 : i32
        %dma_start3A_125 = arith.constant 0 : i32
        %dma_start3A_126 = tpu.memref_slice %arg6[%dma_start3A_124, %dma_start3A_125] : memref<10240x128xf32, #tpu.memory_space<vmem_shared>> -> memref<10240x128xf32, #tpu.memory_space<vmem_shared>>
        tpu.enqueue_indirect_dma source(%arg9 : memref<128x128xf32, #tpu.memory_space<vmem>>) target(%dma_start3A_126 : memref<10240x128xf32, #tpu.memory_space<vmem_shared>>) offsets(%dma_start3A_123 : memref<128xi32, #tpu.memory_space<vmem>>) semaphore(%run_scoped3A_121 : memref<!tpu.dma_semaphore, #tpu.memory_space<semaphore_mem>>) {add = true}
        %dma_wait3A_127 = arith.constant 0 : i32
        %dma_wait3A_128 = tpu.memref_slice %arg7[%run_scoped3A, %dma_wait3A_127] : memref<2x128xi32, #tpu.memory_space<vmem>> -> memref<1x128xi32, #tpu.memory_space<vmem>>
        %dma_wait3A_129 = tpu.memref_squeeze %dma_wait3A_128 : memref<1x128xi32, #tpu.memory_space<vmem>> -> memref<128xi32, #tpu.memory_space<vmem>>
        %dma_wait3A_130 = arith.constant 0 : i32
        %dma_wait3A_131 = arith.constant 0 : i32
        %dma_wait3A_132 = tpu.memref_slice %arg6[%dma_wait3A_130, %dma_wait3A_131] : memref<10240x128xf32, #tpu.memory_space<vmem_shared>> -> memref<10240x128xf32, #tpu.memory_space<vmem_shared>>
        tpu.wait_indirect_dma semaphore(%run_scoped3A_121 : memref<!tpu.dma_semaphore, #tpu.memory_space<semaphore_mem>>) src(%arg9 : memref<128x128xf32, #tpu.memory_space<vmem>>) dst(%dma_wait3A_132 : memref<10240x128xf32, #tpu.memory_space<vmem_shared>>)
        tpu.yield
      }) : () -> ()
      %jit3A_54 = arith.constant 2 : i32
      %div3A_55 = arith.divsi %add3A_4, %jit3A_54 : i32
      %sign3A_56 = arith.constant 0 : i32
      %sign3A_57 = arith.cmpi sgt, %add3A_4, %sign3A_56 : i32
      %sign3A_58 = arith.extui %sign3A_57 : i1 to i32
      %sign3A_59 = arith.constant 0 : i32
      %sign3A_60 = arith.cmpi slt, %add3A_4, %sign3A_59 : i32
      %sign3A_61 = arith.extui %sign3A_60 : i1 to i32
      %sign3A_62 = arith.subi %sign3A_58, %sign3A_61 : i32
      %sign3A_63 = arith.constant 0 : i32
      %sign3A_64 = arith.cmpi sgt, %jit3A_54, %sign3A_63 : i32
      %sign3A_65 = arith.extui %sign3A_64 : i1 to i32
      %sign3A_66 = arith.constant 0 : i32
      %sign3A_67 = arith.cmpi slt, %jit3A_54, %sign3A_66 : i32
      %sign3A_68 = arith.extui %sign3A_67 : i1 to i32
      %sign3A_69 = arith.subi %sign3A_65, %sign3A_68 : i32
      %ne3A_70 = arith.cmpi ne, %sign3A_62, %sign3A_69 : i32
      %rem3A_71 = arith.remsi %add3A_4, %jit3A_54 : i32
      %ne3A_72 = arith.constant 0 : i32
      %ne3A_73 = arith.cmpi ne, %rem3A_71, %ne3A_72 : i32
      %and3A_74 = arith.andi %ne3A_70, %ne3A_73 : i1
      %sub3A_75 = arith.constant 1 : i32
      %sub3A_76 = arith.subi %div3A_55, %sub3A_75 : i32
      %select_n3A_77 = arith.select %and3A_74, %sub3A_76, %div3A_55 : i32
      %sub3A_78 = arith.constant 1 : i32
      %sub3A_79 = arith.subi %select_n3A_77, %sub3A_78 : i32
      %lt3A = arith.cmpi slt, %while3A_47, %sub3A_79 : i32
      %convert_element_type3A_80 = arith.extui %lt3A : i1 to i32
      %cond3A_81 = arith.constant 0 : i32
      %cond3A_82 = arith.cmpi ne, %convert_element_type3A_80, %cond3A_81 : i32
      scf.if %cond3A_82 {
        %mul3A_121 = arith.constant 2 : i32
        %mul3A_122 = arith.muli %mul3A_121, %while3A_47 : i32
        %add3A_123 = arith.addi %add3A_9, %mul3A_122 : i32
        %add3A_124 = arith.constant 2 : i32
        %add3A_125 = arith.addi %add3A_123, %add3A_124 : i32
        "tpu.region"() ({
          %run_scoped3A_132 = tpu.sem_alloc : memref<!tpu.dma_semaphore, #tpu.memory_space<semaphore_mem>>
          %dma_start3A_133 = arith.constant 0 : i32
          %dma_start3A_134 = arith.constant 0 : i32
          %dma_start3A_135 = tpu.memref_slice %arg3[%add3A_125, %dma_start3A_133, %dma_start3A_134] : memref<2560x2x128xi32, #tpu.memory_space<hbm>> -> memref<1x2x128xi32, #tpu.memory_space<hbm>>
          %dma_start3A_136 = tpu.memref_squeeze %dma_start3A_135 : memref<1x2x128xi32, #tpu.memory_space<hbm>> -> memref<2x128xi32, #tpu.memory_space<hbm>>
          %dma_start3A_137 = arith.constant 0 : i32
          %dma_start3A_138 = arith.constant 0 : i32
          %dma_start3A_139 = tpu.memref_slice %arg3[%add3A_125, %dma_start3A_137, %dma_start3A_138] : memref<2560x2x128xi32, #tpu.memory_space<hbm>> -> memref<1x2x128xi32, #tpu.memory_space<hbm>>
          %dma_start3A_140 = tpu.memref_squeeze %dma_start3A_139 : memref<1x2x128xi32, #tpu.memory_space<hbm>> -> memref<2x128xi32, #tpu.memory_space<hbm>>
          tpu.enqueue_dma source(%dma_start3A_140 : memref<2x128xi32, #tpu.memory_space<hbm>>) target(%arg7 : memref<2x128xi32, #tpu.memory_space<vmem>>) target_semaphore(%run_scoped3A_132 : memref<!tpu.dma_semaphore, #tpu.memory_space<semaphore_mem>>)
          %dma_wait3A_141 = arith.constant 0 : i32
          %dma_wait3A_142 = arith.constant 0 : i32
          %dma_wait3A_143 = tpu.memref_slice %arg3[%add3A_125, %dma_wait3A_141, %dma_wait3A_142] : memref<2560x2x128xi32, #tpu.memory_space<hbm>> -> memref<1x2x128xi32, #tpu.memory_space<hbm>>
          %dma_wait3A_144 = tpu.memref_squeeze %dma_wait3A_143 : memref<1x2x128xi32, #tpu.memory_space<hbm>> -> memref<2x128xi32, #tpu.memory_space<hbm>>
          %dma_wait3A_145 = arith.constant 0 : i32
          %dma_wait3A_146 = arith.constant 0 : i32
          %dma_wait3A_147 = tpu.memref_slice %arg3[%add3A_125, %dma_wait3A_145, %dma_wait3A_146] : memref<2560x2x128xi32, #tpu.memory_space<hbm>> -> memref<1x2x128xi32, #tpu.memory_space<hbm>>
          %dma_wait3A_148 = tpu.memref_squeeze %dma_wait3A_147 : memref<1x2x128xi32, #tpu.memory_space<hbm>> -> memref<2x128xi32, #tpu.memory_space<hbm>>
          tpu.wait_dma2 semaphore(%run_scoped3A_132 : memref<!tpu.dma_semaphore, #tpu.memory_space<semaphore_mem>>) src(%dma_wait3A_148 : memref<2x128xi32, #tpu.memory_space<hbm>>) dst(%arg7 : memref<2x128xi32, #tpu.memory_space<vmem>>)
          tpu.yield
        }) : () -> ()
        %dma_start3A = arith.constant 0 : i32
        %dma_start3A_126 = arith.constant 0 : i32
        %dma_start3A_127 = tpu.memref_slice %arg7[%dma_start3A, %dma_start3A_126] : memref<2x128xi32, #tpu.memory_space<vmem>> -> memref<1x128xi32, #tpu.memory_space<vmem>>
        %dma_start3A_128 = tpu.memref_squeeze %dma_start3A_127 : memref<1x128xi32, #tpu.memory_space<vmem>> -> memref<128xi32, #tpu.memory_space<vmem>>
        %dma_start3A_129 = arith.constant 0 : i32
        %dma_start3A_130 = arith.constant 0 : i32
        %dma_start3A_131 = tpu.memref_slice %arg2[%dma_start3A_129, %dma_start3A_130] : memref<20480x128xf32, #tpu.memory_space<hbm>> -> memref<20480x128xf32, #tpu.memory_space<hbm>>
        tpu.enqueue_indirect_dma source(%dma_start3A_131 : memref<20480x128xf32, #tpu.memory_space<hbm>>) target(%arg9 : memref<128x128xf32, #tpu.memory_space<vmem>>) offsets(%dma_start3A_128 : memref<128xi32, #tpu.memory_space<vmem>>) semaphore(%arg11 : memref<!tpu.dma_semaphore, #tpu.memory_space<semaphore_mem>>)
      } else {
      }
      %dma_wait3A_83 = arith.constant 0 : i32
      %dma_wait3A_84 = arith.constant 0 : i32
      %dma_wait3A_85 = tpu.memref_slice %arg8[%dma_wait3A_83, %dma_wait3A_84] : memref<2x128xi32, #tpu.memory_space<vmem>> -> memref<1x128xi32, #tpu.memory_space<vmem>>
      %dma_wait3A_86 = tpu.memref_squeeze %dma_wait3A_85 : memref<1x128xi32, #tpu.memory_space<vmem>> -> memref<128xi32, #tpu.memory_space<vmem>>
      %dma_wait3A_87 = arith.constant 0 : i32
      %dma_wait3A_88 = arith.constant 0 : i32
      %dma_wait3A_89 = tpu.memref_slice %arg2[%dma_wait3A_87, %dma_wait3A_88] : memref<20480x128xf32, #tpu.memory_space<hbm>> -> memref<20480x128xf32, #tpu.memory_space<hbm>>
      tpu.wait_indirect_dma semaphore(%arg12 : memref<!tpu.dma_semaphore, #tpu.memory_space<semaphore_mem>>) src(%dma_wait3A_89 : memref<20480x128xf32, #tpu.memory_space<hbm>>) dst(%arg10 : memref<128x128xf32, #tpu.memory_space<vmem>>)
      %run_scoped3A_90 = arith.constant 1 : i32
      "tpu.region"() ({
        %run_scoped3A_121 = tpu.sem_alloc : memref<!tpu.dma_semaphore, #tpu.memory_space<semaphore_mem>>
        %dma_start3A = arith.constant 0 : i32
        %dma_start3A_122 = tpu.memref_slice %arg8[%run_scoped3A_90, %dma_start3A] : memref<2x128xi32, #tpu.memory_space<vmem>> -> memref<1x128xi32, #tpu.memory_space<vmem>>
        %dma_start3A_123 = tpu.memref_squeeze %dma_start3A_122 : memref<1x128xi32, #tpu.memory_space<vmem>> -> memref<128xi32, #tpu.memory_space<vmem>>
        %dma_start3A_124 = arith.constant 0 : i32
        %dma_start3A_125 = arith.constant 0 : i32
        %dma_start3A_126 = tpu.memref_slice %arg6[%dma_start3A_124, %dma_start3A_125] : memref<10240x128xf32, #tpu.memory_space<vmem_shared>> -> memref<10240x128xf32, #tpu.memory_space<vmem_shared>>
        tpu.enqueue_indirect_dma source(%arg10 : memref<128x128xf32, #tpu.memory_space<vmem>>) target(%dma_start3A_126 : memref<10240x128xf32, #tpu.memory_space<vmem_shared>>) offsets(%dma_start3A_123 : memref<128xi32, #tpu.memory_space<vmem>>) semaphore(%run_scoped3A_121 : memref<!tpu.dma_semaphore, #tpu.memory_space<semaphore_mem>>) {add = true}
        %dma_wait3A_127 = arith.constant 0 : i32
        %dma_wait3A_128 = tpu.memref_slice %arg8[%run_scoped3A_90, %dma_wait3A_127] : memref<2x128xi32, #tpu.memory_space<vmem>> -> memref<1x128xi32, #tpu.memory_space<vmem>>
        %dma_wait3A_129 = tpu.memref_squeeze %dma_wait3A_128 : memref<1x128xi32, #tpu.memory_space<vmem>> -> memref<128xi32, #tpu.memory_space<vmem>>
        %dma_wait3A_130 = arith.constant 0 : i32
        %dma_wait3A_131 = arith.constant 0 : i32
        %dma_wait3A_132 = tpu.memref_slice %arg6[%dma_wait3A_130, %dma_wait3A_131] : memref<10240x128xf32, #tpu.memory_space<vmem_shared>> -> memref<10240x128xf32, #tpu.memory_space<vmem_shared>>
        tpu.wait_indirect_dma semaphore(%run_scoped3A_121 : memref<!tpu.dma_semaphore, #tpu.memory_space<semaphore_mem>>) src(%arg10 : memref<128x128xf32, #tpu.memory_space<vmem>>) dst(%dma_wait3A_132 : memref<10240x128xf32, #tpu.memory_space<vmem_shared>>)
        tpu.yield
      }) : () -> ()
      %jit3A_91 = arith.constant 2 : i32
      %div3A_92 = arith.divsi %add3A_4, %jit3A_91 : i32
      %sign3A_93 = arith.constant 0 : i32
      %sign3A_94 = arith.cmpi sgt, %add3A_4, %sign3A_93 : i32
      %sign3A_95 = arith.extui %sign3A_94 : i1 to i32
      %sign3A_96 = arith.constant 0 : i32
      %sign3A_97 = arith.cmpi slt, %add3A_4, %sign3A_96 : i32
      %sign3A_98 = arith.extui %sign3A_97 : i1 to i32
      %sign3A_99 = arith.subi %sign3A_95, %sign3A_98 : i32
      %sign3A_100 = arith.constant 0 : i32
      %sign3A_101 = arith.cmpi sgt, %jit3A_91, %sign3A_100 : i32
      %sign3A_102 = arith.extui %sign3A_101 : i1 to i32
      %sign3A_103 = arith.constant 0 : i32
      %sign3A_104 = arith.cmpi slt, %jit3A_91, %sign3A_103 : i32
      %sign3A_105 = arith.extui %sign3A_104 : i1 to i32
      %sign3A_106 = arith.subi %sign3A_102, %sign3A_105 : i32
      %ne3A_107 = arith.cmpi ne, %sign3A_99, %sign3A_106 : i32
      %rem3A_108 = arith.remsi %add3A_4, %jit3A_91 : i32
      %ne3A_109 = arith.constant 0 : i32
      %ne3A_110 = arith.cmpi ne, %rem3A_108, %ne3A_109 : i32
      %and3A_111 = arith.andi %ne3A_107, %ne3A_110 : i1
      %sub3A_112 = arith.constant 1 : i32
      %sub3A_113 = arith.subi %div3A_92, %sub3A_112 : i32
      %select_n3A_114 = arith.select %and3A_111, %sub3A_113, %div3A_92 : i32
      %sub3A_115 = arith.constant 1 : i32
      %sub3A_116 = arith.subi %select_n3A_114, %sub3A_115 : i32
      %lt3A_117 = arith.cmpi slt, %while3A_47, %sub3A_116 : i32
      %convert_element_type3A_118 = arith.extui %lt3A_117 : i1 to i32
      %cond3A_119 = arith.constant 0 : i32
      %cond3A_120 = arith.cmpi ne, %convert_element_type3A_118, %cond3A_119 : i32
      scf.if %cond3A_120 {
        %mul3A_121 = arith.constant 2 : i32
        %mul3A_122 = arith.muli %mul3A_121, %while3A_47 : i32
        %add3A_123 = arith.addi %add3A_9, %mul3A_122 : i32
        %add3A_124 = arith.constant 3 : i32
        %add3A_125 = arith.addi %add3A_123, %add3A_124 : i32
        "tpu.region"() ({
          %run_scoped3A_132 = tpu.sem_alloc : memref<!tpu.dma_semaphore, #tpu.memory_space<semaphore_mem>>
          %dma_start3A_133 = arith.constant 0 : i32
          %dma_start3A_134 = arith.constant 0 : i32
          %dma_start3A_135 = tpu.memref_slice %arg3[%add3A_125, %dma_start3A_133, %dma_start3A_134] : memref<2560x2x128xi32, #tpu.memory_space<hbm>> -> memref<1x2x128xi32, #tpu.memory_space<hbm>>
          %dma_start3A_136 = tpu.memref_squeeze %dma_start3A_135 : memref<1x2x128xi32, #tpu.memory_space<hbm>> -> memref<2x128xi32, #tpu.memory_space<hbm>>
          %dma_start3A_137 = arith.constant 0 : i32
          %dma_start3A_138 = arith.constant 0 : i32
          %dma_start3A_139 = tpu.memref_slice %arg3[%add3A_125, %dma_start3A_137, %dma_start3A_138] : memref<2560x2x128xi32, #tpu.memory_space<hbm>> -> memref<1x2x128xi32, #tpu.memory_space<hbm>>
          %dma_start3A_140 = tpu.memref_squeeze %dma_start3A_139 : memref<1x2x128xi32, #tpu.memory_space<hbm>> -> memref<2x128xi32, #tpu.memory_space<hbm>>
          tpu.enqueue_dma source(%dma_start3A_140 : memref<2x128xi32, #tpu.memory_space<hbm>>) target(%arg8 : memref<2x128xi32, #tpu.memory_space<vmem>>) target_semaphore(%run_scoped3A_132 : memref<!tpu.dma_semaphore, #tpu.memory_space<semaphore_mem>>)
          %dma_wait3A_141 = arith.constant 0 : i32
          %dma_wait3A_142 = arith.constant 0 : i32
          %dma_wait3A_143 = tpu.memref_slice %arg3[%add3A_125, %dma_wait3A_141, %dma_wait3A_142] : memref<2560x2x128xi32, #tpu.memory_space<hbm>> -> memref<1x2x128xi32, #tpu.memory_space<hbm>>
          %dma_wait3A_144 = tpu.memref_squeeze %dma_wait3A_143 : memref<1x2x128xi32, #tpu.memory_space<hbm>> -> memref<2x128xi32, #tpu.memory_space<hbm>>
          %dma_wait3A_145 = arith.constant 0 : i32
          %dma_wait3A_146 = arith.constant 0 : i32
          %dma_wait3A_147 = tpu.memref_slice %arg3[%add3A_125, %dma_wait3A_145, %dma_wait3A_146] : memref<2560x2x128xi32, #tpu.memory_space<hbm>> -> memref<1x2x128xi32, #tpu.memory_space<hbm>>
          %dma_wait3A_148 = tpu.memref_squeeze %dma_wait3A_147 : memref<1x2x128xi32, #tpu.memory_space<hbm>> -> memref<2x128xi32, #tpu.memory_space<hbm>>
          tpu.wait_dma2 semaphore(%run_scoped3A_132 : memref<!tpu.dma_semaphore, #tpu.memory_space<semaphore_mem>>) src(%dma_wait3A_148 : memref<2x128xi32, #tpu.memory_space<hbm>>) dst(%arg8 : memref<2x128xi32, #tpu.memory_space<vmem>>)
          tpu.yield
        }) : () -> ()
        %dma_start3A = arith.constant 0 : i32
        %dma_start3A_126 = arith.constant 0 : i32
        %dma_start3A_127 = tpu.memref_slice %arg8[%dma_start3A, %dma_start3A_126] : memref<2x128xi32, #tpu.memory_space<vmem>> -> memref<1x128xi32, #tpu.memory_space<vmem>>
        %dma_start3A_128 = tpu.memref_squeeze %dma_start3A_127 : memref<1x128xi32, #tpu.memory_space<vmem>> -> memref<128xi32, #tpu.memory_space<vmem>>
        %dma_start3A_129 = arith.constant 0 : i32
        %dma_start3A_130 = arith.constant 0 : i32
        %dma_start3A_131 = tpu.memref_slice %arg2[%dma_start3A_129, %dma_start3A_130] : memref<20480x128xf32, #tpu.memory_space<hbm>> -> memref<20480x128xf32, #tpu.memory_space<hbm>>
        tpu.enqueue_indirect_dma source(%dma_start3A_131 : memref<20480x128xf32, #tpu.memory_space<hbm>>) target(%arg10 : memref<128x128xf32, #tpu.memory_space<vmem>>) offsets(%dma_start3A_128 : memref<128xi32, #tpu.memory_space<vmem>>) semaphore(%arg12 : memref<!tpu.dma_semaphore, #tpu.memory_space<semaphore_mem>>)
      } else {
      }
    }
    %barrier3A_39 = arith.constant 0 : index
    tpu.barrier barrier_id(%barrier3A_39)
    %mul3A_40 = arith.constant 640 : i32
    %mul3A_41 = arith.muli %arg1, %mul3A_40 : i32
    %mul3A_42 = arith.constant 10240 : i32
    %mul3A_43 = arith.muli %arg0, %mul3A_42 : i32
    %mul3A_44 = arith.constant 640 : i32
    %mul3A_45 = arith.muli %arg1, %mul3A_44 : i32
    %add3A_46 = arith.addi %mul3A_43, %mul3A_45 : i32
    "tpu.region"() ({
      %run_scoped3A = tpu.sem_alloc : memref<!tpu.dma_semaphore, #tpu.memory_space<semaphore_mem>>
      %dma_start3A = arith.constant 0 : i32
      %dma_start3A_47 = tpu.memref_slice %arg5[%add3A_46, %dma_start3A] : memref<20480x128xf32, #tpu.memory_space<hbm>> -> memref<640x128xf32, #tpu.memory_space<hbm>>
      %dma_start3A_48 = arith.constant 0 : i32
      %dma_start3A_49 = tpu.memref_slice %arg6[%mul3A_41, %dma_start3A_48] : memref<10240x128xf32, #tpu.memory_space<vmem_shared>> -> memref<640x128xf32, #tpu.memory_space<vmem_shared>>
      tpu.enqueue_dma source(%dma_start3A_49 : memref<640x128xf32, #tpu.memory_space<vmem_shared>>) target(%dma_start3A_47 : memref<640x128xf32, #tpu.memory_space<hbm>>) target_semaphore(%run_scoped3A : memref<!tpu.dma_semaphore, #tpu.memory_space<semaphore_mem>>)
      %dma_wait3A = arith.constant 0 : i32
      %dma_wait3A_50 = tpu.memref_slice %arg5[%add3A_46, %dma_wait3A] : memref<20480x128xf32, #tpu.memory_space<hbm>> -> memref<640x128xf32, #tpu.memory_space<hbm>>
      %dma_wait3A_51 = arith.constant 0 : i32
      %dma_wait3A_52 = tpu.memref_slice %arg6[%mul3A_41, %dma_wait3A_51] : memref<10240x128xf32, #tpu.memory_space<vmem_shared>> -> memref<640x128xf32, #tpu.memory_space<vmem_shared>>
      tpu.wait_dma2 semaphore(%run_scoped3A : memref<!tpu.dma_semaphore, #tpu.memory_space<semaphore_mem>>) src(%dma_wait3A_52 : memref<640x128xf32, #tpu.memory_space<vmem_shared>>) dst(%dma_wait3A_50 : memref<640x128xf32, #tpu.memory_space<hbm>>)
      tpu.yield
    }) : () -> ()
    return
  }
}

#map = affine_map<(d0, d1) -> (0, 0)>
#map1 = affine_map<(d0, d1) -> (0, 0, 0)>
module attributes {stable_mosaic.version = 14 : i64} {
  func.func @_scatter_body(%arg0: i32, %arg1: i32, %arg2: memref<20480x128xf32, #tpu.memory_space<hbm>>, %arg3: memref<2560x2x128xi32, #tpu.memory_space<hbm>>, %arg4: memref<640x128xf32, #tpu.memory_space<hbm>>, %arg5: memref<20480x128xf32, #tpu.memory_space<hbm>>, %arg6: memref<10240x128xf32, #tpu.memory_space<vmem_shared>>, %arg7: memref<2x128xi32, #tpu.memory_space<vmem>>, %arg8: memref<2x128xi32, #tpu.memory_space<vmem>>, %arg9: memref<128x128xf32, #tpu.memory_space<vmem>>, %arg10: memref<128x128xf32, #tpu.memory_space<vmem>>, %arg11: memref<!tpu.dma_semaphore, #tpu.memory_space<semaphore_mem>>, %arg12: memref<!tpu.dma_semaphore, #tpu.memory_space<semaphore_mem>>) attributes {dimension_semantics = [#tpu.dimension_semantics<core_parallel>, #tpu.dimension_semantics<subcore_parallel>], iteration_bounds = array<i64: 2, 16>, scalar_prefetch = 0 : i64, scratch_operands = 7 : i64, tpu.core_type = #tpu.core_type<sc_vector_subcore>, window_params = [{transform_indices = #map}, {transform_indices = #map1}, {transform_indices = #map}, {transform_indices = #map}]} {
    %mul3A = arith.constant 2 : i32
    %mul3A_0 = arith.muli %arg1, %mul3A : i32
    %add3A = arith.addi %mul3A_0, %arg0 : i32
    %mul3A_1 = arith.constant 0 : i32
    %mul3A_2 = arith.muli %arg0, %mul3A_1 : i32
    %add3A_3 = arith.constant 80 : i32
    %add3A_4 = arith.addi %add3A_3, %mul3A_2 : i32
    %mul3A_5 = arith.constant 160 : i32
    %mul3A_6 = arith.muli %arg1, %mul3A_5 : i32
    %mul3A_7 = arith.constant 80 : i32
    %mul3A_8 = arith.muli %arg0, %mul3A_7 : i32
    %add3A_9 = arith.addi %mul3A_6, %mul3A_8 : i32
    %mul3A_10 = arith.constant 640 : i32
    %mul3A_11 = arith.muli %arg1, %mul3A_10 : i32
    "tpu.region"() ({
      %run_scoped3A = tpu.sem_alloc : memref<!tpu.dma_semaphore, #tpu.memory_space<semaphore_mem>>
      %dma_start3A = arith.constant 0 : i32
      %dma_start3A_47 = tpu.memref_slice %arg6[%mul3A_11, %dma_start3A] : memref<10240x128xf32, #tpu.memory_space<vmem_shared>> -> memref<640x128xf32, #tpu.memory_space<vmem_shared>>
      tpu.enqueue_dma source(%arg4 : memref<640x128xf32, #tpu.memory_space<hbm>>) target(%dma_start3A_47 : memref<640x128xf32, #tpu.memory_space<vmem_shared>>) target_semaphore(%run_scoped3A : memref<!tpu.dma_semaphore, #tpu.memory_space<semaphore_mem>>)
      %dma_wait3A = arith.constant 0 : i32
      %dma_wait3A_48 = tpu.memref_slice %arg6[%mul3A_11, %dma_wait3A] : memref<10240x128xf32, #tpu.memory_space<vmem_shared>> -> memref<640x128xf32, #tpu.memory_space<vmem_shared>>
      tpu.wait_dma2 semaphore(%run_scoped3A : memref<!tpu.dma_semaphore, #tpu.memory_space<semaphore_mem>>) src(%arg4 : memref<640x128xf32, #tpu.memory_space<hbm>>) dst(%dma_wait3A_48 : memref<640x128xf32, #tpu.memory_space<vmem_shared>>)
      tpu.yield
    }) : () -> ()
    %gt3A = arith.constant 0 : i32
    %gt3A_12 = arith.cmpi sgt, %add3A_4, %gt3A : i32
    %convert_element_type3A = arith.extui %gt3A_12 : i1 to i32
    %cond3A = arith.constant 0 : i32
    %cond3A_13 = arith.cmpi ne, %convert_element_type3A, %cond3A : i32
    scf.if %cond3A_13 {
      "tpu.region"() ({
        %run_scoped3A = tpu.sem_alloc : memref<!tpu.dma_semaphore, #tpu.memory_space<semaphore_mem>>
        %dma_start3A_62 = arith.constant 0 : i32
        %dma_start3A_63 = arith.constant 0 : i32
        %dma_start3A_64 = tpu.memref_slice %arg3[%add3A_9, %dma_start3A_62, %dma_start3A_63] : memref<2560x2x128xi32, #tpu.memory_space<hbm>> -> memref<1x2x128xi32, #tpu.memory_space<hbm>>
        %dma_start3A_65 = tpu.memref_squeeze %dma_start3A_64 : memref<1x2x128xi32, #tpu.memory_space<hbm>> -> memref<2x128xi32, #tpu.memory_space<hbm>>
        %dma_start3A_66 = arith.constant 0 : i32
        %dma_start3A_67 = arith.constant 0 : i32
        %dma_start3A_68 = tpu.memref_slice %arg3[%add3A_9, %dma_start3A_66, %dma_start3A_67] : memref<2560x2x128xi32, #tpu.memory_space<hbm>> -> memref<1x2x128xi32, #tpu.memory_space<hbm>>
        %dma_start3A_69 = tpu.memref_squeeze %dma_start3A_68 : memref<1x2x128xi32, #tpu.memory_space<hbm>> -> memref<2x128xi32, #tpu.memory_space<hbm>>
        tpu.enqueue_dma source(%dma_start3A_69 : memref<2x128xi32, #tpu.memory_space<hbm>>) target(%arg7 : memref<2x128xi32, #tpu.memory_space<vmem>>) target_semaphore(%run_scoped3A : memref<!tpu.dma_semaphore, #tpu.memory_space<semaphore_mem>>)
        %dma_wait3A = arith.constant 0 : i32
        %dma_wait3A_70 = arith.constant 0 : i32
        %dma_wait3A_71 = tpu.memref_slice %arg3[%add3A_9, %dma_wait3A, %dma_wait3A_70] : memref<2560x2x128xi32, #tpu.memory_space<hbm>> -> memref<1x2x128xi32, #tpu.memory_space<hbm>>
        %dma_wait3A_72 = tpu.memref_squeeze %dma_wait3A_71 : memref<1x2x128xi32, #tpu.memory_space<hbm>> -> memref<2x128xi32, #tpu.memory_space<hbm>>
        %dma_wait3A_73 = arith.constant 0 : i32
        %dma_wait3A_74 = arith.constant 0 : i32
        %dma_wait3A_75 = tpu.memref_slice %arg3[%add3A_9, %dma_wait3A_73, %dma_wait3A_74] : memref<2560x2x128xi32, #tpu.memory_space<hbm>> -> memref<1x2x128xi32, #tpu.memory_space<hbm>>
        %dma_wait3A_76 = tpu.memref_squeeze %dma_wait3A_75 : memref<1x2x128xi32, #tpu.memory_space<hbm>> -> memref<2x128xi32, #tpu.memory_space<hbm>>
        tpu.wait_dma2 semaphore(%run_scoped3A : memref<!tpu.dma_semaphore, #tpu.memory_space<semaphore_mem>>) src(%dma_wait3A_76 : memref<2x128xi32, #tpu.memory_space<hbm>>) dst(%arg7 : memref<2x128xi32, #tpu.memory_space<vmem>>)
        tpu.yield
      }) : () -> ()
      %dma_start3A = arith.constant 0 : i32
      %dma_start3A_47 = arith.constant 0 : i32
      %dma_start3A_48 = tpu.memref_slice %arg7[%dma_start3A, %dma_start3A_47] : memref<2x128xi32, #tpu.memory_space<vmem>> -> memref<1x128xi32, #tpu.memory_space<vmem>>
      %dma_start3A_49 = tpu.memref_squeeze %dma_start3A_48 : memref<1x128xi32, #tpu.memory_space<vmem>> -> memref<128xi32, #tpu.memory_space<vmem>>
      %dma_start3A_50 = arith.constant 0 : i32
      %dma_start3A_51 = arith.constant 0 : i32
      %dma_start3A_52 = tpu.memref_slice %arg2[%dma_start3A_50, %dma_start3A_51] : memref<20480x128xf32, #tpu.memory_space<hbm>> -> memref<20480x128xf32, #tpu.memory_space<hbm>>
      tpu.enqueue_indirect_dma source(%dma_start3A_52 : memref<20480x128xf32, #tpu.memory_space<hbm>>) target(%arg9 : memref<128x128xf32, #tpu.memory_space<vmem>>) offsets(%dma_start3A_49 : memref<128xi32, #tpu.memory_space<vmem>>) semaphore(%arg11 : memref<!tpu.dma_semaphore, #tpu.memory_space<semaphore_mem>>)
      %add3A_53 = arith.constant 1 : i32
      %add3A_54 = arith.addi %add3A_9, %add3A_53 : i32
      "tpu.region"() ({
        %run_scoped3A = tpu.sem_alloc : memref<!tpu.dma_semaphore, #tpu.memory_space<semaphore_mem>>
        %dma_start3A_62 = arith.constant 0 : i32
        %dma_start3A_63 = arith.constant 0 : i32
        %dma_start3A_64 = tpu.memref_slice %arg3[%add3A_54, %dma_start3A_62, %dma_start3A_63] : memref<2560x2x128xi32, #tpu.memory_space<hbm>> -> memref<1x2x128xi32, #tpu.memory_space<hbm>>
        %dma_start3A_65 = tpu.memref_squeeze %dma_start3A_64 : memref<1x2x128xi32, #tpu.memory_space<hbm>> -> memref<2x128xi32, #tpu.memory_space<hbm>>
        %dma_start3A_66 = arith.constant 0 : i32
        %dma_start3A_67 = arith.constant 0 : i32
        %dma_start3A_68 = tpu.memref_slice %arg3[%add3A_54, %dma_start3A_66, %dma_start3A_67] : memref<2560x2x128xi32, #tpu.memory_space<hbm>> -> memref<1x2x128xi32, #tpu.memory_space<hbm>>
        %dma_start3A_69 = tpu.memref_squeeze %dma_start3A_68 : memref<1x2x128xi32, #tpu.memory_space<hbm>> -> memref<2x128xi32, #tpu.memory_space<hbm>>
        tpu.enqueue_dma source(%dma_start3A_69 : memref<2x128xi32, #tpu.memory_space<hbm>>) target(%arg8 : memref<2x128xi32, #tpu.memory_space<vmem>>) target_semaphore(%run_scoped3A : memref<!tpu.dma_semaphore, #tpu.memory_space<semaphore_mem>>)
        %dma_wait3A = arith.constant 0 : i32
        %dma_wait3A_70 = arith.constant 0 : i32
        %dma_wait3A_71 = tpu.memref_slice %arg3[%add3A_54, %dma_wait3A, %dma_wait3A_70] : memref<2560x2x128xi32, #tpu.memory_space<hbm>> -> memref<1x2x128xi32, #tpu.memory_space<hbm>>
        %dma_wait3A_72 = tpu.memref_squeeze %dma_wait3A_71 : memref<1x2x128xi32, #tpu.memory_space<hbm>> -> memref<2x128xi32, #tpu.memory_space<hbm>>
        %dma_wait3A_73 = arith.constant 0 : i32
        %dma_wait3A_74 = arith.constant 0 : i32
        %dma_wait3A_75 = tpu.memref_slice %arg3[%add3A_54, %dma_wait3A_73, %dma_wait3A_74] : memref<2560x2x128xi32, #tpu.memory_space<hbm>> -> memref<1x2x128xi32, #tpu.memory_space<hbm>>
        %dma_wait3A_76 = tpu.memref_squeeze %dma_wait3A_75 : memref<1x2x128xi32, #tpu.memory_space<hbm>> -> memref<2x128xi32, #tpu.memory_space<hbm>>
        tpu.wait_dma2 semaphore(%run_scoped3A : memref<!tpu.dma_semaphore, #tpu.memory_space<semaphore_mem>>) src(%dma_wait3A_76 : memref<2x128xi32, #tpu.memory_space<hbm>>) dst(%arg8 : memref<2x128xi32, #tpu.memory_space<vmem>>)
        tpu.yield
      }) : () -> ()
      %dma_start3A_55 = arith.constant 0 : i32
      %dma_start3A_56 = arith.constant 0 : i32
      %dma_start3A_57 = tpu.memref_slice %arg8[%dma_start3A_55, %dma_start3A_56] : memref<2x128xi32, #tpu.memory_space<vmem>> -> memref<1x128xi32, #tpu.memory_space<vmem>>
      %dma_start3A_58 = tpu.memref_squeeze %dma_start3A_57 : memref<1x128xi32, #tpu.memory_space<vmem>> -> memref<128xi32, #tpu.memory_space<vmem>>
      %dma_start3A_59 = arith.constant 0 : i32
      %dma_start3A_60 = arith.constant 0 : i32
      %dma_start3A_61 = tpu.memref_slice %arg2[%dma_start3A_59, %dma_start3A_60] : memref<20480x128xf32, #tpu.memory_space<hbm>> -> memref<20480x128xf32, #tpu.memory_space<hbm>>
      tpu.enqueue_indirect_dma source(%dma_start3A_61 : memref<20480x128xf32, #tpu.memory_space<hbm>>) target(%arg10 : memref<128x128xf32, #tpu.memory_space<vmem>>) offsets(%dma_start3A_58 : memref<128xi32, #tpu.memory_space<vmem>>) semaphore(%arg12 : memref<!tpu.dma_semaphore, #tpu.memory_space<semaphore_mem>>)
    } else {
    }
    %barrier3A = arith.constant 0 : index
    tpu.barrier barrier_id(%barrier3A)
    %jit3A = arith.constant 2 : i32
    %div3A = arith.divsi %add3A_4, %jit3A : i32
    %sign3A = arith.constant 0 : i32
    %sign3A_14 = arith.cmpi sgt, %add3A_4, %sign3A : i32
    %sign3A_15 = arith.extui %sign3A_14 : i1 to i32
    %sign3A_16 = arith.constant 0 : i32
    %sign3A_17 = arith.cmpi slt, %add3A_4, %sign3A_16 : i32
    %sign3A_18 = arith.extui %sign3A_17 : i1 to i32
    %sign3A_19 = arith.subi %sign3A_15, %sign3A_18 : i32
    %sign3A_20 = arith.constant 0 : i32
    %sign3A_21 = arith.cmpi sgt, %jit3A, %sign3A_20 : i32
    %sign3A_22 = arith.extui %sign3A_21 : i1 to i32
    %sign3A_23 = arith.constant 0 : i32
    %sign3A_24 = arith.cmpi slt, %jit3A, %sign3A_23 : i32
    %sign3A_25 = arith.extui %sign3A_24 : i1 to i32
    %sign3A_26 = arith.subi %sign3A_22, %sign3A_25 : i32
    %ne3A = arith.cmpi ne, %sign3A_19, %sign3A_26 : i32
    %rem3A = arith.remsi %add3A_4, %jit3A : i32
    %ne3A_27 = arith.constant 0 : i32
    %ne3A_28 = arith.cmpi ne, %rem3A, %ne3A_27 : i32
    %and3A = arith.andi %ne3A, %ne3A_28 : i1
    %sub3A = arith.constant 1 : i32
    %sub3A_29 = arith.subi %div3A, %sub3A : i32
    %select_n3A = arith.select %and3A, %sub3A_29, %div3A : i32
    %while3A = arith.constant 0 : i32
    %while3A_30 = arith.constant 0 : i32
    %while3A_31 = arith.subi %select_n3A, %while3A_30 : i32
    %while3A_32 = arith.addi %while3A_30, %while3A_31 : i32
    %while3A_33 = arith.constant 1 : i32
    %while3A_34 = arith.divsi %while3A_31, %while3A_33 : i32
    %while3A_35 = arith.muli %while3A_34, %while3A_33 : i32
    %while3A_36 = arith.addi %while3A_30, %while3A_35 : i32
    %while3A_37 = arith.constant 1 : i32
    scf.for %while3A_47 = %while3A_30 to %while3A_36 step %while3A_37  : i32 {
      %dma_wait3A = arith.constant 0 : i32
      %dma_wait3A_48 = arith.constant 0 : i32
      %dma_wait3A_49 = tpu.memref_slice %arg7[%dma_wait3A, %dma_wait3A_48] : memref<2x128xi32, #tpu.memory_space<vmem>> -> memref<1x128xi32, #tpu.memory_space<vmem>>
      %dma_wait3A_50 = tpu.memref_squeeze %dma_wait3A_49 : memref<1x128xi32, #tpu.memory_space<vmem>> -> memref<128xi32, #tpu.memory_space<vmem>>
      %dma_wait3A_51 = arith.constant 0 : i32
      %dma_wait3A_52 = arith.constant 0 : i32
      %dma_wait3A_53 = tpu.memref_slice %arg2[%dma_wait3A_51, %dma_wait3A_52] : memref<20480x128xf32, #tpu.memory_space<hbm>> -> memref<20480x128xf32, #tpu.memory_space<hbm>>
      tpu.wait_indirect_dma semaphore(%arg11 : memref<!tpu.dma_semaphore, #tpu.memory_space<semaphore_mem>>) src(%dma_wait3A_53 : memref<20480x128xf32, #tpu.memory_space<hbm>>) dst(%arg9 : memref<128x128xf32, #tpu.memory_space<vmem>>)
      %run_scoped3A = arith.constant 1 : i32
      "tpu.region"() ({
        %run_scoped3A_121 = tpu.sem_alloc : memref<!tpu.dma_semaphore, #tpu.memory_space<semaphore_mem>>
        %dma_start3A = arith.constant 0 : i32
        %dma_start3A_122 = tpu.memref_slice %arg7[%run_scoped3A, %dma_start3A] : memref<2x128xi32, #tpu.memory_space<vmem>> -> memref<1x128xi32, #tpu.memory_space<vmem>>
        %dma_start3A_123 = tpu.memref_squeeze %dma_start3A_122 : memref<1x128xi32, #tpu.memory_space<vmem>> -> memref<128xi32, #tpu.memory_space<vmem>>
        %dma_start3A_124 = arith.constant 0 : i32
        %dma_start3A_125 = arith.constant 0 : i32
        %dma_start3A_126 = tpu.memref_slice %arg6[%dma_start3A_124, %dma_start3A_125] : memref<10240x128xf32, #tpu.memory_space<vmem_shared>> -> memref<10240x128xf32, #tpu.memory_space<vmem_shared>>
        tpu.enqueue_indirect_dma source(%arg9 : memref<128x128xf32, #tpu.memory_space<vmem>>) target(%dma_start3A_126 : memref<10240x128xf32, #tpu.memory_space<vmem_shared>>) offsets(%dma_start3A_123 : memref<128xi32, #tpu.memory_space<vmem>>) semaphore(%run_scoped3A_121 : memref<!tpu.dma_semaphore, #tpu.memory_space<semaphore_mem>>) {add = true}
        %dma_wait3A_127 = arith.constant 0 : i32
        %dma_wait3A_128 = tpu.memref_slice %arg7[%run_scoped3A, %dma_wait3A_127] : memref<2x128xi32, #tpu.memory_space<vmem>> -> memref<1x128xi32, #tpu.memory_space<vmem>>
        %dma_wait3A_129 = tpu.memref_squeeze %dma_wait3A_128 : memref<1x128xi32, #tpu.memory_space<vmem>> -> memref<128xi32, #tpu.memory_space<vmem>>
        %dma_wait3A_130 = arith.constant 0 : i32
        %dma_wait3A_131 = arith.constant 0 : i32
        %dma_wait3A_132 = tpu.memref_slice %arg6[%dma_wait3A_130, %dma_wait3A_131] : memref<10240x128xf32, #tpu.memory_space<vmem_shared>> -> memref<10240x128xf32, #tpu.memory_space<vmem_shared>>
        tpu.wait_indirect_dma semaphore(%run_scoped3A_121 : memref<!tpu.dma_semaphore, #tpu.memory_space<semaphore_mem>>) src(%arg9 : memref<128x128xf32, #tpu.memory_space<vmem>>) dst(%dma_wait3A_132 : memref<10240x128xf32, #tpu.memory_space<vmem_shared>>)
        tpu.yield
      }) : () -> ()
      %jit3A_54 = arith.constant 2 : i32
      %div3A_55 = arith.divsi %add3A_4, %jit3A_54 : i32
      %sign3A_56 = arith.constant 0 : i32
      %sign3A_57 = arith.cmpi sgt, %add3A_4, %sign3A_56 : i32
      %sign3A_58 = arith.extui %sign3A_57 : i1 to i32
      %sign3A_59 = arith.constant 0 : i32
      %sign3A_60 = arith.cmpi slt, %add3A_4, %sign3A_59 : i32
      %sign3A_61 = arith.extui %sign3A_60 : i1 to i32
      %sign3A_62 = arith.subi %sign3A_58, %sign3A_61 : i32
      %sign3A_63 = arith.constant 0 : i32
      %sign3A_64 = arith.cmpi sgt, %jit3A_54, %sign3A_63 : i32
      %sign3A_65 = arith.extui %sign3A_64 : i1 to i32
      %sign3A_66 = arith.constant 0 : i32
      %sign3A_67 = arith.cmpi slt, %jit3A_54, %sign3A_66 : i32
      %sign3A_68 = arith.extui %sign3A_67 : i1 to i32
      %sign3A_69 = arith.subi %sign3A_65, %sign3A_68 : i32
      %ne3A_70 = arith.cmpi ne, %sign3A_62, %sign3A_69 : i32
      %rem3A_71 = arith.remsi %add3A_4, %jit3A_54 : i32
      %ne3A_72 = arith.constant 0 : i32
      %ne3A_73 = arith.cmpi ne, %rem3A_71, %ne3A_72 : i32
      %and3A_74 = arith.andi %ne3A_70, %ne3A_73 : i1
      %sub3A_75 = arith.constant 1 : i32
      %sub3A_76 = arith.subi %div3A_55, %sub3A_75 : i32
      %select_n3A_77 = arith.select %and3A_74, %sub3A_76, %div3A_55 : i32
      %sub3A_78 = arith.constant 1 : i32
      %sub3A_79 = arith.subi %select_n3A_77, %sub3A_78 : i32
      %lt3A = arith.cmpi slt, %while3A_47, %sub3A_79 : i32
      %convert_element_type3A_80 = arith.extui %lt3A : i1 to i32
      %cond3A_81 = arith.constant 0 : i32
      %cond3A_82 = arith.cmpi ne, %convert_element_type3A_80, %cond3A_81 : i32
      scf.if %cond3A_82 {
        %mul3A_121 = arith.constant 2 : i32
        %mul3A_122 = arith.muli %mul3A_121, %while3A_47 : i32
        %add3A_123 = arith.addi %add3A_9, %mul3A_122 : i32
        %add3A_124 = arith.constant 2 : i32
        %add3A_125 = arith.addi %add3A_123, %add3A_124 : i32
        "tpu.region"() ({
          %run_scoped3A_132 = tpu.sem_alloc : memref<!tpu.dma_semaphore, #tpu.memory_space<semaphore_mem>>
          %dma_start3A_133 = arith.constant 0 : i32
          %dma_start3A_134 = arith.constant 0 : i32
          %dma_start3A_135 = tpu.memref_slice %arg3[%add3A_125, %dma_start3A_133, %dma_start3A_134] : memref<2560x2x128xi32, #tpu.memory_space<hbm>> -> memref<1x2x128xi32, #tpu.memory_space<hbm>>
          %dma_start3A_136 = tpu.memref_squeeze %dma_start3A_135 : memref<1x2x128xi32, #tpu.memory_space<hbm>> -> memref<2x128xi32, #tpu.memory_space<hbm>>
          %dma_start3A_137 = arith.constant 0 : i32
          %dma_start3A_138 = arith.constant 0 : i32
          %dma_start3A_139 = tpu.memref_slice %arg3[%add3A_125, %dma_start3A_137, %dma_start3A_138] : memref<2560x2x128xi32, #tpu.memory_space<hbm>> -> memref<1x2x128xi32, #tpu.memory_space<hbm>>
          %dma_start3A_140 = tpu.memref_squeeze %dma_start3A_139 : memref<1x2x128xi32, #tpu.memory_space<hbm>> -> memref<2x128xi32, #tpu.memory_space<hbm>>
          tpu.enqueue_dma source(%dma_start3A_140 : memref<2x128xi32, #tpu.memory_space<hbm>>) target(%arg7 : memref<2x128xi32, #tpu.memory_space<vmem>>) target_semaphore(%run_scoped3A_132 : memref<!tpu.dma_semaphore, #tpu.memory_space<semaphore_mem>>)
          %dma_wait3A_141 = arith.constant 0 : i32
          %dma_wait3A_142 = arith.constant 0 : i32
          %dma_wait3A_143 = tpu.memref_slice %arg3[%add3A_125, %dma_wait3A_141, %dma_wait3A_142] : memref<2560x2x128xi32, #tpu.memory_space<hbm>> -> memref<1x2x128xi32, #tpu.memory_space<hbm>>
          %dma_wait3A_144 = tpu.memref_squeeze %dma_wait3A_143 : memref<1x2x128xi32, #tpu.memory_space<hbm>> -> memref<2x128xi32, #tpu.memory_space<hbm>>
          %dma_wait3A_145 = arith.constant 0 : i32
          %dma_wait3A_146 = arith.constant 0 : i32
          %dma_wait3A_147 = tpu.memref_slice %arg3[%add3A_125, %dma_wait3A_145, %dma_wait3A_146] : memref<2560x2x128xi32, #tpu.memory_space<hbm>> -> memref<1x2x128xi32, #tpu.memory_space<hbm>>
          %dma_wait3A_148 = tpu.memref_squeeze %dma_wait3A_147 : memref<1x2x128xi32, #tpu.memory_space<hbm>> -> memref<2x128xi32, #tpu.memory_space<hbm>>
          tpu.wait_dma2 semaphore(%run_scoped3A_132 : memref<!tpu.dma_semaphore, #tpu.memory_space<semaphore_mem>>) src(%dma_wait3A_148 : memref<2x128xi32, #tpu.memory_space<hbm>>) dst(%arg7 : memref<2x128xi32, #tpu.memory_space<vmem>>)
          tpu.yield
        }) : () -> ()
        %dma_start3A = arith.constant 0 : i32
        %dma_start3A_126 = arith.constant 0 : i32
        %dma_start3A_127 = tpu.memref_slice %arg7[%dma_start3A, %dma_start3A_126] : memref<2x128xi32, #tpu.memory_space<vmem>> -> memref<1x128xi32, #tpu.memory_space<vmem>>
        %dma_start3A_128 = tpu.memref_squeeze %dma_start3A_127 : memref<1x128xi32, #tpu.memory_space<vmem>> -> memref<128xi32, #tpu.memory_space<vmem>>
        %dma_start3A_129 = arith.constant 0 : i32
        %dma_start3A_130 = arith.constant 0 : i32
        %dma_start3A_131 = tpu.memref_slice %arg2[%dma_start3A_129, %dma_start3A_130] : memref<20480x128xf32, #tpu.memory_space<hbm>> -> memref<20480x128xf32, #tpu.memory_space<hbm>>
        tpu.enqueue_indirect_dma source(%dma_start3A_131 : memref<20480x128xf32, #tpu.memory_space<hbm>>) target(%arg9 : memref<128x128xf32, #tpu.memory_space<vmem>>) offsets(%dma_start3A_128 : memref<128xi32, #tpu.memory_space<vmem>>) semaphore(%arg11 : memref<!tpu.dma_semaphore, #tpu.memory_space<semaphore_mem>>)
      } else {
      }
      %dma_wait3A_83 = arith.constant 0 : i32
      %dma_wait3A_84 = arith.constant 0 : i32
      %dma_wait3A_85 = tpu.memref_slice %arg8[%dma_wait3A_83, %dma_wait3A_84] : memref<2x128xi32, #tpu.memory_space<vmem>> -> memref<1x128xi32, #tpu.memory_space<vmem>>
      %dma_wait3A_86 = tpu.memref_squeeze %dma_wait3A_85 : memref<1x128xi32, #tpu.memory_space<vmem>> -> memref<128xi32, #tpu.memory_space<vmem>>
      %dma_wait3A_87 = arith.constant 0 : i32
      %dma_wait3A_88 = arith.constant 0 : i32
      %dma_wait3A_89 = tpu.memref_slice %arg2[%dma_wait3A_87, %dma_wait3A_88] : memref<20480x128xf32, #tpu.memory_space<hbm>> -> memref<20480x128xf32, #tpu.memory_space<hbm>>
      tpu.wait_indirect_dma semaphore(%arg12 : memref<!tpu.dma_semaphore, #tpu.memory_space<semaphore_mem>>) src(%dma_wait3A_89 : memref<20480x128xf32, #tpu.memory_space<hbm>>) dst(%arg10 : memref<128x128xf32, #tpu.memory_space<vmem>>)
      %run_scoped3A_90 = arith.constant 1 : i32
      "tpu.region"() ({
        %run_scoped3A_121 = tpu.sem_alloc : memref<!tpu.dma_semaphore, #tpu.memory_space<semaphore_mem>>
        %dma_start3A = arith.constant 0 : i32
        %dma_start3A_122 = tpu.memref_slice %arg8[%run_scoped3A_90, %dma_start3A] : memref<2x128xi32, #tpu.memory_space<vmem>> -> memref<1x128xi32, #tpu.memory_space<vmem>>
        %dma_start3A_123 = tpu.memref_squeeze %dma_start3A_122 : memref<1x128xi32, #tpu.memory_space<vmem>> -> memref<128xi32, #tpu.memory_space<vmem>>
        %dma_start3A_124 = arith.constant 0 : i32
        %dma_start3A_125 = arith.constant 0 : i32
        %dma_start3A_126 = tpu.memref_slice %arg6[%dma_start3A_124, %dma_start3A_125] : memref<10240x128xf32, #tpu.memory_space<vmem_shared>> -> memref<10240x128xf32, #tpu.memory_space<vmem_shared>>
        tpu.enqueue_indirect_dma source(%arg10 : memref<128x128xf32, #tpu.memory_space<vmem>>) target(%dma_start3A_126 : memref<10240x128xf32, #tpu.memory_space<vmem_shared>>) offsets(%dma_start3A_123 : memref<128xi32, #tpu.memory_space<vmem>>) semaphore(%run_scoped3A_121 : memref<!tpu.dma_semaphore, #tpu.memory_space<semaphore_mem>>) {add = true}
        %dma_wait3A_127 = arith.constant 0 : i32
        %dma_wait3A_128 = tpu.memref_slice %arg8[%run_scoped3A_90, %dma_wait3A_127] : memref<2x128xi32, #tpu.memory_space<vmem>> -> memref<1x128xi32, #tpu.memory_space<vmem>>
        %dma_wait3A_129 = tpu.memref_squeeze %dma_wait3A_128 : memref<1x128xi32, #tpu.memory_space<vmem>> -> memref<128xi32, #tpu.memory_space<vmem>>
        %dma_wait3A_130 = arith.constant 0 : i32
        %dma_wait3A_131 = arith.constant 0 : i32
        %dma_wait3A_132 = tpu.memref_slice %arg6[%dma_wait3A_130, %dma_wait3A_131] : memref<10240x128xf32, #tpu.memory_space<vmem_shared>> -> memref<10240x128xf32, #tpu.memory_space<vmem_shared>>
        tpu.wait_indirect_dma semaphore(%run_scoped3A_121 : memref<!tpu.dma_semaphore, #tpu.memory_space<semaphore_mem>>) src(%arg10 : memref<128x128xf32, #tpu.memory_space<vmem>>) dst(%dma_wait3A_132 : memref<10240x128xf32, #tpu.memory_space<vmem_shared>>)
        tpu.yield
      }) : () -> ()
      %jit3A_91 = arith.constant 2 : i32
      %div3A_92 = arith.divsi %add3A_4, %jit3A_91 : i32
      %sign3A_93 = arith.constant 0 : i32
      %sign3A_94 = arith.cmpi sgt, %add3A_4, %sign3A_93 : i32
      %sign3A_95 = arith.extui %sign3A_94 : i1 to i32
      %sign3A_96 = arith.constant 0 : i32
      %sign3A_97 = arith.cmpi slt, %add3A_4, %sign3A_96 : i32
      %sign3A_98 = arith.extui %sign3A_97 : i1 to i32
      %sign3A_99 = arith.subi %sign3A_95, %sign3A_98 : i32
      %sign3A_100 = arith.constant 0 : i32
      %sign3A_101 = arith.cmpi sgt, %jit3A_91, %sign3A_100 : i32
      %sign3A_102 = arith.extui %sign3A_101 : i1 to i32
      %sign3A_103 = arith.constant 0 : i32
      %sign3A_104 = arith.cmpi slt, %jit3A_91, %sign3A_103 : i32
      %sign3A_105 = arith.extui %sign3A_104 : i1 to i32
      %sign3A_106 = arith.subi %sign3A_102, %sign3A_105 : i32
      %ne3A_107 = arith.cmpi ne, %sign3A_99, %sign3A_106 : i32
      %rem3A_108 = arith.remsi %add3A_4, %jit3A_91 : i32
      %ne3A_109 = arith.constant 0 : i32
      %ne3A_110 = arith.cmpi ne, %rem3A_108, %ne3A_109 : i32
      %and3A_111 = arith.andi %ne3A_107, %ne3A_110 : i1
      %sub3A_112 = arith.constant 1 : i32
      %sub3A_113 = arith.subi %div3A_92, %sub3A_112 : i32
      %select_n3A_114 = arith.select %and3A_111, %sub3A_113, %div3A_92 : i32
      %sub3A_115 = arith.constant 1 : i32
      %sub3A_116 = arith.subi %select_n3A_114, %sub3A_115 : i32
      %lt3A_117 = arith.cmpi slt, %while3A_47, %sub3A_116 : i32
      %convert_element_type3A_118 = arith.extui %lt3A_117 : i1 to i32
      %cond3A_119 = arith.constant 0 : i32
      %cond3A_120 = arith.cmpi ne, %convert_element_type3A_118, %cond3A_119 : i32
      scf.if %cond3A_120 {
        %mul3A_121 = arith.constant 2 : i32
        %mul3A_122 = arith.muli %mul3A_121, %while3A_47 : i32
        %add3A_123 = arith.addi %add3A_9, %mul3A_122 : i32
        %add3A_124 = arith.constant 3 : i32
        %add3A_125 = arith.addi %add3A_123, %add3A_124 : i32
        "tpu.region"() ({
          %run_scoped3A_132 = tpu.sem_alloc : memref<!tpu.dma_semaphore, #tpu.memory_space<semaphore_mem>>
          %dma_start3A_133 = arith.constant 0 : i32
          %dma_start3A_134 = arith.constant 0 : i32
          %dma_start3A_135 = tpu.memref_slice %arg3[%add3A_125, %dma_start3A_133, %dma_start3A_134] : memref<2560x2x128xi32, #tpu.memory_space<hbm>> -> memref<1x2x128xi32, #tpu.memory_space<hbm>>
          %dma_start3A_136 = tpu.memref_squeeze %dma_start3A_135 : memref<1x2x128xi32, #tpu.memory_space<hbm>> -> memref<2x128xi32, #tpu.memory_space<hbm>>
          %dma_start3A_137 = arith.constant 0 : i32
          %dma_start3A_138 = arith.constant 0 : i32
          %dma_start3A_139 = tpu.memref_slice %arg3[%add3A_125, %dma_start3A_137, %dma_start3A_138] : memref<2560x2x128xi32, #tpu.memory_space<hbm>> -> memref<1x2x128xi32, #tpu.memory_space<hbm>>
          %dma_start3A_140 = tpu.memref_squeeze %dma_start3A_139 : memref<1x2x128xi32, #tpu.memory_space<hbm>> -> memref<2x128xi32, #tpu.memory_space<hbm>>
          tpu.enqueue_dma source(%dma_start3A_140 : memref<2x128xi32, #tpu.memory_space<hbm>>) target(%arg8 : memref<2x128xi32, #tpu.memory_space<vmem>>) target_semaphore(%run_scoped3A_132 : memref<!tpu.dma_semaphore, #tpu.memory_space<semaphore_mem>>)
          %dma_wait3A_141 = arith.constant 0 : i32
          %dma_wait3A_142 = arith.constant 0 : i32
          %dma_wait3A_143 = tpu.memref_slice %arg3[%add3A_125, %dma_wait3A_141, %dma_wait3A_142] : memref<2560x2x128xi32, #tpu.memory_space<hbm>> -> memref<1x2x128xi32, #tpu.memory_space<hbm>>
          %dma_wait3A_144 = tpu.memref_squeeze %dma_wait3A_143 : memref<1x2x128xi32, #tpu.memory_space<hbm>> -> memref<2x128xi32, #tpu.memory_space<hbm>>
          %dma_wait3A_145 = arith.constant 0 : i32
          %dma_wait3A_146 = arith.constant 0 : i32
          %dma_wait3A_147 = tpu.memref_slice %arg3[%add3A_125, %dma_wait3A_145, %dma_wait3A_146] : memref<2560x2x128xi32, #tpu.memory_space<hbm>> -> memref<1x2x128xi32, #tpu.memory_space<hbm>>
          %dma_wait3A_148 = tpu.memref_squeeze %dma_wait3A_147 : memref<1x2x128xi32, #tpu.memory_space<hbm>> -> memref<2x128xi32, #tpu.memory_space<hbm>>
          tpu.wait_dma2 semaphore(%run_scoped3A_132 : memref<!tpu.dma_semaphore, #tpu.memory_space<semaphore_mem>>) src(%dma_wait3A_148 : memref<2x128xi32, #tpu.memory_space<hbm>>) dst(%arg8 : memref<2x128xi32, #tpu.memory_space<vmem>>)
          tpu.yield
        }) : () -> ()
        %dma_start3A = arith.constant 0 : i32
        %dma_start3A_126 = arith.constant 0 : i32
        %dma_start3A_127 = tpu.memref_slice %arg8[%dma_start3A, %dma_start3A_126] : memref<2x128xi32, #tpu.memory_space<vmem>> -> memref<1x128xi32, #tpu.memory_space<vmem>>
        %dma_start3A_128 = tpu.memref_squeeze %dma_start3A_127 : memref<1x128xi32, #tpu.memory_space<vmem>> -> memref<128xi32, #tpu.memory_space<vmem>>
        %dma_start3A_129 = arith.constant 0 : i32
        %dma_start3A_130 = arith.constant 0 : i32
        %dma_start3A_131 = tpu.memref_slice %arg2[%dma_start3A_129, %dma_start3A_130] : memref<20480x128xf32, #tpu.memory_space<hbm>> -> memref<20480x128xf32, #tpu.memory_space<hbm>>
        tpu.enqueue_indirect_dma source(%dma_start3A_131 : memref<20480x128xf32, #tpu.memory_space<hbm>>) target(%arg10 : memref<128x128xf32, #tpu.memory_space<vmem>>) offsets(%dma_start3A_128 : memref<128xi32, #tpu.memory_space<vmem>>) semaphore(%arg12 : memref<!tpu.dma_semaphore, #tpu.memory_space<semaphore_mem>>)
      } else {
      }
    }
    %while3A_38 = arith.constant 1 : i32
    scf.for %while3A_47 = %while3A_36 to %while3A_32 step %while3A_38  : i32 {
      %dma_wait3A = arith.constant 0 : i32
      %dma_wait3A_48 = arith.constant 0 : i32
      %dma_wait3A_49 = tpu.memref_slice %arg7[%dma_wait3A, %dma_wait3A_48] : memref<2x128xi32, #tpu.memory_space<vmem>> -> memref<1x128xi32, #tpu.memory_space<vmem>>
      %dma_wait3A_50 = tpu.memref_squeeze %dma_wait3A_49 : memref<1x128xi32, #tpu.memory_space<vmem>> -> memref<128xi32, #tpu.memory_space<vmem>>
      %dma_wait3A_51 = arith.constant 0 : i32
      %dma_wait3A_52 = arith.constant 0 : i32
      %dma_wait3A_53 = tpu.memref_slice %arg2[%dma_wait3A_51, %dma_wait3A_52] : memref<20480x128xf32, #tpu.memory_space<hbm>> -> memref<20480x128xf32, #tpu.memory_space<hbm>>
      tpu.wait_indirect_dma semaphore(%arg11 : memref<!tpu.dma_semaphore, #tpu.memory_space<semaphore_mem>>) src(%dma_wait3A_53 : memref<20480x128xf32, #tpu.memory_space<hbm>>) dst(%arg9 : memref<128x128xf32, #tpu.memory_space<vmem>>)
      %run_scoped3A = arith.constant 1 : i32
      "tpu.region"() ({
        %run_scoped3A_121 = tpu.sem_alloc : memref<!tpu.dma_semaphore, #tpu.memory_space<semaphore_mem>>
        %dma_start3A = arith.constant 0 : i32
        %dma_start3A_122 = tpu.memref_slice %arg7[%run_scoped3A, %dma_start3A] : memref<2x128xi32, #tpu.memory_space<vmem>> -> memref<1x128xi32, #tpu.memory_space<vmem>>
        %dma_start3A_123 = tpu.memref_squeeze %dma_start3A_122 : memref<1x128xi32, #tpu.memory_space<vmem>> -> memref<128xi32, #tpu.memory_space<vmem>>
        %dma_start3A_124 = arith.constant 0 : i32
        %dma_start3A_125 = arith.constant 0 : i32
        %dma_start3A_126 = tpu.memref_slice %arg6[%dma_start3A_124, %dma_start3A_125] : memref<10240x128xf32, #tpu.memory_space<vmem_shared>> -> memref<10240x128xf32, #tpu.memory_space<vmem_shared>>
        tpu.enqueue_indirect_dma source(%arg9 : memref<128x128xf32, #tpu.memory_space<vmem>>) target(%dma_start3A_126 : memref<10240x128xf32, #tpu.memory_space<vmem_shared>>) offsets(%dma_start3A_123 : memref<128xi32, #tpu.memory_space<vmem>>) semaphore(%run_scoped3A_121 : memref<!tpu.dma_semaphore, #tpu.memory_space<semaphore_mem>>) {add = true}
        %dma_wait3A_127 = arith.constant 0 : i32
        %dma_wait3A_128 = tpu.memref_slice %arg7[%run_scoped3A, %dma_wait3A_127] : memref<2x128xi32, #tpu.memory_space<vmem>> -> memref<1x128xi32, #tpu.memory_space<vmem>>
        %dma_wait3A_129 = tpu.memref_squeeze %dma_wait3A_128 : memref<1x128xi32, #tpu.memory_space<vmem>> -> memref<128xi32, #tpu.memory_space<vmem>>
        %dma_wait3A_130 = arith.constant 0 : i32
        %dma_wait3A_131 = arith.constant 0 : i32
        %dma_wait3A_132 = tpu.memref_slice %arg6[%dma_wait3A_130, %dma_wait3A_131] : memref<10240x128xf32, #tpu.memory_space<vmem_shared>> -> memref<10240x128xf32, #tpu.memory_space<vmem_shared>>
        tpu.wait_indirect_dma semaphore(%run_scoped3A_121 : memref<!tpu.dma_semaphore, #tpu.memory_space<semaphore_mem>>) src(%arg9 : memref<128x128xf32, #tpu.memory_space<vmem>>) dst(%dma_wait3A_132 : memref<10240x128xf32, #tpu.memory_space<vmem_shared>>)
        tpu.yield
      }) : () -> ()
      %jit3A_54 = arith.constant 2 : i32
      %div3A_55 = arith.divsi %add3A_4, %jit3A_54 : i32
      %sign3A_56 = arith.constant 0 : i32
      %sign3A_57 = arith.cmpi sgt, %add3A_4, %sign3A_56 : i32
      %sign3A_58 = arith.extui %sign3A_57 : i1 to i32
      %sign3A_59 = arith.constant 0 : i32
      %sign3A_60 = arith.cmpi slt, %add3A_4, %sign3A_59 : i32
      %sign3A_61 = arith.extui %sign3A_60 : i1 to i32
      %sign3A_62 = arith.subi %sign3A_58, %sign3A_61 : i32
      %sign3A_63 = arith.constant 0 : i32
      %sign3A_64 = arith.cmpi sgt, %jit3A_54, %sign3A_63 : i32
      %sign3A_65 = arith.extui %sign3A_64 : i1 to i32
      %sign3A_66 = arith.constant 0 : i32
      %sign3A_67 = arith.cmpi slt, %jit3A_54, %sign3A_66 : i32
      %sign3A_68 = arith.extui %sign3A_67 : i1 to i32
      %sign3A_69 = arith.subi %sign3A_65, %sign3A_68 : i32
      %ne3A_70 = arith.cmpi ne, %sign3A_62, %sign3A_69 : i32
      %rem3A_71 = arith.remsi %add3A_4, %jit3A_54 : i32
      %ne3A_72 = arith.constant 0 : i32
      %ne3A_73 = arith.cmpi ne, %rem3A_71, %ne3A_72 : i32
      %and3A_74 = arith.andi %ne3A_70, %ne3A_73 : i1
      %sub3A_75 = arith.constant 1 : i32
      %sub3A_76 = arith.subi %div3A_55, %sub3A_75 : i32
      %select_n3A_77 = arith.select %and3A_74, %sub3A_76, %div3A_55 : i32
      %sub3A_78 = arith.constant 1 : i32
      %sub3A_79 = arith.subi %select_n3A_77, %sub3A_78 : i32
      %lt3A = arith.cmpi slt, %while3A_47, %sub3A_79 : i32
      %convert_element_type3A_80 = arith.extui %lt3A : i1 to i32
      %cond3A_81 = arith.constant 0 : i32
      %cond3A_82 = arith.cmpi ne, %convert_element_type3A_80, %cond3A_81 : i32
      scf.if %cond3A_82 {
        %mul3A_121 = arith.constant 2 : i32
        %mul3A_122 = arith.muli %mul3A_121, %while3A_47 : i32
        %add3A_123 = arith.addi %add3A_9, %mul3A_122 : i32
        %add3A_124 = arith.constant 2 : i32
        %add3A_125 = arith.addi %add3A_123, %add3A_124 : i32
        "tpu.region"() ({
          %run_scoped3A_132 = tpu.sem_alloc : memref<!tpu.dma_semaphore, #tpu.memory_space<semaphore_mem>>
          %dma_start3A_133 = arith.constant 0 : i32
          %dma_start3A_134 = arith.constant 0 : i32
          %dma_start3A_135 = tpu.memref_slice %arg3[%add3A_125, %dma_start3A_133, %dma_start3A_134] : memref<2560x2x128xi32, #tpu.memory_space<hbm>> -> memref<1x2x128xi32, #tpu.memory_space<hbm>>
          %dma_start3A_136 = tpu.memref_squeeze %dma_start3A_135 : memref<1x2x128xi32, #tpu.memory_space<hbm>> -> memref<2x128xi32, #tpu.memory_space<hbm>>
          %dma_start3A_137 = arith.constant 0 : i32
          %dma_start3A_138 = arith.constant 0 : i32
          %dma_start3A_139 = tpu.memref_slice %arg3[%add3A_125, %dma_start3A_137, %dma_start3A_138] : memref<2560x2x128xi32, #tpu.memory_space<hbm>> -> memref<1x2x128xi32, #tpu.memory_space<hbm>>
          %dma_start3A_140 = tpu.memref_squeeze %dma_start3A_139 : memref<1x2x128xi32, #tpu.memory_space<hbm>> -> memref<2x128xi32, #tpu.memory_space<hbm>>
          tpu.enqueue_dma source(%dma_start3A_140 : memref<2x128xi32, #tpu.memory_space<hbm>>) target(%arg7 : memref<2x128xi32, #tpu.memory_space<vmem>>) target_semaphore(%run_scoped3A_132 : memref<!tpu.dma_semaphore, #tpu.memory_space<semaphore_mem>>)
          %dma_wait3A_141 = arith.constant 0 : i32
          %dma_wait3A_142 = arith.constant 0 : i32
          %dma_wait3A_143 = tpu.memref_slice %arg3[%add3A_125, %dma_wait3A_141, %dma_wait3A_142] : memref<2560x2x128xi32, #tpu.memory_space<hbm>> -> memref<1x2x128xi32, #tpu.memory_space<hbm>>
          %dma_wait3A_144 = tpu.memref_squeeze %dma_wait3A_143 : memref<1x2x128xi32, #tpu.memory_space<hbm>> -> memref<2x128xi32, #tpu.memory_space<hbm>>
          %dma_wait3A_145 = arith.constant 0 : i32
          %dma_wait3A_146 = arith.constant 0 : i32
          %dma_wait3A_147 = tpu.memref_slice %arg3[%add3A_125, %dma_wait3A_145, %dma_wait3A_146] : memref<2560x2x128xi32, #tpu.memory_space<hbm>> -> memref<1x2x128xi32, #tpu.memory_space<hbm>>
          %dma_wait3A_148 = tpu.memref_squeeze %dma_wait3A_147 : memref<1x2x128xi32, #tpu.memory_space<hbm>> -> memref<2x128xi32, #tpu.memory_space<hbm>>
          tpu.wait_dma2 semaphore(%run_scoped3A_132 : memref<!tpu.dma_semaphore, #tpu.memory_space<semaphore_mem>>) src(%dma_wait3A_148 : memref<2x128xi32, #tpu.memory_space<hbm>>) dst(%arg7 : memref<2x128xi32, #tpu.memory_space<vmem>>)
          tpu.yield
        }) : () -> ()
        %dma_start3A = arith.constant 0 : i32
        %dma_start3A_126 = arith.constant 0 : i32
        %dma_start3A_127 = tpu.memref_slice %arg7[%dma_start3A, %dma_start3A_126] : memref<2x128xi32, #tpu.memory_space<vmem>> -> memref<1x128xi32, #tpu.memory_space<vmem>>
        %dma_start3A_128 = tpu.memref_squeeze %dma_start3A_127 : memref<1x128xi32, #tpu.memory_space<vmem>> -> memref<128xi32, #tpu.memory_space<vmem>>
        %dma_start3A_129 = arith.constant 0 : i32
        %dma_start3A_130 = arith.constant 0 : i32
        %dma_start3A_131 = tpu.memref_slice %arg2[%dma_start3A_129, %dma_start3A_130] : memref<20480x128xf32, #tpu.memory_space<hbm>> -> memref<20480x128xf32, #tpu.memory_space<hbm>>
        tpu.enqueue_indirect_dma source(%dma_start3A_131 : memref<20480x128xf32, #tpu.memory_space<hbm>>) target(%arg9 : memref<128x128xf32, #tpu.memory_space<vmem>>) offsets(%dma_start3A_128 : memref<128xi32, #tpu.memory_space<vmem>>) semaphore(%arg11 : memref<!tpu.dma_semaphore, #tpu.memory_space<semaphore_mem>>)
      } else {
      }
      %dma_wait3A_83 = arith.constant 0 : i32
      %dma_wait3A_84 = arith.constant 0 : i32
      %dma_wait3A_85 = tpu.memref_slice %arg8[%dma_wait3A_83, %dma_wait3A_84] : memref<2x128xi32, #tpu.memory_space<vmem>> -> memref<1x128xi32, #tpu.memory_space<vmem>>
      %dma_wait3A_86 = tpu.memref_squeeze %dma_wait3A_85 : memref<1x128xi32, #tpu.memory_space<vmem>> -> memref<128xi32, #tpu.memory_space<vmem>>
      %dma_wait3A_87 = arith.constant 0 : i32
      %dma_wait3A_88 = arith.constant 0 : i32
      %dma_wait3A_89 = tpu.memref_slice %arg2[%dma_wait3A_87, %dma_wait3A_88] : memref<20480x128xf32, #tpu.memory_space<hbm>> -> memref<20480x128xf32, #tpu.memory_space<hbm>>
      tpu.wait_indirect_dma semaphore(%arg12 : memref<!tpu.dma_semaphore, #tpu.memory_space<semaphore_mem>>) src(%dma_wait3A_89 : memref<20480x128xf32, #tpu.memory_space<hbm>>) dst(%arg10 : memref<128x128xf32, #tpu.memory_space<vmem>>)
      %run_scoped3A_90 = arith.constant 1 : i32
      "tpu.region"() ({
        %run_scoped3A_121 = tpu.sem_alloc : memref<!tpu.dma_semaphore, #tpu.memory_space<semaphore_mem>>
        %dma_start3A = arith.constant 0 : i32
        %dma_start3A_122 = tpu.memref_slice %arg8[%run_scoped3A_90, %dma_start3A] : memref<2x128xi32, #tpu.memory_space<vmem>> -> memref<1x128xi32, #tpu.memory_space<vmem>>
        %dma_start3A_123 = tpu.memref_squeeze %dma_start3A_122 : memref<1x128xi32, #tpu.memory_space<vmem>> -> memref<128xi32, #tpu.memory_space<vmem>>
        %dma_start3A_124 = arith.constant 0 : i32
        %dma_start3A_125 = arith.constant 0 : i32
        %dma_start3A_126 = tpu.memref_slice %arg6[%dma_start3A_124, %dma_start3A_125] : memref<10240x128xf32, #tpu.memory_space<vmem_shared>> -> memref<10240x128xf32, #tpu.memory_space<vmem_shared>>
        tpu.enqueue_indirect_dma source(%arg10 : memref<128x128xf32, #tpu.memory_space<vmem>>) target(%dma_start3A_126 : memref<10240x128xf32, #tpu.memory_space<vmem_shared>>) offsets(%dma_start3A_123 : memref<128xi32, #tpu.memory_space<vmem>>) semaphore(%run_scoped3A_121 : memref<!tpu.dma_semaphore, #tpu.memory_space<semaphore_mem>>) {add = true}
        %dma_wait3A_127 = arith.constant 0 : i32
        %dma_wait3A_128 = tpu.memref_slice %arg8[%run_scoped3A_90, %dma_wait3A_127] : memref<2x128xi32, #tpu.memory_space<vmem>> -> memref<1x128xi32, #tpu.memory_space<vmem>>
        %dma_wait3A_129 = tpu.memref_squeeze %dma_wait3A_128 : memref<1x128xi32, #tpu.memory_space<vmem>> -> memref<128xi32, #tpu.memory_space<vmem>>
        %dma_wait3A_130 = arith.constant 0 : i32
        %dma_wait3A_131 = arith.constant 0 : i32
        %dma_wait3A_132 = tpu.memref_slice %arg6[%dma_wait3A_130, %dma_wait3A_131] : memref<10240x128xf32, #tpu.memory_space<vmem_shared>> -> memref<10240x128xf32, #tpu.memory_space<vmem_shared>>
        tpu.wait_indirect_dma semaphore(%run_scoped3A_121 : memref<!tpu.dma_semaphore, #tpu.memory_space<semaphore_mem>>) src(%arg10 : memref<128x128xf32, #tpu.memory_space<vmem>>) dst(%dma_wait3A_132 : memref<10240x128xf32, #tpu.memory_space<vmem_shared>>)
        tpu.yield
      }) : () -> ()
      %jit3A_91 = arith.constant 2 : i32
      %div3A_92 = arith.divsi %add3A_4, %jit3A_91 : i32
      %sign3A_93 = arith.constant 0 : i32
      %sign3A_94 = arith.cmpi sgt, %add3A_4, %sign3A_93 : i32
      %sign3A_95 = arith.extui %sign3A_94 : i1 to i32
      %sign3A_96 = arith.constant 0 : i32
      %sign3A_97 = arith.cmpi slt, %add3A_4, %sign3A_96 : i32
      %sign3A_98 = arith.extui %sign3A_97 : i1 to i32
      %sign3A_99 = arith.subi %sign3A_95, %sign3A_98 : i32
      %sign3A_100 = arith.constant 0 : i32
      %sign3A_101 = arith.cmpi sgt, %jit3A_91, %sign3A_100 : i32
      %sign3A_102 = arith.extui %sign3A_101 : i1 to i32
      %sign3A_103 = arith.constant 0 : i32
      %sign3A_104 = arith.cmpi slt, %jit3A_91, %sign3A_103 : i32
      %sign3A_105 = arith.extui %sign3A_104 : i1 to i32
      %sign3A_106 = arith.subi %sign3A_102, %sign3A_105 : i32
      %ne3A_107 = arith.cmpi ne, %sign3A_99, %sign3A_106 : i32
      %rem3A_108 = arith.remsi %add3A_4, %jit3A_91 : i32
      %ne3A_109 = arith.constant 0 : i32
      %ne3A_110 = arith.cmpi ne, %rem3A_108, %ne3A_109 : i32
      %and3A_111 = arith.andi %ne3A_107, %ne3A_110 : i1
      %sub3A_112 = arith.constant 1 : i32
      %sub3A_113 = arith.subi %div3A_92, %sub3A_112 : i32
      %select_n3A_114 = arith.select %and3A_111, %sub3A_113, %div3A_92 : i32
      %sub3A_115 = arith.constant 1 : i32
      %sub3A_116 = arith.subi %select_n3A_114, %sub3A_115 : i32
      %lt3A_117 = arith.cmpi slt, %while3A_47, %sub3A_116 : i32
      %convert_element_type3A_118 = arith.extui %lt3A_117 : i1 to i32
      %cond3A_119 = arith.constant 0 : i32
      %cond3A_120 = arith.cmpi ne, %convert_element_type3A_118, %cond3A_119 : i32
      scf.if %cond3A_120 {
        %mul3A_121 = arith.constant 2 : i32
        %mul3A_122 = arith.muli %mul3A_121, %while3A_47 : i32
        %add3A_123 = arith.addi %add3A_9, %mul3A_122 : i32
        %add3A_124 = arith.constant 3 : i32
        %add3A_125 = arith.addi %add3A_123, %add3A_124 : i32
        "tpu.region"() ({
          %run_scoped3A_132 = tpu.sem_alloc : memref<!tpu.dma_semaphore, #tpu.memory_space<semaphore_mem>>
          %dma_start3A_133 = arith.constant 0 : i32
          %dma_start3A_134 = arith.constant 0 : i32
          %dma_start3A_135 = tpu.memref_slice %arg3[%add3A_125, %dma_start3A_133, %dma_start3A_134] : memref<2560x2x128xi32, #tpu.memory_space<hbm>> -> memref<1x2x128xi32, #tpu.memory_space<hbm>>
          %dma_start3A_136 = tpu.memref_squeeze %dma_start3A_135 : memref<1x2x128xi32, #tpu.memory_space<hbm>> -> memref<2x128xi32, #tpu.memory_space<hbm>>
          %dma_start3A_137 = arith.constant 0 : i32
          %dma_start3A_138 = arith.constant 0 : i32
          %dma_start3A_139 = tpu.memref_slice %arg3[%add3A_125, %dma_start3A_137, %dma_start3A_138] : memref<2560x2x128xi32, #tpu.memory_space<hbm>> -> memref<1x2x128xi32, #tpu.memory_space<hbm>>
          %dma_start3A_140 = tpu.memref_squeeze %dma_start3A_139 : memref<1x2x128xi32, #tpu.memory_space<hbm>> -> memref<2x128xi32, #tpu.memory_space<hbm>>
          tpu.enqueue_dma source(%dma_start3A_140 : memref<2x128xi32, #tpu.memory_space<hbm>>) target(%arg8 : memref<2x128xi32, #tpu.memory_space<vmem>>) target_semaphore(%run_scoped3A_132 : memref<!tpu.dma_semaphore, #tpu.memory_space<semaphore_mem>>)
          %dma_wait3A_141 = arith.constant 0 : i32
          %dma_wait3A_142 = arith.constant 0 : i32
          %dma_wait3A_143 = tpu.memref_slice %arg3[%add3A_125, %dma_wait3A_141, %dma_wait3A_142] : memref<2560x2x128xi32, #tpu.memory_space<hbm>> -> memref<1x2x128xi32, #tpu.memory_space<hbm>>
          %dma_wait3A_144 = tpu.memref_squeeze %dma_wait3A_143 : memref<1x2x128xi32, #tpu.memory_space<hbm>> -> memref<2x128xi32, #tpu.memory_space<hbm>>
          %dma_wait3A_145 = arith.constant 0 : i32
          %dma_wait3A_146 = arith.constant 0 : i32
          %dma_wait3A_147 = tpu.memref_slice %arg3[%add3A_125, %dma_wait3A_145, %dma_wait3A_146] : memref<2560x2x128xi32, #tpu.memory_space<hbm>> -> memref<1x2x128xi32, #tpu.memory_space<hbm>>
          %dma_wait3A_148 = tpu.memref_squeeze %dma_wait3A_147 : memref<1x2x128xi32, #tpu.memory_space<hbm>> -> memref<2x128xi32, #tpu.memory_space<hbm>>
          tpu.wait_dma2 semaphore(%run_scoped3A_132 : memref<!tpu.dma_semaphore, #tpu.memory_space<semaphore_mem>>) src(%dma_wait3A_148 : memref<2x128xi32, #tpu.memory_space<hbm>>) dst(%arg8 : memref<2x128xi32, #tpu.memory_space<vmem>>)
          tpu.yield
        }) : () -> ()
        %dma_start3A = arith.constant 0 : i32
        %dma_start3A_126 = arith.constant 0 : i32
        %dma_start3A_127 = tpu.memref_slice %arg8[%dma_start3A, %dma_start3A_126] : memref<2x128xi32, #tpu.memory_space<vmem>> -> memref<1x128xi32, #tpu.memory_space<vmem>>
        %dma_start3A_128 = tpu.memref_squeeze %dma_start3A_127 : memref<1x128xi32, #tpu.memory_space<vmem>> -> memref<128xi32, #tpu.memory_space<vmem>>
        %dma_start3A_129 = arith.constant 0 : i32
        %dma_start3A_130 = arith.constant 0 : i32
        %dma_start3A_131 = tpu.memref_slice %arg2[%dma_start3A_129, %dma_start3A_130] : memref<20480x128xf32, #tpu.memory_space<hbm>> -> memref<20480x128xf32, #tpu.memory_space<hbm>>
        tpu.enqueue_indirect_dma source(%dma_start3A_131 : memref<20480x128xf32, #tpu.memory_space<hbm>>) target(%arg10 : memref<128x128xf32, #tpu.memory_space<vmem>>) offsets(%dma_start3A_128 : memref<128xi32, #tpu.memory_space<vmem>>) semaphore(%arg12 : memref<!tpu.dma_semaphore, #tpu.memory_space<semaphore_mem>>)
      } else {
      }
    }
    %barrier3A_39 = arith.constant 0 : index
    tpu.barrier barrier_id(%barrier3A_39)
    %mul3A_40 = arith.constant 640 : i32
    %mul3A_41 = arith.muli %arg1, %mul3A_40 : i32
    %mul3A_42 = arith.constant 10240 : i32
    %mul3A_43 = arith.muli %arg0, %mul3A_42 : i32
    %mul3A_44 = arith.constant 640 : i32
    %mul3A_45 = arith.muli %arg1, %mul3A_44 : i32
    %add3A_46 = arith.addi %mul3A_43, %mul3A_45 : i32
    "tpu.region"() ({
      %run_scoped3A = tpu.sem_alloc : memref<!tpu.dma_semaphore, #tpu.memory_space<semaphore_mem>>
      %dma_start3A = arith.constant 0 : i32
      %dma_start3A_47 = tpu.memref_slice %arg5[%add3A_46, %dma_start3A] : memref<20480x128xf32, #tpu.memory_space<hbm>> -> memref<640x128xf32, #tpu.memory_space<hbm>>
      %dma_start3A_48 = arith.constant 0 : i32
      %dma_start3A_49 = tpu.memref_slice %arg6[%mul3A_41, %dma_start3A_48] : memref<10240x128xf32, #tpu.memory_space<vmem_shared>> -> memref<640x128xf32, #tpu.memory_space<vmem_shared>>
      tpu.enqueue_dma source(%dma_start3A_49 : memref<640x128xf32, #tpu.memory_space<vmem_shared>>) target(%dma_start3A_47 : memref<640x128xf32, #tpu.memory_space<hbm>>) target_semaphore(%run_scoped3A : memref<!tpu.dma_semaphore, #tpu.memory_space<semaphore_mem>>)
      %dma_wait3A = arith.constant 0 : i32
      %dma_wait3A_50 = tpu.memref_slice %arg5[%add3A_46, %dma_wait3A] : memref<20480x128xf32, #tpu.memory_space<hbm>> -> memref<640x128xf32, #tpu.memory_space<hbm>>
      %dma_wait3A_51 = arith.constant 0 : i32
      %dma_wait3A_52 = tpu.memref_slice %arg6[%mul3A_41, %dma_wait3A_51] : memref<10240x128xf32, #tpu.memory_space<vmem_shared>> -> memref<640x128xf32, #tpu.memory_space<vmem_shared>>
      tpu.wait_dma2 semaphore(%run_scoped3A : memref<!tpu.dma_semaphore, #tpu.memory_space<semaphore_mem>>) src(%dma_wait3A_52 : memref<640x128xf32, #tpu.memory_space<vmem_shared>>) dst(%dma_wait3A_50 : memref<640x128xf32, #tpu.memory_space<hbm>>)
      tpu.yield
    }) : () -> ()
    return
  }
}

#map = affine_map<(d0, d1) -> (0, 0)>
#map1 = affine_map<(d0, d1) -> (0, 0, 0)>
module attributes {stable_mosaic.version = 14 : i64} {
  func.func @_scatter_body(%arg0: i32, %arg1: i32, %arg2: memref<20480x128xf32, #tpu.memory_space<hbm>>, %arg3: memref<2560x2x128xi32, #tpu.memory_space<hbm>>, %arg4: memref<640x128xf32, #tpu.memory_space<hbm>>, %arg5: memref<20480x128xf32, #tpu.memory_space<hbm>>, %arg6: memref<10240x128xf32, #tpu.memory_space<vmem_shared>>, %arg7: memref<2x128xi32, #tpu.memory_space<vmem>>, %arg8: memref<2x128xi32, #tpu.memory_space<vmem>>, %arg9: memref<128x128xf32, #tpu.memory_space<vmem>>, %arg10: memref<128x128xf32, #tpu.memory_space<vmem>>, %arg11: memref<!tpu.dma_semaphore, #tpu.memory_space<semaphore_mem>>, %arg12: memref<!tpu.dma_semaphore, #tpu.memory_space<semaphore_mem>>) attributes {dimension_semantics = [#tpu.dimension_semantics<core_parallel>, #tpu.dimension_semantics<subcore_parallel>], iteration_bounds = array<i64: 2, 16>, scalar_prefetch = 0 : i64, scratch_operands = 7 : i64, tpu.core_type = #tpu.core_type<sc_vector_subcore>, window_params = [{transform_indices = #map}, {transform_indices = #map1}, {transform_indices = #map}, {transform_indices = #map}]} {
    %mul3A = arith.constant 2 : i32
    %mul3A_0 = arith.muli %arg1, %mul3A : i32
    %add3A = arith.addi %mul3A_0, %arg0 : i32
    %mul3A_1 = arith.constant 0 : i32
    %mul3A_2 = arith.muli %arg0, %mul3A_1 : i32
    %add3A_3 = arith.constant 80 : i32
    %add3A_4 = arith.addi %add3A_3, %mul3A_2 : i32
    %mul3A_5 = arith.constant 160 : i32
    %mul3A_6 = arith.muli %arg1, %mul3A_5 : i32
    %mul3A_7 = arith.constant 80 : i32
    %mul3A_8 = arith.muli %arg0, %mul3A_7 : i32
    %add3A_9 = arith.addi %mul3A_6, %mul3A_8 : i32
    %mul3A_10 = arith.constant 640 : i32
    %mul3A_11 = arith.muli %arg1, %mul3A_10 : i32
    "tpu.region"() ({
      %run_scoped3A = tpu.sem_alloc : memref<!tpu.dma_semaphore, #tpu.memory_space<semaphore_mem>>
      %dma_start3A = arith.constant 0 : i32
      %dma_start3A_47 = tpu.memref_slice %arg6[%mul3A_11, %dma_start3A] : memref<10240x128xf32, #tpu.memory_space<vmem_shared>> -> memref<640x128xf32, #tpu.memory_space<vmem_shared>>
      tpu.enqueue_dma source(%arg4 : memref<640x128xf32, #tpu.memory_space<hbm>>) target(%dma_start3A_47 : memref<640x128xf32, #tpu.memory_space<vmem_shared>>) target_semaphore(%run_scoped3A : memref<!tpu.dma_semaphore, #tpu.memory_space<semaphore_mem>>)
      %dma_wait3A = arith.constant 0 : i32
      %dma_wait3A_48 = tpu.memref_slice %arg6[%mul3A_11, %dma_wait3A] : memref<10240x128xf32, #tpu.memory_space<vmem_shared>> -> memref<640x128xf32, #tpu.memory_space<vmem_shared>>
      tpu.wait_dma2 semaphore(%run_scoped3A : memref<!tpu.dma_semaphore, #tpu.memory_space<semaphore_mem>>) src(%arg4 : memref<640x128xf32, #tpu.memory_space<hbm>>) dst(%dma_wait3A_48 : memref<640x128xf32, #tpu.memory_space<vmem_shared>>)
      tpu.yield
    }) : () -> ()
    %gt3A = arith.constant 0 : i32
    %gt3A_12 = arith.cmpi sgt, %add3A_4, %gt3A : i32
    %convert_element_type3A = arith.extui %gt3A_12 : i1 to i32
    %cond3A = arith.constant 0 : i32
    %cond3A_13 = arith.cmpi ne, %convert_element_type3A, %cond3A : i32
    scf.if %cond3A_13 {
      "tpu.region"() ({
        %run_scoped3A = tpu.sem_alloc : memref<!tpu.dma_semaphore, #tpu.memory_space<semaphore_mem>>
        %dma_start3A_62 = arith.constant 0 : i32
        %dma_start3A_63 = arith.constant 0 : i32
        %dma_start3A_64 = tpu.memref_slice %arg3[%add3A_9, %dma_start3A_62, %dma_start3A_63] : memref<2560x2x128xi32, #tpu.memory_space<hbm>> -> memref<1x2x128xi32, #tpu.memory_space<hbm>>
        %dma_start3A_65 = tpu.memref_squeeze %dma_start3A_64 : memref<1x2x128xi32, #tpu.memory_space<hbm>> -> memref<2x128xi32, #tpu.memory_space<hbm>>
        %dma_start3A_66 = arith.constant 0 : i32
        %dma_start3A_67 = arith.constant 0 : i32
        %dma_start3A_68 = tpu.memref_slice %arg3[%add3A_9, %dma_start3A_66, %dma_start3A_67] : memref<2560x2x128xi32, #tpu.memory_space<hbm>> -> memref<1x2x128xi32, #tpu.memory_space<hbm>>
        %dma_start3A_69 = tpu.memref_squeeze %dma_start3A_68 : memref<1x2x128xi32, #tpu.memory_space<hbm>> -> memref<2x128xi32, #tpu.memory_space<hbm>>
        tpu.enqueue_dma source(%dma_start3A_69 : memref<2x128xi32, #tpu.memory_space<hbm>>) target(%arg7 : memref<2x128xi32, #tpu.memory_space<vmem>>) target_semaphore(%run_scoped3A : memref<!tpu.dma_semaphore, #tpu.memory_space<semaphore_mem>>)
        %dma_wait3A = arith.constant 0 : i32
        %dma_wait3A_70 = arith.constant 0 : i32
        %dma_wait3A_71 = tpu.memref_slice %arg3[%add3A_9, %dma_wait3A, %dma_wait3A_70] : memref<2560x2x128xi32, #tpu.memory_space<hbm>> -> memref<1x2x128xi32, #tpu.memory_space<hbm>>
        %dma_wait3A_72 = tpu.memref_squeeze %dma_wait3A_71 : memref<1x2x128xi32, #tpu.memory_space<hbm>> -> memref<2x128xi32, #tpu.memory_space<hbm>>
        %dma_wait3A_73 = arith.constant 0 : i32
        %dma_wait3A_74 = arith.constant 0 : i32
        %dma_wait3A_75 = tpu.memref_slice %arg3[%add3A_9, %dma_wait3A_73, %dma_wait3A_74] : memref<2560x2x128xi32, #tpu.memory_space<hbm>> -> memref<1x2x128xi32, #tpu.memory_space<hbm>>
        %dma_wait3A_76 = tpu.memref_squeeze %dma_wait3A_75 : memref<1x2x128xi32, #tpu.memory_space<hbm>> -> memref<2x128xi32, #tpu.memory_space<hbm>>
        tpu.wait_dma2 semaphore(%run_scoped3A : memref<!tpu.dma_semaphore, #tpu.memory_space<semaphore_mem>>) src(%dma_wait3A_76 : memref<2x128xi32, #tpu.memory_space<hbm>>) dst(%arg7 : memref<2x128xi32, #tpu.memory_space<vmem>>)
        tpu.yield
      }) : () -> ()
      %dma_start3A = arith.constant 0 : i32
      %dma_start3A_47 = arith.constant 0 : i32
      %dma_start3A_48 = tpu.memref_slice %arg7[%dma_start3A, %dma_start3A_47] : memref<2x128xi32, #tpu.memory_space<vmem>> -> memref<1x128xi32, #tpu.memory_space<vmem>>
      %dma_start3A_49 = tpu.memref_squeeze %dma_start3A_48 : memref<1x128xi32, #tpu.memory_space<vmem>> -> memref<128xi32, #tpu.memory_space<vmem>>
      %dma_start3A_50 = arith.constant 0 : i32
      %dma_start3A_51 = arith.constant 0 : i32
      %dma_start3A_52 = tpu.memref_slice %arg2[%dma_start3A_50, %dma_start3A_51] : memref<20480x128xf32, #tpu.memory_space<hbm>> -> memref<20480x128xf32, #tpu.memory_space<hbm>>
      tpu.enqueue_indirect_dma source(%dma_start3A_52 : memref<20480x128xf32, #tpu.memory_space<hbm>>) target(%arg9 : memref<128x128xf32, #tpu.memory_space<vmem>>) offsets(%dma_start3A_49 : memref<128xi32, #tpu.memory_space<vmem>>) semaphore(%arg11 : memref<!tpu.dma_semaphore, #tpu.memory_space<semaphore_mem>>)
      %add3A_53 = arith.constant 1 : i32
      %add3A_54 = arith.addi %add3A_9, %add3A_53 : i32
      "tpu.region"() ({
        %run_scoped3A = tpu.sem_alloc : memref<!tpu.dma_semaphore, #tpu.memory_space<semaphore_mem>>
        %dma_start3A_62 = arith.constant 0 : i32
        %dma_start3A_63 = arith.constant 0 : i32
        %dma_start3A_64 = tpu.memref_slice %arg3[%add3A_54, %dma_start3A_62, %dma_start3A_63] : memref<2560x2x128xi32, #tpu.memory_space<hbm>> -> memref<1x2x128xi32, #tpu.memory_space<hbm>>
        %dma_start3A_65 = tpu.memref_squeeze %dma_start3A_64 : memref<1x2x128xi32, #tpu.memory_space<hbm>> -> memref<2x128xi32, #tpu.memory_space<hbm>>
        %dma_start3A_66 = arith.constant 0 : i32
        %dma_start3A_67 = arith.constant 0 : i32
        %dma_start3A_68 = tpu.memref_slice %arg3[%add3A_54, %dma_start3A_66, %dma_start3A_67] : memref<2560x2x128xi32, #tpu.memory_space<hbm>> -> memref<1x2x128xi32, #tpu.memory_space<hbm>>
        %dma_start3A_69 = tpu.memref_squeeze %dma_start3A_68 : memref<1x2x128xi32, #tpu.memory_space<hbm>> -> memref<2x128xi32, #tpu.memory_space<hbm>>
        tpu.enqueue_dma source(%dma_start3A_69 : memref<2x128xi32, #tpu.memory_space<hbm>>) target(%arg8 : memref<2x128xi32, #tpu.memory_space<vmem>>) target_semaphore(%run_scoped3A : memref<!tpu.dma_semaphore, #tpu.memory_space<semaphore_mem>>)
        %dma_wait3A = arith.constant 0 : i32
        %dma_wait3A_70 = arith.constant 0 : i32
        %dma_wait3A_71 = tpu.memref_slice %arg3[%add3A_54, %dma_wait3A, %dma_wait3A_70] : memref<2560x2x128xi32, #tpu.memory_space<hbm>> -> memref<1x2x128xi32, #tpu.memory_space<hbm>>
        %dma_wait3A_72 = tpu.memref_squeeze %dma_wait3A_71 : memref<1x2x128xi32, #tpu.memory_space<hbm>> -> memref<2x128xi32, #tpu.memory_space<hbm>>
        %dma_wait3A_73 = arith.constant 0 : i32
        %dma_wait3A_74 = arith.constant 0 : i32
        %dma_wait3A_75 = tpu.memref_slice %arg3[%add3A_54, %dma_wait3A_73, %dma_wait3A_74] : memref<2560x2x128xi32, #tpu.memory_space<hbm>> -> memref<1x2x128xi32, #tpu.memory_space<hbm>>
        %dma_wait3A_76 = tpu.memref_squeeze %dma_wait3A_75 : memref<1x2x128xi32, #tpu.memory_space<hbm>> -> memref<2x128xi32, #tpu.memory_space<hbm>>
        tpu.wait_dma2 semaphore(%run_scoped3A : memref<!tpu.dma_semaphore, #tpu.memory_space<semaphore_mem>>) src(%dma_wait3A_76 : memref<2x128xi32, #tpu.memory_space<hbm>>) dst(%arg8 : memref<2x128xi32, #tpu.memory_space<vmem>>)
        tpu.yield
      }) : () -> ()
      %dma_start3A_55 = arith.constant 0 : i32
      %dma_start3A_56 = arith.constant 0 : i32
      %dma_start3A_57 = tpu.memref_slice %arg8[%dma_start3A_55, %dma_start3A_56] : memref<2x128xi32, #tpu.memory_space<vmem>> -> memref<1x128xi32, #tpu.memory_space<vmem>>
      %dma_start3A_58 = tpu.memref_squeeze %dma_start3A_57 : memref<1x128xi32, #tpu.memory_space<vmem>> -> memref<128xi32, #tpu.memory_space<vmem>>
      %dma_start3A_59 = arith.constant 0 : i32
      %dma_start3A_60 = arith.constant 0 : i32
      %dma_start3A_61 = tpu.memref_slice %arg2[%dma_start3A_59, %dma_start3A_60] : memref<20480x128xf32, #tpu.memory_space<hbm>> -> memref<20480x128xf32, #tpu.memory_space<hbm>>
      tpu.enqueue_indirect_dma source(%dma_start3A_61 : memref<20480x128xf32, #tpu.memory_space<hbm>>) target(%arg10 : memref<128x128xf32, #tpu.memory_space<vmem>>) offsets(%dma_start3A_58 : memref<128xi32, #tpu.memory_space<vmem>>) semaphore(%arg12 : memref<!tpu.dma_semaphore, #tpu.memory_space<semaphore_mem>>)
    } else {
    }
    %barrier3A = arith.constant 0 : index
    tpu.barrier barrier_id(%barrier3A)
    %jit3A = arith.constant 2 : i32
    %div3A = arith.divsi %add3A_4, %jit3A : i32
    %sign3A = arith.constant 0 : i32
    %sign3A_14 = arith.cmpi sgt, %add3A_4, %sign3A : i32
    %sign3A_15 = arith.extui %sign3A_14 : i1 to i32
    %sign3A_16 = arith.constant 0 : i32
    %sign3A_17 = arith.cmpi slt, %add3A_4, %sign3A_16 : i32
    %sign3A_18 = arith.extui %sign3A_17 : i1 to i32
    %sign3A_19 = arith.subi %sign3A_15, %sign3A_18 : i32
    %sign3A_20 = arith.constant 0 : i32
    %sign3A_21 = arith.cmpi sgt, %jit3A, %sign3A_20 : i32
    %sign3A_22 = arith.extui %sign3A_21 : i1 to i32
    %sign3A_23 = arith.constant 0 : i32
    %sign3A_24 = arith.cmpi slt, %jit3A, %sign3A_23 : i32
    %sign3A_25 = arith.extui %sign3A_24 : i1 to i32
    %sign3A_26 = arith.subi %sign3A_22, %sign3A_25 : i32
    %ne3A = arith.cmpi ne, %sign3A_19, %sign3A_26 : i32
    %rem3A = arith.remsi %add3A_4, %jit3A : i32
    %ne3A_27 = arith.constant 0 : i32
    %ne3A_28 = arith.cmpi ne, %rem3A, %ne3A_27 : i32
    %and3A = arith.andi %ne3A, %ne3A_28 : i1
    %sub3A = arith.constant 1 : i32
    %sub3A_29 = arith.subi %div3A, %sub3A : i32
    %select_n3A = arith.select %and3A, %sub3A_29, %div3A : i32
    %while3A = arith.constant 0 : i32
    %while3A_30 = arith.constant 0 : i32
    %while3A_31 = arith.subi %select_n3A, %while3A_30 : i32
    %while3A_32 = arith.addi %while3A_30, %while3A_31 : i32
    %while3A_33 = arith.constant 1 : i32
    %while3A_34 = arith.divsi %while3A_31, %while3A_33 : i32
    %while3A_35 = arith.muli %while3A_34, %while3A_33 : i32
    %while3A_36 = arith.addi %while3A_30, %while3A_35 : i32
    %while3A_37 = arith.constant 1 : i32
    scf.for %while3A_47 = %while3A_30 to %while3A_36 step %while3A_37  : i32 {
      %dma_wait3A = arith.constant 0 : i32
      %dma_wait3A_48 = arith.constant 0 : i32
      %dma_wait3A_49 = tpu.memref_slice %arg7[%dma_wait3A, %dma_wait3A_48] : memref<2x128xi32, #tpu.memory_space<vmem>> -> memref<1x128xi32, #tpu.memory_space<vmem>>
      %dma_wait3A_50 = tpu.memref_squeeze %dma_wait3A_49 : memref<1x128xi32, #tpu.memory_space<vmem>> -> memref<128xi32, #tpu.memory_space<vmem>>
      %dma_wait3A_51 = arith.constant 0 : i32
      %dma_wait3A_52 = arith.constant 0 : i32
      %dma_wait3A_53 = tpu.memref_slice %arg2[%dma_wait3A_51, %dma_wait3A_52] : memref<20480x128xf32, #tpu.memory_space<hbm>> -> memref<20480x128xf32, #tpu.memory_space<hbm>>
      tpu.wait_indirect_dma semaphore(%arg11 : memref<!tpu.dma_semaphore, #tpu.memory_space<semaphore_mem>>) src(%dma_wait3A_53 : memref<20480x128xf32, #tpu.memory_space<hbm>>) dst(%arg9 : memref<128x128xf32, #tpu.memory_space<vmem>>)
      %run_scoped3A = arith.constant 1 : i32
      "tpu.region"() ({
        %run_scoped3A_121 = tpu.sem_alloc : memref<!tpu.dma_semaphore, #tpu.memory_space<semaphore_mem>>
        %dma_start3A = arith.constant 0 : i32
        %dma_start3A_122 = tpu.memref_slice %arg7[%run_scoped3A, %dma_start3A] : memref<2x128xi32, #tpu.memory_space<vmem>> -> memref<1x128xi32, #tpu.memory_space<vmem>>
        %dma_start3A_123 = tpu.memref_squeeze %dma_start3A_122 : memref<1x128xi32, #tpu.memory_space<vmem>> -> memref<128xi32, #tpu.memory_space<vmem>>
        %dma_start3A_124 = arith.constant 0 : i32
        %dma_start3A_125 = arith.constant 0 : i32
        %dma_start3A_126 = tpu.memref_slice %arg6[%dma_start3A_124, %dma_start3A_125] : memref<10240x128xf32, #tpu.memory_space<vmem_shared>> -> memref<10240x128xf32, #tpu.memory_space<vmem_shared>>
        tpu.enqueue_indirect_dma source(%arg9 : memref<128x128xf32, #tpu.memory_space<vmem>>) target(%dma_start3A_126 : memref<10240x128xf32, #tpu.memory_space<vmem_shared>>) offsets(%dma_start3A_123 : memref<128xi32, #tpu.memory_space<vmem>>) semaphore(%run_scoped3A_121 : memref<!tpu.dma_semaphore, #tpu.memory_space<semaphore_mem>>) {add = true}
        %dma_wait3A_127 = arith.constant 0 : i32
        %dma_wait3A_128 = tpu.memref_slice %arg7[%run_scoped3A, %dma_wait3A_127] : memref<2x128xi32, #tpu.memory_space<vmem>> -> memref<1x128xi32, #tpu.memory_space<vmem>>
        %dma_wait3A_129 = tpu.memref_squeeze %dma_wait3A_128 : memref<1x128xi32, #tpu.memory_space<vmem>> -> memref<128xi32, #tpu.memory_space<vmem>>
        %dma_wait3A_130 = arith.constant 0 : i32
        %dma_wait3A_131 = arith.constant 0 : i32
        %dma_wait3A_132 = tpu.memref_slice %arg6[%dma_wait3A_130, %dma_wait3A_131] : memref<10240x128xf32, #tpu.memory_space<vmem_shared>> -> memref<10240x128xf32, #tpu.memory_space<vmem_shared>>
        tpu.wait_indirect_dma semaphore(%run_scoped3A_121 : memref<!tpu.dma_semaphore, #tpu.memory_space<semaphore_mem>>) src(%arg9 : memref<128x128xf32, #tpu.memory_space<vmem>>) dst(%dma_wait3A_132 : memref<10240x128xf32, #tpu.memory_space<vmem_shared>>)
        tpu.yield
      }) : () -> ()
      %jit3A_54 = arith.constant 2 : i32
      %div3A_55 = arith.divsi %add3A_4, %jit3A_54 : i32
      %sign3A_56 = arith.constant 0 : i32
      %sign3A_57 = arith.cmpi sgt, %add3A_4, %sign3A_56 : i32
      %sign3A_58 = arith.extui %sign3A_57 : i1 to i32
      %sign3A_59 = arith.constant 0 : i32
      %sign3A_60 = arith.cmpi slt, %add3A_4, %sign3A_59 : i32
      %sign3A_61 = arith.extui %sign3A_60 : i1 to i32
      %sign3A_62 = arith.subi %sign3A_58, %sign3A_61 : i32
      %sign3A_63 = arith.constant 0 : i32
      %sign3A_64 = arith.cmpi sgt, %jit3A_54, %sign3A_63 : i32
      %sign3A_65 = arith.extui %sign3A_64 : i1 to i32
      %sign3A_66 = arith.constant 0 : i32
      %sign3A_67 = arith.cmpi slt, %jit3A_54, %sign3A_66 : i32
      %sign3A_68 = arith.extui %sign3A_67 : i1 to i32
      %sign3A_69 = arith.subi %sign3A_65, %sign3A_68 : i32
      %ne3A_70 = arith.cmpi ne, %sign3A_62, %sign3A_69 : i32
      %rem3A_71 = arith.remsi %add3A_4, %jit3A_54 : i32
      %ne3A_72 = arith.constant 0 : i32
      %ne3A_73 = arith.cmpi ne, %rem3A_71, %ne3A_72 : i32
      %and3A_74 = arith.andi %ne3A_70, %ne3A_73 : i1
      %sub3A_75 = arith.constant 1 : i32
      %sub3A_76 = arith.subi %div3A_55, %sub3A_75 : i32
      %select_n3A_77 = arith.select %and3A_74, %sub3A_76, %div3A_55 : i32
      %sub3A_78 = arith.constant 1 : i32
      %sub3A_79 = arith.subi %select_n3A_77, %sub3A_78 : i32
      %lt3A = arith.cmpi slt, %while3A_47, %sub3A_79 : i32
      %convert_element_type3A_80 = arith.extui %lt3A : i1 to i32
      %cond3A_81 = arith.constant 0 : i32
      %cond3A_82 = arith.cmpi ne, %convert_element_type3A_80, %cond3A_81 : i32
      scf.if %cond3A_82 {
        %mul3A_121 = arith.constant 2 : i32
        %mul3A_122 = arith.muli %mul3A_121, %while3A_47 : i32
        %add3A_123 = arith.addi %add3A_9, %mul3A_122 : i32
        %add3A_124 = arith.constant 2 : i32
        %add3A_125 = arith.addi %add3A_123, %add3A_124 : i32
        "tpu.region"() ({
          %run_scoped3A_132 = tpu.sem_alloc : memref<!tpu.dma_semaphore, #tpu.memory_space<semaphore_mem>>
          %dma_start3A_133 = arith.constant 0 : i32
          %dma_start3A_134 = arith.constant 0 : i32
          %dma_start3A_135 = tpu.memref_slice %arg3[%add3A_125, %dma_start3A_133, %dma_start3A_134] : memref<2560x2x128xi32, #tpu.memory_space<hbm>> -> memref<1x2x128xi32, #tpu.memory_space<hbm>>
          %dma_start3A_136 = tpu.memref_squeeze %dma_start3A_135 : memref<1x2x128xi32, #tpu.memory_space<hbm>> -> memref<2x128xi32, #tpu.memory_space<hbm>>
          %dma_start3A_137 = arith.constant 0 : i32
          %dma_start3A_138 = arith.constant 0 : i32
          %dma_start3A_139 = tpu.memref_slice %arg3[%add3A_125, %dma_start3A_137, %dma_start3A_138] : memref<2560x2x128xi32, #tpu.memory_space<hbm>> -> memref<1x2x128xi32, #tpu.memory_space<hbm>>
          %dma_start3A_140 = tpu.memref_squeeze %dma_start3A_139 : memref<1x2x128xi32, #tpu.memory_space<hbm>> -> memref<2x128xi32, #tpu.memory_space<hbm>>
          tpu.enqueue_dma source(%dma_start3A_140 : memref<2x128xi32, #tpu.memory_space<hbm>>) target(%arg7 : memref<2x128xi32, #tpu.memory_space<vmem>>) target_semaphore(%run_scoped3A_132 : memref<!tpu.dma_semaphore, #tpu.memory_space<semaphore_mem>>)
          %dma_wait3A_141 = arith.constant 0 : i32
          %dma_wait3A_142 = arith.constant 0 : i32
          %dma_wait3A_143 = tpu.memref_slice %arg3[%add3A_125, %dma_wait3A_141, %dma_wait3A_142] : memref<2560x2x128xi32, #tpu.memory_space<hbm>> -> memref<1x2x128xi32, #tpu.memory_space<hbm>>
          %dma_wait3A_144 = tpu.memref_squeeze %dma_wait3A_143 : memref<1x2x128xi32, #tpu.memory_space<hbm>> -> memref<2x128xi32, #tpu.memory_space<hbm>>
          %dma_wait3A_145 = arith.constant 0 : i32
          %dma_wait3A_146 = arith.constant 0 : i32
          %dma_wait3A_147 = tpu.memref_slice %arg3[%add3A_125, %dma_wait3A_145, %dma_wait3A_146] : memref<2560x2x128xi32, #tpu.memory_space<hbm>> -> memref<1x2x128xi32, #tpu.memory_space<hbm>>
          %dma_wait3A_148 = tpu.memref_squeeze %dma_wait3A_147 : memref<1x2x128xi32, #tpu.memory_space<hbm>> -> memref<2x128xi32, #tpu.memory_space<hbm>>
          tpu.wait_dma2 semaphore(%run_scoped3A_132 : memref<!tpu.dma_semaphore, #tpu.memory_space<semaphore_mem>>) src(%dma_wait3A_148 : memref<2x128xi32, #tpu.memory_space<hbm>>) dst(%arg7 : memref<2x128xi32, #tpu.memory_space<vmem>>)
          tpu.yield
        }) : () -> ()
        %dma_start3A = arith.constant 0 : i32
        %dma_start3A_126 = arith.constant 0 : i32
        %dma_start3A_127 = tpu.memref_slice %arg7[%dma_start3A, %dma_start3A_126] : memref<2x128xi32, #tpu.memory_space<vmem>> -> memref<1x128xi32, #tpu.memory_space<vmem>>
        %dma_start3A_128 = tpu.memref_squeeze %dma_start3A_127 : memref<1x128xi32, #tpu.memory_space<vmem>> -> memref<128xi32, #tpu.memory_space<vmem>>
        %dma_start3A_129 = arith.constant 0 : i32
        %dma_start3A_130 = arith.constant 0 : i32
        %dma_start3A_131 = tpu.memref_slice %arg2[%dma_start3A_129, %dma_start3A_130] : memref<20480x128xf32, #tpu.memory_space<hbm>> -> memref<20480x128xf32, #tpu.memory_space<hbm>>
        tpu.enqueue_indirect_dma source(%dma_start3A_131 : memref<20480x128xf32, #tpu.memory_space<hbm>>) target(%arg9 : memref<128x128xf32, #tpu.memory_space<vmem>>) offsets(%dma_start3A_128 : memref<128xi32, #tpu.memory_space<vmem>>) semaphore(%arg11 : memref<!tpu.dma_semaphore, #tpu.memory_space<semaphore_mem>>)
      } else {
      }
      %dma_wait3A_83 = arith.constant 0 : i32
      %dma_wait3A_84 = arith.constant 0 : i32
      %dma_wait3A_85 = tpu.memref_slice %arg8[%dma_wait3A_83, %dma_wait3A_84] : memref<2x128xi32, #tpu.memory_space<vmem>> -> memref<1x128xi32, #tpu.memory_space<vmem>>
      %dma_wait3A_86 = tpu.memref_squeeze %dma_wait3A_85 : memref<1x128xi32, #tpu.memory_space<vmem>> -> memref<128xi32, #tpu.memory_space<vmem>>
      %dma_wait3A_87 = arith.constant 0 : i32
      %dma_wait3A_88 = arith.constant 0 : i32
      %dma_wait3A_89 = tpu.memref_slice %arg2[%dma_wait3A_87, %dma_wait3A_88] : memref<20480x128xf32, #tpu.memory_space<hbm>> -> memref<20480x128xf32, #tpu.memory_space<hbm>>
      tpu.wait_indirect_dma semaphore(%arg12 : memref<!tpu.dma_semaphore, #tpu.memory_space<semaphore_mem>>) src(%dma_wait3A_89 : memref<20480x128xf32, #tpu.memory_space<hbm>>) dst(%arg10 : memref<128x128xf32, #tpu.memory_space<vmem>>)
      %run_scoped3A_90 = arith.constant 1 : i32
      "tpu.region"() ({
        %run_scoped3A_121 = tpu.sem_alloc : memref<!tpu.dma_semaphore, #tpu.memory_space<semaphore_mem>>
        %dma_start3A = arith.constant 0 : i32
        %dma_start3A_122 = tpu.memref_slice %arg8[%run_scoped3A_90, %dma_start3A] : memref<2x128xi32, #tpu.memory_space<vmem>> -> memref<1x128xi32, #tpu.memory_space<vmem>>
        %dma_start3A_123 = tpu.memref_squeeze %dma_start3A_122 : memref<1x128xi32, #tpu.memory_space<vmem>> -> memref<128xi32, #tpu.memory_space<vmem>>
        %dma_start3A_124 = arith.constant 0 : i32
        %dma_start3A_125 = arith.constant 0 : i32
        %dma_start3A_126 = tpu.memref_slice %arg6[%dma_start3A_124, %dma_start3A_125] : memref<10240x128xf32, #tpu.memory_space<vmem_shared>> -> memref<10240x128xf32, #tpu.memory_space<vmem_shared>>
        tpu.enqueue_indirect_dma source(%arg10 : memref<128x128xf32, #tpu.memory_space<vmem>>) target(%dma_start3A_126 : memref<10240x128xf32, #tpu.memory_space<vmem_shared>>) offsets(%dma_start3A_123 : memref<128xi32, #tpu.memory_space<vmem>>) semaphore(%run_scoped3A_121 : memref<!tpu.dma_semaphore, #tpu.memory_space<semaphore_mem>>) {add = true}
        %dma_wait3A_127 = arith.constant 0 : i32
        %dma_wait3A_128 = tpu.memref_slice %arg8[%run_scoped3A_90, %dma_wait3A_127] : memref<2x128xi32, #tpu.memory_space<vmem>> -> memref<1x128xi32, #tpu.memory_space<vmem>>
        %dma_wait3A_129 = tpu.memref_squeeze %dma_wait3A_128 : memref<1x128xi32, #tpu.memory_space<vmem>> -> memref<128xi32, #tpu.memory_space<vmem>>
        %dma_wait3A_130 = arith.constant 0 : i32
        %dma_wait3A_131 = arith.constant 0 : i32
        %dma_wait3A_132 = tpu.memref_slice %arg6[%dma_wait3A_130, %dma_wait3A_131] : memref<10240x128xf32, #tpu.memory_space<vmem_shared>> -> memref<10240x128xf32, #tpu.memory_space<vmem_shared>>
        tpu.wait_indirect_dma semaphore(%run_scoped3A_121 : memref<!tpu.dma_semaphore, #tpu.memory_space<semaphore_mem>>) src(%arg10 : memref<128x128xf32, #tpu.memory_space<vmem>>) dst(%dma_wait3A_132 : memref<10240x128xf32, #tpu.memory_space<vmem_shared>>)
        tpu.yield
      }) : () -> ()
      %jit3A_91 = arith.constant 2 : i32
      %div3A_92 = arith.divsi %add3A_4, %jit3A_91 : i32
      %sign3A_93 = arith.constant 0 : i32
      %sign3A_94 = arith.cmpi sgt, %add3A_4, %sign3A_93 : i32
      %sign3A_95 = arith.extui %sign3A_94 : i1 to i32
      %sign3A_96 = arith.constant 0 : i32
      %sign3A_97 = arith.cmpi slt, %add3A_4, %sign3A_96 : i32
      %sign3A_98 = arith.extui %sign3A_97 : i1 to i32
      %sign3A_99 = arith.subi %sign3A_95, %sign3A_98 : i32
      %sign3A_100 = arith.constant 0 : i32
      %sign3A_101 = arith.cmpi sgt, %jit3A_91, %sign3A_100 : i32
      %sign3A_102 = arith.extui %sign3A_101 : i1 to i32
      %sign3A_103 = arith.constant 0 : i32
      %sign3A_104 = arith.cmpi slt, %jit3A_91, %sign3A_103 : i32
      %sign3A_105 = arith.extui %sign3A_104 : i1 to i32
      %sign3A_106 = arith.subi %sign3A_102, %sign3A_105 : i32
      %ne3A_107 = arith.cmpi ne, %sign3A_99, %sign3A_106 : i32
      %rem3A_108 = arith.remsi %add3A_4, %jit3A_91 : i32
      %ne3A_109 = arith.constant 0 : i32
      %ne3A_110 = arith.cmpi ne, %rem3A_108, %ne3A_109 : i32
      %and3A_111 = arith.andi %ne3A_107, %ne3A_110 : i1
      %sub3A_112 = arith.constant 1 : i32
      %sub3A_113 = arith.subi %div3A_92, %sub3A_112 : i32
      %select_n3A_114 = arith.select %and3A_111, %sub3A_113, %div3A_92 : i32
      %sub3A_115 = arith.constant 1 : i32
      %sub3A_116 = arith.subi %select_n3A_114, %sub3A_115 : i32
      %lt3A_117 = arith.cmpi slt, %while3A_47, %sub3A_116 : i32
      %convert_element_type3A_118 = arith.extui %lt3A_117 : i1 to i32
      %cond3A_119 = arith.constant 0 : i32
      %cond3A_120 = arith.cmpi ne, %convert_element_type3A_118, %cond3A_119 : i32
      scf.if %cond3A_120 {
        %mul3A_121 = arith.constant 2 : i32
        %mul3A_122 = arith.muli %mul3A_121, %while3A_47 : i32
        %add3A_123 = arith.addi %add3A_9, %mul3A_122 : i32
        %add3A_124 = arith.constant 3 : i32
        %add3A_125 = arith.addi %add3A_123, %add3A_124 : i32
        "tpu.region"() ({
          %run_scoped3A_132 = tpu.sem_alloc : memref<!tpu.dma_semaphore, #tpu.memory_space<semaphore_mem>>
          %dma_start3A_133 = arith.constant 0 : i32
          %dma_start3A_134 = arith.constant 0 : i32
          %dma_start3A_135 = tpu.memref_slice %arg3[%add3A_125, %dma_start3A_133, %dma_start3A_134] : memref<2560x2x128xi32, #tpu.memory_space<hbm>> -> memref<1x2x128xi32, #tpu.memory_space<hbm>>
          %dma_start3A_136 = tpu.memref_squeeze %dma_start3A_135 : memref<1x2x128xi32, #tpu.memory_space<hbm>> -> memref<2x128xi32, #tpu.memory_space<hbm>>
          %dma_start3A_137 = arith.constant 0 : i32
          %dma_start3A_138 = arith.constant 0 : i32
          %dma_start3A_139 = tpu.memref_slice %arg3[%add3A_125, %dma_start3A_137, %dma_start3A_138] : memref<2560x2x128xi32, #tpu.memory_space<hbm>> -> memref<1x2x128xi32, #tpu.memory_space<hbm>>
          %dma_start3A_140 = tpu.memref_squeeze %dma_start3A_139 : memref<1x2x128xi32, #tpu.memory_space<hbm>> -> memref<2x128xi32, #tpu.memory_space<hbm>>
          tpu.enqueue_dma source(%dma_start3A_140 : memref<2x128xi32, #tpu.memory_space<hbm>>) target(%arg8 : memref<2x128xi32, #tpu.memory_space<vmem>>) target_semaphore(%run_scoped3A_132 : memref<!tpu.dma_semaphore, #tpu.memory_space<semaphore_mem>>)
          %dma_wait3A_141 = arith.constant 0 : i32
          %dma_wait3A_142 = arith.constant 0 : i32
          %dma_wait3A_143 = tpu.memref_slice %arg3[%add3A_125, %dma_wait3A_141, %dma_wait3A_142] : memref<2560x2x128xi32, #tpu.memory_space<hbm>> -> memref<1x2x128xi32, #tpu.memory_space<hbm>>
          %dma_wait3A_144 = tpu.memref_squeeze %dma_wait3A_143 : memref<1x2x128xi32, #tpu.memory_space<hbm>> -> memref<2x128xi32, #tpu.memory_space<hbm>>
          %dma_wait3A_145 = arith.constant 0 : i32
          %dma_wait3A_146 = arith.constant 0 : i32
          %dma_wait3A_147 = tpu.memref_slice %arg3[%add3A_125, %dma_wait3A_145, %dma_wait3A_146] : memref<2560x2x128xi32, #tpu.memory_space<hbm>> -> memref<1x2x128xi32, #tpu.memory_space<hbm>>
          %dma_wait3A_148 = tpu.memref_squeeze %dma_wait3A_147 : memref<1x2x128xi32, #tpu.memory_space<hbm>> -> memref<2x128xi32, #tpu.memory_space<hbm>>
          tpu.wait_dma2 semaphore(%run_scoped3A_132 : memref<!tpu.dma_semaphore, #tpu.memory_space<semaphore_mem>>) src(%dma_wait3A_148 : memref<2x128xi32, #tpu.memory_space<hbm>>) dst(%arg8 : memref<2x128xi32, #tpu.memory_space<vmem>>)
          tpu.yield
        }) : () -> ()
        %dma_start3A = arith.constant 0 : i32
        %dma_start3A_126 = arith.constant 0 : i32
        %dma_start3A_127 = tpu.memref_slice %arg8[%dma_start3A, %dma_start3A_126] : memref<2x128xi32, #tpu.memory_space<vmem>> -> memref<1x128xi32, #tpu.memory_space<vmem>>
        %dma_start3A_128 = tpu.memref_squeeze %dma_start3A_127 : memref<1x128xi32, #tpu.memory_space<vmem>> -> memref<128xi32, #tpu.memory_space<vmem>>
        %dma_start3A_129 = arith.constant 0 : i32
        %dma_start3A_130 = arith.constant 0 : i32
        %dma_start3A_131 = tpu.memref_slice %arg2[%dma_start3A_129, %dma_start3A_130] : memref<20480x128xf32, #tpu.memory_space<hbm>> -> memref<20480x128xf32, #tpu.memory_space<hbm>>
        tpu.enqueue_indirect_dma source(%dma_start3A_131 : memref<20480x128xf32, #tpu.memory_space<hbm>>) target(%arg10 : memref<128x128xf32, #tpu.memory_space<vmem>>) offsets(%dma_start3A_128 : memref<128xi32, #tpu.memory_space<vmem>>) semaphore(%arg12 : memref<!tpu.dma_semaphore, #tpu.memory_space<semaphore_mem>>)
      } else {
      }
    }
    %while3A_38 = arith.constant 1 : i32
    scf.for %while3A_47 = %while3A_36 to %while3A_32 step %while3A_38  : i32 {
      %dma_wait3A = arith.constant 0 : i32
      %dma_wait3A_48 = arith.constant 0 : i32
      %dma_wait3A_49 = tpu.memref_slice %arg7[%dma_wait3A, %dma_wait3A_48] : memref<2x128xi32, #tpu.memory_space<vmem>> -> memref<1x128xi32, #tpu.memory_space<vmem>>
      %dma_wait3A_50 = tpu.memref_squeeze %dma_wait3A_49 : memref<1x128xi32, #tpu.memory_space<vmem>> -> memref<128xi32, #tpu.memory_space<vmem>>
      %dma_wait3A_51 = arith.constant 0 : i32
      %dma_wait3A_52 = arith.constant 0 : i32
      %dma_wait3A_53 = tpu.memref_slice %arg2[%dma_wait3A_51, %dma_wait3A_52] : memref<20480x128xf32, #tpu.memory_space<hbm>> -> memref<20480x128xf32, #tpu.memory_space<hbm>>
      tpu.wait_indirect_dma semaphore(%arg11 : memref<!tpu.dma_semaphore, #tpu.memory_space<semaphore_mem>>) src(%dma_wait3A_53 : memref<20480x128xf32, #tpu.memory_space<hbm>>) dst(%arg9 : memref<128x128xf32, #tpu.memory_space<vmem>>)
      %run_scoped3A = arith.constant 1 : i32
      "tpu.region"() ({
        %run_scoped3A_121 = tpu.sem_alloc : memref<!tpu.dma_semaphore, #tpu.memory_space<semaphore_mem>>
        %dma_start3A = arith.constant 0 : i32
        %dma_start3A_122 = tpu.memref_slice %arg7[%run_scoped3A, %dma_start3A] : memref<2x128xi32, #tpu.memory_space<vmem>> -> memref<1x128xi32, #tpu.memory_space<vmem>>
        %dma_start3A_123 = tpu.memref_squeeze %dma_start3A_122 : memref<1x128xi32, #tpu.memory_space<vmem>> -> memref<128xi32, #tpu.memory_space<vmem>>
        %dma_start3A_124 = arith.constant 0 : i32
        %dma_start3A_125 = arith.constant 0 : i32
        %dma_start3A_126 = tpu.memref_slice %arg6[%dma_start3A_124, %dma_start3A_125] : memref<10240x128xf32, #tpu.memory_space<vmem_shared>> -> memref<10240x128xf32, #tpu.memory_space<vmem_shared>>
        tpu.enqueue_indirect_dma source(%arg9 : memref<128x128xf32, #tpu.memory_space<vmem>>) target(%dma_start3A_126 : memref<10240x128xf32, #tpu.memory_space<vmem_shared>>) offsets(%dma_start3A_123 : memref<128xi32, #tpu.memory_space<vmem>>) semaphore(%run_scoped3A_121 : memref<!tpu.dma_semaphore, #tpu.memory_space<semaphore_mem>>) {add = true}
        %dma_wait3A_127 = arith.constant 0 : i32
        %dma_wait3A_128 = tpu.memref_slice %arg7[%run_scoped3A, %dma_wait3A_127] : memref<2x128xi32, #tpu.memory_space<vmem>> -> memref<1x128xi32, #tpu.memory_space<vmem>>
        %dma_wait3A_129 = tpu.memref_squeeze %dma_wait3A_128 : memref<1x128xi32, #tpu.memory_space<vmem>> -> memref<128xi32, #tpu.memory_space<vmem>>
        %dma_wait3A_130 = arith.constant 0 : i32
        %dma_wait3A_131 = arith.constant 0 : i32
        %dma_wait3A_132 = tpu.memref_slice %arg6[%dma_wait3A_130, %dma_wait3A_131] : memref<10240x128xf32, #tpu.memory_space<vmem_shared>> -> memref<10240x128xf32, #tpu.memory_space<vmem_shared>>
        tpu.wait_indirect_dma semaphore(%run_scoped3A_121 : memref<!tpu.dma_semaphore, #tpu.memory_space<semaphore_mem>>) src(%arg9 : memref<128x128xf32, #tpu.memory_space<vmem>>) dst(%dma_wait3A_132 : memref<10240x128xf32, #tpu.memory_space<vmem_shared>>)
        tpu.yield
      }) : () -> ()
      %jit3A_54 = arith.constant 2 : i32
      %div3A_55 = arith.divsi %add3A_4, %jit3A_54 : i32
      %sign3A_56 = arith.constant 0 : i32
      %sign3A_57 = arith.cmpi sgt, %add3A_4, %sign3A_56 : i32
      %sign3A_58 = arith.extui %sign3A_57 : i1 to i32
      %sign3A_59 = arith.constant 0 : i32
      %sign3A_60 = arith.cmpi slt, %add3A_4, %sign3A_59 : i32
      %sign3A_61 = arith.extui %sign3A_60 : i1 to i32
      %sign3A_62 = arith.subi %sign3A_58, %sign3A_61 : i32
      %sign3A_63 = arith.constant 0 : i32
      %sign3A_64 = arith.cmpi sgt, %jit3A_54, %sign3A_63 : i32
      %sign3A_65 = arith.extui %sign3A_64 : i1 to i32
      %sign3A_66 = arith.constant 0 : i32
      %sign3A_67 = arith.cmpi slt, %jit3A_54, %sign3A_66 : i32
      %sign3A_68 = arith.extui %sign3A_67 : i1 to i32
      %sign3A_69 = arith.subi %sign3A_65, %sign3A_68 : i32
      %ne3A_70 = arith.cmpi ne, %sign3A_62, %sign3A_69 : i32
      %rem3A_71 = arith.remsi %add3A_4, %jit3A_54 : i32
      %ne3A_72 = arith.constant 0 : i32
      %ne3A_73 = arith.cmpi ne, %rem3A_71, %ne3A_72 : i32
      %and3A_74 = arith.andi %ne3A_70, %ne3A_73 : i1
      %sub3A_75 = arith.constant 1 : i32
      %sub3A_76 = arith.subi %div3A_55, %sub3A_75 : i32
      %select_n3A_77 = arith.select %and3A_74, %sub3A_76, %div3A_55 : i32
      %sub3A_78 = arith.constant 1 : i32
      %sub3A_79 = arith.subi %select_n3A_77, %sub3A_78 : i32
      %lt3A = arith.cmpi slt, %while3A_47, %sub3A_79 : i32
      %convert_element_type3A_80 = arith.extui %lt3A : i1 to i32
      %cond3A_81 = arith.constant 0 : i32
      %cond3A_82 = arith.cmpi ne, %convert_element_type3A_80, %cond3A_81 : i32
      scf.if %cond3A_82 {
        %mul3A_121 = arith.constant 2 : i32
        %mul3A_122 = arith.muli %mul3A_121, %while3A_47 : i32
        %add3A_123 = arith.addi %add3A_9, %mul3A_122 : i32
        %add3A_124 = arith.constant 2 : i32
        %add3A_125 = arith.addi %add3A_123, %add3A_124 : i32
        "tpu.region"() ({
          %run_scoped3A_132 = tpu.sem_alloc : memref<!tpu.dma_semaphore, #tpu.memory_space<semaphore_mem>>
          %dma_start3A_133 = arith.constant 0 : i32
          %dma_start3A_134 = arith.constant 0 : i32
          %dma_start3A_135 = tpu.memref_slice %arg3[%add3A_125, %dma_start3A_133, %dma_start3A_134] : memref<2560x2x128xi32, #tpu.memory_space<hbm>> -> memref<1x2x128xi32, #tpu.memory_space<hbm>>
          %dma_start3A_136 = tpu.memref_squeeze %dma_start3A_135 : memref<1x2x128xi32, #tpu.memory_space<hbm>> -> memref<2x128xi32, #tpu.memory_space<hbm>>
          %dma_start3A_137 = arith.constant 0 : i32
          %dma_start3A_138 = arith.constant 0 : i32
          %dma_start3A_139 = tpu.memref_slice %arg3[%add3A_125, %dma_start3A_137, %dma_start3A_138] : memref<2560x2x128xi32, #tpu.memory_space<hbm>> -> memref<1x2x128xi32, #tpu.memory_space<hbm>>
          %dma_start3A_140 = tpu.memref_squeeze %dma_start3A_139 : memref<1x2x128xi32, #tpu.memory_space<hbm>> -> memref<2x128xi32, #tpu.memory_space<hbm>>
          tpu.enqueue_dma source(%dma_start3A_140 : memref<2x128xi32, #tpu.memory_space<hbm>>) target(%arg7 : memref<2x128xi32, #tpu.memory_space<vmem>>) target_semaphore(%run_scoped3A_132 : memref<!tpu.dma_semaphore, #tpu.memory_space<semaphore_mem>>)
          %dma_wait3A_141 = arith.constant 0 : i32
          %dma_wait3A_142 = arith.constant 0 : i32
          %dma_wait3A_143 = tpu.memref_slice %arg3[%add3A_125, %dma_wait3A_141, %dma_wait3A_142] : memref<2560x2x128xi32, #tpu.memory_space<hbm>> -> memref<1x2x128xi32, #tpu.memory_space<hbm>>
          %dma_wait3A_144 = tpu.memref_squeeze %dma_wait3A_143 : memref<1x2x128xi32, #tpu.memory_space<hbm>> -> memref<2x128xi32, #tpu.memory_space<hbm>>
          %dma_wait3A_145 = arith.constant 0 : i32
          %dma_wait3A_146 = arith.constant 0 : i32
          %dma_wait3A_147 = tpu.memref_slice %arg3[%add3A_125, %dma_wait3A_145, %dma_wait3A_146] : memref<2560x2x128xi32, #tpu.memory_space<hbm>> -> memref<1x2x128xi32, #tpu.memory_space<hbm>>
          %dma_wait3A_148 = tpu.memref_squeeze %dma_wait3A_147 : memref<1x2x128xi32, #tpu.memory_space<hbm>> -> memref<2x128xi32, #tpu.memory_space<hbm>>
          tpu.wait_dma2 semaphore(%run_scoped3A_132 : memref<!tpu.dma_semaphore, #tpu.memory_space<semaphore_mem>>) src(%dma_wait3A_148 : memref<2x128xi32, #tpu.memory_space<hbm>>) dst(%arg7 : memref<2x128xi32, #tpu.memory_space<vmem>>)
          tpu.yield
        }) : () -> ()
        %dma_start3A = arith.constant 0 : i32
        %dma_start3A_126 = arith.constant 0 : i32
        %dma_start3A_127 = tpu.memref_slice %arg7[%dma_start3A, %dma_start3A_126] : memref<2x128xi32, #tpu.memory_space<vmem>> -> memref<1x128xi32, #tpu.memory_space<vmem>>
        %dma_start3A_128 = tpu.memref_squeeze %dma_start3A_127 : memref<1x128xi32, #tpu.memory_space<vmem>> -> memref<128xi32, #tpu.memory_space<vmem>>
        %dma_start3A_129 = arith.constant 0 : i32
        %dma_start3A_130 = arith.constant 0 : i32
        %dma_start3A_131 = tpu.memref_slice %arg2[%dma_start3A_129, %dma_start3A_130] : memref<20480x128xf32, #tpu.memory_space<hbm>> -> memref<20480x128xf32, #tpu.memory_space<hbm>>
        tpu.enqueue_indirect_dma source(%dma_start3A_131 : memref<20480x128xf32, #tpu.memory_space<hbm>>) target(%arg9 : memref<128x128xf32, #tpu.memory_space<vmem>>) offsets(%dma_start3A_128 : memref<128xi32, #tpu.memory_space<vmem>>) semaphore(%arg11 : memref<!tpu.dma_semaphore, #tpu.memory_space<semaphore_mem>>)
      } else {
      }
      %dma_wait3A_83 = arith.constant 0 : i32
      %dma_wait3A_84 = arith.constant 0 : i32
      %dma_wait3A_85 = tpu.memref_slice %arg8[%dma_wait3A_83, %dma_wait3A_84] : memref<2x128xi32, #tpu.memory_space<vmem>> -> memref<1x128xi32, #tpu.memory_space<vmem>>
      %dma_wait3A_86 = tpu.memref_squeeze %dma_wait3A_85 : memref<1x128xi32, #tpu.memory_space<vmem>> -> memref<128xi32, #tpu.memory_space<vmem>>
      %dma_wait3A_87 = arith.constant 0 : i32
      %dma_wait3A_88 = arith.constant 0 : i32
      %dma_wait3A_89 = tpu.memref_slice %arg2[%dma_wait3A_87, %dma_wait3A_88] : memref<20480x128xf32, #tpu.memory_space<hbm>> -> memref<20480x128xf32, #tpu.memory_space<hbm>>
      tpu.wait_indirect_dma semaphore(%arg12 : memref<!tpu.dma_semaphore, #tpu.memory_space<semaphore_mem>>) src(%dma_wait3A_89 : memref<20480x128xf32, #tpu.memory_space<hbm>>) dst(%arg10 : memref<128x128xf32, #tpu.memory_space<vmem>>)
      %run_scoped3A_90 = arith.constant 1 : i32
      "tpu.region"() ({
        %run_scoped3A_121 = tpu.sem_alloc : memref<!tpu.dma_semaphore, #tpu.memory_space<semaphore_mem>>
        %dma_start3A = arith.constant 0 : i32
        %dma_start3A_122 = tpu.memref_slice %arg8[%run_scoped3A_90, %dma_start3A] : memref<2x128xi32, #tpu.memory_space<vmem>> -> memref<1x128xi32, #tpu.memory_space<vmem>>
        %dma_start3A_123 = tpu.memref_squeeze %dma_start3A_122 : memref<1x128xi32, #tpu.memory_space<vmem>> -> memref<128xi32, #tpu.memory_space<vmem>>
        %dma_start3A_124 = arith.constant 0 : i32
        %dma_start3A_125 = arith.constant 0 : i32
        %dma_start3A_126 = tpu.memref_slice %arg6[%dma_start3A_124, %dma_start3A_125] : memref<10240x128xf32, #tpu.memory_space<vmem_shared>> -> memref<10240x128xf32, #tpu.memory_space<vmem_shared>>
        tpu.enqueue_indirect_dma source(%arg10 : memref<128x128xf32, #tpu.memory_space<vmem>>) target(%dma_start3A_126 : memref<10240x128xf32, #tpu.memory_space<vmem_shared>>) offsets(%dma_start3A_123 : memref<128xi32, #tpu.memory_space<vmem>>) semaphore(%run_scoped3A_121 : memref<!tpu.dma_semaphore, #tpu.memory_space<semaphore_mem>>) {add = true}
        %dma_wait3A_127 = arith.constant 0 : i32
        %dma_wait3A_128 = tpu.memref_slice %arg8[%run_scoped3A_90, %dma_wait3A_127] : memref<2x128xi32, #tpu.memory_space<vmem>> -> memref<1x128xi32, #tpu.memory_space<vmem>>
        %dma_wait3A_129 = tpu.memref_squeeze %dma_wait3A_128 : memref<1x128xi32, #tpu.memory_space<vmem>> -> memref<128xi32, #tpu.memory_space<vmem>>
        %dma_wait3A_130 = arith.constant 0 : i32
        %dma_wait3A_131 = arith.constant 0 : i32
        %dma_wait3A_132 = tpu.memref_slice %arg6[%dma_wait3A_130, %dma_wait3A_131] : memref<10240x128xf32, #tpu.memory_space<vmem_shared>> -> memref<10240x128xf32, #tpu.memory_space<vmem_shared>>
        tpu.wait_indirect_dma semaphore(%run_scoped3A_121 : memref<!tpu.dma_semaphore, #tpu.memory_space<semaphore_mem>>) src(%arg10 : memref<128x128xf32, #tpu.memory_space<vmem>>) dst(%dma_wait3A_132 : memref<10240x128xf32, #tpu.memory_space<vmem_shared>>)
        tpu.yield
      }) : () -> ()
      %jit3A_91 = arith.constant 2 : i32
      %div3A_92 = arith.divsi %add3A_4, %jit3A_91 : i32
      %sign3A_93 = arith.constant 0 : i32
      %sign3A_94 = arith.cmpi sgt, %add3A_4, %sign3A_93 : i32
      %sign3A_95 = arith.extui %sign3A_94 : i1 to i32
      %sign3A_96 = arith.constant 0 : i32
      %sign3A_97 = arith.cmpi slt, %add3A_4, %sign3A_96 : i32
      %sign3A_98 = arith.extui %sign3A_97 : i1 to i32
      %sign3A_99 = arith.subi %sign3A_95, %sign3A_98 : i32
      %sign3A_100 = arith.constant 0 : i32
      %sign3A_101 = arith.cmpi sgt, %jit3A_91, %sign3A_100 : i32
      %sign3A_102 = arith.extui %sign3A_101 : i1 to i32
      %sign3A_103 = arith.constant 0 : i32
      %sign3A_104 = arith.cmpi slt, %jit3A_91, %sign3A_103 : i32
      %sign3A_105 = arith.extui %sign3A_104 : i1 to i32
      %sign3A_106 = arith.subi %sign3A_102, %sign3A_105 : i32
      %ne3A_107 = arith.cmpi ne, %sign3A_99, %sign3A_106 : i32
      %rem3A_108 = arith.remsi %add3A_4, %jit3A_91 : i32
      %ne3A_109 = arith.constant 0 : i32
      %ne3A_110 = arith.cmpi ne, %rem3A_108, %ne3A_109 : i32
      %and3A_111 = arith.andi %ne3A_107, %ne3A_110 : i1
      %sub3A_112 = arith.constant 1 : i32
      %sub3A_113 = arith.subi %div3A_92, %sub3A_112 : i32
      %select_n3A_114 = arith.select %and3A_111, %sub3A_113, %div3A_92 : i32
      %sub3A_115 = arith.constant 1 : i32
      %sub3A_116 = arith.subi %select_n3A_114, %sub3A_115 : i32
      %lt3A_117 = arith.cmpi slt, %while3A_47, %sub3A_116 : i32
      %convert_element_type3A_118 = arith.extui %lt3A_117 : i1 to i32
      %cond3A_119 = arith.constant 0 : i32
      %cond3A_120 = arith.cmpi ne, %convert_element_type3A_118, %cond3A_119 : i32
      scf.if %cond3A_120 {
        %mul3A_121 = arith.constant 2 : i32
        %mul3A_122 = arith.muli %mul3A_121, %while3A_47 : i32
        %add3A_123 = arith.addi %add3A_9, %mul3A_122 : i32
        %add3A_124 = arith.constant 3 : i32
        %add3A_125 = arith.addi %add3A_123, %add3A_124 : i32
        "tpu.region"() ({
          %run_scoped3A_132 = tpu.sem_alloc : memref<!tpu.dma_semaphore, #tpu.memory_space<semaphore_mem>>
          %dma_start3A_133 = arith.constant 0 : i32
          %dma_start3A_134 = arith.constant 0 : i32
          %dma_start3A_135 = tpu.memref_slice %arg3[%add3A_125, %dma_start3A_133, %dma_start3A_134] : memref<2560x2x128xi32, #tpu.memory_space<hbm>> -> memref<1x2x128xi32, #tpu.memory_space<hbm>>
          %dma_start3A_136 = tpu.memref_squeeze %dma_start3A_135 : memref<1x2x128xi32, #tpu.memory_space<hbm>> -> memref<2x128xi32, #tpu.memory_space<hbm>>
          %dma_start3A_137 = arith.constant 0 : i32
          %dma_start3A_138 = arith.constant 0 : i32
          %dma_start3A_139 = tpu.memref_slice %arg3[%add3A_125, %dma_start3A_137, %dma_start3A_138] : memref<2560x2x128xi32, #tpu.memory_space<hbm>> -> memref<1x2x128xi32, #tpu.memory_space<hbm>>
          %dma_start3A_140 = tpu.memref_squeeze %dma_start3A_139 : memref<1x2x128xi32, #tpu.memory_space<hbm>> -> memref<2x128xi32, #tpu.memory_space<hbm>>
          tpu.enqueue_dma source(%dma_start3A_140 : memref<2x128xi32, #tpu.memory_space<hbm>>) target(%arg8 : memref<2x128xi32, #tpu.memory_space<vmem>>) target_semaphore(%run_scoped3A_132 : memref<!tpu.dma_semaphore, #tpu.memory_space<semaphore_mem>>)
          %dma_wait3A_141 = arith.constant 0 : i32
          %dma_wait3A_142 = arith.constant 0 : i32
          %dma_wait3A_143 = tpu.memref_slice %arg3[%add3A_125, %dma_wait3A_141, %dma_wait3A_142] : memref<2560x2x128xi32, #tpu.memory_space<hbm>> -> memref<1x2x128xi32, #tpu.memory_space<hbm>>
          %dma_wait3A_144 = tpu.memref_squeeze %dma_wait3A_143 : memref<1x2x128xi32, #tpu.memory_space<hbm>> -> memref<2x128xi32, #tpu.memory_space<hbm>>
          %dma_wait3A_145 = arith.constant 0 : i32
          %dma_wait3A_146 = arith.constant 0 : i32
          %dma_wait3A_147 = tpu.memref_slice %arg3[%add3A_125, %dma_wait3A_145, %dma_wait3A_146] : memref<2560x2x128xi32, #tpu.memory_space<hbm>> -> memref<1x2x128xi32, #tpu.memory_space<hbm>>
          %dma_wait3A_148 = tpu.memref_squeeze %dma_wait3A_147 : memref<1x2x128xi32, #tpu.memory_space<hbm>> -> memref<2x128xi32, #tpu.memory_space<hbm>>
          tpu.wait_dma2 semaphore(%run_scoped3A_132 : memref<!tpu.dma_semaphore, #tpu.memory_space<semaphore_mem>>) src(%dma_wait3A_148 : memref<2x128xi32, #tpu.memory_space<hbm>>) dst(%arg8 : memref<2x128xi32, #tpu.memory_space<vmem>>)
          tpu.yield
        }) : () -> ()
        %dma_start3A = arith.constant 0 : i32
        %dma_start3A_126 = arith.constant 0 : i32
        %dma_start3A_127 = tpu.memref_slice %arg8[%dma_start3A, %dma_start3A_126] : memref<2x128xi32, #tpu.memory_space<vmem>> -> memref<1x128xi32, #tpu.memory_space<vmem>>
        %dma_start3A_128 = tpu.memref_squeeze %dma_start3A_127 : memref<1x128xi32, #tpu.memory_space<vmem>> -> memref<128xi32, #tpu.memory_space<vmem>>
        %dma_start3A_129 = arith.constant 0 : i32
        %dma_start3A_130 = arith.constant 0 : i32
        %dma_start3A_131 = tpu.memref_slice %arg2[%dma_start3A_129, %dma_start3A_130] : memref<20480x128xf32, #tpu.memory_space<hbm>> -> memref<20480x128xf32, #tpu.memory_space<hbm>>
        tpu.enqueue_indirect_dma source(%dma_start3A_131 : memref<20480x128xf32, #tpu.memory_space<hbm>>) target(%arg10 : memref<128x128xf32, #tpu.memory_space<vmem>>) offsets(%dma_start3A_128 : memref<128xi32, #tpu.memory_space<vmem>>) semaphore(%arg12 : memref<!tpu.dma_semaphore, #tpu.memory_space<semaphore_mem>>)
      } else {
      }
    }
    %barrier3A_39 = arith.constant 0 : index
    tpu.barrier barrier_id(%barrier3A_39)
    %mul3A_40 = arith.constant 640 : i32
    %mul3A_41 = arith.muli %arg1, %mul3A_40 : i32
    %mul3A_42 = arith.constant 10240 : i32
    %mul3A_43 = arith.muli %arg0, %mul3A_42 : i32
    %mul3A_44 = arith.constant 640 : i32
    %mul3A_45 = arith.muli %arg1, %mul3A_44 : i32
    %add3A_46 = arith.addi %mul3A_43, %mul3A_45 : i32
    "tpu.region"() ({
      %run_scoped3A = tpu.sem_alloc : memref<!tpu.dma_semaphore, #tpu.memory_space<semaphore_mem>>
      %dma_start3A = arith.constant 0 : i32
      %dma_start3A_47 = tpu.memref_slice %arg5[%add3A_46, %dma_start3A] : memref<20480x128xf32, #tpu.memory_space<hbm>> -> memref<640x128xf32, #tpu.memory_space<hbm>>
      %dma_start3A_48 = arith.constant 0 : i32
      %dma_start3A_49 = tpu.memref_slice %arg6[%mul3A_41, %dma_start3A_48] : memref<10240x128xf32, #tpu.memory_space<vmem_shared>> -> memref<640x128xf32, #tpu.memory_space<vmem_shared>>
      tpu.enqueue_dma source(%dma_start3A_49 : memref<640x128xf32, #tpu.memory_space<vmem_shared>>) target(%dma_start3A_47 : memref<640x128xf32, #tpu.memory_space<hbm>>) target_semaphore(%run_scoped3A : memref<!tpu.dma_semaphore, #tpu.memory_space<semaphore_mem>>)
      %dma_wait3A = arith.constant 0 : i32
      %dma_wait3A_50 = tpu.memref_slice %arg5[%add3A_46, %dma_wait3A] : memref<20480x128xf32, #tpu.memory_space<hbm>> -> memref<640x128xf32, #tpu.memory_space<hbm>>
      %dma_wait3A_51 = arith.constant 0 : i32
      %dma_wait3A_52 = tpu.memref_slice %arg6[%mul3A_41, %dma_wait3A_51] : memref<10240x128xf32, #tpu.memory_space<vmem_shared>> -> memref<640x128xf32, #tpu.memory_space<vmem_shared>>
      tpu.wait_dma2 semaphore(%run_scoped3A : memref<!tpu.dma_semaphore, #tpu.memory_space<semaphore_mem>>) src(%dma_wait3A_52 : memref<640x128xf32, #tpu.memory_space<vmem_shared>>) dst(%dma_wait3A_50 : memref<640x128xf32, #tpu.memory_space<hbm>>)
      tpu.yield
    }) : () -> ()
    return
  }
}

module attributes {stable_mosaic.version = 14 : i64} {
  func.func @_input_body(%arg0: i32, %arg1: memref<512x128xf32, #tpu.memory_space<vmem>>, %arg2: memref<128x128xf32, #tpu.memory_space<vmem>>, %arg3: memref<1x128xf32, #tpu.memory_space<vmem>>, %arg4: memref<512x128xf32, #tpu.memory_space<vmem>>, %arg5: memref<512x128xf32, #tpu.memory_space<vmem>>, %arg6: memref<512x128xf32, #tpu.memory_space<vmem>>, %arg7: memref<512x128xf32, #tpu.memory_space<vmem>>, %arg8: memref<512x128xf32, #tpu.memory_space<vmem>>) attributes {dimension_semantics = [#tpu.dimension_semantics<arbitrary>], iteration_bounds = array<i64: 20>, scalar_prefetch = 0 : i64, scratch_operands = 0 : i64, tpu.core_type = #tpu.core_type<tc>, window_params = [{transform_indices = @transform_0, window_bounds = array<i64: 512, 128>}, {pipeline_mode = #tpu.pipeline_mode<synchronous>, transform_indices = @transform_1, window_bounds = array<i64: 128, 128>}, {pipeline_mode = #tpu.pipeline_mode<synchronous>, transform_indices = @transform_2, window_bounds = array<i64: 1, 128>}, {transform_indices = @transform_3, window_bounds = array<i64: 512, 128>}, {transform_indices = @transform_4, window_bounds = array<i64: 512, 128>}, {transform_indices = @transform_5, window_bounds = array<i64: 512, 128>}, {transform_indices = @transform_6, window_bounds = array<i64: 512, 128>}, {transform_indices = @transform_7, window_bounds = array<i64: 512, 128>}]} {
    %get3A = arith.constant 0 : index
    %get3A_0 = arith.constant 0 : index
    %get3A_1 = vector.load %arg1[%get3A, %get3A_0] : memref<512x128xf32, #tpu.memory_space<vmem>>, vector<512x128xf32>
    %get3A_2 = arith.constant 0 : index
    %get3A_3 = arith.constant 0 : index
    %get3A_4 = vector.load %arg2[%get3A_2, %get3A_3] : memref<128x128xf32, #tpu.memory_space<vmem>>, vector<128x128xf32>
    %dot_general3A = arith.constant dense<0.000000e+00> : vector<512x128xf32>
    %dot_general3A_5 = tpu.matmul %get3A_1, %get3A_4, %dot_general3A {dimension_numbers = #tpu.dot_dimension_numbers<[1], [0], [0], [1], [0, 0, 1, 1], [], []>, transpose_lhs_hint = false} : vector<512x128xf32>, vector<128x128xf32>, vector<512x128xf32> -> vector<512x128xf32>
    %get3A_6 = arith.constant 0 : index
    %get3A_7 = arith.constant 0 : index
    %get3A_8 = vector.load %arg3[%get3A_6, %get3A_7] : memref<1x128xf32, #tpu.memory_space<vmem>>, vector<1x128xf32>
    %add3A = vector.broadcast %get3A_8 : vector<1x128xf32> to vector<512x128xf32>
    %add3A_9 = arith.addf %dot_general3A_5, %add3A : vector<512x128xf32>
    %max3A = arith.constant 0.000000e+00 : f32
    %max3A_10 = vector.broadcast %max3A : f32 to vector<512x128xf32>
    %max3A_11 = arith.maximumf %add3A_9, %max3A_10 : vector<512x128xf32>
    %get3A_12 = arith.constant 0 : index
    %get3A_13 = arith.constant 0 : index
    %get3A_14 = vector.load %arg4[%get3A_12, %get3A_13] : memref<512x128xf32, #tpu.memory_space<vmem>>, vector<512x1xf32>
    %get3A_15 = arith.constant 0 : index
    %get3A_16 = arith.constant 0 : index
    %get3A_17 = vector.load %arg5[%get3A_15, %get3A_16] : memref<512x128xf32, #tpu.memory_space<vmem>>, vector<512x1xf32>
    %add3A_18 = arith.addf %get3A_14, %get3A_17 : vector<512x1xf32>
    %add3A_19 = arith.constant 1.000000e+00 : f32
    %add3A_20 = vector.broadcast %add3A_19 : f32 to vector<512x1xf32>
    %add3A_21 = arith.addf %add3A_18, %add3A_20 : vector<512x1xf32>
    %rsqrt3A = math.rsqrt %add3A_21 : vector<512x1xf32>
    %broadcast_in_dim3A = vector.shape_cast %rsqrt3A : vector<512x1xf32> to vector<512x1xf32>
    %broadcast_in_dim3A_22 = vector.broadcast %broadcast_in_dim3A : vector<512x1xf32> to vector<512x128xf32>
    %swap3A = arith.constant 0 : index
    %swap3A_23 = arith.constant 0 : index
    %swap3A_24 = vector.load %arg6[%swap3A, %swap3A_23] : memref<512x128xf32, #tpu.memory_space<vmem>>, vector<512x128xf32>
    tpu.vector_store %arg6[%swap3A, %swap3A_23], %max3A_11 {strides = array<i32>} : memref<512x128xf32, #tpu.memory_space<vmem>>, vector<512x128xf32>,
    %mul3A = arith.mulf %broadcast_in_dim3A_22, %max3A_11 : vector<512x128xf32>
    %swap3A_25 = arith.constant 0 : index
    %swap3A_26 = arith.constant 0 : index
    %swap3A_27 = vector.load %arg7[%swap3A_25, %swap3A_26] : memref<512x128xf32, #tpu.memory_space<vmem>>, vector<512x128xf32>
    tpu.vector_store %arg7[%swap3A_25, %swap3A_26], %mul3A {strides = array<i32>} : memref<512x128xf32, #tpu.memory_space<vmem>>, vector<512x128xf32>,
    %swap3A_28 = arith.constant 0 : index
    %swap3A_29 = arith.constant 0 : index
    %swap3A_30 = vector.load %arg8[%swap3A_28, %swap3A_29] : memref<512x128xf32, #tpu.memory_space<vmem>>, vector<512x128xf32>
    tpu.vector_store %arg8[%swap3A_28, %swap3A_29], %broadcast_in_dim3A_22 {strides = array<i32>} : memref<512x128xf32, #tpu.memory_space<vmem>>, vector<512x128xf32>,
    return
  }
  func.func @transform_0(%arg0: i32) -> (i32, i32) {
    %c0_i32 = arith.constant 0 : i32
    %c0_i32_0 = arith.constant 0 : i32
    return %arg0, %c0_i32 : i32, i32
  }
  func.func @transform_1(%arg0: i32) -> (i32, i32) {
    %c0_i32 = arith.constant 0 : i32
    %c0_i32_0 = arith.constant 0 : i32
    %c0_i32_1 = arith.constant 0 : i32
    return %c0_i32, %c0_i32_0 : i32, i32
  }
  func.func @transform_2(%arg0: i32) -> (i32, i32) {
    %c0_i32 = arith.constant 0 : i32
    %c0_i32_0 = arith.constant 0 : i32
    %c0_i32_1 = arith.constant 0 : i32
    return %c0_i32, %c0_i32_0 : i32, i32
  }
  func.func @transform_3(%arg0: i32) -> (i32, i32) {
    %c0_i32 = arith.constant 0 : i32
    %c0_i32_0 = arith.constant 0 : i32
    return %arg0, %c0_i32 : i32, i32
  }
  func.func @transform_4(%arg0: i32) -> (i32, i32) {
    %add3A = arith.constant 20 : i32
    %add3A_0 = arith.addi %arg0, %add3A : i32
    %c0_i32 = arith.constant 0 : i32
    %c0_i32_1 = arith.constant 0 : i32
    return %add3A_0, %c0_i32 : i32, i32
  }
  func.func @transform_5(%arg0: i32) -> (i32, i32) {
    %c0_i32 = arith.constant 0 : i32
    %c0_i32_0 = arith.constant 0 : i32
    return %arg0, %c0_i32 : i32, i32
  }
  func.func @transform_6(%arg0: i32) -> (i32, i32) {
    %c0_i32 = arith.constant 0 : i32
    %c0_i32_0 = arith.constant 0 : i32
    return %arg0, %c0_i32 : i32, i32
  }
  func.func @transform_7(%arg0: i32) -> (i32, i32) {
    %c0_i32 = arith.constant 0 : i32
    %c0_i32_0 = arith.constant 0 : i32
    return %arg0, %c0_i32 : i32, i32
  }
}

module attributes {stable_mosaic.version = 14 : i64} {
  func.func @_combine_body(%arg0: i32, %arg1: memref<512x128xf32, #tpu.memory_space<vmem>>, %arg2: memref<512x128xf32, #tpu.memory_space<vmem>>, %arg3: memref<512x128xf32, #tpu.memory_space<vmem>>, %arg4: memref<512x128xf32, #tpu.memory_space<vmem>>, %arg5: memref<512x128xf32, #tpu.memory_space<vmem>>, %arg6: memref<512x128xf32, #tpu.memory_space<vmem>>, %arg7: memref<128x128xf32, #tpu.memory_space<vmem>>, %arg8: memref<1x128xf32, #tpu.memory_space<vmem>>, %arg9: memref<512x128xf32, #tpu.memory_space<vmem>>, %arg10: memref<512x128xf32, #tpu.memory_space<vmem>>) attributes {dimension_semantics = [#tpu.dimension_semantics<arbitrary>], iteration_bounds = array<i64: 20>, scalar_prefetch = 0 : i64, scratch_operands = 0 : i64, tpu.core_type = #tpu.core_type<tc>, window_params = [{transform_indices = @transform_0, window_bounds = array<i64: 512, 128>}, {transform_indices = @transform_1, window_bounds = array<i64: 512, 128>}, {transform_indices = @transform_2, window_bounds = array<i64: 512, 128>}, {transform_indices = @transform_3, window_bounds = array<i64: 512, 128>}, {transform_indices = @transform_4, window_bounds = array<i64: 512, 128>}, {transform_indices = @transform_5, window_bounds = array<i64: 512, 128>}, {pipeline_mode = #tpu.pipeline_mode<synchronous>, transform_indices = @transform_6, window_bounds = array<i64: 128, 128>}, {pipeline_mode = #tpu.pipeline_mode<synchronous>, transform_indices = @transform_7, window_bounds = array<i64: 1, 128>}, {transform_indices = @transform_8, window_bounds = array<i64: 512, 128>}, {transform_indices = @transform_9, window_bounds = array<i64: 512, 128>}]} {
    %get3A = arith.constant 0 : index
    %get3A_0 = arith.constant 0 : index
    %get3A_1 = vector.load %arg6[%get3A, %get3A_0] : memref<512x128xf32, #tpu.memory_space<vmem>>, vector<512x128xf32>
    %get3A_2 = arith.constant 0 : index
    %get3A_3 = arith.constant 0 : index
    %get3A_4 = vector.load %arg1[%get3A_2, %get3A_3] : memref<512x128xf32, #tpu.memory_space<vmem>>, vector<512x128xf32>
    %get3A_5 = arith.constant 0 : index
    %get3A_6 = arith.constant 0 : index
    %get3A_7 = vector.load %arg2[%get3A_5, %get3A_6] : memref<512x128xf32, #tpu.memory_space<vmem>>, vector<512x128xf32>
    %add3A = arith.addf %get3A_4, %get3A_7 : vector<512x128xf32>
    %get3A_8 = arith.constant 0 : index
    %get3A_9 = arith.constant 0 : index
    %get3A_10 = vector.load %arg3[%get3A_8, %get3A_9] : memref<512x128xf32, #tpu.memory_space<vmem>>, vector<512x128xf32>
    %add3A_11 = arith.addf %add3A, %get3A_10 : vector<512x128xf32>
    %mul3A = arith.mulf %get3A_1, %add3A_11 : vector<512x128xf32>
    %mul3A_12 = arith.constant 8.000000e-01 : f32
    %mul3A_13 = vector.broadcast %mul3A_12 : f32 to vector<512x128xf32>
    %mul3A_14 = arith.mulf %mul3A_13, %mul3A : vector<512x128xf32>
    %get3A_15 = arith.constant 0 : index
    %get3A_16 = arith.constant 0 : index
    %get3A_17 = vector.load %arg4[%get3A_15, %get3A_16] : memref<512x128xf32, #tpu.memory_space<vmem>>, vector<512x128xf32>
    %mul3A_18 = arith.constant 1.000000e-01 : f32
    %mul3A_19 = vector.broadcast %mul3A_18 : f32 to vector<512x128xf32>
    %mul3A_20 = arith.mulf %mul3A_19, %get3A_17 : vector<512x128xf32>
    %add3A_21 = arith.addf %mul3A_14, %mul3A_20 : vector<512x128xf32>
    %get3A_22 = arith.constant 0 : index
    %get3A_23 = arith.constant 0 : index
    %get3A_24 = vector.load %arg5[%get3A_22, %get3A_23] : memref<512x128xf32, #tpu.memory_space<vmem>>, vector<512x128xf32>
    %mul3A_25 = arith.constant 1.000000e-01 : f32
    %mul3A_26 = vector.broadcast %mul3A_25 : f32 to vector<512x128xf32>
    %mul3A_27 = arith.mulf %mul3A_26, %get3A_24 : vector<512x128xf32>
    %add3A_28 = arith.addf %add3A_21, %mul3A_27 : vector<512x128xf32>
    %get3A_29 = arith.constant 0 : index
    %get3A_30 = arith.constant 0 : index
    %get3A_31 = vector.load %arg7[%get3A_29, %get3A_30] : memref<128x128xf32, #tpu.memory_space<vmem>>, vector<128x128xf32>
    %dot_general3A = arith.constant dense<0.000000e+00> : vector<512x128xf32>
    %dot_general3A_32 = tpu.matmul %add3A_28, %get3A_31, %dot_general3A {dimension_numbers = #tpu.dot_dimension_numbers<[1], [0], [0], [1], [0, 0, 1, 1], [], []>, transpose_lhs_hint = false} : vector<512x128xf32>, vector<128x128xf32>, vector<512x128xf32> -> vector<512x128xf32>
    %get3A_33 = arith.constant 0 : index
    %get3A_34 = arith.constant 0 : index
    %get3A_35 = vector.load %arg8[%get3A_33, %get3A_34] : memref<1x128xf32, #tpu.memory_space<vmem>>, vector<1x128xf32>
    %sub3A = vector.broadcast %get3A_35 : vector<1x128xf32> to vector<512x128xf32>
    %sub3A_36 = arith.subf %dot_general3A_32, %sub3A : vector<512x128xf32>
    %max3A = arith.constant 0.000000e+00 : f32
    %max3A_37 = vector.broadcast %max3A : f32 to vector<512x128xf32>
    %max3A_38 = arith.maximumf %sub3A_36, %max3A_37 : vector<512x128xf32>
    %add3A_39 = vector.broadcast %get3A_35 : vector<1x128xf32> to vector<512x128xf32>
    %add3A_40 = arith.addf %max3A_38, %add3A_39 : vector<512x128xf32>
    %swap3A = arith.constant 0 : index
    %swap3A_41 = arith.constant 0 : index
    %swap3A_42 = vector.load %arg9[%swap3A, %swap3A_41] : memref<512x128xf32, #tpu.memory_space<vmem>>, vector<512x128xf32>
    tpu.vector_store %arg9[%swap3A, %swap3A_41], %add3A_40 {strides = array<i32>} : memref<512x128xf32, #tpu.memory_space<vmem>>, vector<512x128xf32>,
    %get3A_43 = arith.constant 0 : index
    %get3A_44 = arith.constant 0 : index
    %get3A_45 = vector.load %arg6[%get3A_43, %get3A_44] : memref<512x128xf32, #tpu.memory_space<vmem>>, vector<512x128xf32>
    %mul3A_46 = arith.mulf %get3A_45, %add3A_40 : vector<512x128xf32>
    %swap3A_47 = arith.constant 0 : index
    %swap3A_48 = arith.constant 0 : index
    %swap3A_49 = vector.load %arg10[%swap3A_47, %swap3A_48] : memref<512x128xf32, #tpu.memory_space<vmem>>, vector<512x128xf32>
    tpu.vector_store %arg10[%swap3A_47, %swap3A_48], %mul3A_46 {strides = array<i32>} : memref<512x128xf32, #tpu.memory_space<vmem>>, vector<512x128xf32>,
    return
  }
  func.func @transform_0(%arg0: i32) -> (i32, i32) {
    %c0_i32 = arith.constant 0 : i32
    %c0_i32_0 = arith.constant 0 : i32
    return %arg0, %c0_i32 : i32, i32
  }
  func.func @transform_1(%arg0: i32) -> (i32, i32) {
    %add3A = arith.constant 20 : i32
    %add3A_0 = arith.addi %arg0, %add3A : i32
    %c0_i32 = arith.constant 0 : i32
    %c0_i32_1 = arith.constant 0 : i32
    return %add3A_0, %c0_i32 : i32, i32
  }
  func.func @transform_2(%arg0: i32) -> (i32, i32) {
    %c0_i32 = arith.constant 0 : i32
    %c0_i32_0 = arith.constant 0 : i32
    return %arg0, %c0_i32 : i32, i32
  }
  func.func @transform_3(%arg0: i32) -> (i32, i32) {
    %c0_i32 = arith.constant 0 : i32
    %c0_i32_0 = arith.constant 0 : i32
    return %arg0, %c0_i32 : i32, i32
  }
  func.func @transform_4(%arg0: i32) -> (i32, i32) {
    %c0_i32 = arith.constant 0 : i32
    %c0_i32_0 = arith.constant 0 : i32
    return %arg0, %c0_i32 : i32, i32
  }
  func.func @transform_5(%arg0: i32) -> (i32, i32) {
    %c0_i32 = arith.constant 0 : i32
    %c0_i32_0 = arith.constant 0 : i32
    return %arg0, %c0_i32 : i32, i32
  }
  func.func @transform_6(%arg0: i32) -> (i32, i32) {
    %c0_i32 = arith.constant 0 : i32
    %c0_i32_0 = arith.constant 0 : i32
    %c0_i32_1 = arith.constant 0 : i32
    return %c0_i32, %c0_i32_0 : i32, i32
  }
  func.func @transform_7(%arg0: i32) -> (i32, i32) {
    %c0_i32 = arith.constant 0 : i32
    %c0_i32_0 = arith.constant 0 : i32
    %c0_i32_1 = arith.constant 0 : i32
    return %c0_i32, %c0_i32_0 : i32, i32
  }
  func.func @transform_8(%arg0: i32) -> (i32, i32) {
    %c0_i32 = arith.constant 0 : i32
    %c0_i32_0 = arith.constant 0 : i32
    return %arg0, %c0_i32 : i32, i32
  }
  func.func @transform_9(%arg0: i32) -> (i32, i32) {
    %c0_i32 = arith.constant 0 : i32
    %c0_i32_0 = arith.constant 0 : i32
    return %arg0, %c0_i32 : i32, i32
  }
}

module attributes {stable_mosaic.version = 14 : i64} {
  func.func @_combine_body(%arg0: i32, %arg1: memref<512x128xf32, #tpu.memory_space<vmem>>, %arg2: memref<512x128xf32, #tpu.memory_space<vmem>>, %arg3: memref<512x128xf32, #tpu.memory_space<vmem>>, %arg4: memref<512x128xf32, #tpu.memory_space<vmem>>, %arg5: memref<512x128xf32, #tpu.memory_space<vmem>>, %arg6: memref<512x128xf32, #tpu.memory_space<vmem>>, %arg7: memref<128x128xf32, #tpu.memory_space<vmem>>, %arg8: memref<1x128xf32, #tpu.memory_space<vmem>>, %arg9: memref<512x128xf32, #tpu.memory_space<vmem>>, %arg10: memref<512x128xf32, #tpu.memory_space<vmem>>) attributes {dimension_semantics = [#tpu.dimension_semantics<arbitrary>], iteration_bounds = array<i64: 20>, scalar_prefetch = 0 : i64, scratch_operands = 0 : i64, tpu.core_type = #tpu.core_type<tc>, window_params = [{transform_indices = @transform_0, window_bounds = array<i64: 512, 128>}, {transform_indices = @transform_1, window_bounds = array<i64: 512, 128>}, {transform_indices = @transform_2, window_bounds = array<i64: 512, 128>}, {transform_indices = @transform_3, window_bounds = array<i64: 512, 128>}, {transform_indices = @transform_4, window_bounds = array<i64: 512, 128>}, {transform_indices = @transform_5, window_bounds = array<i64: 512, 128>}, {pipeline_mode = #tpu.pipeline_mode<synchronous>, transform_indices = @transform_6, window_bounds = array<i64: 128, 128>}, {pipeline_mode = #tpu.pipeline_mode<synchronous>, transform_indices = @transform_7, window_bounds = array<i64: 1, 128>}, {transform_indices = @transform_8, window_bounds = array<i64: 512, 128>}, {transform_indices = @transform_9, window_bounds = array<i64: 512, 128>}]} {
    %get3A = arith.constant 0 : index
    %get3A_0 = arith.constant 0 : index
    %get3A_1 = vector.load %arg6[%get3A, %get3A_0] : memref<512x128xf32, #tpu.memory_space<vmem>>, vector<512x128xf32>
    %get3A_2 = arith.constant 0 : index
    %get3A_3 = arith.constant 0 : index
    %get3A_4 = vector.load %arg1[%get3A_2, %get3A_3] : memref<512x128xf32, #tpu.memory_space<vmem>>, vector<512x128xf32>
    %get3A_5 = arith.constant 0 : index
    %get3A_6 = arith.constant 0 : index
    %get3A_7 = vector.load %arg2[%get3A_5, %get3A_6] : memref<512x128xf32, #tpu.memory_space<vmem>>, vector<512x128xf32>
    %add3A = arith.addf %get3A_4, %get3A_7 : vector<512x128xf32>
    %get3A_8 = arith.constant 0 : index
    %get3A_9 = arith.constant 0 : index
    %get3A_10 = vector.load %arg3[%get3A_8, %get3A_9] : memref<512x128xf32, #tpu.memory_space<vmem>>, vector<512x128xf32>
    %add3A_11 = arith.addf %add3A, %get3A_10 : vector<512x128xf32>
    %mul3A = arith.mulf %get3A_1, %add3A_11 : vector<512x128xf32>
    %mul3A_12 = arith.constant 8.000000e-01 : f32
    %mul3A_13 = vector.broadcast %mul3A_12 : f32 to vector<512x128xf32>
    %mul3A_14 = arith.mulf %mul3A_13, %mul3A : vector<512x128xf32>
    %get3A_15 = arith.constant 0 : index
    %get3A_16 = arith.constant 0 : index
    %get3A_17 = vector.load %arg4[%get3A_15, %get3A_16] : memref<512x128xf32, #tpu.memory_space<vmem>>, vector<512x128xf32>
    %mul3A_18 = arith.constant 1.000000e-01 : f32
    %mul3A_19 = vector.broadcast %mul3A_18 : f32 to vector<512x128xf32>
    %mul3A_20 = arith.mulf %mul3A_19, %get3A_17 : vector<512x128xf32>
    %add3A_21 = arith.addf %mul3A_14, %mul3A_20 : vector<512x128xf32>
    %get3A_22 = arith.constant 0 : index
    %get3A_23 = arith.constant 0 : index
    %get3A_24 = vector.load %arg5[%get3A_22, %get3A_23] : memref<512x128xf32, #tpu.memory_space<vmem>>, vector<512x128xf32>
    %mul3A_25 = arith.constant 1.000000e-01 : f32
    %mul3A_26 = vector.broadcast %mul3A_25 : f32 to vector<512x128xf32>
    %mul3A_27 = arith.mulf %mul3A_26, %get3A_24 : vector<512x128xf32>
    %add3A_28 = arith.addf %add3A_21, %mul3A_27 : vector<512x128xf32>
    %get3A_29 = arith.constant 0 : index
    %get3A_30 = arith.constant 0 : index
    %get3A_31 = vector.load %arg7[%get3A_29, %get3A_30] : memref<128x128xf32, #tpu.memory_space<vmem>>, vector<128x128xf32>
    %dot_general3A = arith.constant dense<0.000000e+00> : vector<512x128xf32>
    %dot_general3A_32 = tpu.matmul %add3A_28, %get3A_31, %dot_general3A {dimension_numbers = #tpu.dot_dimension_numbers<[1], [0], [0], [1], [0, 0, 1, 1], [], []>, transpose_lhs_hint = false} : vector<512x128xf32>, vector<128x128xf32>, vector<512x128xf32> -> vector<512x128xf32>
    %get3A_33 = arith.constant 0 : index
    %get3A_34 = arith.constant 0 : index
    %get3A_35 = vector.load %arg8[%get3A_33, %get3A_34] : memref<1x128xf32, #tpu.memory_space<vmem>>, vector<1x128xf32>
    %sub3A = vector.broadcast %get3A_35 : vector<1x128xf32> to vector<512x128xf32>
    %sub3A_36 = arith.subf %dot_general3A_32, %sub3A : vector<512x128xf32>
    %max3A = arith.constant 0.000000e+00 : f32
    %max3A_37 = vector.broadcast %max3A : f32 to vector<512x128xf32>
    %max3A_38 = arith.maximumf %sub3A_36, %max3A_37 : vector<512x128xf32>
    %add3A_39 = vector.broadcast %get3A_35 : vector<1x128xf32> to vector<512x128xf32>
    %add3A_40 = arith.addf %max3A_38, %add3A_39 : vector<512x128xf32>
    %swap3A = arith.constant 0 : index
    %swap3A_41 = arith.constant 0 : index
    %swap3A_42 = vector.load %arg9[%swap3A, %swap3A_41] : memref<512x128xf32, #tpu.memory_space<vmem>>, vector<512x128xf32>
    tpu.vector_store %arg9[%swap3A, %swap3A_41], %add3A_40 {strides = array<i32>} : memref<512x128xf32, #tpu.memory_space<vmem>>, vector<512x128xf32>,
    %get3A_43 = arith.constant 0 : index
    %get3A_44 = arith.constant 0 : index
    %get3A_45 = vector.load %arg6[%get3A_43, %get3A_44] : memref<512x128xf32, #tpu.memory_space<vmem>>, vector<512x128xf32>
    %mul3A_46 = arith.mulf %get3A_45, %add3A_40 : vector<512x128xf32>
    %swap3A_47 = arith.constant 0 : index
    %swap3A_48 = arith.constant 0 : index
    %swap3A_49 = vector.load %arg10[%swap3A_47, %swap3A_48] : memref<512x128xf32, #tpu.memory_space<vmem>>, vector<512x128xf32>
    tpu.vector_store %arg10[%swap3A_47, %swap3A_48], %mul3A_46 {strides = array<i32>} : memref<512x128xf32, #tpu.memory_space<vmem>>, vector<512x128xf32>,
    return
  }
  func.func @transform_0(%arg0: i32) -> (i32, i32) {
    %c0_i32 = arith.constant 0 : i32
    %c0_i32_0 = arith.constant 0 : i32
    return %arg0, %c0_i32 : i32, i32
  }
  func.func @transform_1(%arg0: i32) -> (i32, i32) {
    %add3A = arith.constant 20 : i32
    %add3A_0 = arith.addi %arg0, %add3A : i32
    %c0_i32 = arith.constant 0 : i32
    %c0_i32_1 = arith.constant 0 : i32
    return %add3A_0, %c0_i32 : i32, i32
  }
  func.func @transform_2(%arg0: i32) -> (i32, i32) {
    %c0_i32 = arith.constant 0 : i32
    %c0_i32_0 = arith.constant 0 : i32
    return %arg0, %c0_i32 : i32, i32
  }
  func.func @transform_3(%arg0: i32) -> (i32, i32) {
    %c0_i32 = arith.constant 0 : i32
    %c0_i32_0 = arith.constant 0 : i32
    return %arg0, %c0_i32 : i32, i32
  }
  func.func @transform_4(%arg0: i32) -> (i32, i32) {
    %c0_i32 = arith.constant 0 : i32
    %c0_i32_0 = arith.constant 0 : i32
    return %arg0, %c0_i32 : i32, i32
  }
  func.func @transform_5(%arg0: i32) -> (i32, i32) {
    %c0_i32 = arith.constant 0 : i32
    %c0_i32_0 = arith.constant 0 : i32
    return %arg0, %c0_i32 : i32, i32
  }
  func.func @transform_6(%arg0: i32) -> (i32, i32) {
    %c0_i32 = arith.constant 0 : i32
    %c0_i32_0 = arith.constant 0 : i32
    %c0_i32_1 = arith.constant 0 : i32
    return %c0_i32, %c0_i32_0 : i32, i32
  }
  func.func @transform_7(%arg0: i32) -> (i32, i32) {
    %c0_i32 = arith.constant 0 : i32
    %c0_i32_0 = arith.constant 0 : i32
    %c0_i32_1 = arith.constant 0 : i32
    return %c0_i32, %c0_i32_0 : i32, i32
  }
  func.func @transform_8(%arg0: i32) -> (i32, i32) {
    %c0_i32 = arith.constant 0 : i32
    %c0_i32_0 = arith.constant 0 : i32
    return %arg0, %c0_i32 : i32, i32
  }
  func.func @transform_9(%arg0: i32) -> (i32, i32) {
    %c0_i32 = arith.constant 0 : i32
    %c0_i32_0 = arith.constant 0 : i32
    return %arg0, %c0_i32 : i32, i32
  }
}

module attributes {stable_mosaic.version = 14 : i64} {
  func.func @_combine_body(%arg0: i32, %arg1: memref<512x128xf32, #tpu.memory_space<vmem>>, %arg2: memref<512x128xf32, #tpu.memory_space<vmem>>, %arg3: memref<512x128xf32, #tpu.memory_space<vmem>>, %arg4: memref<512x128xf32, #tpu.memory_space<vmem>>, %arg5: memref<512x128xf32, #tpu.memory_space<vmem>>, %arg6: memref<512x128xf32, #tpu.memory_space<vmem>>, %arg7: memref<128x128xf32, #tpu.memory_space<vmem>>, %arg8: memref<1x128xf32, #tpu.memory_space<vmem>>, %arg9: memref<512x128xf32, #tpu.memory_space<vmem>>, %arg10: memref<512x128xf32, #tpu.memory_space<vmem>>) attributes {dimension_semantics = [#tpu.dimension_semantics<arbitrary>], iteration_bounds = array<i64: 20>, scalar_prefetch = 0 : i64, scratch_operands = 0 : i64, tpu.core_type = #tpu.core_type<tc>, window_params = [{transform_indices = @transform_0, window_bounds = array<i64: 512, 128>}, {transform_indices = @transform_1, window_bounds = array<i64: 512, 128>}, {transform_indices = @transform_2, window_bounds = array<i64: 512, 128>}, {transform_indices = @transform_3, window_bounds = array<i64: 512, 128>}, {transform_indices = @transform_4, window_bounds = array<i64: 512, 128>}, {transform_indices = @transform_5, window_bounds = array<i64: 512, 128>}, {pipeline_mode = #tpu.pipeline_mode<synchronous>, transform_indices = @transform_6, window_bounds = array<i64: 128, 128>}, {pipeline_mode = #tpu.pipeline_mode<synchronous>, transform_indices = @transform_7, window_bounds = array<i64: 1, 128>}, {transform_indices = @transform_8, window_bounds = array<i64: 512, 128>}, {transform_indices = @transform_9, window_bounds = array<i64: 512, 128>}]} {
    %get3A = arith.constant 0 : index
    %get3A_0 = arith.constant 0 : index
    %get3A_1 = vector.load %arg6[%get3A, %get3A_0] : memref<512x128xf32, #tpu.memory_space<vmem>>, vector<512x128xf32>
    %get3A_2 = arith.constant 0 : index
    %get3A_3 = arith.constant 0 : index
    %get3A_4 = vector.load %arg1[%get3A_2, %get3A_3] : memref<512x128xf32, #tpu.memory_space<vmem>>, vector<512x128xf32>
    %get3A_5 = arith.constant 0 : index
    %get3A_6 = arith.constant 0 : index
    %get3A_7 = vector.load %arg2[%get3A_5, %get3A_6] : memref<512x128xf32, #tpu.memory_space<vmem>>, vector<512x128xf32>
    %add3A = arith.addf %get3A_4, %get3A_7 : vector<512x128xf32>
    %get3A_8 = arith.constant 0 : index
    %get3A_9 = arith.constant 0 : index
    %get3A_10 = vector.load %arg3[%get3A_8, %get3A_9] : memref<512x128xf32, #tpu.memory_space<vmem>>, vector<512x128xf32>
    %add3A_11 = arith.addf %add3A, %get3A_10 : vector<512x128xf32>
    %mul3A = arith.mulf %get3A_1, %add3A_11 : vector<512x128xf32>
    %mul3A_12 = arith.constant 8.000000e-01 : f32
    %mul3A_13 = vector.broadcast %mul3A_12 : f32 to vector<512x128xf32>
    %mul3A_14 = arith.mulf %mul3A_13, %mul3A : vector<512x128xf32>
    %get3A_15 = arith.constant 0 : index
    %get3A_16 = arith.constant 0 : index
    %get3A_17 = vector.load %arg4[%get3A_15, %get3A_16] : memref<512x128xf32, #tpu.memory_space<vmem>>, vector<512x128xf32>
    %mul3A_18 = arith.constant 1.000000e-01 : f32
    %mul3A_19 = vector.broadcast %mul3A_18 : f32 to vector<512x128xf32>
    %mul3A_20 = arith.mulf %mul3A_19, %get3A_17 : vector<512x128xf32>
    %add3A_21 = arith.addf %mul3A_14, %mul3A_20 : vector<512x128xf32>
    %get3A_22 = arith.constant 0 : index
    %get3A_23 = arith.constant 0 : index
    %get3A_24 = vector.load %arg5[%get3A_22, %get3A_23] : memref<512x128xf32, #tpu.memory_space<vmem>>, vector<512x128xf32>
    %mul3A_25 = arith.constant 1.000000e-01 : f32
    %mul3A_26 = vector.broadcast %mul3A_25 : f32 to vector<512x128xf32>
    %mul3A_27 = arith.mulf %mul3A_26, %get3A_24 : vector<512x128xf32>
    %add3A_28 = arith.addf %add3A_21, %mul3A_27 : vector<512x128xf32>
    %get3A_29 = arith.constant 0 : index
    %get3A_30 = arith.constant 0 : index
    %get3A_31 = vector.load %arg7[%get3A_29, %get3A_30] : memref<128x128xf32, #tpu.memory_space<vmem>>, vector<128x128xf32>
    %dot_general3A = arith.constant dense<0.000000e+00> : vector<512x128xf32>
    %dot_general3A_32 = tpu.matmul %add3A_28, %get3A_31, %dot_general3A {dimension_numbers = #tpu.dot_dimension_numbers<[1], [0], [0], [1], [0, 0, 1, 1], [], []>, transpose_lhs_hint = false} : vector<512x128xf32>, vector<128x128xf32>, vector<512x128xf32> -> vector<512x128xf32>
    %get3A_33 = arith.constant 0 : index
    %get3A_34 = arith.constant 0 : index
    %get3A_35 = vector.load %arg8[%get3A_33, %get3A_34] : memref<1x128xf32, #tpu.memory_space<vmem>>, vector<1x128xf32>
    %sub3A = vector.broadcast %get3A_35 : vector<1x128xf32> to vector<512x128xf32>
    %sub3A_36 = arith.subf %dot_general3A_32, %sub3A : vector<512x128xf32>
    %max3A = arith.constant 0.000000e+00 : f32
    %max3A_37 = vector.broadcast %max3A : f32 to vector<512x128xf32>
    %max3A_38 = arith.maximumf %sub3A_36, %max3A_37 : vector<512x128xf32>
    %add3A_39 = vector.broadcast %get3A_35 : vector<1x128xf32> to vector<512x128xf32>
    %add3A_40 = arith.addf %max3A_38, %add3A_39 : vector<512x128xf32>
    %swap3A = arith.constant 0 : index
    %swap3A_41 = arith.constant 0 : index
    %swap3A_42 = vector.load %arg9[%swap3A, %swap3A_41] : memref<512x128xf32, #tpu.memory_space<vmem>>, vector<512x128xf32>
    tpu.vector_store %arg9[%swap3A, %swap3A_41], %add3A_40 {strides = array<i32>} : memref<512x128xf32, #tpu.memory_space<vmem>>, vector<512x128xf32>,
    %get3A_43 = arith.constant 0 : index
    %get3A_44 = arith.constant 0 : index
    %get3A_45 = vector.load %arg6[%get3A_43, %get3A_44] : memref<512x128xf32, #tpu.memory_space<vmem>>, vector<512x128xf32>
    %mul3A_46 = arith.mulf %get3A_45, %add3A_40 : vector<512x128xf32>
    %swap3A_47 = arith.constant 0 : index
    %swap3A_48 = arith.constant 0 : index
    %swap3A_49 = vector.load %arg10[%swap3A_47, %swap3A_48] : memref<512x128xf32, #tpu.memory_space<vmem>>, vector<512x128xf32>
    tpu.vector_store %arg10[%swap3A_47, %swap3A_48], %mul3A_46 {strides = array<i32>} : memref<512x128xf32, #tpu.memory_space<vmem>>, vector<512x128xf32>,
    return
  }
  func.func @transform_0(%arg0: i32) -> (i32, i32) {
    %c0_i32 = arith.constant 0 : i32
    %c0_i32_0 = arith.constant 0 : i32
    return %arg0, %c0_i32 : i32, i32
  }
  func.func @transform_1(%arg0: i32) -> (i32, i32) {
    %add3A = arith.constant 20 : i32
    %add3A_0 = arith.addi %arg0, %add3A : i32
    %c0_i32 = arith.constant 0 : i32
    %c0_i32_1 = arith.constant 0 : i32
    return %add3A_0, %c0_i32 : i32, i32
  }
  func.func @transform_2(%arg0: i32) -> (i32, i32) {
    %c0_i32 = arith.constant 0 : i32
    %c0_i32_0 = arith.constant 0 : i32
    return %arg0, %c0_i32 : i32, i32
  }
  func.func @transform_3(%arg0: i32) -> (i32, i32) {
    %c0_i32 = arith.constant 0 : i32
    %c0_i32_0 = arith.constant 0 : i32
    return %arg0, %c0_i32 : i32, i32
  }
  func.func @transform_4(%arg0: i32) -> (i32, i32) {
    %c0_i32 = arith.constant 0 : i32
    %c0_i32_0 = arith.constant 0 : i32
    return %arg0, %c0_i32 : i32, i32
  }
  func.func @transform_5(%arg0: i32) -> (i32, i32) {
    %c0_i32 = arith.constant 0 : i32
    %c0_i32_0 = arith.constant 0 : i32
    return %arg0, %c0_i32 : i32, i32
  }
  func.func @transform_6(%arg0: i32) -> (i32, i32) {
    %c0_i32 = arith.constant 0 : i32
    %c0_i32_0 = arith.constant 0 : i32
    %c0_i32_1 = arith.constant 0 : i32
    return %c0_i32, %c0_i32_0 : i32, i32
  }
  func.func @transform_7(%arg0: i32) -> (i32, i32) {
    %c0_i32 = arith.constant 0 : i32
    %c0_i32_0 = arith.constant 0 : i32
    %c0_i32_1 = arith.constant 0 : i32
    return %c0_i32, %c0_i32_0 : i32, i32
  }
  func.func @transform_8(%arg0: i32) -> (i32, i32) {
    %c0_i32 = arith.constant 0 : i32
    %c0_i32_0 = arith.constant 0 : i32
    return %arg0, %c0_i32 : i32, i32
  }
  func.func @transform_9(%arg0: i32) -> (i32, i32) {
    %c0_i32 = arith.constant 0 : i32
    %c0_i32_0 = arith.constant 0 : i32
    return %arg0, %c0_i32 : i32, i32
  }
}

module attributes {stable_mosaic.version = 14 : i64} {
  func.func @_output_body(%arg0: i32, %arg1: memref<512x128xf32, #tpu.memory_space<vmem>>, %arg2: memref<128x128xf32, #tpu.memory_space<vmem>>, %arg3: memref<1x128xf32, #tpu.memory_space<vmem>>, %arg4: memref<512x128xf32, #tpu.memory_space<vmem>>) attributes {dimension_semantics = [#tpu.dimension_semantics<arbitrary>], iteration_bounds = array<i64: 20>, scalar_prefetch = 0 : i64, scratch_operands = 0 : i64, tpu.core_type = #tpu.core_type<tc>, window_params = [{transform_indices = @transform_0, window_bounds = array<i64: 512, 128>}, {pipeline_mode = #tpu.pipeline_mode<synchronous>, transform_indices = @transform_1, window_bounds = array<i64: 128, 128>}, {pipeline_mode = #tpu.pipeline_mode<synchronous>, transform_indices = @transform_2, window_bounds = array<i64: 1, 128>}, {transform_indices = @transform_3, window_bounds = array<i64: 512, 128>}]} {
    %get3A = arith.constant 0 : index
    %get3A_0 = arith.constant 0 : index
    %get3A_1 = vector.load %arg1[%get3A, %get3A_0] : memref<512x128xf32, #tpu.memory_space<vmem>>, vector<512x128xf32>
    %get3A_2 = arith.constant 0 : index
    %get3A_3 = arith.constant 0 : index
    %get3A_4 = vector.load %arg2[%get3A_2, %get3A_3] : memref<128x128xf32, #tpu.memory_space<vmem>>, vector<128x128xf32>
    %dot_general3A = arith.constant dense<0.000000e+00> : vector<512x128xf32>
    %dot_general3A_5 = tpu.matmul %get3A_1, %get3A_4, %dot_general3A {dimension_numbers = #tpu.dot_dimension_numbers<[1], [0], [0], [1], [0, 0, 1, 1], [], []>, transpose_lhs_hint = false} : vector<512x128xf32>, vector<128x128xf32>, vector<512x128xf32> -> vector<512x128xf32>
    %get3A_6 = arith.constant 0 : index
    %get3A_7 = arith.constant 0 : index
    %get3A_8 = vector.load %arg3[%get3A_6, %get3A_7] : memref<1x128xf32, #tpu.memory_space<vmem>>, vector<1x128xf32>
    %add3A = vector.broadcast %get3A_8 : vector<1x128xf32> to vector<512x128xf32>
    %add3A_9 = arith.addf %dot_general3A_5, %add3A : vector<512x128xf32>
    %swap3A = arith.constant 0 : index
    %swap3A_10 = arith.constant 0 : index
    %swap3A_11 = vector.load %arg4[%swap3A, %swap3A_10] : memref<512x128xf32, #tpu.memory_space<vmem>>, vector<512x128xf32>
    tpu.vector_store %arg4[%swap3A, %swap3A_10], %add3A_9 {strides = array<i32>} : memref<512x128xf32, #tpu.memory_space<vmem>>, vector<512x128xf32>,
    return
  }
  func.func @transform_0(%arg0: i32) -> (i32, i32) {
    %c0_i32 = arith.constant 0 : i32
    %c0_i32_0 = arith.constant 0 : i32
    return %arg0, %c0_i32 : i32, i32
  }
  func.func @transform_1(%arg0: i32) -> (i32, i32) {
    %c0_i32 = arith.constant 0 : i32
    %c0_i32_0 = arith.constant 0 : i32
    %c0_i32_1 = arith.constant 0 : i32
    return %c0_i32, %c0_i32_0 : i32, i32
  }
  func.func @transform_2(%arg0: i32) -> (i32, i32) {
    %c0_i32 = arith.constant 0 : i32
    %c0_i32_0 = arith.constant 0 : i32
    %c0_i32_1 = arith.constant 0 : i32
    return %c0_i32, %c0_i32_0 : i32, i32
  }
  func.func @transform_3(%arg0: i32) -> (i32, i32) {
    %c0_i32 = arith.constant 0 : i32
    %c0_i32_0 = arith.constant 0 : i32
    return %arg0, %c0_i32 : i32, i32
  }
}

</mosaic_0001>

<sc_bundles>
// kernel: kernel.13.cloned.1.call-start
scs
__scs_entry_jumppad:
0x0: {  	(pc) =	sbr.rel $0x88, $3  }
0x1: {  	(tag) =	ssettag $0x0;
	lr =	simm.s32 $0x1  }
0x2: {  	[smem:$0x3F99] =	sst lr;
	_ =	strace $0xD0000000  }
0x3: {  	_ = 	snop  }
0x4: {  	_ = 	snop  }
0x5: {  	_ = 	snop  }
0x6: {  	_ = 	snop  }
0x7: {  	_ = 	snop  }
__scs_overlays_trampoline_lowered:
0x8: {  	[smem:$0x3FA8] =	sst s0  }
0x9: {  	[smem:$0x3FA9] =	sst s1  }
0xa: {  	[smem:$0x3FAA] =	sst s2  }
0xb: {  	[smem:$0x3FAB] =	sst s3  }
0xc: {  	[smem:$0x3FAC] =	sst s4  }
0xd: {  	[smem:$0x3FAD] =	sst s5  }
0xe: {  	[smem:$0x3FAE] =	sst s6  }
0xf: {  	[smem:$0x3FAF] =	sst s7  }
0x10: {  	[smem:$0x3FB0] =	sst s8  }
0x11: {  	[smem:$0x3FB1] =	sst s9;
	s0 =	simm.s32 @!p0 $0x0  }
0x12: {  	s1 =	sld [smem:$0x3F97];
	s0 =	simm.s32 @p0 $0x1  }
0x13: {  	[smem:$0x3FB2] =	sst s0;
	s0 =	simm.s32 @!p1 $0x0  }
0x14: {  	s2 =	sld [smem:$0x3F96];
	s0 =	simm.s32 @p1 $0x1  }
0x15: {  	[smem:$0x3FB3] =	sst s0;
	s0 =	simm.s32 @!p2 $0x0  }
0x16: {  	s3 =	sld [smem:$0x3FDB];
	s0 =	simm.s32 @p2 $0x1  }
0x17: {  	s4 =	simm.s32 $0x1BF5;
	[smem:$0x3FB5] =	sst s0  }
0x18: {  	s0 =	sld [smem:$0x3F98];
	_ =	swait.ge [sflag:s4], $0x0  }
0x19: {  	s7 =	sld [smem:$0x3F99]  }
0x1a: {  	s8 =	sadd.s32 $0xFFFFE003, lr  }
0x1b: {  	s9 =	sadd.s32 $0xFFFFFEF7, lr;
	s5 =	simm.s32 $0xFFFFFFFF;
	p2 =	slt.u32 s8, $0xFFFFF086  }
0x1c: {  	p1 =	slt.u32 s9, $0xF7A;
	s5 =	simm.s32 @!p2 $0x0  }
0x1d: {  	s5 =	simm.s32 @p1 $0x1;
	p0 =	seq.s32 s7, s2  }
0x1e: {  	s7 =	smul.u32 @!p0 $0xF7A, s2;
	p2 =	seq.s32 @!p0 s5, $0x0  }
0x1f: {  	s9 =	smul.u32 $0xF7A, s1;
	s8 =	simm.s32 @!p0 $0x1BF5;
	p2 =	por !p2, p0  }
0x20: {  	[sflag:s8] =	ssyncset.s32 @!p0 $0xFFFFF086;
	s6 =	sadd.s32 @!p0 s3, s7;
	s7 =	simm.s32 @!p0 $0x108  }
0x21: {  	s3 =	sadd.s32 s3, s9;
	s6 =	sadd.s32 @!p0 $0x88, s6;
	s7 =	simm.s32 @p2 $0x1082  }
0x22: {  	[simem:s7], [sflag:s8] =	dma.local @!p0 [hbm:s6], $0xF7A  }
0x23: {  	s9 =	sor.u32 $0xD0000000, s2;
	s6 =	simm.s32 $0x108;
	_ =	swait.ge @!p0 [sflag:s8], $0x0  }
0x24: {  	s3 =	sadd.s32 $0x88, s3;
	s6 =	simm.s32 @!p1 $0x1082;
	[sflag:s4] =	ssyncset.s32 $0xFFFFF086  }
0x25: {  	[simem:s6], [sflag:s4] =	dma.local [hbm:s3], $0xF7A  }
0x26: {  	[smem:$0x3F99] =	sst s1;
	(tag) =	ssettag s2;
	_ =	strace s9  }
0x27: {  	s1 =	sld [smem:$0x3FA9]  }
0x28: {  	s2 =	sld [smem:$0x3FAA]  }
0x29: {  	s4 =	sld [smem:$0x3FAC]  }
0x2a: {  	p0 =	seq.s32 s5, $0x0;
	s5 =	sld [smem:$0x3FAD]  }
0x2b: {  	s6 =	sld [smem:$0x3FAE]  }
0x2c: {  	s7 =	sld [smem:$0x3FAF]  }
0x2d: {  	s3 =	simm.s32 $0x108;
	s8 =	sld [smem:$0x3FB0]  }
0x2e: {  	s3 =	simm.s32 @!p0 $0x1082;
	s9 =	sld [smem:$0x3FB1]  }
0x2f: {  	lr =	sadd.s32 s0, s3;
	s0 =	sld [smem:$0x3FA8]  }
0x30: {  	s3 =	sld [smem:$0x3FAB]  }
0x31: {  	[smem:$0x3FB4] =	sst s10  }
0x32: {  	s10 =	sld [smem:$0x3FB2];
	_ =	sdelay $0x3  }
0x33: {  	p0 =	seq.s32 s10, $0x1;
	s10 =	sld [smem:$0x3FB4];
	_ =	sdelay $0x3  }
0x34: {  	[smem:$0x3FB4] =	sst s10  }
0x35: {  	s10 =	sld [smem:$0x3FB3];
	_ =	sdelay $0x3  }
0x36: {  	p1 =	seq.s32 s10, $0x1;
	s10 =	sld [smem:$0x3FB4];
	_ =	sdelay $0x3  }
0x37: {  	[smem:$0x3FB4] =	sst s10  }
0x38: {  	s10 =	sld [smem:$0x3FB5]  }
0x39: {  	_ = 	snop;
	(pc) =	sbr.ind lr, $3  }
0x3a: {  	_ = 	snop  }
0x3b: {  	_ = 	snop  }
0x3c: {  	p2 =	seq.s32 s10, $0x1;
	s10 =	sld [smem:$0x3FB4]  }
0x3d: {  	_ =	shalt  }
0x3e: {  	_ =	shalt  }
0x3f: {  	_ =	shalt  }
0x40: {  	_ =	shalt  }
0x41: {  	_ =	shalt  }
0x42: {  	_ =	shalt  }
0x43: {  	_ =	shalt  }
0x44: {  	_ =	shalt  }
0x45: {  	_ =	shalt  }
0x46: {  	_ =	shalt  }
0x47: {  	_ =	shalt  }
0x48: {  	_ =	shalt  }
0x49: {  	_ =	shalt  }
0x4a: {  	_ =	shalt  }
0x4b: {  	_ =	shalt  }
0x4c: {  	_ =	shalt  }
0x4d: {  	_ =	shalt  }
0x4e: {  	_ =	shalt  }
0x4f: {  	_ =	shalt  }
0x50: {  	_ =	shalt  }
0x51: {  	_ =	shalt  }
0x52: {  	_ =	shalt  }
0x53: {  	_ =	shalt  }
0x54: {  	_ =	shalt  }
0x55: {  	_ =	shalt  }
0x56: {  	_ =	shalt  }
0x57: {  	_ =	shalt  }
0x58: {  	_ =	shalt  }
0x59: {  	_ =	shalt  }
0x5a: {  	_ =	shalt  }
0x5b: {  	_ =	shalt  }
0x5c: {  	_ =	shalt  }
0x5d: {  	_ =	shalt  }
0x5e: {  	_ =	shalt  }
0x5f: {  	_ =	shalt  }
0x60: {  	_ =	shalt  }
0x61: {  	_ =	shalt  }
0x62: {  	_ =	shalt  }
0x63: {  	_ =	shalt  }
0x64: {  	_ =	shalt  }
0x65: {  	_ =	shalt  }
0x66: {  	_ =	shalt  }
0x67: {  	_ =	shalt  }
0x68: {  	_ =	shalt  }
0x69: {  	_ =	shalt  }
0x6a: {  	_ =	shalt  }
0x6b: {  	_ =	shalt  }
0x6c: {  	_ =	shalt  }
0x6d: {  	_ =	shalt  }
0x6e: {  	_ =	shalt  }
0x6f: {  	_ =	shalt  }
0x70: {  	_ =	shalt  }
0x71: {  	_ =	shalt  }
0x72: {  	_ =	shalt  }
0x73: {  	_ =	shalt  }
0x74: {  	_ =	shalt  }
0x75: {  	_ =	shalt  }
0x76: {  	_ =	shalt  }
0x77: {  	_ =	shalt  }
0x78: {  	_ =	shalt  }
0x79: {  	_ =	shalt  }
0x7a: {  	_ =	shalt  }
0x7b: {  	_ =	shalt  }
0x7c: {  	_ =	shalt  }
0x7d: {  	_ =	shalt  }
0x7e: {  	_ =	shalt  }
0x7f: {  	_ =	shalt  }
0x80: {  	_ =	shalt  }
0x81: {  	_ =	shalt  }
0x82: {  	_ =	shalt  }
0x83: {  	_ =	shalt  }
0x84: {  	_ =	shalt  }
0x85: {  	_ =	shalt  }
0x86: {  	_ =	shalt  }
0x87: {  	_ =	shalt  }
.Lfunc_end0:
.L_simem_size_0:
called_computation_lowered:
.L_overlay_start_0:
0x88: {  	s2 =	sld [smem:$0x3FD9]  }
0x89: {  	s3 =	sld [smem:$0x3FFE];
	_ =	sdelay $0x1  }
0x8a: {  	s1 =	srdreg.scid  }
0x8b: {  	s0 =	sand.u32 $0x1, s1  }
0x8c: {  	s17 =	sshll.u32 s0, $0xA;
	s2 =	sadd.s32 s3, s2  }
0x8d: {  	s2 =	sadd.s32 s2, s17  }
0x8e: {  	[smem:$0x3FC0] =	sst s2  }
0x8f: {  	_ = 	snop  }
0x90: {  	s2 =	sld [smem:$0x3FD0];
	(tm) =	ssettm $0x1  }
0x91: {  	s18 =	sld [smem:$0x3FFB];
	_ =	sdelay $0x3  }
0x92: {  	_ =	strace s18  }
0x93: {  	s3 =	sld [smem:$0x3FFC];
	_ =	sdelay $0x3  }
0x94: {  	_ =	strace s3  }
0x95: {  	s3 =	sld [smem:$0x3FFD];
	_ =	sdelay $0x3  }
0x96: {  	_ =	strace s3  }
0x97: {  	_ =	strace $0x8FFFFFFF  }
0x98: {  	s19 =	sld [smem:$0x3FDB];
	_ =	sdelay $0x1  }
0x99: {  	s4 =	simm.s32 $_scs_section_size  }
0x9a: {  	s5 =	simm.s32 $_size__tile_overlayer_lowered;
	s6 =	simm.s32 $_tile_overlayer_lowered  }
0x9b: {  	s22 =	simm.s32 $0x1BFF;
	s21 =	sshll.u32 s6, $0x1;
	s3 =	sadd.s32 s4, s19  }
0x9c: {  	s7 =	simm.s32 $0x0;
	s20 =	sshll.u32 s5, $0x1;
	s5 =	sadd.s32 s21, s3  }
0x9d: {  	[timem:s7], [sflag:s22] =	dma.local [hbm:s5], s20  }
0x9e: {  	_ =	swait.ge [sflag:s22], s20  }
0x9f: {  	s4 =	ssub.s32 $0x0, s20;
	[sflag:s22] =	ssyncset.done $0x0  }
0xa0: {  	[sflag:s22] =	ssyncadd.s32 s4;
	_ =	sdelay $0x1  }
0xa1: {  	s23 =	simm.s32 $0x1B8B  }
0xa2: {  	_ =	swait.ge [sflag:s23], $0x1  }
0xa3: {  	[sflag:s23] =	ssyncset.done $0x0  }
0xa4: {  	s25 =	simm.s32 $0x1B8E;
	s24 =	sld [smem:$0x3FFE];
	[sflag:s23] =	ssyncadd.s32 $0xFFFFFFFF  }
0xa5: {  	s26 =	simm.s32 $execute0_lowered;
	[smem:$0x3FD2] =	sst s25  }
0xa6: {  	s5 =	sshll.u32 s26, $0x1;
	_ =	strace $0x80000046;
	[dreg:$0x1] =	wrdreg $0xFFFFFFFF  }
0xa7: {  	s28 =	simm.s32 $_size_execute0_lowered;
	s3 =	sadd.s32 s3, s5;
	[dreg:$0x0] =	wrdreg $0x0  }
0xa8: {  	s5 =	sshll.u32 s28, $0x1;
	[dreg:$0x2] =	wrdreg s3  }
0xa9: {  	[dreg:$0x3] =	wrdreg s5  }
0xaa: {  	[dreg:$0x4] =	wrdreg $0xC0  }
0xab: {  	_ =	task [dreg:s7], $0x5FFFF  }
0xac: {  	[dreg:$0x1] =	wrdreg $0xFFFFFFFF  }
0xad: {  	[dreg:$0x0] =	wrdreg $0x60  }
0xae: {  	[dreg:$0x2] =	wrdreg s2  }
0xaf: {  	[dreg:$0x3] =	wrdreg s24  }
0xb0: {  	[dreg:$0x4] =	wrdreg $0x0  }
0xb1: {  	[dreg:$0x5] =	wrdreg $0x9  }
0xb2: {  	_ =	task.clear_ibuf [dreg:s7], $0x6FFFF;
	_ =	strace $0x90000046  }
0xb3: {  	s29 =	simm.s32 $0x9;
	_ =	strace $0x80000048  }
0xb4: {  	_ =	swait.ge [sflag:s29], $0x1  }
0xb5: {  	[sflag:s29] =	ssyncadd.s32 $0xFFFFFFFF  }
0xb6: {  	_ =	strace $0x90000048  }
0xb7: {  	_ =	sfence  }
0xb8: {  	s30 =	sld [smem:$0x0];
	_ =	sdelay $0x2  }
0xb9: {  	s31 =	sshll.u32 s1, $0xD;
	s1 =	sshrl.u32 s1, $0x2  }
0xba: {  	s3 =	sand.u32 $0x4000, s31;
	s1 =	sadd.s32 s1, s30  }
0xbb: {  	s0 =	sor.u32 s3, s0;
	s1 =	sshll.u32 s1, $0x11  }
0xbc: {  	s0 =	sor.u32 s1, s0  }
0xbd: {  	s0 =	sadd.s32 $0x8F2B, s0  }
0xbe: {  	[sflag:s0] =	ssyncadd.remote.s32 $0x1  }
0xbf: {  	_ =	sfence.sel $0xFFFF  }
0xc0: {  	[dreg:$0x0] =	wrdreg $0xFFFFFFFF;
	(pc) =	sbr.abs _section_cstart, $3  }
0xc1: {  	[dreg:$0x1] =	wrdreg $0xFFFFFFFF  }
0xc2: {  	_ =	task.clear_ibuf [dreg:s7], $0x2FFFF;
	_ =	strace $0x9FFFFFFF  }
0xc3: {  	(tm) =	ssettm $0x7FFFFFFF  }
tec
execute0_lowered:
.L_overlay_start_1:
0x0: {  	(tag) =	ssettag $0x1  }
0x1: {  	s13 =	rddreg [dreg:$0x0];
	s1 =	srdreg.scid  }
0x2: {  	s0 =	stileid.u32;
	s6 =	rddreg [dreg:$0x1]  }
0x3: {  	s2 =	rddreg [dreg:$0x2];
	s3 =	simm.s32 $0x0;
	s18 =	simm.s32 $0x14000  }
0x4: {  	s19 =	simm.s32 $0x14080;
	s20 =	simm.s32 $0x14100;
	s4 =	smul.u32 $0x5000, s0  }
0x5: {  	s21 =	simm.s32 $0x14180;
	s22 =	simm.s32 $0x14200;
	s7 =	smul.u32 $0x2800, s0  }
0x6: {  	s23 =	simm.s32 $0x80;
	s24 =	simm.s32 $0x0;
	s9 =	smul.u32 $0x50000, s0  }
0x7: {  	s10 =	sand.u32 $0x1, s1;
	s1 =	rddreg [dreg:$0x3];
	s16 =	smul.u32 $0xA0, s0  }
0x8: {  	[smem:$0x7FF] =	sst s3;
	s31 =	sshll.u32 s0, $0x6;
	s5 =	smul.u32 $0x2800, s10  }
0x9: {  	_ =	strace $0x80000047;
	s8 =	smul.u32 $0x28000, s10;
	s29 =	ssub.s32 $0x2, s10  }
0xa: {  	s17 =	smul.u32 $0x50, s10;
	s30 =	sshrl.u32 s29, $0x1;
	s9 =	sshrl.u32 s9, $0x2  }
0xb: {  	s4 =	sadd.s32 s5, s4;
	s5 =	sadd.s32 $0xDE00, s6;
	s7 =	sadd.s32 s7, s8  }
0xc: {  	s8 =	ssub.s32 s29, s30;
	s15 =	sadd.s32 s9, s2;
	s14 =	sshrl.u32 s4, $0x3  }
0xd: {  	s4 =	sadd.s32 $0x10600, s6;
	s7 =	sadd.s32 s7, s6;
	s8 =	smax.u32 s8, $0x1  }
0xe: {  	s15 =	sshrl.u32 s15, $0x3;
	s12 =	sadd.s32 s14, s6;
	s6 =	sor.u32 $0x1C01, s31  }
0xf: {  	s7 =	sadd.s32 $0x1AE00, s7;
	s13 =	sadd.s32 s14, s13;
	s14 =	sadd.s32 s17, s16  }
0x10: {  	s16 =	simm.s32 $0x1;
	s17 =	simm.s32 $0x14280;
	s9 =	sadd.s32 $0x74E00, s12  }
0x11: {  	s10 =	sadd.s32 $0x10E00, s12;
	s11 =	sadd.s32 $0x6AE00, s12;
	s12 =	sadd.s32 $0x3E00, s12  }
.LBB2_1:
0x12: {  	[spmem:s15], [sflag:s6] =	dma.local [hbm:s5], $0x2800  }
0x13: {  	_ =	swait.ge [sflag:s16], $0x2800  }
0x14: {  	[sflag:s16] =	ssyncset.done $0x0  }
0x15: {  	s25 =	smulhi.u32 $0xCCCCCCCD, s14;
	[sflag:s16] =	ssyncadd.s32 $0xFFFFD800  }
0x16: {  	[tilespmem:s17], [sflag:$0x1] =	stream.linear.gather [hbm4b:s4+s3], $0x4000, $0x38;
	[tilespmem:$0x18280] =	vst v63  }
0x17: {  	_ =	swait.ge [sflag:s16], $0x4000  }
0x18: {  	s25 =	sshrl.u32 s25, $0x7;
	[sflag:s16] =	ssyncset.done $0x0  }
0x19: {  	s26 =	sadd.s32 $0x0, s13;
	s25 =	smul.u32 $0xA0, s25;
	[sflag:s16] =	ssyncadd.s32 $0xFFFFC000  }
0x1a: {  	[tilespmem:s18], [sflag:$0x1] =	stream.linear.gather [hbm4b:s26+s3], $0x80, $0x38;
	[tilespmem:$0x18280] =	vst v63  }
0x1b: {  	s31 =	sadd.s32 $0x0, s12;
	_ =	swait.ge [sflag:s16], $0x80  }
0x1c: {  	s28 =	smov.u32 s14;
	s25 =	ssub.s32 s14, s25;
	[sflag:s16] =	ssyncset.done $0x0  }
0x1d: {  	p0 =	sgt.u32 s25, $0x4F;
	s25 =	simm.s32 $0x0;
	[sflag:s16] =	ssyncadd.s32 $0xFFFFFF80  }
0x1e: {  	[tilespmem:s19], [sflag:$0x1] =	stream.linear.gather [hbm4b:s31+s3], $0x80, $0x38;
	[tilespmem:$0x18280] =	vst v63  }
0x1f: {  	p0 =	por p0, p0;
	s26 =	simm.s32 $0x10;
	_ =	swait.ge [sflag:s16], $0x80  }
.LBB2_2:
0x20: {  	p1 =	sne.s32 s26, $0x4F0  }
0x21: {  	[sflag:s16] =	ssyncset.done $0x0;
	s28 =	sadd.s32 $0x1, s28;
	s29 =	smov.u32 s26  }
0x22: {  	s26 =	sadd.s32 $0x10, s26;
	s30 =	smulhi.u32 $0xCCCCCCCD, s28;
	[sflag:s16] =	ssyncadd.s32 $0xFFFFFF80  }
0x23: {  	v0 =	vld [tilespmem:$0x14090]  }
0x24: {  	s30 =	sshrl.u32 s30, $0x7;
	v1 =	vld [tilespmem:$0x14010]  }
0x25: {  	s30 =	smul.u32 $0xA0, s30;
	v2 =	vld [tilespmem:$0x14060]  }
0x26: {  	v3 =	vld [tilespmem:$0x140E0]  }
0x27: {  	s30 =	ssub.s32 s28, s30;
	v4 =	vld [tilespmem:$0x14000]  }
0x28: {  	p2 =	sgt.u32 s30, $0x4F;
	v5 =	vld [tilespmem:$0x14080]  }
0x29: {  	s30 =	simm.s32 $0x2800;
	v6 =	vld [tilespmem:$0x14040]  }
0x2a: {  	s30 =	simm.s32 @!p0 $0x0;
	p0 =	por p2, p2;
	v7 =	vld [tilespmem:$0x140A0]  }
0x2b: {  	v9 =	vadd.s32 s30, v2;
	v8 =	vld [tilespmem:$0x14020];
	vm0 =	veq.s32 v2, v3  }
0x2c: {  	v10 =	vadd.s32 s30, v4;
	v11 =	vld [tilespmem:$0x140B0];
	v3 =	vsel vm0, $0x2710, v3;
	v2 =	vsel vm0, $0x2710, v2;
	[tilespmem:$0x14260] =	vst v9  }
0x2d: {  	vm0 =	veq.s32 v4, v5;
	v9 =	vld [tilespmem:$0x14030];
	[tilespmem:$0x14160] =	vst v3  }
0x2e: {  	v3 =	vsel vm0, $0x2710, v5;
	v4 =	vsel vm0, $0x2710, v4;
	[tilespmem:$0x14200] =	vst v10;
	v5 =	vld [tilespmem:$0x140F0]  }
0x2f: {  	vm0 =	veq.s32 v1, v0;
	v10 =	vld [tilespmem:$0x140C0];
	[tilespmem:$0x141E0] =	vst v2  }
0x30: {  	v0 =	vsel vm0, $0x2710, v0;
	v2 =	vsel vm0, $0x2710, v1;
	[tilespmem:$0x14180] =	vst v4;
	vm0 =	veq.s32 v8, v7;
	v4 =	vld [tilespmem:$0x14070]  }
0x31: {  	[tilespmem:$0x14190] =	vst v2;
	v2 =	vsel vm0, $0x2710, v7;
	v7 =	vsel vm0, $0x2710, v8;
	v8 =	vadd.s32 s30, v8;
	v12 =	vld [tilespmem:$0x140D0]  }
0x32: {  	v1 =	vadd.s32 s30, v1;
	[tilespmem:$0x14220] =	vst v8;
	vm0 =	veq.s32 v9, v11;
	v8 =	vadd.s32 s30, v9;
	v13 =	vld [tilespmem:$0x14050]  }
0x33: {  	[tilespmem:$0x141A0] =	vst v7;
	v7 =	vsel vm0, $0x2710, v11;
	v9 =	vsel vm0, $0x2710, v9;
	v11 =	vadd.s32 s30, v6  }
0x34: {  	[tilespmem:$0x14130] =	vst v7;
	vm0 =	veq.s32 v6, v10  }
0x35: {  	[tilespmem:$0x141B0] =	vst v9;
	v7 =	vsel vm0, $0x2710, v10;
	v6 =	vsel vm0, $0x2710, v6;
	vm0 =	veq.s32 v4, v5  }
0x36: {  	[tilespmem:$0x14140] =	vst v7;
	v5 =	vsel vm0, $0x2710, v5;
	v7 =	vsel vm0, $0x2710, v4;
	v4 =	vadd.s32 s30, v4  }
0x37: {  	[tilespmem:$0x14120] =	vst v2;
	vm0 =	veq.s32 v13, v12;
	v2 =	vadd.s32 s30, v13  }
0x38: {  	v9 =	vsel vm0, $0x2710, v12;
	v10 =	vsel vm0, $0x2710, v13;
	[tilespmem:$0x14170] =	vst v5  }
0x39: {  	[tilespmem:$0x14230] =	vst v8  }
0x3a: {  	[tilespmem:$0x14270] =	vst v4  }
0x3b: {  	[tilespmem:$0x141F0] =	vst v7  }
0x3c: {  	[tilespmem:$0x14100] =	vst v3  }
0x3d: {  	[tilespmem:$0x14240] =	vst v11  }
0x3e: {  	[tilespmem:$0x141C0] =	vst v6  }
0x3f: {  	[tilespmem:$0x14250] =	vst v2  }
0x40: {  	[tilespmem:$0x14210] =	vst v1  }
0x41: {  	[tilespmem:$0x141D0] =	vst v10  }
0x42: {  	[tilespmem:$0x14110] =	vst v0  }
0x43: {  	s30 =	sadd.s32 s25, s11;
	[tilespmem:$0x14150] =	vst v9  }
0x44: {  	[hbm4b:s30+s3] =	stream.linear.scatter [tilespmem:s20], [sflag:$0x1], $0x80, $0x38;
	[tilespmem:$0x18280] =	vst v63  }
0x45: {  	_ =	swait.ge [sflag:s16], $0x80  }
0x46: {  	[sflag:s16] =	ssyncset.done $0x0  }
0x47: {  	s30 =	sadd.s32 s25, s10;
	[sflag:s16] =	ssyncadd.s32 $0xFFFFFF80  }
0x48: {  	[hbm4b:s30+s3] =	stream.linear.scatter [tilespmem:s21], [sflag:$0x1], $0x80, $0x38;
	[tilespmem:$0x18280] =	vst v63  }
0x49: {  	_ =	swait.ge [sflag:s16], $0x80  }
0x4a: {  	[sflag:s16] =	ssyncset.done $0x0  }
0x4b: {  	s30 =	sadd.s32 s25, s9;
	s25 =	smov.u32 s29;
	[sflag:s16] =	ssyncadd.s32 $0xFFFFFF80  }
0x4c: {  	[hbm4b:s30+s3] =	stream.linear.scatter [tilespmem:s22], [sflag:$0x1], $0x80, $0x38;
	[tilespmem:$0x18280] =	vst v63  }
0x4d: {  	_ =	swait.ge [sflag:s16], $0x80  }
0x4e: {  	[sflag:s16] =	ssyncset.done $0x0  }
0x4f: {  	s29 =	sadd.s32 s25, s13;
	[sflag:s16] =	ssyncadd.s32 $0xFFFFFF80  }
0x50: {  	[tilespmem:s18], [sflag:$0x1] =	stream.linear.gather [hbm4b:s29+s3], $0x80, $0x38;
	[tilespmem:$0x18280] =	vst v63  }
.Ltmp0:
0x51: {  	_ =	swait.ge [sflag:s16], $0x80;
	(pc) =	sbr.rel @p1 .LBB2_2-.Ltmp0, $4  }
0x52: {  	[sflag:s16] =	ssyncset.done $0x0  }
0x53: {  	s29 =	sadd.s32 s25, s12;
	[sflag:s16] =	ssyncadd.s32 $0xFFFFFF80  }
0x54: {  	[tilespmem:s19], [sflag:$0x1] =	stream.linear.gather [hbm4b:s29+s3], $0x80, $0x38;
	[tilespmem:$0x18280] =	vst v63  }
0x55: {  	_ =	swait.ge [sflag:s16], $0x80  }
0x56: {  	[sflag:s16] =	ssyncset.done $0x0  }
0x57: {  	[sflag:s16] =	ssyncadd.s32 $0xFFFFFF80  }
0x58: {  	v1 =	vld [tilespmem:$0x14060]  }
0x59: {  	v2 =	vld [tilespmem:$0x140E0]  }
0x5a: {  	v4 =	vld [tilespmem:$0x14000]  }
0x5b: {  	v7 =	vld [tilespmem:$0x14020]  }
0x5c: {  	s26 =	simm.s32 $0x2800;
	v10 =	vld [tilespmem:$0x14030]  }
0x5d: {  	s26 =	simm.s32 @!p0 $0x0;
	v11 =	vld [tilespmem:$0x14070]  }
0x5e: {  	v47 =	vld [tilespmem:$0x14040];
	v8 =	vadd.s32 s26, v1  }
0x5f: {  	v56 =	vld [tilespmem:$0x14050];
	v46 =	vadd.s32 s26, v4;
	[tilespmem:$0x14260] =	vst v8  }
0x60: {  	v3 =	vld [tilespmem:$0x14010];
	v51 =	vadd.s32 s26, v7;
	[tilespmem:$0x14200] =	vst v46  }
0x61: {  	v55 =	vadd.s32 s26, v10;
	[tilespmem:$0x14220] =	vst v51  }
0x62: {  	v5 =	vld [tilespmem:$0x14080];
	v57 =	vadd.s32 s26, v11;
	[tilespmem:$0x14230] =	vst v55  }
0x63: {  	v0 =	vld [tilespmem:$0x14090];
	v60 =	vadd.s32 s26, v47;
	[tilespmem:$0x14270] =	vst v57  }
0x64: {  	v6 =	vld [tilespmem:$0x140A0];
	v61 =	vadd.s32 s26, v56;
	[tilespmem:$0x14240] =	vst v60  }
0x65: {  	v9 =	vld [tilespmem:$0x140B0];
	vm0 =	veq.s32 v1, v2;
	v62 =	vadd.s32 s26, v3;
	[tilespmem:$0x14250] =	vst v61  }
0x66: {  	v2 =	vsel vm0, $0x2710, v2;
	[tilespmem:$0x14210] =	vst v62  }
0x67: {  	v48 =	vld [tilespmem:$0x140C0];
	vm1 =	veq.s32 v4, v5;
	v1 =	vsel vm0, $0x2710, v1;
	[tilespmem:$0x14160] =	vst v2  }
0x68: {  	vm12 =	veq.s32 v3, v0;
	v4 =	vsel vm1, $0x2710, v4;
	[tilespmem:$0x141E0] =	vst v1  }
0x69: {  	v49 =	vld [tilespmem:$0x140F0];
	vm2 =	veq.s32 v7, v6;
	v50 =	vsel vm12, $0x2710, v3;
	[tilespmem:$0x14180] =	vst v4  }
0x6a: {  	vm3 =	veq.s32 v10, v9;
	v7 =	vsel vm2, $0x2710, v7;
	[tilespmem:$0x14190] =	vst v50  }
0x6b: {  	v52 =	vsel vm3, $0x2710, v9;
	[tilespmem:$0x141A0] =	vst v7  }
0x6c: {  	v59 =	vld [tilespmem:$0x140D0];
	vm13 =	veq.s32 v47, v48;
	v53 =	vsel vm3, $0x2710, v10;
	[tilespmem:$0x14130] =	vst v52  }
0x6d: {  	v54 =	vsel vm13, $0x2710, v48;
	[tilespmem:$0x141B0] =	vst v53  }
0x6e: {  	vm14 =	veq.s32 v11, v49;
	v6 =	vsel vm2, $0x2710, v6;
	[tilespmem:$0x14140] =	vst v54  }
0x6f: {  	v58 =	vsel vm14, $0x2710, v11;
	[tilespmem:$0x14120] =	vst v6  }
0x70: {  	v5 =	vsel vm1, $0x2710, v5;
	[tilespmem:$0x141F0] =	vst v58  }
0x71: {  	vm15 =	veq.s32 v56, v59;
	v0 =	vsel vm12, $0x2710, v0;
	[tilespmem:$0x14100] =	vst v5  }
0x72: {  	v63 =	vsel vm15, $0x2710, v59;
	[tilespmem:$0x14110] =	vst v0  }
0x73: {  	v1 =	vsel vm14, $0x2710, v49;
	[tilespmem:$0x14150] =	vst v63  }
0x74: {  	v2 =	vsel vm13, $0x2710, v47;
	[tilespmem:$0x14170] =	vst v1  }
0x75: {  	[tilespmem:$0x141C0] =	vst v2;
	v1 =	vsel vm15, $0x2710, v56  }
0x76: {  	s28 =	sadd.s32 s25, s11;
	[tilespmem:$0x141D0] =	vst v1  }
0x77: {  	[hbm4b:s28+s3] =	stream.linear.scatter [tilespmem:s20], [sflag:$0x1], $0x80, $0x38;
	[tilespmem:$0x18280] =	vst v63  }
0x78: {  	_ =	swait.ge [sflag:s16], $0x80  }
0x79: {  	[sflag:s16] =	ssyncset.done $0x0  }
0x7a: {  	s29 =	sadd.s32 s25, s10;
	[sflag:s16] =	ssyncadd.s32 $0xFFFFFF80  }
0x7b: {  	[hbm4b:s29+s3] =	stream.linear.scatter [tilespmem:s21], [sflag:$0x1], $0x80, $0x38;
	[tilespmem:$0x18280] =	vst v63  }
0x7c: {  	_ =	swait.ge [sflag:s16], $0x80  }
0x7d: {  	[sflag:s16] =	ssyncset.done $0x0  }
0x7e: {  	s30 =	sadd.s32 s25, s9;
	[sflag:s16] =	ssyncadd.s32 $0xFFFFFF80  }
0x7f: {  	[hbm4b:s30+s3] =	stream.linear.scatter [tilespmem:s22], [sflag:$0x1], $0x80, $0x38;
	[tilespmem:$0x18280] =	vst v63  }
0x80: {  	_ =	swait.ge [sflag:s16], $0x80  }
0x81: {  	[sflag:s16] =	ssyncset.done $0x0  }
0x82: {  	[sflag:s16] =	ssyncadd.s32 $0xFFFFFF80  }
0x83: {  	s31 =	sadd.s32 $0x0, s10;
	[bflag:$0x0] =	sbarrier.arrive $0xFFFF  }
0x84: {  	[tilespmem:s21], [sflag:$0x1] =	stream.linear.gather [hbm4b:s31+s3], $0x80, $0x38;
	[tilespmem:$0x18280] =	vst v63  }
0x85: {  	_ =	swait.ge [sflag:s16], $0x80  }
0x86: {  	[sflag:s16] =	ssyncset.done $0x0  }
0x87: {  	[sflag:s16] =	ssyncadd.s32 $0xFFFFFF80  }
0x88: {  	[spmem:s2] =	stream.indirect.scatter.add.f32 [tilespmem:s17], [sflag:$0x1], $0x80, s21, s23, $0xb8;
	[tilespmem:$0x18280] =	vst v63  }
0x89: {  	_ =	swait.ge [sflag:s16], $0x4000  }
0x8a: {  	s25 =	simm.s32 $0x10;
	s26 =	simm.s32 $0x20;
	[sflag:s16] =	ssyncset.done $0x0  }
.LBB2_4:
0x8b: {  	s28 =	sadd.s32 s25, s10  }
0x8c: {  	[sflag:s16] =	ssyncadd.s32 $0xFFFFC000;
	s25 =	smov.u32 s26;
	s29 =	sadd.s32 $0x10, s26  }
0x8d: {  	[tilespmem:s21], [sflag:$0x1] =	stream.linear.gather [hbm4b:s28+s3], $0x80, $0x38;
	[tilespmem:$0x18280] =	vst v63  }
0x8e: {  	p0 =	sne.s32 s26, $0x4F0;
	_ =	swait.ge [sflag:s16], $0x80  }
.Ltmp1:
0x8f: {  	[sflag:s16] =	ssyncset.done $0x0;
	(pc) =	sbr.rel @p0 .LBB2_4-.Ltmp1, $4  }
0x90: {  	[sflag:s16] =	ssyncadd.s32 $0xFFFFFF80  }
0x91: {  	[spmem:s2] =	stream.indirect.scatter.add.f32 [tilespmem:s17], [sflag:$0x1], $0x80, s21, s23, $0xb8;
	[tilespmem:$0x18280] =	vst v63  }
0x92: {  	_ =	swait.ge [sflag:s16], $0x4000  }
0x93: {  	s26 =	smov.u32 s29;
	[sflag:s16] =	ssyncset.done $0x0  }
0x94: {  	s25 =	sadd.s32 s25, s10;
	[sflag:s16] =	ssyncadd.s32 $0xFFFFC000  }
0x95: {  	[tilespmem:s21], [sflag:$0x1] =	stream.linear.gather [hbm4b:s25+s3], $0x80, $0x38;
	[tilespmem:$0x18280] =	vst v63  }
0x96: {  	_ =	swait.ge [sflag:s16], $0x80  }
0x97: {  	[sflag:s16] =	ssyncset.done $0x0  }
0x98: {  	[sflag:s16] =	ssyncadd.s32 $0xFFFFFF80  }
0x99: {  	[spmem:s2] =	stream.indirect.scatter.add.f32 [tilespmem:s17], [sflag:$0x1], $0x80, s21, s23, $0xb8;
	[tilespmem:$0x18280] =	vst v63  }
0x9a: {  	_ =	swait.ge [sflag:s16], $0x4000  }
0x9b: {  	s24 =	sadd.s32 $0x1, s24;
	[sflag:s16] =	ssyncset.done $0x0  }
0x9c: {  	p0 =	sne.s32 s24, s8;
	[sflag:s16] =	ssyncadd.s32 $0xFFFFC000  }
.Ltmp2:
0x9d: {  	[bflag:$0x0] =	sbarrier.arrive $0xFFFF;
	(pc) =	sbr.rel @p0 .LBB2_1-.Ltmp2, $4  }
0x9e: {  	[hbm:s7], [sflag:s6] =	dma.local [spmem:s15], $0x2800  }
0x9f: {  	_ =	swait.ge [sflag:s16], $0x2800  }
0xa0: {  	[sflag:s16] =	ssyncset.done $0x0  }
0xa1: {  	[sflag:s16] =	ssyncadd.s32 $0xFFFFD800  }
0xa2: {  	_ =	sfence.sel $0x180000  }
0xa3: {  	[bflag:$0x0] =	sbarrier.arrive $0xFFFF  }
0xa4: {  	p0 =	sne.s32 s0, $0x0;
	_ =	strace $0x90000047  }
0xa5: {  	s0 =	sadd.s32 @!p0 $0x100000, s1;
	[bflag:$0x2] =	sbarrier.arrive $0xFFFF  }
0xa6: {  	[sflag:s0] =	ssyncadd.tile.s32 @!p0 $0x1;
	_ =	shalt  }
.Lfunc_end2:
_tile_overlayer_lowered:
.L_overlay_start_2:
0xa7: {  	(tag) =	ssettag $0x2  }
0xa8: {  	s0 =	rddreg [dreg:$0x0];
	s2 =	stileid.u32  }
0xa9: {  	s1 =	rddreg [dreg:$0x1];
	p0 =	sne.s32 s2, $0x0  }
0xaa: {  	s3 =	rddreg [dreg:$0x2];
	[bflag:$0x3] =	sbarrier.arrive $0xFFFF;
	s2 =	simm.s32 @!p0 $0x1C01  }
0xab: {  	[timem:s3], [sflag:s2] =	dma.local @!p0 [hbm:s0], s1  }
0xac: {  	s0 =	simm.s32 @!p0 $0x1  }
0xad: {  	_ =	swait.ge @!p0 [sflag:s0], s1  }
0xae: {  	s1 =	ssub.s32 @!p0 $0x0, s1;
	[sflag:s0] =	ssyncset.done @!p0 $0x0  }
0xaf: {  	[sflag:s0] =	ssyncadd.s32 @!p0 s1  }
0xb0: {  	[bflag:$0x3] =	sbarrier.arrive $0xFFFF  }
0xb1: {  	_ =	shalt  }

// kernel: kernel.16.cloned.1.call-start
scs
__scs_entry_jumppad:
0x0: {  	(pc) =	sbr.rel $0x88, $3  }
0x1: {  	(tag) =	ssettag $0x0;
	lr =	simm.s32 $0x1  }
0x2: {  	[smem:$0x3F99] =	sst lr;
	_ =	strace $0xD0000000  }
0x3: {  	_ = 	snop  }
0x4: {  	_ = 	snop  }
0x5: {  	_ = 	snop  }
0x6: {  	_ = 	snop  }
0x7: {  	_ = 	snop  }
__scs_overlays_trampoline_lowered:
0x8: {  	[smem:$0x3FA8] =	sst s0  }
0x9: {  	[smem:$0x3FA9] =	sst s1  }
0xa: {  	[smem:$0x3FAA] =	sst s2  }
0xb: {  	[smem:$0x3FAB] =	sst s3  }
0xc: {  	[smem:$0x3FAC] =	sst s4  }
0xd: {  	[smem:$0x3FAD] =	sst s5  }
0xe: {  	[smem:$0x3FAE] =	sst s6  }
0xf: {  	[smem:$0x3FAF] =	sst s7  }
0x10: {  	[smem:$0x3FB0] =	sst s8  }
0x11: {  	[smem:$0x3FB1] =	sst s9;
	s0 =	simm.s32 @!p0 $0x0  }
0x12: {  	s1 =	sld [smem:$0x3F97];
	s0 =	simm.s32 @p0 $0x1  }
0x13: {  	[smem:$0x3FB2] =	sst s0;
	s0 =	simm.s32 @!p1 $0x0  }
0x14: {  	s2 =	sld [smem:$0x3F96];
	s0 =	simm.s32 @p1 $0x1  }
0x15: {  	[smem:$0x3FB3] =	sst s0;
	s0 =	simm.s32 @!p2 $0x0  }
0x16: {  	s3 =	sld [smem:$0x3FDB];
	s0 =	simm.s32 @p2 $0x1  }
0x17: {  	s4 =	simm.s32 $0x1BF5;
	[smem:$0x3FB5] =	sst s0  }
0x18: {  	s0 =	sld [smem:$0x3F98];
	_ =	swait.ge [sflag:s4], $0x0  }
0x19: {  	s7 =	sld [smem:$0x3F99]  }
0x1a: {  	s8 =	sadd.s32 $0xFFFFE003, lr  }
0x1b: {  	s9 =	sadd.s32 $0xFFFFFEF7, lr;
	s5 =	simm.s32 $0xFFFFFFFF;
	p2 =	slt.u32 s8, $0xFFFFF086  }
0x1c: {  	p1 =	slt.u32 s9, $0xF7A;
	s5 =	simm.s32 @!p2 $0x0  }
0x1d: {  	s5 =	simm.s32 @p1 $0x1;
	p0 =	seq.s32 s7, s2  }
0x1e: {  	s7 =	smul.u32 @!p0 $0xF7A, s2;
	p2 =	seq.s32 @!p0 s5, $0x0  }
0x1f: {  	s9 =	smul.u32 $0xF7A, s1;
	s8 =	simm.s32 @!p0 $0x1BF5;
	p2 =	por !p2, p0  }
0x20: {  	[sflag:s8] =	ssyncset.s32 @!p0 $0xFFFFF086;
	s6 =	sadd.s32 @!p0 s3, s7;
	s7 =	simm.s32 @!p0 $0x108  }
0x21: {  	s3 =	sadd.s32 s3, s9;
	s6 =	sadd.s32 @!p0 $0x88, s6;
	s7 =	simm.s32 @p2 $0x1082  }
0x22: {  	[simem:s7], [sflag:s8] =	dma.local @!p0 [hbm:s6], $0xF7A  }
0x23: {  	s9 =	sor.u32 $0xD0000000, s2;
	s6 =	simm.s32 $0x108;
	_ =	swait.ge @!p0 [sflag:s8], $0x0  }
0x24: {  	s3 =	sadd.s32 $0x88, s3;
	s6 =	simm.s32 @!p1 $0x1082;
	[sflag:s4] =	ssyncset.s32 $0xFFFFF086  }
0x25: {  	[simem:s6], [sflag:s4] =	dma.local [hbm:s3], $0xF7A  }
0x26: {  	[smem:$0x3F99] =	sst s1;
	(tag) =	ssettag s2;
	_ =	strace s9  }
0x27: {  	s1 =	sld [smem:$0x3FA9]  }
0x28: {  	s2 =	sld [smem:$0x3FAA]  }
0x29: {  	s4 =	sld [smem:$0x3FAC]  }
0x2a: {  	p0 =	seq.s32 s5, $0x0;
	s5 =	sld [smem:$0x3FAD]  }
0x2b: {  	s6 =	sld [smem:$0x3FAE]  }
0x2c: {  	s7 =	sld [smem:$0x3FAF]  }
0x2d: {  	s3 =	simm.s32 $0x108;
	s8 =	sld [smem:$0x3FB0]  }
0x2e: {  	s3 =	simm.s32 @!p0 $0x1082;
	s9 =	sld [smem:$0x3FB1]  }
0x2f: {  	lr =	sadd.s32 s0, s3;
	s0 =	sld [smem:$0x3FA8]  }
0x30: {  	s3 =	sld [smem:$0x3FAB]  }
0x31: {  	[smem:$0x3FB4] =	sst s10  }
0x32: {  	s10 =	sld [smem:$0x3FB2];
	_ =	sdelay $0x3  }
0x33: {  	p0 =	seq.s32 s10, $0x1;
	s10 =	sld [smem:$0x3FB4];
	_ =	sdelay $0x3  }
0x34: {  	[smem:$0x3FB4] =	sst s10  }
0x35: {  	s10 =	sld [smem:$0x3FB3];
	_ =	sdelay $0x3  }
0x36: {  	p1 =	seq.s32 s10, $0x1;
	s10 =	sld [smem:$0x3FB4];
	_ =	sdelay $0x3  }
0x37: {  	[smem:$0x3FB4] =	sst s10  }
0x38: {  	s10 =	sld [smem:$0x3FB5]  }
0x39: {  	_ = 	snop;
	(pc) =	sbr.ind lr, $3  }
0x3a: {  	_ = 	snop  }
0x3b: {  	_ = 	snop  }
0x3c: {  	p2 =	seq.s32 s10, $0x1;
	s10 =	sld [smem:$0x3FB4]  }
0x3d: {  	_ =	shalt  }
0x3e: {  	_ =	shalt  }
0x3f: {  	_ =	shalt  }
0x40: {  	_ =	shalt  }
0x41: {  	_ =	shalt  }
0x42: {  	_ =	shalt  }
0x43: {  	_ =	shalt  }
0x44: {  	_ =	shalt  }
0x45: {  	_ =	shalt  }
0x46: {  	_ =	shalt  }
0x47: {  	_ =	shalt  }
0x48: {  	_ =	shalt  }
0x49: {  	_ =	shalt  }
0x4a: {  	_ =	shalt  }
0x4b: {  	_ =	shalt  }
0x4c: {  	_ =	shalt  }
0x4d: {  	_ =	shalt  }
0x4e: {  	_ =	shalt  }
0x4f: {  	_ =	shalt  }
0x50: {  	_ =	shalt  }
0x51: {  	_ =	shalt  }
0x52: {  	_ =	shalt  }
0x53: {  	_ =	shalt  }
0x54: {  	_ =	shalt  }
0x55: {  	_ =	shalt  }
0x56: {  	_ =	shalt  }
0x57: {  	_ =	shalt  }
0x58: {  	_ =	shalt  }
0x59: {  	_ =	shalt  }
0x5a: {  	_ =	shalt  }
0x5b: {  	_ =	shalt  }
0x5c: {  	_ =	shalt  }
0x5d: {  	_ =	shalt  }
0x5e: {  	_ =	shalt  }
0x5f: {  	_ =	shalt  }
0x60: {  	_ =	shalt  }
0x61: {  	_ =	shalt  }
0x62: {  	_ =	shalt  }
0x63: {  	_ =	shalt  }
0x64: {  	_ =	shalt  }
0x65: {  	_ =	shalt  }
0x66: {  	_ =	shalt  }
0x67: {  	_ =	shalt  }
0x68: {  	_ =	shalt  }
0x69: {  	_ =	shalt  }
0x6a: {  	_ =	shalt  }
0x6b: {  	_ =	shalt  }
0x6c: {  	_ =	shalt  }
0x6d: {  	_ =	shalt  }
0x6e: {  	_ =	shalt  }
0x6f: {  	_ =	shalt  }
0x70: {  	_ =	shalt  }
0x71: {  	_ =	shalt  }
0x72: {  	_ =	shalt  }
0x73: {  	_ =	shalt  }
0x74: {  	_ =	shalt  }
0x75: {  	_ =	shalt  }
0x76: {  	_ =	shalt  }
0x77: {  	_ =	shalt  }
0x78: {  	_ =	shalt  }
0x79: {  	_ =	shalt  }
0x7a: {  	_ =	shalt  }
0x7b: {  	_ =	shalt  }
0x7c: {  	_ =	shalt  }
0x7d: {  	_ =	shalt  }
0x7e: {  	_ =	shalt  }
0x7f: {  	_ =	shalt  }
0x80: {  	_ =	shalt  }
0x81: {  	_ =	shalt  }
0x82: {  	_ =	shalt  }
0x83: {  	_ =	shalt  }
0x84: {  	_ =	shalt  }
0x85: {  	_ =	shalt  }
0x86: {  	_ =	shalt  }
0x87: {  	_ =	shalt  }
.Lfunc_end0:
.L_simem_size_0:
called_computation.1_lowered:
.L_overlay_start_0:
0x88: {  	s2 =	sld [smem:$0x3FD9]  }
0x89: {  	s3 =	sld [smem:$0x3FFE];
	_ =	sdelay $0x1  }
0x8a: {  	s1 =	srdreg.scid  }
0x8b: {  	s0 =	sand.u32 $0x1, s1  }
0x8c: {  	s16 =	sshll.u32 s0, $0xA;
	s2 =	sadd.s32 s3, s2  }
0x8d: {  	s2 =	sadd.s32 s2, s16  }
0x8e: {  	[smem:$0x3FC0] =	sst s2  }
0x8f: {  	_ = 	snop  }
0x90: {  	(tm) =	ssettm $0x1  }
0x91: {  	s17 =	sld [smem:$0x3FFB];
	_ =	sdelay $0x3  }
0x92: {  	_ =	strace s17  }
0x93: {  	s2 =	sld [smem:$0x3FFC];
	_ =	sdelay $0x3  }
0x94: {  	_ =	strace s2  }
0x95: {  	s2 =	sld [smem:$0x3FFD];
	_ =	sdelay $0x3  }
0x96: {  	_ =	strace s2  }
0x97: {  	_ =	strace $0x8FFFFFFF  }
0x98: {  	s18 =	sld [smem:$0x3FDB];
	_ =	sdelay $0x1  }
0x99: {  	s19 =	simm.s32 $_scs_section_size  }
0x9a: {  	s4 =	simm.s32 $_size__tile_overlayer_lowered;
	s5 =	simm.s32 $_tile_overlayer_lowered  }
0x9b: {  	s22 =	simm.s32 $0x1BFF;
	s21 =	sshll.u32 s5, $0x1;
	s2 =	sadd.s32 s19, s18  }
0x9c: {  	s6 =	simm.s32 $0x0;
	s20 =	sshll.u32 s4, $0x1;
	s4 =	sadd.s32 s21, s2  }
0x9d: {  	[timem:s6], [sflag:s22] =	dma.local [hbm:s4], s20  }
0x9e: {  	_ =	swait.ge [sflag:s22], s20  }
0x9f: {  	s3 =	ssub.s32 $0x0, s20;
	[sflag:s22] =	ssyncset.done $0x0  }
0xa0: {  	[sflag:s22] =	ssyncadd.s32 s3;
	_ =	sdelay $0x1  }
0xa1: {  	s23 =	simm.s32 $0x1B8B  }
0xa2: {  	_ =	swait.ge [sflag:s23], $0x1  }
0xa3: {  	[sflag:s23] =	ssyncset.done $0x0  }
0xa4: {  	s25 =	simm.s32 $0x1B8E;
	s24 =	sld [smem:$0x3FFE];
	[sflag:s23] =	ssyncadd.s32 $0xFFFFFFFF  }
0xa5: {  	s26 =	simm.s32 $execute0_lowered;
	[smem:$0x3FD2] =	sst s25  }
0xa6: {  	s4 =	sshll.u32 s26, $0x1;
	_ =	strace $0x80000049;
	[dreg:$0x1] =	wrdreg $0xFFFFFFFF  }
0xa7: {  	s28 =	simm.s32 $_size_execute0_lowered;
	s2 =	sadd.s32 s2, s4;
	[dreg:$0x0] =	wrdreg $0x0  }
0xa8: {  	s4 =	sshll.u32 s28, $0x1;
	[dreg:$0x2] =	wrdreg s2  }
0xa9: {  	[dreg:$0x3] =	wrdreg s4  }
0xaa: {  	[dreg:$0x4] =	wrdreg $0xC0  }
0xab: {  	_ =	task [dreg:s6], $0x5FFFF  }
0xac: {  	[dreg:$0x1] =	wrdreg $0xFFFFFFFF  }
0xad: {  	[dreg:$0x0] =	wrdreg $0x60  }
0xae: {  	[dreg:$0x2] =	wrdreg s24  }
0xaf: {  	[dreg:$0x3] =	wrdreg $0x0  }
0xb0: {  	[dreg:$0x4] =	wrdreg $0x9  }
0xb1: {  	_ =	task.clear_ibuf [dreg:s6], $0x5FFFF;
	_ =	strace $0x90000049  }
0xb2: {  	s29 =	simm.s32 $0x9;
	_ =	strace $0x8000004B  }
0xb3: {  	_ =	swait.ge [sflag:s29], $0x1  }
0xb4: {  	[sflag:s29] =	ssyncadd.s32 $0xFFFFFFFF  }
0xb5: {  	_ =	strace $0x9000004B  }
0xb6: {  	_ =	sfence  }
0xb7: {  	s30 =	sld [smem:$0x0];
	_ =	sdelay $0x2  }
0xb8: {  	s31 =	sshll.u32 s1, $0xD;
	s1 =	sshrl.u32 s1, $0x2  }
0xb9: {  	s3 =	sand.u32 $0x4000, s31;
	s1 =	sadd.s32 s1, s30  }
0xba: {  	s0 =	sor.u32 s3, s0;
	s1 =	sshll.u32 s1, $0x11  }
0xbb: {  	s0 =	sor.u32 s1, s0  }
0xbc: {  	s0 =	sadd.s32 $0x8F2B, s0  }
0xbd: {  	[sflag:s0] =	ssyncadd.remote.s32 $0x1  }
0xbe: {  	_ =	sfence.sel $0xFFFF  }
0xbf: {  	[dreg:$0x0] =	wrdreg $0xFFFFFFFF;
	(pc) =	sbr.abs _section_cstart, $3  }
0xc0: {  	[dreg:$0x1] =	wrdreg $0xFFFFFFFF  }
0xc1: {  	_ =	task.clear_ibuf [dreg:s6], $0x2FFFF;
	_ =	strace $0x9FFFFFFF  }
0xc2: {  	(tm) =	ssettm $0x7FFFFFFF  }
0xc3: {  	_ =	shalt  }
tec
execute0_lowered:
.L_overlay_start_1:
0x0: {  	(tag) =	ssettag $0x1  }
0x1: {  	s6 =	rddreg [dreg:$0x0]  }
0x2: {  	s2 =	rddreg [dreg:$0x1]  }
0x3: {  	s0 =	rddreg [dreg:$0x2]  }
0x4: {  	s4 =	srdreg.scid;
	s1 =	stileid.u32;
	s3 =	simm.s32 $0x0  }
0x5: {  	s16 =	simm.s32 $0x14200;
	s17 =	simm.s32 $0x14100;
	s18 =	simm.s32 $0x18200  }
0x6: {  	s19 =	simm.s32 $0x1;
	s20 =	simm.s32 $0x14080;
	s5 =	smul.u32 $0x2800, s1  }
0x7: {  	s21 =	simm.s32 $0x2;
	s22 =	simm.s32 $0x14180;
	s9 =	smul.u32 $0xA0, s1  }
0x8: {  	s23 =	simm.s32 $0x0;
	s7 =	sand.u32 $0x1, s4;
	s13 =	smul.u32 $0x50000, s1  }
0x9: {  	[smem:$0x7FF] =	sst s3;
	s4 =	sadd.s32 $0x7EE00, s6;
	s29 =	smul.u32 $0x1400, s1  }
0xa: {  	s10 =	sadd.s32 $0x60600, s6;
	s30 =	sshll.u32 s1, $0x6;
	s8 =	smul.u32 $0x28000, s7  }
0xb: {  	_ =	strace $0x8000004A;
	s11 =	smul.u32 $0x50, s7;
	s12 =	ssub.s32 $0x2, s7  }
0xc: {  	s31 =	smul.u32 $0xA00, s7;
	s7 =	sor.u32 $0x1C03, s30;
	s25 =	sshrl.u32 s12, $0x1  }
0xd: {  	s28 =	sshrl.u32 s13, $0x2;
	s15 =	sadd.s32 s29, s10;
	s8 =	sadd.s32 s5, s8  }
0xe: {  	s5 =	sadd.s32 $0xDE00, s6;
	s12 =	ssub.s32 s12, s25;
	s26 =	sadd.s32 s11, s9  }
0xf: {  	s13 =	sadd.s32 s28, s2;
	s14 =	sadd.s32 s8, s6;
	s6 =	sshll.u32 s26, $0x5  }
0x10: {  	s11 =	sadd.s32 s31, s15;
	s15 =	simm.s32 $0x80;
	s6 =	sadd.s32 s10, s6  }
0x11: {  	s9 =	sadd.s32 $0xCEE00, s14;
	s10 =	smax.u32 s12, $0x1;
	s12 =	sshrl.u32 s13, $0x3  }
0x12: {  	s13 =	simm.s32 $0x3;
	s14 =	simm.s32 $0x14000;
	s8 =	sadd.s32 $0x20, s6  }
.LBB2_1:
0x13: {  	[spmem:s12], [sflag:s7] =	dma.local [hbm:s5], $0x2800  }
0x14: {  	_ =	swait.ge [sflag:s13], $0x2800  }
0x15: {  	[sflag:s13] =	ssyncset.done $0x0  }
0x16: {  	[sflag:s13] =	ssyncadd.s32 $0xFFFFD800  }
0x17: {  	[tilespmem:s14], [sflag:$0x3] =	stream.linear.gather [hbm4b:s6+s3], $0x100, $0x38;
	[tilespmem:$0x1C200] =	vst v63  }
0x18: {  	_ =	swait.ge [sflag:s13], $0x100  }
0x19: {  	[sflag:s13] =	ssyncset.done $0x0  }
0x1a: {  	[sflag:s13] =	ssyncadd.s32 $0xFFFFFF00  }
0x1b: {  	[tilespmem:s16], [sflag:$0x1] =	stream.indirect.gather [hbm4b:s4+s15], $0x80, s14, s15, $0xb8;
	[tilespmem:$0x1C200] =	vst v63  }
0x1c: {  	_ = 	snop  }
0x1d: {  	[tilespmem:s17], [sflag:$0x3] =	stream.linear.gather [hbm4b:s8+s3], $0x100, $0x38;
	[tilespmem:$0x1C200] =	vst v63  }
0x1e: {  	_ =	swait.ge [sflag:s13], $0x100  }
0x1f: {  	[sflag:s13] =	ssyncset.done $0x0  }
0x20: {  	[sflag:s13] =	ssyncadd.s32 $0xFFFFFF00  }
0x21: {  	[tilespmem:s18], [sflag:$0x2] =	stream.indirect.gather [hbm4b:s4+s15], $0x80, s17, s15, $0xb8;
	[tilespmem:$0x1C200] =	vst v63  }
0x22: {  	[bflag:$0x0] =	sbarrier.arrive $0xFFFF  }
0x23: {  	_ =	swait.ge [sflag:s19], $0x4000  }
0x24: {  	[sflag:s19] =	ssyncset.done $0x0  }
0x25: {  	[sflag:s19] =	ssyncadd.s32 $0xFFFFC000  }
0x26: {  	[spmem:s2] =	stream.indirect.scatter.add.f32 [tilespmem:s16], [sflag:$0x3], $0x80, s20, s15, $0xb8;
	[tilespmem:$0x1C200] =	vst v63  }
0x27: {  	_ =	swait.ge [sflag:s13], $0x4000  }
0x28: {  	s24 =	sadd.s32 $0xFFFFF640, s11;
	[sflag:s13] =	ssyncset.done $0x0  }
0x29: {  	s25 =	sadd.s32 $0xA00, s24;
	[sflag:s13] =	ssyncadd.s32 $0xFFFFC000  }
0x2a: {  	[tilespmem:s14], [sflag:$0x3] =	stream.linear.gather [hbm4b:s25+s3], $0x100, $0x38;
	[tilespmem:$0x1C200] =	vst v63  }
0x2b: {  	_ =	swait.ge [sflag:s13], $0x100  }
0x2c: {  	[sflag:s13] =	ssyncset.done $0x0  }
0x2d: {  	[sflag:s13] =	ssyncadd.s32 $0xFFFFFF00  }
0x2e: {  	[tilespmem:s16], [sflag:$0x1] =	stream.indirect.gather [hbm4b:s4+s15], $0x80, s14, s15, $0xb8;
	[tilespmem:$0x1C200] =	vst v63  }
0x2f: {  	_ =	swait.ge [sflag:s21], $0x4000  }
0x30: {  	[sflag:s21] =	ssyncset.done $0x0  }
0x31: {  	[sflag:s21] =	ssyncadd.s32 $0xFFFFC000  }
0x32: {  	[spmem:s2] =	stream.indirect.scatter.add.f32 [tilespmem:s18], [sflag:$0x3], $0x80, s22, s15, $0xb8;
	[tilespmem:$0x1C200] =	vst v63  }
0x33: {  	_ =	swait.ge [sflag:s13], $0x4000  }
0x34: {  	[sflag:s13] =	ssyncset.done $0x0  }
0x35: {  	s24 =	sadd.s32 $0xA20, s24;
	[sflag:s13] =	ssyncadd.s32 $0xFFFFC000  }
0x36: {  	[tilespmem:s17], [sflag:$0x3] =	stream.linear.gather [hbm4b:s24+s3], $0x100, $0x38;
	[tilespmem:$0x1C200] =	vst v63  }
0x37: {  	_ =	swait.ge [sflag:s13], $0x100  }
0x38: {  	[sflag:s13] =	ssyncset.done $0x0  }
0x39: {  	s24 =	simm.s32 $0xFFFFF680;
	[sflag:s13] =	ssyncadd.s32 $0xFFFFFF00  }
.LBB2_2:
0x3a: {  	[tilespmem:s18], [sflag:$0x2] =	stream.indirect.gather [hbm4b:s4+s15], $0x80, s17, s15, $0xb8;
	[tilespmem:$0x1C200] =	vst v63  }
0x3b: {  	s25 =	smov.u32 s24  }
0x3c: {  	p0 =	sne.s32 s24, $0xFFFFFFC0;
	s24 =	sadd.s32 $0x40, s24;
	_ =	swait.ge [sflag:s19], $0x4000  }
0x3d: {  	[sflag:s19] =	ssyncset.done $0x0  }
0x3e: {  	[sflag:s19] =	ssyncadd.s32 $0xFFFFC000  }
0x3f: {  	[spmem:s2] =	stream.indirect.scatter.add.f32 [tilespmem:s16], [sflag:$0x3], $0x80, s20, s15, $0xb8;
	[tilespmem:$0x1C200] =	vst v63  }
0x40: {  	_ =	swait.ge [sflag:s13], $0x4000  }
0x41: {  	s25 =	sadd.s32 s25, s11;
	[sflag:s13] =	ssyncset.done $0x0  }
0x42: {  	s26 =	sadd.s32 $0xA00, s25;
	[sflag:s13] =	ssyncadd.s32 $0xFFFFC000  }
0x43: {  	[tilespmem:s14], [sflag:$0x3] =	stream.linear.gather [hbm4b:s26+s3], $0x100, $0x38;
	[tilespmem:$0x1C200] =	vst v63  }
0x44: {  	_ =	swait.ge [sflag:s13], $0x100  }
0x45: {  	[sflag:s13] =	ssyncset.done $0x0  }
0x46: {  	[sflag:s13] =	ssyncadd.s32 $0xFFFFFF00  }
0x47: {  	[tilespmem:s16], [sflag:$0x1] =	stream.indirect.gather [hbm4b:s4+s15], $0x80, s14, s15, $0xb8;
	[tilespmem:$0x1C200] =	vst v63  }
0x48: {  	_ =	swait.ge [sflag:s21], $0x4000  }
0x49: {  	[sflag:s21] =	ssyncset.done $0x0  }
0x4a: {  	[sflag:s21] =	ssyncadd.s32 $0xFFFFC000  }
0x4b: {  	[spmem:s2] =	stream.indirect.scatter.add.f32 [tilespmem:s18], [sflag:$0x3], $0x80, s22, s15, $0xb8;
	[tilespmem:$0x1C200] =	vst v63  }
0x4c: {  	_ =	swait.ge [sflag:s13], $0x4000  }
0x4d: {  	[sflag:s13] =	ssyncset.done $0x0  }
.Ltmp0:
0x4e: {  	s25 =	sadd.s32 $0xA20, s25;
	[sflag:s13] =	ssyncadd.s32 $0xFFFFC000;
	(pc) =	sbr.rel @p0 .LBB2_2-.Ltmp0, $4  }
0x4f: {  	[tilespmem:s17], [sflag:$0x3] =	stream.linear.gather [hbm4b:s25+s3], $0x100, $0x38;
	[tilespmem:$0x1C200] =	vst v63  }
0x50: {  	_ =	swait.ge [sflag:s13], $0x100  }
0x51: {  	[sflag:s13] =	ssyncset.done $0x0  }
0x52: {  	[sflag:s13] =	ssyncadd.s32 $0xFFFFFF00  }
0x53: {  	[tilespmem:s18], [sflag:$0x2] =	stream.indirect.gather [hbm4b:s4+s15], $0x80, s17, s15, $0xb8;
	[tilespmem:$0x1C200] =	vst v63  }
0x54: {  	_ =	swait.ge [sflag:s19], $0x4000  }
0x55: {  	[sflag:s19] =	ssyncset.done $0x0  }
0x56: {  	[sflag:s19] =	ssyncadd.s32 $0xFFFFC000  }
0x57: {  	[spmem:s2] =	stream.indirect.scatter.add.f32 [tilespmem:s16], [sflag:$0x3], $0x80, s20, s15, $0xb8;
	[tilespmem:$0x1C200] =	vst v63  }
0x58: {  	_ =	swait.ge [sflag:s13], $0x4000  }
0x59: {  	[sflag:s13] =	ssyncset.done $0x0  }
0x5a: {  	[sflag:s13] =	ssyncadd.s32 $0xFFFFC000  }
0x5b: {  	_ =	swait.ge [sflag:s21], $0x4000  }
0x5c: {  	[sflag:s21] =	ssyncset.done $0x0  }
0x5d: {  	[sflag:s21] =	ssyncadd.s32 $0xFFFFC000  }
0x5e: {  	[spmem:s2] =	stream.indirect.scatter.add.f32 [tilespmem:s18], [sflag:$0x3], $0x80, s22, s15, $0xb8;
	[tilespmem:$0x1C200] =	vst v63  }
0x5f: {  	_ =	swait.ge [sflag:s13], $0x4000  }
0x60: {  	s23 =	sadd.s32 $0x1, s23;
	[sflag:s13] =	ssyncset.done $0x0  }
0x61: {  	p0 =	sne.s32 s23, s10;
	[sflag:s13] =	ssyncadd.s32 $0xFFFFC000  }
.Ltmp1:
0x62: {  	[bflag:$0x0] =	sbarrier.arrive $0xFFFF;
	(pc) =	sbr.rel @p0 .LBB2_1-.Ltmp1, $4  }
0x63: {  	[hbm:s9], [sflag:s7] =	dma.local [spmem:s12], $0x2800  }
0x64: {  	_ =	swait.ge [sflag:s13], $0x2800  }
0x65: {  	[sflag:s13] =	ssyncset.done $0x0  }
0x66: {  	[sflag:s13] =	ssyncadd.s32 $0xFFFFD800  }
0x67: {  	_ =	sfence.sel $0x180000  }
0x68: {  	[bflag:$0x0] =	sbarrier.arrive $0xFFFF  }
0x69: {  	p0 =	sne.s32 s1, $0x0;
	_ =	strace $0x9000004A  }
0x6a: {  	s0 =	sadd.s32 @!p0 $0x100000, s0;
	[bflag:$0x2] =	sbarrier.arrive $0xFFFF  }
0x6b: {  	[sflag:s0] =	ssyncadd.tile.s32 @!p0 $0x1;
	_ =	shalt  }
.Lfunc_end2:
_tile_overlayer_lowered:
.L_overlay_start_2:
0x6c: {  	(tag) =	ssettag $0x2  }
0x6d: {  	s0 =	rddreg [dreg:$0x0];
	s2 =	stileid.u32  }
0x6e: {  	s1 =	rddreg [dreg:$0x1];
	p0 =	sne.s32 s2, $0x0  }
0x6f: {  	s3 =	rddreg [dreg:$0x2];
	[bflag:$0x3] =	sbarrier.arrive $0xFFFF;
	s2 =	simm.s32 @!p0 $0x1C03  }
0x70: {  	[timem:s3], [sflag:s2] =	dma.local @!p0 [hbm:s0], s1  }
0x71: {  	s0 =	simm.s32 @!p0 $0x3  }
0x72: {  	_ =	swait.ge @!p0 [sflag:s0], s1  }
0x73: {  	s1 =	ssub.s32 @!p0 $0x0, s1;
	[sflag:s0] =	ssyncset.done @!p0 $0x0  }
0x74: {  	[sflag:s0] =	ssyncadd.s32 @!p0 s1  }
0x75: {  	[bflag:$0x3] =	sbarrier.arrive $0xFFFF  }
0x76: {  	_ =	shalt  }

// kernel: kernel.19.cloned.1.call-start
scs
__scs_entry_jumppad:
0x0: {  	(pc) =	sbr.rel $0x88, $3  }
0x1: {  	(tag) =	ssettag $0x0;
	lr =	simm.s32 $0x1  }
0x2: {  	[smem:$0x3F99] =	sst lr;
	_ =	strace $0xD0000000  }
0x3: {  	_ = 	snop  }
0x4: {  	_ = 	snop  }
0x5: {  	_ = 	snop  }
0x6: {  	_ = 	snop  }
0x7: {  	_ = 	snop  }
__scs_overlays_trampoline_lowered:
0x8: {  	[smem:$0x3FA8] =	sst s0  }
0x9: {  	[smem:$0x3FA9] =	sst s1  }
0xa: {  	[smem:$0x3FAA] =	sst s2  }
0xb: {  	[smem:$0x3FAB] =	sst s3  }
0xc: {  	[smem:$0x3FAC] =	sst s4  }
0xd: {  	[smem:$0x3FAD] =	sst s5  }
0xe: {  	[smem:$0x3FAE] =	sst s6  }
0xf: {  	[smem:$0x3FAF] =	sst s7  }
0x10: {  	[smem:$0x3FB0] =	sst s8  }
0x11: {  	[smem:$0x3FB1] =	sst s9;
	s0 =	simm.s32 @!p0 $0x0  }
0x12: {  	s1 =	sld [smem:$0x3F97];
	s0 =	simm.s32 @p0 $0x1  }
0x13: {  	[smem:$0x3FB2] =	sst s0;
	s0 =	simm.s32 @!p1 $0x0  }
0x14: {  	s2 =	sld [smem:$0x3F96];
	s0 =	simm.s32 @p1 $0x1  }
0x15: {  	[smem:$0x3FB3] =	sst s0;
	s0 =	simm.s32 @!p2 $0x0  }
0x16: {  	s3 =	sld [smem:$0x3FDB];
	s0 =	simm.s32 @p2 $0x1  }
0x17: {  	s4 =	simm.s32 $0x1BF5;
	[smem:$0x3FB5] =	sst s0  }
0x18: {  	s0 =	sld [smem:$0x3F98];
	_ =	swait.ge [sflag:s4], $0x0  }
0x19: {  	s7 =	sld [smem:$0x3F99]  }
0x1a: {  	s8 =	sadd.s32 $0xFFFFE003, lr  }
0x1b: {  	s9 =	sadd.s32 $0xFFFFFEF7, lr;
	s5 =	simm.s32 $0xFFFFFFFF;
	p2 =	slt.u32 s8, $0xFFFFF086  }
0x1c: {  	p1 =	slt.u32 s9, $0xF7A;
	s5 =	simm.s32 @!p2 $0x0  }
0x1d: {  	s5 =	simm.s32 @p1 $0x1;
	p0 =	seq.s32 s7, s2  }
0x1e: {  	s7 =	smul.u32 @!p0 $0xF7A, s2;
	p2 =	seq.s32 @!p0 s5, $0x0  }
0x1f: {  	s9 =	smul.u32 $0xF7A, s1;
	s8 =	simm.s32 @!p0 $0x1BF5;
	p2 =	por !p2, p0  }
0x20: {  	[sflag:s8] =	ssyncset.s32 @!p0 $0xFFFFF086;
	s6 =	sadd.s32 @!p0 s3, s7;
	s7 =	simm.s32 @!p0 $0x108  }
0x21: {  	s3 =	sadd.s32 s3, s9;
	s6 =	sadd.s32 @!p0 $0x88, s6;
	s7 =	simm.s32 @p2 $0x1082  }
0x22: {  	[simem:s7], [sflag:s8] =	dma.local @!p0 [hbm:s6], $0xF7A  }
0x23: {  	s9 =	sor.u32 $0xD0000000, s2;
	s6 =	simm.s32 $0x108;
	_ =	swait.ge @!p0 [sflag:s8], $0x0  }
0x24: {  	s3 =	sadd.s32 $0x88, s3;
	s6 =	simm.s32 @!p1 $0x1082;
	[sflag:s4] =	ssyncset.s32 $0xFFFFF086  }
0x25: {  	[simem:s6], [sflag:s4] =	dma.local [hbm:s3], $0xF7A  }
0x26: {  	[smem:$0x3F99] =	sst s1;
	(tag) =	ssettag s2;
	_ =	strace s9  }
0x27: {  	s1 =	sld [smem:$0x3FA9]  }
0x28: {  	s2 =	sld [smem:$0x3FAA]  }
0x29: {  	s4 =	sld [smem:$0x3FAC]  }
0x2a: {  	p0 =	seq.s32 s5, $0x0;
	s5 =	sld [smem:$0x3FAD]  }
0x2b: {  	s6 =	sld [smem:$0x3FAE]  }
0x2c: {  	s7 =	sld [smem:$0x3FAF]  }
0x2d: {  	s3 =	simm.s32 $0x108;
	s8 =	sld [smem:$0x3FB0]  }
0x2e: {  	s3 =	simm.s32 @!p0 $0x1082;
	s9 =	sld [smem:$0x3FB1]  }
0x2f: {  	lr =	sadd.s32 s0, s3;
	s0 =	sld [smem:$0x3FA8]  }
0x30: {  	s3 =	sld [smem:$0x3FAB]  }
0x31: {  	[smem:$0x3FB4] =	sst s10  }
0x32: {  	s10 =	sld [smem:$0x3FB2];
	_ =	sdelay $0x3  }
0x33: {  	p0 =	seq.s32 s10, $0x1;
	s10 =	sld [smem:$0x3FB4];
	_ =	sdelay $0x3  }
0x34: {  	[smem:$0x3FB4] =	sst s10  }
0x35: {  	s10 =	sld [smem:$0x3FB3];
	_ =	sdelay $0x3  }
0x36: {  	p1 =	seq.s32 s10, $0x1;
	s10 =	sld [smem:$0x3FB4];
	_ =	sdelay $0x3  }
0x37: {  	[smem:$0x3FB4] =	sst s10  }
0x38: {  	s10 =	sld [smem:$0x3FB5]  }
0x39: {  	_ = 	snop;
	(pc) =	sbr.ind lr, $3  }
0x3a: {  	_ = 	snop  }
0x3b: {  	_ = 	snop  }
0x3c: {  	p2 =	seq.s32 s10, $0x1;
	s10 =	sld [smem:$0x3FB4]  }
0x3d: {  	_ =	shalt  }
0x3e: {  	_ =	shalt  }
0x3f: {  	_ =	shalt  }
0x40: {  	_ =	shalt  }
0x41: {  	_ =	shalt  }
0x42: {  	_ =	shalt  }
0x43: {  	_ =	shalt  }
0x44: {  	_ =	shalt  }
0x45: {  	_ =	shalt  }
0x46: {  	_ =	shalt  }
0x47: {  	_ =	shalt  }
0x48: {  	_ =	shalt  }
0x49: {  	_ =	shalt  }
0x4a: {  	_ =	shalt  }
0x4b: {  	_ =	shalt  }
0x4c: {  	_ =	shalt  }
0x4d: {  	_ =	shalt  }
0x4e: {  	_ =	shalt  }
0x4f: {  	_ =	shalt  }
0x50: {  	_ =	shalt  }
0x51: {  	_ =	shalt  }
0x52: {  	_ =	shalt  }
0x53: {  	_ =	shalt  }
0x54: {  	_ =	shalt  }
0x55: {  	_ =	shalt  }
0x56: {  	_ =	shalt  }
0x57: {  	_ =	shalt  }
0x58: {  	_ =	shalt  }
0x59: {  	_ =	shalt  }
0x5a: {  	_ =	shalt  }
0x5b: {  	_ =	shalt  }
0x5c: {  	_ =	shalt  }
0x5d: {  	_ =	shalt  }
0x5e: {  	_ =	shalt  }
0x5f: {  	_ =	shalt  }
0x60: {  	_ =	shalt  }
0x61: {  	_ =	shalt  }
0x62: {  	_ =	shalt  }
0x63: {  	_ =	shalt  }
0x64: {  	_ =	shalt  }
0x65: {  	_ =	shalt  }
0x66: {  	_ =	shalt  }
0x67: {  	_ =	shalt  }
0x68: {  	_ =	shalt  }
0x69: {  	_ =	shalt  }
0x6a: {  	_ =	shalt  }
0x6b: {  	_ =	shalt  }
0x6c: {  	_ =	shalt  }
0x6d: {  	_ =	shalt  }
0x6e: {  	_ =	shalt  }
0x6f: {  	_ =	shalt  }
0x70: {  	_ =	shalt  }
0x71: {  	_ =	shalt  }
0x72: {  	_ =	shalt  }
0x73: {  	_ =	shalt  }
0x74: {  	_ =	shalt  }
0x75: {  	_ =	shalt  }
0x76: {  	_ =	shalt  }
0x77: {  	_ =	shalt  }
0x78: {  	_ =	shalt  }
0x79: {  	_ =	shalt  }
0x7a: {  	_ =	shalt  }
0x7b: {  	_ =	shalt  }
0x7c: {  	_ =	shalt  }
0x7d: {  	_ =	shalt  }
0x7e: {  	_ =	shalt  }
0x7f: {  	_ =	shalt  }
0x80: {  	_ =	shalt  }
0x81: {  	_ =	shalt  }
0x82: {  	_ =	shalt  }
0x83: {  	_ =	shalt  }
0x84: {  	_ =	shalt  }
0x85: {  	_ =	shalt  }
0x86: {  	_ =	shalt  }
0x87: {  	_ =	shalt  }
.Lfunc_end0:
.L_simem_size_0:
called_computation.2_lowered:
.L_overlay_start_0:
0x88: {  	s2 =	sld [smem:$0x3FD9]  }
0x89: {  	s3 =	sld [smem:$0x3FFE];
	_ =	sdelay $0x1  }
0x8a: {  	s1 =	srdreg.scid  }
0x8b: {  	s0 =	sand.u32 $0x1, s1  }
0x8c: {  	s16 =	sshll.u32 s0, $0xA;
	s2 =	sadd.s32 s3, s2  }
0x8d: {  	s2 =	sadd.s32 s2, s16  }
0x8e: {  	[smem:$0x3FC0] =	sst s2  }
0x8f: {  	_ = 	snop  }
0x90: {  	(tm) =	ssettm $0x1  }
0x91: {  	s17 =	sld [smem:$0x3FFB];
	_ =	sdelay $0x3  }
0x92: {  	_ =	strace s17  }
0x93: {  	s2 =	sld [smem:$0x3FFC];
	_ =	sdelay $0x3  }
0x94: {  	_ =	strace s2  }
0x95: {  	s2 =	sld [smem:$0x3FFD];
	_ =	sdelay $0x3  }
0x96: {  	_ =	strace s2  }
0x97: {  	_ =	strace $0x8FFFFFFF  }
0x98: {  	s18 =	sld [smem:$0x3FDB];
	_ =	sdelay $0x1  }
0x99: {  	s19 =	simm.s32 $_scs_section_size  }
0x9a: {  	s4 =	simm.s32 $_size__tile_overlayer_lowered;
	s5 =	simm.s32 $_tile_overlayer_lowered  }
0x9b: {  	s22 =	simm.s32 $0x1BFF;
	s21 =	sshll.u32 s5, $0x1;
	s2 =	sadd.s32 s19, s18  }
0x9c: {  	s6 =	simm.s32 $0x0;
	s20 =	sshll.u32 s4, $0x1;
	s4 =	sadd.s32 s21, s2  }
0x9d: {  	[timem:s6], [sflag:s22] =	dma.local [hbm:s4], s20  }
0x9e: {  	_ =	swait.ge [sflag:s22], s20  }
0x9f: {  	s3 =	ssub.s32 $0x0, s20;
	[sflag:s22] =	ssyncset.done $0x0  }
0xa0: {  	[sflag:s22] =	ssyncadd.s32 s3;
	_ =	sdelay $0x1  }
0xa1: {  	s23 =	simm.s32 $0x1B8B  }
0xa2: {  	_ =	swait.ge [sflag:s23], $0x1  }
0xa3: {  	[sflag:s23] =	ssyncset.done $0x0  }
0xa4: {  	s25 =	simm.s32 $0x1B8E;
	s24 =	sld [smem:$0x3FFE];
	[sflag:s23] =	ssyncadd.s32 $0xFFFFFFFF  }
0xa5: {  	s26 =	simm.s32 $execute0_lowered;
	[smem:$0x3FD2] =	sst s25  }
0xa6: {  	s4 =	sshll.u32 s26, $0x1;
	_ =	strace $0x8000004C;
	[dreg:$0x1] =	wrdreg $0xFFFFFFFF  }
0xa7: {  	s28 =	simm.s32 $_size_execute0_lowered;
	s2 =	sadd.s32 s2, s4;
	[dreg:$0x0] =	wrdreg $0x0  }
0xa8: {  	s4 =	sshll.u32 s28, $0x1;
	[dreg:$0x2] =	wrdreg s2  }
0xa9: {  	[dreg:$0x3] =	wrdreg s4  }
0xaa: {  	[dreg:$0x4] =	wrdreg $0xC0  }
0xab: {  	_ =	task [dreg:s6], $0x5FFFF  }
0xac: {  	[dreg:$0x1] =	wrdreg $0xFFFFFFFF  }
0xad: {  	[dreg:$0x0] =	wrdreg $0x60  }
0xae: {  	[dreg:$0x2] =	wrdreg s24  }
0xaf: {  	[dreg:$0x3] =	wrdreg $0x0  }
0xb0: {  	[dreg:$0x4] =	wrdreg $0x9  }
0xb1: {  	_ =	task.clear_ibuf [dreg:s6], $0x5FFFF;
	_ =	strace $0x9000004C  }
0xb2: {  	s29 =	simm.s32 $0x9;
	_ =	strace $0x8000004E  }
0xb3: {  	_ =	swait.ge [sflag:s29], $0x1  }
0xb4: {  	[sflag:s29] =	ssyncadd.s32 $0xFFFFFFFF  }
0xb5: {  	_ =	strace $0x9000004E  }
0xb6: {  	_ =	sfence  }
0xb7: {  	s30 =	sld [smem:$0x0];
	_ =	sdelay $0x2  }
0xb8: {  	s31 =	sshll.u32 s1, $0xD;
	s1 =	sshrl.u32 s1, $0x2  }
0xb9: {  	s3 =	sand.u32 $0x4000, s31;
	s1 =	sadd.s32 s1, s30  }
0xba: {  	s0 =	sor.u32 s3, s0;
	s1 =	sshll.u32 s1, $0x11  }
0xbb: {  	s0 =	sor.u32 s1, s0  }
0xbc: {  	s0 =	sadd.s32 $0x8F2B, s0  }
0xbd: {  	[sflag:s0] =	ssyncadd.remote.s32 $0x1  }
0xbe: {  	_ =	sfence.sel $0xFFFF  }
0xbf: {  	[dreg:$0x0] =	wrdreg $0xFFFFFFFF;
	(pc) =	sbr.abs _section_cstart, $3  }
0xc0: {  	[dreg:$0x1] =	wrdreg $0xFFFFFFFF  }
0xc1: {  	_ =	task.clear_ibuf [dreg:s6], $0x2FFFF;
	_ =	strace $0x9FFFFFFF  }
0xc2: {  	(tm) =	ssettm $0x7FFFFFFF  }
0xc3: {  	_ =	shalt  }
tec
execute0_lowered:
.L_overlay_start_1:
0x0: {  	(tag) =	ssettag $0x1  }
0x1: {  	s6 =	rddreg [dreg:$0x0]  }
0x2: {  	s2 =	rddreg [dreg:$0x1]  }
0x3: {  	s0 =	rddreg [dreg:$0x2]  }
0x4: {  	s4 =	srdreg.scid;
	s1 =	stileid.u32;
	s3 =	simm.s32 $0x0  }
0x5: {  	s16 =	simm.s32 $0x14200;
	s17 =	simm.s32 $0x14100;
	s18 =	simm.s32 $0x18200  }
0x6: {  	s19 =	simm.s32 $0x1;
	s20 =	simm.s32 $0x14080;
	s5 =	smul.u32 $0x2800, s1  }
0x7: {  	s21 =	simm.s32 $0x2;
	s22 =	simm.s32 $0x14180;
	s9 =	smul.u32 $0xA0, s1  }
0x8: {  	s23 =	simm.s32 $0x0;
	s7 =	sand.u32 $0x1, s4;
	s13 =	smul.u32 $0x50000, s1  }
0x9: {  	[smem:$0x7FF] =	sst s3;
	s4 =	sadd.s32 $0x9C600, s6;
	s29 =	smul.u32 $0x1400, s1  }
0xa: {  	s10 =	sadd.s32 $0x60600, s6;
	s30 =	sshll.u32 s1, $0x6;
	s8 =	smul.u32 $0x28000, s7  }
0xb: {  	_ =	strace $0x8000004D;
	s11 =	smul.u32 $0x50, s7;
	s12 =	ssub.s32 $0x2, s7  }
0xc: {  	s31 =	smul.u32 $0xA00, s7;
	s7 =	sor.u32 $0x1C03, s30;
	s25 =	sshrl.u32 s12, $0x1  }
0xd: {  	s28 =	sshrl.u32 s13, $0x2;
	s15 =	sadd.s32 s29, s10;
	s8 =	sadd.s32 s5, s8  }
0xe: {  	s5 =	sadd.s32 $0xDE00, s6;
	s12 =	ssub.s32 s12, s25;
	s26 =	sadd.s32 s11, s9  }
0xf: {  	s13 =	sadd.s32 s28, s2;
	s14 =	sadd.s32 s8, s6;
	s6 =	sshll.u32 s26, $0x5  }
0x10: {  	s11 =	sadd.s32 s31, s15;
	s15 =	simm.s32 $0x80;
	s6 =	sadd.s32 s10, s6  }
0x11: {  	s9 =	sadd.s32 $0xEC600, s14;
	s10 =	smax.u32 s12, $0x1;
	s12 =	sshrl.u32 s13, $0x3  }
0x12: {  	s13 =	simm.s32 $0x3;
	s14 =	simm.s32 $0x14000;
	s8 =	sadd.s32 $0x20, s6  }
.LBB2_1:
0x13: {  	[spmem:s12], [sflag:s7] =	dma.local [hbm:s5], $0x2800  }
0x14: {  	_ =	swait.ge [sflag:s13], $0x2800  }
0x15: {  	[sflag:s13] =	ssyncset.done $0x0  }
0x16: {  	[sflag:s13] =	ssyncadd.s32 $0xFFFFD800  }
0x17: {  	[tilespmem:s14], [sflag:$0x3] =	stream.linear.gather [hbm4b:s6+s3], $0x100, $0x38;
	[tilespmem:$0x1C200] =	vst v63  }
0x18: {  	_ =	swait.ge [sflag:s13], $0x100  }
0x19: {  	[sflag:s13] =	ssyncset.done $0x0  }
0x1a: {  	[sflag:s13] =	ssyncadd.s32 $0xFFFFFF00  }
0x1b: {  	[tilespmem:s16], [sflag:$0x1] =	stream.indirect.gather [hbm4b:s4+s15], $0x80, s14, s15, $0xb8;
	[tilespmem:$0x1C200] =	vst v63  }
0x1c: {  	_ = 	snop  }
0x1d: {  	[tilespmem:s17], [sflag:$0x3] =	stream.linear.gather [hbm4b:s8+s3], $0x100, $0x38;
	[tilespmem:$0x1C200] =	vst v63  }
0x1e: {  	_ =	swait.ge [sflag:s13], $0x100  }
0x1f: {  	[sflag:s13] =	ssyncset.done $0x0  }
0x20: {  	[sflag:s13] =	ssyncadd.s32 $0xFFFFFF00  }
0x21: {  	[tilespmem:s18], [sflag:$0x2] =	stream.indirect.gather [hbm4b:s4+s15], $0x80, s17, s15, $0xb8;
	[tilespmem:$0x1C200] =	vst v63  }
0x22: {  	[bflag:$0x0] =	sbarrier.arrive $0xFFFF  }
0x23: {  	_ =	swait.ge [sflag:s19], $0x4000  }
0x24: {  	[sflag:s19] =	ssyncset.done $0x0  }
0x25: {  	[sflag:s19] =	ssyncadd.s32 $0xFFFFC000  }
0x26: {  	[spmem:s2] =	stream.indirect.scatter.add.f32 [tilespmem:s16], [sflag:$0x3], $0x80, s20, s15, $0xb8;
	[tilespmem:$0x1C200] =	vst v63  }
0x27: {  	_ =	swait.ge [sflag:s13], $0x4000  }
0x28: {  	s24 =	sadd.s32 $0xFFFFF640, s11;
	[sflag:s13] =	ssyncset.done $0x0  }
0x29: {  	s25 =	sadd.s32 $0xA00, s24;
	[sflag:s13] =	ssyncadd.s32 $0xFFFFC000  }
0x2a: {  	[tilespmem:s14], [sflag:$0x3] =	stream.linear.gather [hbm4b:s25+s3], $0x100, $0x38;
	[tilespmem:$0x1C200] =	vst v63  }
0x2b: {  	_ =	swait.ge [sflag:s13], $0x100  }
0x2c: {  	[sflag:s13] =	ssyncset.done $0x0  }
0x2d: {  	[sflag:s13] =	ssyncadd.s32 $0xFFFFFF00  }
0x2e: {  	[tilespmem:s16], [sflag:$0x1] =	stream.indirect.gather [hbm4b:s4+s15], $0x80, s14, s15, $0xb8;
	[tilespmem:$0x1C200] =	vst v63  }
0x2f: {  	_ =	swait.ge [sflag:s21], $0x4000  }
0x30: {  	[sflag:s21] =	ssyncset.done $0x0  }
0x31: {  	[sflag:s21] =	ssyncadd.s32 $0xFFFFC000  }
0x32: {  	[spmem:s2] =	stream.indirect.scatter.add.f32 [tilespmem:s18], [sflag:$0x3], $0x80, s22, s15, $0xb8;
	[tilespmem:$0x1C200] =	vst v63  }
0x33: {  	_ =	swait.ge [sflag:s13], $0x4000  }
0x34: {  	[sflag:s13] =	ssyncset.done $0x0  }
0x35: {  	s24 =	sadd.s32 $0xA20, s24;
	[sflag:s13] =	ssyncadd.s32 $0xFFFFC000  }
0x36: {  	[tilespmem:s17], [sflag:$0x3] =	stream.linear.gather [hbm4b:s24+s3], $0x100, $0x38;
	[tilespmem:$0x1C200] =	vst v63  }
0x37: {  	_ =	swait.ge [sflag:s13], $0x100  }
0x38: {  	[sflag:s13] =	ssyncset.done $0x0  }
0x39: {  	s24 =	simm.s32 $0xFFFFF680;
	[sflag:s13] =	ssyncadd.s32 $0xFFFFFF00  }
.LBB2_2:
0x3a: {  	[tilespmem:s18], [sflag:$0x2] =	stream.indirect.gather [hbm4b:s4+s15], $0x80, s17, s15, $0xb8;
	[tilespmem:$0x1C200] =	vst v63  }
0x3b: {  	s25 =	smov.u32 s24  }
0x3c: {  	p0 =	sne.s32 s24, $0xFFFFFFC0;
	s24 =	sadd.s32 $0x40, s24;
	_ =	swait.ge [sflag:s19], $0x4000  }
0x3d: {  	[sflag:s19] =	ssyncset.done $0x0  }
0x3e: {  	[sflag:s19] =	ssyncadd.s32 $0xFFFFC000  }
0x3f: {  	[spmem:s2] =	stream.indirect.scatter.add.f32 [tilespmem:s16], [sflag:$0x3], $0x80, s20, s15, $0xb8;
	[tilespmem:$0x1C200] =	vst v63  }
0x40: {  	_ =	swait.ge [sflag:s13], $0x4000  }
0x41: {  	s25 =	sadd.s32 s25, s11;
	[sflag:s13] =	ssyncset.done $0x0  }
0x42: {  	s26 =	sadd.s32 $0xA00, s25;
	[sflag:s13] =	ssyncadd.s32 $0xFFFFC000  }
0x43: {  	[tilespmem:s14], [sflag:$0x3] =	stream.linear.gather [hbm4b:s26+s3], $0x100, $0x38;
	[tilespmem:$0x1C200] =	vst v63  }
0x44: {  	_ =	swait.ge [sflag:s13], $0x100  }
0x45: {  	[sflag:s13] =	ssyncset.done $0x0  }
0x46: {  	[sflag:s13] =	ssyncadd.s32 $0xFFFFFF00  }
0x47: {  	[tilespmem:s16], [sflag:$0x1] =	stream.indirect.gather [hbm4b:s4+s15], $0x80, s14, s15, $0xb8;
	[tilespmem:$0x1C200] =	vst v63  }
0x48: {  	_ =	swait.ge [sflag:s21], $0x4000  }
0x49: {  	[sflag:s21] =	ssyncset.done $0x0  }
0x4a: {  	[sflag:s21] =	ssyncadd.s32 $0xFFFFC000  }
0x4b: {  	[spmem:s2] =	stream.indirect.scatter.add.f32 [tilespmem:s18], [sflag:$0x3], $0x80, s22, s15, $0xb8;
	[tilespmem:$0x1C200] =	vst v63  }
0x4c: {  	_ =	swait.ge [sflag:s13], $0x4000  }
0x4d: {  	[sflag:s13] =	ssyncset.done $0x0  }
.Ltmp0:
0x4e: {  	s25 =	sadd.s32 $0xA20, s25;
	[sflag:s13] =	ssyncadd.s32 $0xFFFFC000;
	(pc) =	sbr.rel @p0 .LBB2_2-.Ltmp0, $4  }
0x4f: {  	[tilespmem:s17], [sflag:$0x3] =	stream.linear.gather [hbm4b:s25+s3], $0x100, $0x38;
	[tilespmem:$0x1C200] =	vst v63  }
0x50: {  	_ =	swait.ge [sflag:s13], $0x100  }
0x51: {  	[sflag:s13] =	ssyncset.done $0x0  }
0x52: {  	[sflag:s13] =	ssyncadd.s32 $0xFFFFFF00  }
0x53: {  	[tilespmem:s18], [sflag:$0x2] =	stream.indirect.gather [hbm4b:s4+s15], $0x80, s17, s15, $0xb8;
	[tilespmem:$0x1C200] =	vst v63  }
0x54: {  	_ =	swait.ge [sflag:s19], $0x4000  }
0x55: {  	[sflag:s19] =	ssyncset.done $0x0  }
0x56: {  	[sflag:s19] =	ssyncadd.s32 $0xFFFFC000  }
0x57: {  	[spmem:s2] =	stream.indirect.scatter.add.f32 [tilespmem:s16], [sflag:$0x3], $0x80, s20, s15, $0xb8;
	[tilespmem:$0x1C200] =	vst v63  }
0x58: {  	_ =	swait.ge [sflag:s13], $0x4000  }
0x59: {  	[sflag:s13] =	ssyncset.done $0x0  }
0x5a: {  	[sflag:s13] =	ssyncadd.s32 $0xFFFFC000  }
0x5b: {  	_ =	swait.ge [sflag:s21], $0x4000  }
0x5c: {  	[sflag:s21] =	ssyncset.done $0x0  }
0x5d: {  	[sflag:s21] =	ssyncadd.s32 $0xFFFFC000  }
0x5e: {  	[spmem:s2] =	stream.indirect.scatter.add.f32 [tilespmem:s18], [sflag:$0x3], $0x80, s22, s15, $0xb8;
	[tilespmem:$0x1C200] =	vst v63  }
0x5f: {  	_ =	swait.ge [sflag:s13], $0x4000  }
0x60: {  	s23 =	sadd.s32 $0x1, s23;
	[sflag:s13] =	ssyncset.done $0x0  }
0x61: {  	p0 =	sne.s32 s23, s10;
	[sflag:s13] =	ssyncadd.s32 $0xFFFFC000  }
.Ltmp1:
0x62: {  	[bflag:$0x0] =	sbarrier.arrive $0xFFFF;
	(pc) =	sbr.rel @p0 .LBB2_1-.Ltmp1, $4  }
0x63: {  	[hbm:s9], [sflag:s7] =	dma.local [spmem:s12], $0x2800  }
0x64: {  	_ =	swait.ge [sflag:s13], $0x2800  }
0x65: {  	[sflag:s13] =	ssyncset.done $0x0  }
0x66: {  	[sflag:s13] =	ssyncadd.s32 $0xFFFFD800  }
0x67: {  	_ =	sfence.sel $0x180000  }
0x68: {  	[bflag:$0x0] =	sbarrier.arrive $0xFFFF  }
0x69: {  	p0 =	sne.s32 s1, $0x0;
	_ =	strace $0x9000004D  }
0x6a: {  	s0 =	sadd.s32 @!p0 $0x100000, s0;
	[bflag:$0x2] =	sbarrier.arrive $0xFFFF  }
0x6b: {  	[sflag:s0] =	ssyncadd.tile.s32 @!p0 $0x1;
	_ =	shalt  }
.Lfunc_end2:
_tile_overlayer_lowered:
.L_overlay_start_2:
0x6c: {  	(tag) =	ssettag $0x2  }
0x6d: {  	s0 =	rddreg [dreg:$0x0];
	s2 =	stileid.u32  }
0x6e: {  	s1 =	rddreg [dreg:$0x1];
	p0 =	sne.s32 s2, $0x0  }
0x6f: {  	s3 =	rddreg [dreg:$0x2];
	[bflag:$0x3] =	sbarrier.arrive $0xFFFF;
	s2 =	simm.s32 @!p0 $0x1C03  }
0x70: {  	[timem:s3], [sflag:s2] =	dma.local @!p0 [hbm:s0], s1  }
0x71: {  	s0 =	simm.s32 @!p0 $0x3  }
0x72: {  	_ =	swait.ge @!p0 [sflag:s0], s1  }
0x73: {  	s1 =	ssub.s32 @!p0 $0x0, s1;
	[sflag:s0] =	ssyncset.done @!p0 $0x0  }
0x74: {  	[sflag:s0] =	ssyncadd.s32 @!p0 s1  }
0x75: {  	[bflag:$0x3] =	sbarrier.arrive $0xFFFF  }
0x76: {  	_ =	shalt  }

// kernel: kernel.22.cloned.1.call-start
scs
__scs_entry_jumppad:
0x0: {  	(pc) =	sbr.rel $0x88, $3  }
0x1: {  	(tag) =	ssettag $0x0;
	lr =	simm.s32 $0x1  }
0x2: {  	[smem:$0x3F99] =	sst lr;
	_ =	strace $0xD0000000  }
0x3: {  	_ = 	snop  }
0x4: {  	_ = 	snop  }
0x5: {  	_ = 	snop  }
0x6: {  	_ = 	snop  }
0x7: {  	_ = 	snop  }
__scs_overlays_trampoline_lowered:
0x8: {  	[smem:$0x3FA8] =	sst s0  }
0x9: {  	[smem:$0x3FA9] =	sst s1  }
0xa: {  	[smem:$0x3FAA] =	sst s2  }
0xb: {  	[smem:$0x3FAB] =	sst s3  }
0xc: {  	[smem:$0x3FAC] =	sst s4  }
0xd: {  	[smem:$0x3FAD] =	sst s5  }
0xe: {  	[smem:$0x3FAE] =	sst s6  }
0xf: {  	[smem:$0x3FAF] =	sst s7  }
0x10: {  	[smem:$0x3FB0] =	sst s8  }
0x11: {  	[smem:$0x3FB1] =	sst s9;
	s0 =	simm.s32 @!p0 $0x0  }
0x12: {  	s1 =	sld [smem:$0x3F97];
	s0 =	simm.s32 @p0 $0x1  }
0x13: {  	[smem:$0x3FB2] =	sst s0;
	s0 =	simm.s32 @!p1 $0x0  }
0x14: {  	s2 =	sld [smem:$0x3F96];
	s0 =	simm.s32 @p1 $0x1  }
0x15: {  	[smem:$0x3FB3] =	sst s0;
	s0 =	simm.s32 @!p2 $0x0  }
0x16: {  	s3 =	sld [smem:$0x3FDB];
	s0 =	simm.s32 @p2 $0x1  }
0x17: {  	s4 =	simm.s32 $0x1BF5;
	[smem:$0x3FB5] =	sst s0  }
0x18: {  	s0 =	sld [smem:$0x3F98];
	_ =	swait.ge [sflag:s4], $0x0  }
0x19: {  	s7 =	sld [smem:$0x3F99]  }
0x1a: {  	s8 =	sadd.s32 $0xFFFFE003, lr  }
0x1b: {  	s9 =	sadd.s32 $0xFFFFFEF7, lr;
	s5 =	simm.s32 $0xFFFFFFFF;
	p2 =	slt.u32 s8, $0xFFFFF086  }
0x1c: {  	p1 =	slt.u32 s9, $0xF7A;
	s5 =	simm.s32 @!p2 $0x0  }
0x1d: {  	s5 =	simm.s32 @p1 $0x1;
	p0 =	seq.s32 s7, s2  }
0x1e: {  	s7 =	smul.u32 @!p0 $0xF7A, s2;
	p2 =	seq.s32 @!p0 s5, $0x0  }
0x1f: {  	s9 =	smul.u32 $0xF7A, s1;
	s8 =	simm.s32 @!p0 $0x1BF5;
	p2 =	por !p2, p0  }
0x20: {  	[sflag:s8] =	ssyncset.s32 @!p0 $0xFFFFF086;
	s6 =	sadd.s32 @!p0 s3, s7;
	s7 =	simm.s32 @!p0 $0x108  }
0x21: {  	s3 =	sadd.s32 s3, s9;
	s6 =	sadd.s32 @!p0 $0x88, s6;
	s7 =	simm.s32 @p2 $0x1082  }
0x22: {  	[simem:s7], [sflag:s8] =	dma.local @!p0 [hbm:s6], $0xF7A  }
0x23: {  	s9 =	sor.u32 $0xD0000000, s2;
	s6 =	simm.s32 $0x108;
	_ =	swait.ge @!p0 [sflag:s8], $0x0  }
0x24: {  	s3 =	sadd.s32 $0x88, s3;
	s6 =	simm.s32 @!p1 $0x1082;
	[sflag:s4] =	ssyncset.s32 $0xFFFFF086  }
0x25: {  	[simem:s6], [sflag:s4] =	dma.local [hbm:s3], $0xF7A  }
0x26: {  	[smem:$0x3F99] =	sst s1;
	(tag) =	ssettag s2;
	_ =	strace s9  }
0x27: {  	s1 =	sld [smem:$0x3FA9]  }
0x28: {  	s2 =	sld [smem:$0x3FAA]  }
0x29: {  	s4 =	sld [smem:$0x3FAC]  }
0x2a: {  	p0 =	seq.s32 s5, $0x0;
	s5 =	sld [smem:$0x3FAD]  }
0x2b: {  	s6 =	sld [smem:$0x3FAE]  }
0x2c: {  	s7 =	sld [smem:$0x3FAF]  }
0x2d: {  	s3 =	simm.s32 $0x108;
	s8 =	sld [smem:$0x3FB0]  }
0x2e: {  	s3 =	simm.s32 @!p0 $0x1082;
	s9 =	sld [smem:$0x3FB1]  }
0x2f: {  	lr =	sadd.s32 s0, s3;
	s0 =	sld [smem:$0x3FA8]  }
0x30: {  	s3 =	sld [smem:$0x3FAB]  }
0x31: {  	[smem:$0x3FB4] =	sst s10  }
0x32: {  	s10 =	sld [smem:$0x3FB2];
	_ =	sdelay $0x3  }
0x33: {  	p0 =	seq.s32 s10, $0x1;
	s10 =	sld [smem:$0x3FB4];
	_ =	sdelay $0x3  }
0x34: {  	[smem:$0x3FB4] =	sst s10  }
0x35: {  	s10 =	sld [smem:$0x3FB3];
	_ =	sdelay $0x3  }
0x36: {  	p1 =	seq.s32 s10, $0x1;
	s10 =	sld [smem:$0x3FB4];
	_ =	sdelay $0x3  }
0x37: {  	[smem:$0x3FB4] =	sst s10  }
0x38: {  	s10 =	sld [smem:$0x3FB5]  }
0x39: {  	_ = 	snop;
	(pc) =	sbr.ind lr, $3  }
0x3a: {  	_ = 	snop  }
0x3b: {  	_ = 	snop  }
0x3c: {  	p2 =	seq.s32 s10, $0x1;
	s10 =	sld [smem:$0x3FB4]  }
0x3d: {  	_ =	shalt  }
0x3e: {  	_ =	shalt  }
0x3f: {  	_ =	shalt  }
0x40: {  	_ =	shalt  }
0x41: {  	_ =	shalt  }
0x42: {  	_ =	shalt  }
0x43: {  	_ =	shalt  }
0x44: {  	_ =	shalt  }
0x45: {  	_ =	shalt  }
0x46: {  	_ =	shalt  }
0x47: {  	_ =	shalt  }
0x48: {  	_ =	shalt  }
0x49: {  	_ =	shalt  }
0x4a: {  	_ =	shalt  }
0x4b: {  	_ =	shalt  }
0x4c: {  	_ =	shalt  }
0x4d: {  	_ =	shalt  }
0x4e: {  	_ =	shalt  }
0x4f: {  	_ =	shalt  }
0x50: {  	_ =	shalt  }
0x51: {  	_ =	shalt  }
0x52: {  	_ =	shalt  }
0x53: {  	_ =	shalt  }
0x54: {  	_ =	shalt  }
0x55: {  	_ =	shalt  }
0x56: {  	_ =	shalt  }
0x57: {  	_ =	shalt  }
0x58: {  	_ =	shalt  }
0x59: {  	_ =	shalt  }
0x5a: {  	_ =	shalt  }
0x5b: {  	_ =	shalt  }
0x5c: {  	_ =	shalt  }
0x5d: {  	_ =	shalt  }
0x5e: {  	_ =	shalt  }
0x5f: {  	_ =	shalt  }
0x60: {  	_ =	shalt  }
0x61: {  	_ =	shalt  }
0x62: {  	_ =	shalt  }
0x63: {  	_ =	shalt  }
0x64: {  	_ =	shalt  }
0x65: {  	_ =	shalt  }
0x66: {  	_ =	shalt  }
0x67: {  	_ =	shalt  }
0x68: {  	_ =	shalt  }
0x69: {  	_ =	shalt  }
0x6a: {  	_ =	shalt  }
0x6b: {  	_ =	shalt  }
0x6c: {  	_ =	shalt  }
0x6d: {  	_ =	shalt  }
0x6e: {  	_ =	shalt  }
0x6f: {  	_ =	shalt  }
0x70: {  	_ =	shalt  }
0x71: {  	_ =	shalt  }
0x72: {  	_ =	shalt  }
0x73: {  	_ =	shalt  }
0x74: {  	_ =	shalt  }
0x75: {  	_ =	shalt  }
0x76: {  	_ =	shalt  }
0x77: {  	_ =	shalt  }
0x78: {  	_ =	shalt  }
0x79: {  	_ =	shalt  }
0x7a: {  	_ =	shalt  }
0x7b: {  	_ =	shalt  }
0x7c: {  	_ =	shalt  }
0x7d: {  	_ =	shalt  }
0x7e: {  	_ =	shalt  }
0x7f: {  	_ =	shalt  }
0x80: {  	_ =	shalt  }
0x81: {  	_ =	shalt  }
0x82: {  	_ =	shalt  }
0x83: {  	_ =	shalt  }
0x84: {  	_ =	shalt  }
0x85: {  	_ =	shalt  }
0x86: {  	_ =	shalt  }
0x87: {  	_ =	shalt  }
.Lfunc_end0:
.L_simem_size_0:
called_computation.3_lowered:
.L_overlay_start_0:
0x88: {  	s2 =	sld [smem:$0x3FD9]  }
0x89: {  	s3 =	sld [smem:$0x3FFE];
	_ =	sdelay $0x1  }
0x8a: {  	s1 =	srdreg.scid  }
0x8b: {  	s0 =	sand.u32 $0x1, s1  }
0x8c: {  	s16 =	sshll.u32 s0, $0xA;
	s2 =	sadd.s32 s3, s2  }
0x8d: {  	s2 =	sadd.s32 s2, s16  }
0x8e: {  	[smem:$0x3FC0] =	sst s2  }
0x8f: {  	_ = 	snop  }
0x90: {  	(tm) =	ssettm $0x1  }
0x91: {  	s17 =	sld [smem:$0x3FFB];
	_ =	sdelay $0x3  }
0x92: {  	_ =	strace s17  }
0x93: {  	s2 =	sld [smem:$0x3FFC];
	_ =	sdelay $0x3  }
0x94: {  	_ =	strace s2  }
0x95: {  	s2 =	sld [smem:$0x3FFD];
	_ =	sdelay $0x3  }
0x96: {  	_ =	strace s2  }
0x97: {  	_ =	strace $0x8FFFFFFF  }
0x98: {  	s18 =	sld [smem:$0x3FDB];
	_ =	sdelay $0x1  }
0x99: {  	s19 =	simm.s32 $_scs_section_size  }
0x9a: {  	s4 =	simm.s32 $_size__tile_overlayer_lowered;
	s5 =	simm.s32 $_tile_overlayer_lowered  }
0x9b: {  	s22 =	simm.s32 $0x1BFF;
	s21 =	sshll.u32 s5, $0x1;
	s2 =	sadd.s32 s19, s18  }
0x9c: {  	s6 =	simm.s32 $0x0;
	s20 =	sshll.u32 s4, $0x1;
	s4 =	sadd.s32 s21, s2  }
0x9d: {  	[timem:s6], [sflag:s22] =	dma.local [hbm:s4], s20  }
0x9e: {  	_ =	swait.ge [sflag:s22], s20  }
0x9f: {  	s3 =	ssub.s32 $0x0, s20;
	[sflag:s22] =	ssyncset.done $0x0  }
0xa0: {  	[sflag:s22] =	ssyncadd.s32 s3;
	_ =	sdelay $0x1  }
0xa1: {  	s23 =	simm.s32 $0x1B8B  }
0xa2: {  	_ =	swait.ge [sflag:s23], $0x1  }
0xa3: {  	[sflag:s23] =	ssyncset.done $0x0  }
0xa4: {  	s25 =	simm.s32 $0x1B8E;
	s24 =	sld [smem:$0x3FFE];
	[sflag:s23] =	ssyncadd.s32 $0xFFFFFFFF  }
0xa5: {  	s26 =	simm.s32 $execute0_lowered;
	[smem:$0x3FD2] =	sst s25  }
0xa6: {  	s4 =	sshll.u32 s26, $0x1;
	_ =	strace $0x8000004F;
	[dreg:$0x1] =	wrdreg $0xFFFFFFFF  }
0xa7: {  	s28 =	simm.s32 $_size_execute0_lowered;
	s2 =	sadd.s32 s2, s4;
	[dreg:$0x0] =	wrdreg $0x0  }
0xa8: {  	s4 =	sshll.u32 s28, $0x1;
	[dreg:$0x2] =	wrdreg s2  }
0xa9: {  	[dreg:$0x3] =	wrdreg s4  }
0xaa: {  	[dreg:$0x4] =	wrdreg $0xC0  }
0xab: {  	_ =	task [dreg:s6], $0x5FFFF  }
0xac: {  	[dreg:$0x1] =	wrdreg $0xFFFFFFFF  }
0xad: {  	[dreg:$0x0] =	wrdreg $0x60  }
0xae: {  	[dreg:$0x2] =	wrdreg s24  }
0xaf: {  	[dreg:$0x3] =	wrdreg $0x0  }
0xb0: {  	[dreg:$0x4] =	wrdreg $0x9  }
0xb1: {  	_ =	task.clear_ibuf [dreg:s6], $0x5FFFF;
	_ =	strace $0x9000004F  }
0xb2: {  	s29 =	simm.s32 $0x9;
	_ =	strace $0x80000051  }
0xb3: {  	_ =	swait.ge [sflag:s29], $0x1  }
0xb4: {  	[sflag:s29] =	ssyncadd.s32 $0xFFFFFFFF  }
0xb5: {  	_ =	strace $0x90000051  }
0xb6: {  	_ =	sfence  }
0xb7: {  	s30 =	sld [smem:$0x0];
	_ =	sdelay $0x2  }
0xb8: {  	s31 =	sshll.u32 s1, $0xD;
	s1 =	sshrl.u32 s1, $0x2  }
0xb9: {  	s3 =	sand.u32 $0x4000, s31;
	s1 =	sadd.s32 s1, s30  }
0xba: {  	s0 =	sor.u32 s3, s0;
	s1 =	sshll.u32 s1, $0x11  }
0xbb: {  	s0 =	sor.u32 s1, s0  }
0xbc: {  	s0 =	sadd.s32 $0x8F2B, s0  }
0xbd: {  	[sflag:s0] =	ssyncadd.remote.s32 $0x1  }
0xbe: {  	_ =	sfence.sel $0xFFFF  }
0xbf: {  	[dreg:$0x0] =	wrdreg $0xFFFFFFFF;
	(pc) =	sbr.abs _section_cstart, $3  }
0xc0: {  	[dreg:$0x1] =	wrdreg $0xFFFFFFFF  }
0xc1: {  	_ =	task.clear_ibuf [dreg:s6], $0x2FFFF;
	_ =	strace $0x9FFFFFFF  }
0xc2: {  	(tm) =	ssettm $0x7FFFFFFF  }
0xc3: {  	_ =	shalt  }
tec
execute0_lowered:
.L_overlay_start_1:
0x0: {  	(tag) =	ssettag $0x1  }
0x1: {  	s6 =	rddreg [dreg:$0x0]  }
0x2: {  	s2 =	rddreg [dreg:$0x1]  }
0x3: {  	s0 =	rddreg [dreg:$0x2]  }
0x4: {  	s4 =	srdreg.scid;
	s1 =	stileid.u32;
	s3 =	simm.s32 $0x0  }
0x5: {  	s16 =	simm.s32 $0x14200;
	s17 =	simm.s32 $0x14100;
	s18 =	simm.s32 $0x18200  }
0x6: {  	s19 =	simm.s32 $0x1;
	s20 =	simm.s32 $0x14080;
	s5 =	smul.u32 $0x2800, s1  }
0x7: {  	s21 =	simm.s32 $0x2;
	s22 =	simm.s32 $0x14180;
	s9 =	smul.u32 $0xA0, s1  }
0x8: {  	s23 =	simm.s32 $0x0;
	s7 =	sand.u32 $0x1, s4;
	s13 =	smul.u32 $0x50000, s1  }
0x9: {  	[smem:$0x7FF] =	sst s3;
	s4 =	sadd.s32 $0x74600, s6;
	s29 =	smul.u32 $0x1400, s1  }
0xa: {  	s10 =	sadd.s32 $0x60600, s6;
	s30 =	sshll.u32 s1, $0x6;
	s8 =	smul.u32 $0x28000, s7  }
0xb: {  	_ =	strace $0x80000050;
	s11 =	smul.u32 $0x50, s7;
	s12 =	ssub.s32 $0x2, s7  }
0xc: {  	s31 =	smul.u32 $0xA00, s7;
	s7 =	sor.u32 $0x1C03, s30;
	s25 =	sshrl.u32 s12, $0x1  }
0xd: {  	s28 =	sshrl.u32 s13, $0x2;
	s15 =	sadd.s32 s29, s10;
	s8 =	sadd.s32 s5, s8  }
0xe: {  	s5 =	sadd.s32 $0xDE00, s6;
	s12 =	ssub.s32 s12, s25;
	s26 =	sadd.s32 s11, s9  }
0xf: {  	s13 =	sadd.s32 s28, s2;
	s14 =	sadd.s32 s8, s6;
	s6 =	sshll.u32 s26, $0x5  }
0x10: {  	s11 =	sadd.s32 s31, s15;
	s15 =	simm.s32 $0x80;
	s6 =	sadd.s32 s10, s6  }
0x11: {  	s9 =	sadd.s32 $0xC4600, s14;
	s10 =	smax.u32 s12, $0x1;
	s12 =	sshrl.u32 s13, $0x3  }
0x12: {  	s13 =	simm.s32 $0x3;
	s14 =	simm.s32 $0x14000;
	s8 =	sadd.s32 $0x20, s6  }
.LBB2_1:
0x13: {  	[spmem:s12], [sflag:s7] =	dma.local [hbm:s5], $0x2800  }
0x14: {  	_ =	swait.ge [sflag:s13], $0x2800  }
0x15: {  	[sflag:s13] =	ssyncset.done $0x0  }
0x16: {  	[sflag:s13] =	ssyncadd.s32 $0xFFFFD800  }
0x17: {  	[tilespmem:s14], [sflag:$0x3] =	stream.linear.gather [hbm4b:s6+s3], $0x100, $0x38;
	[tilespmem:$0x1C200] =	vst v63  }
0x18: {  	_ =	swait.ge [sflag:s13], $0x100  }
0x19: {  	[sflag:s13] =	ssyncset.done $0x0  }
0x1a: {  	[sflag:s13] =	ssyncadd.s32 $0xFFFFFF00  }
0x1b: {  	[tilespmem:s16], [sflag:$0x1] =	stream.indirect.gather [hbm4b:s4+s15], $0x80, s14, s15, $0xb8;
	[tilespmem:$0x1C200] =	vst v63  }
0x1c: {  	_ = 	snop  }
0x1d: {  	[tilespmem:s17], [sflag:$0x3] =	stream.linear.gather [hbm4b:s8+s3], $0x100, $0x38;
	[tilespmem:$0x1C200] =	vst v63  }
0x1e: {  	_ =	swait.ge [sflag:s13], $0x100  }
0x1f: {  	[sflag:s13] =	ssyncset.done $0x0  }
0x20: {  	[sflag:s13] =	ssyncadd.s32 $0xFFFFFF00  }
0x21: {  	[tilespmem:s18], [sflag:$0x2] =	stream.indirect.gather [hbm4b:s4+s15], $0x80, s17, s15, $0xb8;
	[tilespmem:$0x1C200] =	vst v63  }
0x22: {  	[bflag:$0x0] =	sbarrier.arrive $0xFFFF  }
0x23: {  	_ =	swait.ge [sflag:s19], $0x4000  }
0x24: {  	[sflag:s19] =	ssyncset.done $0x0  }
0x25: {  	[sflag:s19] =	ssyncadd.s32 $0xFFFFC000  }
0x26: {  	[spmem:s2] =	stream.indirect.scatter.add.f32 [tilespmem:s16], [sflag:$0x3], $0x80, s20, s15, $0xb8;
	[tilespmem:$0x1C200] =	vst v63  }
0x27: {  	_ =	swait.ge [sflag:s13], $0x4000  }
0x28: {  	s24 =	sadd.s32 $0xFFFFF640, s11;
	[sflag:s13] =	ssyncset.done $0x0  }
0x29: {  	s25 =	sadd.s32 $0xA00, s24;
	[sflag:s13] =	ssyncadd.s32 $0xFFFFC000  }
0x2a: {  	[tilespmem:s14], [sflag:$0x3] =	stream.linear.gather [hbm4b:s25+s3], $0x100, $0x38;
	[tilespmem:$0x1C200] =	vst v63  }
0x2b: {  	_ =	swait.ge [sflag:s13], $0x100  }
0x2c: {  	[sflag:s13] =	ssyncset.done $0x0  }
0x2d: {  	[sflag:s13] =	ssyncadd.s32 $0xFFFFFF00  }
0x2e: {  	[tilespmem:s16], [sflag:$0x1] =	stream.indirect.gather [hbm4b:s4+s15], $0x80, s14, s15, $0xb8;
	[tilespmem:$0x1C200] =	vst v63  }
0x2f: {  	_ =	swait.ge [sflag:s21], $0x4000  }
0x30: {  	[sflag:s21] =	ssyncset.done $0x0  }
0x31: {  	[sflag:s21] =	ssyncadd.s32 $0xFFFFC000  }
0x32: {  	[spmem:s2] =	stream.indirect.scatter.add.f32 [tilespmem:s18], [sflag:$0x3], $0x80, s22, s15, $0xb8;
	[tilespmem:$0x1C200] =	vst v63  }
0x33: {  	_ =	swait.ge [sflag:s13], $0x4000  }
0x34: {  	[sflag:s13] =	ssyncset.done $0x0  }
0x35: {  	s24 =	sadd.s32 $0xA20, s24;
	[sflag:s13] =	ssyncadd.s32 $0xFFFFC000  }
0x36: {  	[tilespmem:s17], [sflag:$0x3] =	stream.linear.gather [hbm4b:s24+s3], $0x100, $0x38;
	[tilespmem:$0x1C200] =	vst v63  }
0x37: {  	_ =	swait.ge [sflag:s13], $0x100  }
0x38: {  	[sflag:s13] =	ssyncset.done $0x0  }
0x39: {  	s24 =	simm.s32 $0xFFFFF680;
	[sflag:s13] =	ssyncadd.s32 $0xFFFFFF00  }
.LBB2_2:
0x3a: {  	[tilespmem:s18], [sflag:$0x2] =	stream.indirect.gather [hbm4b:s4+s15], $0x80, s17, s15, $0xb8;
	[tilespmem:$0x1C200] =	vst v63  }
0x3b: {  	s25 =	smov.u32 s24  }
0x3c: {  	p0 =	sne.s32 s24, $0xFFFFFFC0;
	s24 =	sadd.s32 $0x40, s24;
	_ =	swait.ge [sflag:s19], $0x4000  }
0x3d: {  	[sflag:s19] =	ssyncset.done $0x0  }
0x3e: {  	[sflag:s19] =	ssyncadd.s32 $0xFFFFC000  }
0x3f: {  	[spmem:s2] =	stream.indirect.scatter.add.f32 [tilespmem:s16], [sflag:$0x3], $0x80, s20, s15, $0xb8;
	[tilespmem:$0x1C200] =	vst v63  }
0x40: {  	_ =	swait.ge [sflag:s13], $0x4000  }
0x41: {  	s25 =	sadd.s32 s25, s11;
	[sflag:s13] =	ssyncset.done $0x0  }
0x42: {  	s26 =	sadd.s32 $0xA00, s25;
	[sflag:s13] =	ssyncadd.s32 $0xFFFFC000  }
0x43: {  	[tilespmem:s14], [sflag:$0x3] =	stream.linear.gather [hbm4b:s26+s3], $0x100, $0x38;
	[tilespmem:$0x1C200] =	vst v63  }
0x44: {  	_ =	swait.ge [sflag:s13], $0x100  }
0x45: {  	[sflag:s13] =	ssyncset.done $0x0  }
0x46: {  	[sflag:s13] =	ssyncadd.s32 $0xFFFFFF00  }
0x47: {  	[tilespmem:s16], [sflag:$0x1] =	stream.indirect.gather [hbm4b:s4+s15], $0x80, s14, s15, $0xb8;
	[tilespmem:$0x1C200] =	vst v63  }
0x48: {  	_ =	swait.ge [sflag:s21], $0x4000  }
0x49: {  	[sflag:s21] =	ssyncset.done $0x0  }
0x4a: {  	[sflag:s21] =	ssyncadd.s32 $0xFFFFC000  }
0x4b: {  	[spmem:s2] =	stream.indirect.scatter.add.f32 [tilespmem:s18], [sflag:$0x3], $0x80, s22, s15, $0xb8;
	[tilespmem:$0x1C200] =	vst v63  }
0x4c: {  	_ =	swait.ge [sflag:s13], $0x4000  }
0x4d: {  	[sflag:s13] =	ssyncset.done $0x0  }
.Ltmp0:
0x4e: {  	s25 =	sadd.s32 $0xA20, s25;
	[sflag:s13] =	ssyncadd.s32 $0xFFFFC000;
	(pc) =	sbr.rel @p0 .LBB2_2-.Ltmp0, $4  }
0x4f: {  	[tilespmem:s17], [sflag:$0x3] =	stream.linear.gather [hbm4b:s25+s3], $0x100, $0x38;
	[tilespmem:$0x1C200] =	vst v63  }
0x50: {  	_ =	swait.ge [sflag:s13], $0x100  }
0x51: {  	[sflag:s13] =	ssyncset.done $0x0  }
0x52: {  	[sflag:s13] =	ssyncadd.s32 $0xFFFFFF00  }
0x53: {  	[tilespmem:s18], [sflag:$0x2] =	stream.indirect.gather [hbm4b:s4+s15], $0x80, s17, s15, $0xb8;
	[tilespmem:$0x1C200] =	vst v63  }
0x54: {  	_ =	swait.ge [sflag:s19], $0x4000  }
0x55: {  	[sflag:s19] =	ssyncset.done $0x0  }
0x56: {  	[sflag:s19] =	ssyncadd.s32 $0xFFFFC000  }
0x57: {  	[spmem:s2] =	stream.indirect.scatter.add.f32 [tilespmem:s16], [sflag:$0x3], $0x80, s20, s15, $0xb8;
	[tilespmem:$0x1C200] =	vst v63  }
0x58: {  	_ =	swait.ge [sflag:s13], $0x4000  }
0x59: {  	[sflag:s13] =	ssyncset.done $0x0  }
0x5a: {  	[sflag:s13] =	ssyncadd.s32 $0xFFFFC000  }
0x5b: {  	_ =	swait.ge [sflag:s21], $0x4000  }
0x5c: {  	[sflag:s21] =	ssyncset.done $0x0  }
0x5d: {  	[sflag:s21] =	ssyncadd.s32 $0xFFFFC000  }
0x5e: {  	[spmem:s2] =	stream.indirect.scatter.add.f32 [tilespmem:s18], [sflag:$0x3], $0x80, s22, s15, $0xb8;
	[tilespmem:$0x1C200] =	vst v63  }
0x5f: {  	_ =	swait.ge [sflag:s13], $0x4000  }
0x60: {  	s23 =	sadd.s32 $0x1, s23;
	[sflag:s13] =	ssyncset.done $0x0  }
0x61: {  	p0 =	sne.s32 s23, s10;
	[sflag:s13] =	ssyncadd.s32 $0xFFFFC000  }
.Ltmp1:
0x62: {  	[bflag:$0x0] =	sbarrier.arrive $0xFFFF;
	(pc) =	sbr.rel @p0 .LBB2_1-.Ltmp1, $4  }
0x63: {  	[hbm:s9], [sflag:s7] =	dma.local [spmem:s12], $0x2800  }
0x64: {  	_ =	swait.ge [sflag:s13], $0x2800  }
0x65: {  	[sflag:s13] =	ssyncset.done $0x0  }
0x66: {  	[sflag:s13] =	ssyncadd.s32 $0xFFFFD800  }
0x67: {  	_ =	sfence.sel $0x180000  }
0x68: {  	[bflag:$0x0] =	sbarrier.arrive $0xFFFF  }
0x69: {  	p0 =	sne.s32 s1, $0x0;
	_ =	strace $0x90000050  }
0x6a: {  	s0 =	sadd.s32 @!p0 $0x100000, s0;
	[bflag:$0x2] =	sbarrier.arrive $0xFFFF  }
0x6b: {  	[sflag:s0] =	ssyncadd.tile.s32 @!p0 $0x1;
	_ =	shalt  }
.Lfunc_end2:
_tile_overlayer_lowered:
.L_overlay_start_2:
0x6c: {  	(tag) =	ssettag $0x2  }
0x6d: {  	s0 =	rddreg [dreg:$0x0];
	s2 =	stileid.u32  }
0x6e: {  	s1 =	rddreg [dreg:$0x1];
	p0 =	sne.s32 s2, $0x0  }
0x6f: {  	s3 =	rddreg [dreg:$0x2];
	[bflag:$0x3] =	sbarrier.arrive $0xFFFF;
	s2 =	simm.s32 @!p0 $0x1C03  }
0x70: {  	[timem:s3], [sflag:s2] =	dma.local @!p0 [hbm:s0], s1  }
0x71: {  	s0 =	simm.s32 @!p0 $0x3  }
0x72: {  	_ =	swait.ge @!p0 [sflag:s0], s1  }
0x73: {  	s1 =	ssub.s32 @!p0 $0x0, s1;
	[sflag:s0] =	ssyncset.done @!p0 $0x0  }
0x74: {  	[sflag:s0] =	ssyncadd.s32 @!p0 s1  }
0x75: {  	[bflag:$0x3] =	sbarrier.arrive $0xFFFF  }
0x76: {  	_ =	shalt  }

// kernel: kernel.25.cloned.1.call-start
scs
__scs_entry_jumppad:
0x0: {  	(pc) =	sbr.rel $0x88, $3  }
0x1: {  	(tag) =	ssettag $0x0;
	lr =	simm.s32 $0x1  }
0x2: {  	[smem:$0x3F99] =	sst lr;
	_ =	strace $0xD0000000  }
0x3: {  	_ = 	snop  }
0x4: {  	_ = 	snop  }
0x5: {  	_ = 	snop  }
0x6: {  	_ = 	snop  }
0x7: {  	_ = 	snop  }
__scs_overlays_trampoline_lowered:
0x8: {  	[smem:$0x3FA8] =	sst s0  }
0x9: {  	[smem:$0x3FA9] =	sst s1  }
0xa: {  	[smem:$0x3FAA] =	sst s2  }
0xb: {  	[smem:$0x3FAB] =	sst s3  }
0xc: {  	[smem:$0x3FAC] =	sst s4  }
0xd: {  	[smem:$0x3FAD] =	sst s5  }
0xe: {  	[smem:$0x3FAE] =	sst s6  }
0xf: {  	[smem:$0x3FAF] =	sst s7  }
0x10: {  	[smem:$0x3FB0] =	sst s8  }
0x11: {  	[smem:$0x3FB1] =	sst s9;
	s0 =	simm.s32 @!p0 $0x0  }
0x12: {  	s1 =	sld [smem:$0x3F97];
	s0 =	simm.s32 @p0 $0x1  }
0x13: {  	[smem:$0x3FB2] =	sst s0;
	s0 =	simm.s32 @!p1 $0x0  }
0x14: {  	s2 =	sld [smem:$0x3F96];
	s0 =	simm.s32 @p1 $0x1  }
0x15: {  	[smem:$0x3FB3] =	sst s0;
	s0 =	simm.s32 @!p2 $0x0  }
0x16: {  	s3 =	sld [smem:$0x3FDB];
	s0 =	simm.s32 @p2 $0x1  }
0x17: {  	s4 =	simm.s32 $0x1BF5;
	[smem:$0x3FB5] =	sst s0  }
0x18: {  	s0 =	sld [smem:$0x3F98];
	_ =	swait.ge [sflag:s4], $0x0  }
0x19: {  	s7 =	sld [smem:$0x3F99]  }
0x1a: {  	s8 =	sadd.s32 $0xFFFFE003, lr  }
0x1b: {  	s9 =	sadd.s32 $0xFFFFFEF7, lr;
	s5 =	simm.s32 $0xFFFFFFFF;
	p2 =	slt.u32 s8, $0xFFFFF086  }
0x1c: {  	p1 =	slt.u32 s9, $0xF7A;
	s5 =	simm.s32 @!p2 $0x0  }
0x1d: {  	s5 =	simm.s32 @p1 $0x1;
	p0 =	seq.s32 s7, s2  }
0x1e: {  	s7 =	smul.u32 @!p0 $0xF7A, s2;
	p2 =	seq.s32 @!p0 s5, $0x0  }
0x1f: {  	s9 =	smul.u32 $0xF7A, s1;
	s8 =	simm.s32 @!p0 $0x1BF5;
	p2 =	por !p2, p0  }
0x20: {  	[sflag:s8] =	ssyncset.s32 @!p0 $0xFFFFF086;
	s6 =	sadd.s32 @!p0 s3, s7;
	s7 =	simm.s32 @!p0 $0x108  }
0x21: {  	s3 =	sadd.s32 s3, s9;
	s6 =	sadd.s32 @!p0 $0x88, s6;
	s7 =	simm.s32 @p2 $0x1082  }
0x22: {  	[simem:s7], [sflag:s8] =	dma.local @!p0 [hbm:s6], $0xF7A  }
0x23: {  	s9 =	sor.u32 $0xD0000000, s2;
	s6 =	simm.s32 $0x108;
	_ =	swait.ge @!p0 [sflag:s8], $0x0  }
0x24: {  	s3 =	sadd.s32 $0x88, s3;
	s6 =	simm.s32 @!p1 $0x1082;
	[sflag:s4] =	ssyncset.s32 $0xFFFFF086  }
0x25: {  	[simem:s6], [sflag:s4] =	dma.local [hbm:s3], $0xF7A  }
0x26: {  	[smem:$0x3F99] =	sst s1;
	(tag) =	ssettag s2;
	_ =	strace s9  }
0x27: {  	s1 =	sld [smem:$0x3FA9]  }
0x28: {  	s2 =	sld [smem:$0x3FAA]  }
0x29: {  	s4 =	sld [smem:$0x3FAC]  }
0x2a: {  	p0 =	seq.s32 s5, $0x0;
	s5 =	sld [smem:$0x3FAD]  }
0x2b: {  	s6 =	sld [smem:$0x3FAE]  }
0x2c: {  	s7 =	sld [smem:$0x3FAF]  }
0x2d: {  	s3 =	simm.s32 $0x108;
	s8 =	sld [smem:$0x3FB0]  }
0x2e: {  	s3 =	simm.s32 @!p0 $0x1082;
	s9 =	sld [smem:$0x3FB1]  }
0x2f: {  	lr =	sadd.s32 s0, s3;
	s0 =	sld [smem:$0x3FA8]  }
0x30: {  	s3 =	sld [smem:$0x3FAB]  }
0x31: {  	[smem:$0x3FB4] =	sst s10  }
0x32: {  	s10 =	sld [smem:$0x3FB2];
	_ =	sdelay $0x3  }
0x33: {  	p0 =	seq.s32 s10, $0x1;
	s10 =	sld [smem:$0x3FB4];
	_ =	sdelay $0x3  }
0x34: {  	[smem:$0x3FB4] =	sst s10  }
0x35: {  	s10 =	sld [smem:$0x3FB3];
	_ =	sdelay $0x3  }
0x36: {  	p1 =	seq.s32 s10, $0x1;
	s10 =	sld [smem:$0x3FB4];
	_ =	sdelay $0x3  }
0x37: {  	[smem:$0x3FB4] =	sst s10  }
0x38: {  	s10 =	sld [smem:$0x3FB5]  }
0x39: {  	_ = 	snop;
	(pc) =	sbr.ind lr, $3  }
0x3a: {  	_ = 	snop  }
0x3b: {  	_ = 	snop  }
0x3c: {  	p2 =	seq.s32 s10, $0x1;
	s10 =	sld [smem:$0x3FB4]  }
0x3d: {  	_ =	shalt  }
0x3e: {  	_ =	shalt  }
0x3f: {  	_ =	shalt  }
0x40: {  	_ =	shalt  }
0x41: {  	_ =	shalt  }
0x42: {  	_ =	shalt  }
0x43: {  	_ =	shalt  }
0x44: {  	_ =	shalt  }
0x45: {  	_ =	shalt  }
0x46: {  	_ =	shalt  }
0x47: {  	_ =	shalt  }
0x48: {  	_ =	shalt  }
0x49: {  	_ =	shalt  }
0x4a: {  	_ =	shalt  }
0x4b: {  	_ =	shalt  }
0x4c: {  	_ =	shalt  }
0x4d: {  	_ =	shalt  }
0x4e: {  	_ =	shalt  }
0x4f: {  	_ =	shalt  }
0x50: {  	_ =	shalt  }
0x51: {  	_ =	shalt  }
0x52: {  	_ =	shalt  }
0x53: {  	_ =	shalt  }
0x54: {  	_ =	shalt  }
0x55: {  	_ =	shalt  }
0x56: {  	_ =	shalt  }
0x57: {  	_ =	shalt  }
0x58: {  	_ =	shalt  }
0x59: {  	_ =	shalt  }
0x5a: {  	_ =	shalt  }
0x5b: {  	_ =	shalt  }
0x5c: {  	_ =	shalt  }
0x5d: {  	_ =	shalt  }
0x5e: {  	_ =	shalt  }
0x5f: {  	_ =	shalt  }
0x60: {  	_ =	shalt  }
0x61: {  	_ =	shalt  }
0x62: {  	_ =	shalt  }
0x63: {  	_ =	shalt  }
0x64: {  	_ =	shalt  }
0x65: {  	_ =	shalt  }
0x66: {  	_ =	shalt  }
0x67: {  	_ =	shalt  }
0x68: {  	_ =	shalt  }
0x69: {  	_ =	shalt  }
0x6a: {  	_ =	shalt  }
0x6b: {  	_ =	shalt  }
0x6c: {  	_ =	shalt  }
0x6d: {  	_ =	shalt  }
0x6e: {  	_ =	shalt  }
0x6f: {  	_ =	shalt  }
0x70: {  	_ =	shalt  }
0x71: {  	_ =	shalt  }
0x72: {  	_ =	shalt  }
0x73: {  	_ =	shalt  }
0x74: {  	_ =	shalt  }
0x75: {  	_ =	shalt  }
0x76: {  	_ =	shalt  }
0x77: {  	_ =	shalt  }
0x78: {  	_ =	shalt  }
0x79: {  	_ =	shalt  }
0x7a: {  	_ =	shalt  }
0x7b: {  	_ =	shalt  }
0x7c: {  	_ =	shalt  }
0x7d: {  	_ =	shalt  }
0x7e: {  	_ =	shalt  }
0x7f: {  	_ =	shalt  }
0x80: {  	_ =	shalt  }
0x81: {  	_ =	shalt  }
0x82: {  	_ =	shalt  }
0x83: {  	_ =	shalt  }
0x84: {  	_ =	shalt  }
0x85: {  	_ =	shalt  }
0x86: {  	_ =	shalt  }
0x87: {  	_ =	shalt  }
.Lfunc_end0:
.L_simem_size_0:
called_computation.4_lowered:
.L_overlay_start_0:
0x88: {  	s2 =	sld [smem:$0x3FD9]  }
0x89: {  	s3 =	sld [smem:$0x3FFE];
	_ =	sdelay $0x1  }
0x8a: {  	s1 =	srdreg.scid  }
0x8b: {  	s0 =	sand.u32 $0x1, s1  }
0x8c: {  	s16 =	sshll.u32 s0, $0xA;
	s2 =	sadd.s32 s3, s2  }
0x8d: {  	s2 =	sadd.s32 s2, s16  }
0x8e: {  	[smem:$0x3FC0] =	sst s2  }
0x8f: {  	_ = 	snop  }
0x90: {  	(tm) =	ssettm $0x1  }
0x91: {  	s17 =	sld [smem:$0x3FFB];
	_ =	sdelay $0x3  }
0x92: {  	_ =	strace s17  }
0x93: {  	s2 =	sld [smem:$0x3FFC];
	_ =	sdelay $0x3  }
0x94: {  	_ =	strace s2  }
0x95: {  	s2 =	sld [smem:$0x3FFD];
	_ =	sdelay $0x3  }
0x96: {  	_ =	strace s2  }
0x97: {  	_ =	strace $0x8FFFFFFF  }
0x98: {  	s18 =	sld [smem:$0x3FDB];
	_ =	sdelay $0x1  }
0x99: {  	s19 =	simm.s32 $_scs_section_size  }
0x9a: {  	s4 =	simm.s32 $_size__tile_overlayer_lowered;
	s5 =	simm.s32 $_tile_overlayer_lowered  }
0x9b: {  	s22 =	simm.s32 $0x1BFF;
	s21 =	sshll.u32 s5, $0x1;
	s2 =	sadd.s32 s19, s18  }
0x9c: {  	s6 =	simm.s32 $0x0;
	s20 =	sshll.u32 s4, $0x1;
	s4 =	sadd.s32 s21, s2  }
0x9d: {  	[timem:s6], [sflag:s22] =	dma.local [hbm:s4], s20  }
0x9e: {  	_ =	swait.ge [sflag:s22], s20  }
0x9f: {  	s3 =	ssub.s32 $0x0, s20;
	[sflag:s22] =	ssyncset.done $0x0  }
0xa0: {  	[sflag:s22] =	ssyncadd.s32 s3;
	_ =	sdelay $0x1  }
0xa1: {  	s23 =	simm.s32 $0x1B8B  }
0xa2: {  	_ =	swait.ge [sflag:s23], $0x1  }
0xa3: {  	[sflag:s23] =	ssyncset.done $0x0  }
0xa4: {  	s25 =	simm.s32 $0x1B8E;
	s24 =	sld [smem:$0x3FFE];
	[sflag:s23] =	ssyncadd.s32 $0xFFFFFFFF  }
0xa5: {  	s26 =	simm.s32 $execute0_lowered;
	[smem:$0x3FD2] =	sst s25  }
0xa6: {  	s4 =	sshll.u32 s26, $0x1;
	_ =	strace $0x80000052;
	[dreg:$0x1] =	wrdreg $0xFFFFFFFF  }
0xa7: {  	s28 =	simm.s32 $_size_execute0_lowered;
	s2 =	sadd.s32 s2, s4;
	[dreg:$0x0] =	wrdreg $0x0  }
0xa8: {  	s4 =	sshll.u32 s28, $0x1;
	[dreg:$0x2] =	wrdreg s2  }
0xa9: {  	[dreg:$0x3] =	wrdreg s4  }
0xaa: {  	[dreg:$0x4] =	wrdreg $0xC0  }
0xab: {  	_ =	task [dreg:s6], $0x5FFFF  }
0xac: {  	[dreg:$0x1] =	wrdreg $0xFFFFFFFF  }
0xad: {  	[dreg:$0x0] =	wrdreg $0x60  }
0xae: {  	[dreg:$0x2] =	wrdreg s24  }
0xaf: {  	[dreg:$0x3] =	wrdreg $0x0  }
0xb0: {  	[dreg:$0x4] =	wrdreg $0x9  }
0xb1: {  	_ =	task.clear_ibuf [dreg:s6], $0x5FFFF;
	_ =	strace $0x90000052  }
0xb2: {  	s29 =	simm.s32 $0x9;
	_ =	strace $0x80000054  }
0xb3: {  	_ =	swait.ge [sflag:s29], $0x1  }
0xb4: {  	[sflag:s29] =	ssyncadd.s32 $0xFFFFFFFF  }
0xb5: {  	_ =	strace $0x90000054  }
0xb6: {  	_ =	sfence  }
0xb7: {  	s30 =	sld [smem:$0x0];
	_ =	sdelay $0x2  }
0xb8: {  	s31 =	sshll.u32 s1, $0xD;
	s1 =	sshrl.u32 s1, $0x2  }
0xb9: {  	s3 =	sand.u32 $0x4000, s31;
	s1 =	sadd.s32 s1, s30  }
0xba: {  	s0 =	sor.u32 s3, s0;
	s1 =	sshll.u32 s1, $0x11  }
0xbb: {  	s0 =	sor.u32 s1, s0  }
0xbc: {  	s0 =	sadd.s32 $0x8F2B, s0  }
0xbd: {  	[sflag:s0] =	ssyncadd.remote.s32 $0x1  }
0xbe: {  	_ =	sfence.sel $0xFFFF  }
0xbf: {  	[dreg:$0x0] =	wrdreg $0xFFFFFFFF;
	(pc) =	sbr.abs _section_cstart, $3  }
0xc0: {  	[dreg:$0x1] =	wrdreg $0xFFFFFFFF  }
0xc1: {  	_ =	task.clear_ibuf [dreg:s6], $0x2FFFF;
	_ =	strace $0x9FFFFFFF  }
0xc2: {  	(tm) =	ssettm $0x7FFFFFFF  }
0xc3: {  	_ =	shalt  }
tec
execute0_lowered:
.L_overlay_start_1:
0x0: {  	(tag) =	ssettag $0x1  }
0x1: {  	s6 =	rddreg [dreg:$0x0]  }
0x2: {  	s2 =	rddreg [dreg:$0x1]  }
0x3: {  	s0 =	rddreg [dreg:$0x2]  }
0x4: {  	s4 =	srdreg.scid;
	s1 =	stileid.u32;
	s3 =	simm.s32 $0x0  }
0x5: {  	s16 =	simm.s32 $0x14200;
	s17 =	simm.s32 $0x14100;
	s18 =	simm.s32 $0x18200  }
0x6: {  	s19 =	simm.s32 $0x1;
	s20 =	simm.s32 $0x14080;
	s5 =	smul.u32 $0x2800, s1  }
0x7: {  	s21 =	simm.s32 $0x2;
	s22 =	simm.s32 $0x14180;
	s9 =	smul.u32 $0xA0, s1  }
0x8: {  	s23 =	simm.s32 $0x0;
	s7 =	sand.u32 $0x1, s4;
	s13 =	smul.u32 $0x50000, s1  }
0x9: {  	[smem:$0x7FF] =	sst s3;
	s4 =	sadd.s32 $0x74600, s6;
	s29 =	smul.u32 $0x1400, s1  }
0xa: {  	s10 =	sadd.s32 $0x60600, s6;
	s30 =	sshll.u32 s1, $0x6;
	s8 =	smul.u32 $0x28000, s7  }
0xb: {  	_ =	strace $0x80000053;
	s11 =	smul.u32 $0x50, s7;
	s12 =	ssub.s32 $0x2, s7  }
0xc: {  	s31 =	smul.u32 $0xA00, s7;
	s7 =	sor.u32 $0x1C03, s30;
	s25 =	sshrl.u32 s12, $0x1  }
0xd: {  	s28 =	sshrl.u32 s13, $0x2;
	s15 =	sadd.s32 s29, s10;
	s8 =	sadd.s32 s5, s8  }
0xe: {  	s5 =	sadd.s32 $0xDE00, s6;
	s12 =	ssub.s32 s12, s25;
	s26 =	sadd.s32 s11, s9  }
0xf: {  	s13 =	sadd.s32 s28, s2;
	s14 =	sadd.s32 s8, s6;
	s6 =	sshll.u32 s26, $0x5  }
0x10: {  	s11 =	sadd.s32 s31, s15;
	s15 =	simm.s32 $0x80;
	s6 =	sadd.s32 s10, s6  }
0x11: {  	s9 =	sadd.s32 $0xC4600, s14;
	s10 =	smax.u32 s12, $0x1;
	s12 =	sshrl.u32 s13, $0x3  }
0x12: {  	s13 =	simm.s32 $0x3;
	s14 =	simm.s32 $0x14000;
	s8 =	sadd.s32 $0x20, s6  }
.LBB2_1:
0x13: {  	[spmem:s12], [sflag:s7] =	dma.local [hbm:s5], $0x2800  }
0x14: {  	_ =	swait.ge [sflag:s13], $0x2800  }
0x15: {  	[sflag:s13] =	ssyncset.done $0x0  }
0x16: {  	[sflag:s13] =	ssyncadd.s32 $0xFFFFD800  }
0x17: {  	[tilespmem:s14], [sflag:$0x3] =	stream.linear.gather [hbm4b:s6+s3], $0x100, $0x38;
	[tilespmem:$0x1C200] =	vst v63  }
0x18: {  	_ =	swait.ge [sflag:s13], $0x100  }
0x19: {  	[sflag:s13] =	ssyncset.done $0x0  }
0x1a: {  	[sflag:s13] =	ssyncadd.s32 $0xFFFFFF00  }
0x1b: {  	[tilespmem:s16], [sflag:$0x1] =	stream.indirect.gather [hbm4b:s4+s15], $0x80, s14, s15, $0xb8;
	[tilespmem:$0x1C200] =	vst v63  }
0x1c: {  	_ = 	snop  }
0x1d: {  	[tilespmem:s17], [sflag:$0x3] =	stream.linear.gather [hbm4b:s8+s3], $0x100, $0x38;
	[tilespmem:$0x1C200] =	vst v63  }
0x1e: {  	_ =	swait.ge [sflag:s13], $0x100  }
0x1f: {  	[sflag:s13] =	ssyncset.done $0x0  }
0x20: {  	[sflag:s13] =	ssyncadd.s32 $0xFFFFFF00  }
0x21: {  	[tilespmem:s18], [sflag:$0x2] =	stream.indirect.gather [hbm4b:s4+s15], $0x80, s17, s15, $0xb8;
	[tilespmem:$0x1C200] =	vst v63  }
0x22: {  	[bflag:$0x0] =	sbarrier.arrive $0xFFFF  }
0x23: {  	_ =	swait.ge [sflag:s19], $0x4000  }
0x24: {  	[sflag:s19] =	ssyncset.done $0x0  }
0x25: {  	[sflag:s19] =	ssyncadd.s32 $0xFFFFC000  }
0x26: {  	[spmem:s2] =	stream.indirect.scatter.add.f32 [tilespmem:s16], [sflag:$0x3], $0x80, s20, s15, $0xb8;
	[tilespmem:$0x1C200] =	vst v63  }
0x27: {  	_ =	swait.ge [sflag:s13], $0x4000  }
0x28: {  	s24 =	sadd.s32 $0xFFFFF640, s11;
	[sflag:s13] =	ssyncset.done $0x0  }
0x29: {  	s25 =	sadd.s32 $0xA00, s24;
	[sflag:s13] =	ssyncadd.s32 $0xFFFFC000  }
0x2a: {  	[tilespmem:s14], [sflag:$0x3] =	stream.linear.gather [hbm4b:s25+s3], $0x100, $0x38;
	[tilespmem:$0x1C200] =	vst v63  }
0x2b: {  	_ =	swait.ge [sflag:s13], $0x100  }
0x2c: {  	[sflag:s13] =	ssyncset.done $0x0  }
0x2d: {  	[sflag:s13] =	ssyncadd.s32 $0xFFFFFF00  }
0x2e: {  	[tilespmem:s16], [sflag:$0x1] =	stream.indirect.gather [hbm4b:s4+s15], $0x80, s14, s15, $0xb8;
	[tilespmem:$0x1C200] =	vst v63  }
0x2f: {  	_ =	swait.ge [sflag:s21], $0x4000  }
0x30: {  	[sflag:s21] =	ssyncset.done $0x0  }
0x31: {  	[sflag:s21] =	ssyncadd.s32 $0xFFFFC000  }
0x32: {  	[spmem:s2] =	stream.indirect.scatter.add.f32 [tilespmem:s18], [sflag:$0x3], $0x80, s22, s15, $0xb8;
	[tilespmem:$0x1C200] =	vst v63  }
0x33: {  	_ =	swait.ge [sflag:s13], $0x4000  }
0x34: {  	[sflag:s13] =	ssyncset.done $0x0  }
0x35: {  	s24 =	sadd.s32 $0xA20, s24;
	[sflag:s13] =	ssyncadd.s32 $0xFFFFC000  }
0x36: {  	[tilespmem:s17], [sflag:$0x3] =	stream.linear.gather [hbm4b:s24+s3], $0x100, $0x38;
	[tilespmem:$0x1C200] =	vst v63  }
0x37: {  	_ =	swait.ge [sflag:s13], $0x100  }
0x38: {  	[sflag:s13] =	ssyncset.done $0x0  }
0x39: {  	s24 =	simm.s32 $0xFFFFF680;
	[sflag:s13] =	ssyncadd.s32 $0xFFFFFF00  }
.LBB2_2:
0x3a: {  	[tilespmem:s18], [sflag:$0x2] =	stream.indirect.gather [hbm4b:s4+s15], $0x80, s17, s15, $0xb8;
	[tilespmem:$0x1C200] =	vst v63  }
0x3b: {  	s25 =	smov.u32 s24  }
0x3c: {  	p0 =	sne.s32 s24, $0xFFFFFFC0;
	s24 =	sadd.s32 $0x40, s24;
	_ =	swait.ge [sflag:s19], $0x4000  }
0x3d: {  	[sflag:s19] =	ssyncset.done $0x0  }
0x3e: {  	[sflag:s19] =	ssyncadd.s32 $0xFFFFC000  }
0x3f: {  	[spmem:s2] =	stream.indirect.scatter.add.f32 [tilespmem:s16], [sflag:$0x3], $0x80, s20, s15, $0xb8;
	[tilespmem:$0x1C200] =	vst v63  }
0x40: {  	_ =	swait.ge [sflag:s13], $0x4000  }
0x41: {  	s25 =	sadd.s32 s25, s11;
	[sflag:s13] =	ssyncset.done $0x0  }
0x42: {  	s26 =	sadd.s32 $0xA00, s25;
	[sflag:s13] =	ssyncadd.s32 $0xFFFFC000  }
0x43: {  	[tilespmem:s14], [sflag:$0x3] =	stream.linear.gather [hbm4b:s26+s3], $0x100, $0x38;
	[tilespmem:$0x1C200] =	vst v63  }
0x44: {  	_ =	swait.ge [sflag:s13], $0x100  }
0x45: {  	[sflag:s13] =	ssyncset.done $0x0  }
0x46: {  	[sflag:s13] =	ssyncadd.s32 $0xFFFFFF00  }
0x47: {  	[tilespmem:s16], [sflag:$0x1] =	stream.indirect.gather [hbm4b:s4+s15], $0x80, s14, s15, $0xb8;
	[tilespmem:$0x1C200] =	vst v63  }
0x48: {  	_ =	swait.ge [sflag:s21], $0x4000  }
0x49: {  	[sflag:s21] =	ssyncset.done $0x0  }
0x4a: {  	[sflag:s21] =	ssyncadd.s32 $0xFFFFC000  }
0x4b: {  	[spmem:s2] =	stream.indirect.scatter.add.f32 [tilespmem:s18], [sflag:$0x3], $0x80, s22, s15, $0xb8;
	[tilespmem:$0x1C200] =	vst v63  }
0x4c: {  	_ =	swait.ge [sflag:s13], $0x4000  }
0x4d: {  	[sflag:s13] =	ssyncset.done $0x0  }
.Ltmp0:
0x4e: {  	s25 =	sadd.s32 $0xA20, s25;
	[sflag:s13] =	ssyncadd.s32 $0xFFFFC000;
	(pc) =	sbr.rel @p0 .LBB2_2-.Ltmp0, $4  }
0x4f: {  	[tilespmem:s17], [sflag:$0x3] =	stream.linear.gather [hbm4b:s25+s3], $0x100, $0x38;
	[tilespmem:$0x1C200] =	vst v63  }
0x50: {  	_ =	swait.ge [sflag:s13], $0x100  }
0x51: {  	[sflag:s13] =	ssyncset.done $0x0  }
0x52: {  	[sflag:s13] =	ssyncadd.s32 $0xFFFFFF00  }
0x53: {  	[tilespmem:s18], [sflag:$0x2] =	stream.indirect.gather [hbm4b:s4+s15], $0x80, s17, s15, $0xb8;
	[tilespmem:$0x1C200] =	vst v63  }
0x54: {  	_ =	swait.ge [sflag:s19], $0x4000  }
0x55: {  	[sflag:s19] =	ssyncset.done $0x0  }
0x56: {  	[sflag:s19] =	ssyncadd.s32 $0xFFFFC000  }
0x57: {  	[spmem:s2] =	stream.indirect.scatter.add.f32 [tilespmem:s16], [sflag:$0x3], $0x80, s20, s15, $0xb8;
	[tilespmem:$0x1C200] =	vst v63  }
0x58: {  	_ =	swait.ge [sflag:s13], $0x4000  }
0x59: {  	[sflag:s13] =	ssyncset.done $0x0  }
0x5a: {  	[sflag:s13] =	ssyncadd.s32 $0xFFFFC000  }
0x5b: {  	_ =	swait.ge [sflag:s21], $0x4000  }
0x5c: {  	[sflag:s21] =	ssyncset.done $0x0  }
0x5d: {  	[sflag:s21] =	ssyncadd.s32 $0xFFFFC000  }
0x5e: {  	[spmem:s2] =	stream.indirect.scatter.add.f32 [tilespmem:s18], [sflag:$0x3], $0x80, s22, s15, $0xb8;
	[tilespmem:$0x1C200] =	vst v63  }
0x5f: {  	_ =	swait.ge [sflag:s13], $0x4000  }
0x60: {  	s23 =	sadd.s32 $0x1, s23;
	[sflag:s13] =	ssyncset.done $0x0  }
0x61: {  	p0 =	sne.s32 s23, s10;
	[sflag:s13] =	ssyncadd.s32 $0xFFFFC000  }
.Ltmp1:
0x62: {  	[bflag:$0x0] =	sbarrier.arrive $0xFFFF;
	(pc) =	sbr.rel @p0 .LBB2_1-.Ltmp1, $4  }
0x63: {  	[hbm:s9], [sflag:s7] =	dma.local [spmem:s12], $0x2800  }
0x64: {  	_ =	swait.ge [sflag:s13], $0x2800  }
0x65: {  	[sflag:s13] =	ssyncset.done $0x0  }
0x66: {  	[sflag:s13] =	ssyncadd.s32 $0xFFFFD800  }
0x67: {  	_ =	sfence.sel $0x180000  }
0x68: {  	[bflag:$0x0] =	sbarrier.arrive $0xFFFF  }
0x69: {  	p0 =	sne.s32 s1, $0x0;
	_ =	strace $0x90000053  }
0x6a: {  	s0 =	sadd.s32 @!p0 $0x100000, s0;
	[bflag:$0x2] =	sbarrier.arrive $0xFFFF  }
0x6b: {  	[sflag:s0] =	ssyncadd.tile.s32 @!p0 $0x1;
	_ =	shalt  }
.Lfunc_end2:
_tile_overlayer_lowered:
.L_overlay_start_2:
0x6c: {  	(tag) =	ssettag $0x2  }
0x6d: {  	s0 =	rddreg [dreg:$0x0];
	s2 =	stileid.u32  }
0x6e: {  	s1 =	rddreg [dreg:$0x1];
	p0 =	sne.s32 s2, $0x0  }
0x6f: {  	s3 =	rddreg [dreg:$0x2];
	[bflag:$0x3] =	sbarrier.arrive $0xFFFF;
	s2 =	simm.s32 @!p0 $0x1C03  }
0x70: {  	[timem:s3], [sflag:s2] =	dma.local @!p0 [hbm:s0], s1  }
0x71: {  	s0 =	simm.s32 @!p0 $0x3  }
0x72: {  	_ =	swait.ge @!p0 [sflag:s0], s1  }
0x73: {  	s1 =	ssub.s32 @!p0 $0x0, s1;
	[sflag:s0] =	ssyncset.done @!p0 $0x0  }
0x74: {  	[sflag:s0] =	ssyncadd.s32 @!p0 s1  }
0x75: {  	[bflag:$0x3] =	sbarrier.arrive $0xFFFF  }
0x76: {  	_ =	shalt  }

</sc_bundles>
